<compile_context>
chip_gen: v7x
topology: tpu7x:2x2x1
jax: 0.10.2.dev20260603
libtpu: 0.0.44.dev20260713+nightly
codegen_flags: <defaults>
</compile_context>

<pallas_src>
import jax
import jax.numpy as jnp
from jax import lax
from jax.experimental import pallas as pl
from jax.experimental.pallas import tpu as pltpu
from jax.experimental.pallas import tpu_sc as plsc

NN = 10000
EE = 320000
DD = 128
NSTEPS = 6

NC = 2
NS = 16
KCH = 128
NCH0 = 116
NCH1 = 42
EPAD = NS * (NCH0 + NCH1) * KCH
NACC = 10240
ZROWS = 640
ZBUF = 128

BLK = 1000
GRID = NN // BLK



def _sc_scatter_body(t_hbm, e_hbm, p_hbm,
                     e0, e1, rows0, rows1, acc, semE, sem0, sem1):
    c = lax.axis_index("c")
    s = lax.axis_index("s")

    def _zrow(i, _):
        for j in range(DD // 16):
            rows0[i, pl.ds(16 * j, 16)] = jnp.zeros((16,), jnp.float32)
        return 0
    lax.fori_loop(0, ZBUF, _zrow, 0)
    for r in range(ZROWS // ZBUF):
        pltpu.sync_copy(rows0, acc.at[pl.ds(s * ZROWS + r * ZBUF, ZBUF)])
    plsc.subcore_barrier()

    nch = jnp.where(c == 0, NCH0, NCH1)
    base = jnp.where(c == 0, s * NCH0, NS * NCH0 + s * NCH1)

    pltpu.async_copy(e_hbm.at[base], e0, semE).wait()
    pltpu.async_copy(t_hbm.at[e0.at[0]], rows0, sem0)
    pltpu.async_copy(e_hbm.at[base + 1], e1, semE)

    def _pair(i, _):
        j0 = 2 * i
        pltpu.make_async_copy(e_hbm.at[base + j0 + 1], e1, semE).wait()
        pltpu.make_async_copy(t_hbm.at[e0.at[0]], rows0, sem0).wait()
        pltpu.async_copy(t_hbm.at[e1.at[0]], rows1, sem1)
        pltpu.sync_copy(rows0, acc.at[e0.at[1]], add=True)

        @pl.when(j0 + 2 < nch)
        def _():
            pltpu.async_copy(e_hbm.at[base + j0 + 2], e0, semE)
        pltpu.make_async_copy(t_hbm.at[e1.at[0]], rows1, sem1).wait()

        @pl.when(j0 + 2 < nch)
        def _():
            pltpu.make_async_copy(e_hbm.at[base + j0 + 2], e0, semE).wait()
            pltpu.async_copy(t_hbm.at[e0.at[0]], rows0, sem0)
        pltpu.sync_copy(rows1, acc.at[e1.at[1]], add=True)

        @pl.when(j0 + 3 < nch)
        def _():
            pltpu.async_copy(e_hbm.at[base + j0 + 3], e1, semE)
        return 0
    lax.fori_loop(0, nch // 2, _pair, 0)

    plsc.subcore_barrier()
    pltpu.sync_copy(acc.at[pl.ds(s * ZROWS, ZROWS)],
                    p_hbm.at[c, pl.ds(s * ZROWS, ZROWS)])


def _sc_scatter(t, e):
    kern = pl.kernel(
        _sc_scatter_body,
        out_type=jax.ShapeDtypeStruct((NC, NACC, DD), jnp.float32),
        mesh=plsc.VectorSubcoreMesh(core_axis_name="c", subcore_axis_name="s",
                                    num_cores=NC, num_subcores=NS),
        scratch_types=[
            pltpu.VMEM((2, KCH), jnp.int32),
            pltpu.VMEM((2, KCH), jnp.int32),
            pltpu.VMEM((KCH, DD), jnp.float32),
            pltpu.VMEM((KCH, DD), jnp.float32),
            pltpu.VMEM_SHARED((NACC, DD), jnp.float32),
            pltpu.SemaphoreType.DMA,
            pltpu.SemaphoreType.DMA,
            pltpu.SemaphoreType.DMA,
        ],
    )
    return kern(t, e)



def _mm_t(x, w):
    return lax.dot_general(x, w, (((1,), (1,)), ((), ())),
                           preferred_element_type=jnp.float32)


def _pre_body(nf, W0, b0, We, be, h_out, t_out):
    h = jnp.maximum(_mm_t(nf[...], W0[...]) + b0[...], 0.0)
    h_out[...] = h
    t_out[...] = _mm_t(h, We[...]) + be[...]


def _step_body(p, feat, t, Wih, bih, Whh, bhh, We, be, f_out, t_out):
    pr = p[...]
    ft = feat[...]
    a = pr[0] + pr[1] + t[...]
    gi = _mm_t(a, Wih[...]) + bih[...]
    gh = _mm_t(ft, Whh[...]) + bhh[...]
    r = jax.nn.sigmoid(gi[:, :DD] + gh[:, :DD])
    z = jax.nn.sigmoid(gi[:, DD:2 * DD] + gh[:, DD:2 * DD])
    nc = jnp.tanh(gi[:, 2 * DD:] + r * gh[:, 2 * DD:])
    f = (1.0 - z) * nc + z * ft
    f_out[...] = f
    t_out[...] = _mm_t(f, We[...]) + be[...]


def _post_body(feat, h, init, WmA, WmB, bm, out):
    out[...] = (_mm_t(feat[...], WmA[...]) + _mm_t(h[...], WmB[...])
                + bm[...] + init[...])


def _row_spec():
    return pl.BlockSpec((BLK, DD), lambda i: (i, 0))


def _full_spec(shape):
    return pl.BlockSpec(shape, lambda i: tuple(0 for _ in shape))


def _pre_call(nf, W0, b0, We, be):
    return pl.pallas_call(
        _pre_body,
        grid=(GRID,),
        in_specs=[_row_spec(), _full_spec((DD, DD)), _full_spec((1, DD)),
                  _full_spec((DD, DD)), _full_spec((1, DD))],
        out_specs=[_row_spec(), _row_spec()],
        out_shape=[jax.ShapeDtypeStruct((NN, DD), jnp.float32),
                   jax.ShapeDtypeStruct((NN, DD), jnp.float32)],
    )(nf, W0, b0, We, be)


def _step_call(p, feat, t, Wih, bih, Whh, bhh, We, be):
    return pl.pallas_call(
        _step_body,
        grid=(GRID,),
        in_specs=[pl.BlockSpec((NC, BLK, DD), lambda i: (0, i, 0)),
                  _row_spec(), _row_spec(),
                  _full_spec((3 * DD, DD)), _full_spec((1, 3 * DD)),
                  _full_spec((3 * DD, DD)), _full_spec((1, 3 * DD)),
                  _full_spec((DD, DD)), _full_spec((1, DD))],
        out_specs=[_row_spec(), _row_spec()],
        out_shape=[jax.ShapeDtypeStruct((NN, DD), jnp.float32),
                   jax.ShapeDtypeStruct((NN, DD), jnp.float32)],
    )(p, feat, t, Wih, bih, Whh, bhh, We, be)


def _post_call(feat, h, init, WmA, WmB, bm):
    return pl.pallas_call(
        _post_body,
        grid=(GRID,),
        in_specs=[_row_spec(), _row_spec(), _row_spec(),
                  _full_spec((DD, DD)), _full_spec((DD, DD)),
                  _full_spec((1, DD))],
        out_specs=_row_spec(),
        out_shape=jax.ShapeDtypeStruct((NN, DD), jnp.float32),
    )(feat, h, init, WmA, WmB, bm)



def kernel(n_feat, edge_index, W0, b0, We, be, W_ih, b_ih, W_hh, b_hh, Wm, bm):
    pad = EPAD - EE
    src = jnp.concatenate(
        [edge_index[0], jnp.zeros((pad,), jnp.int32)]).reshape(-1, 1, KCH)
    dst = jnp.concatenate(
        [edge_index[1], jnp.full((pad,), NN, jnp.int32)]).reshape(-1, 1, KCH)
    e = jnp.concatenate([src, dst], axis=1)

    b0r = b0.reshape(1, DD)
    ber = be.reshape(1, DD)
    bihr = b_ih.reshape(1, 3 * DD)
    bhhr = b_hh.reshape(1, 3 * DD)
    bmr = bm.reshape(1, DD)
    WmA = Wm[:, :DD]
    WmB = Wm[:, DD:]

    h, t = _pre_call(n_feat, W0, b0r, We, ber)
    feat = h
    for _ in range(NSTEPS):
        p = _sc_scatter(t, e)
        feat, t = _step_call(p, feat, t, W_ih, bihr, W_hh, bhhr, We, ber)
    return _post_call(feat, h, n_feat, WmA, WmB, bmr)

# --- scband reference (transcript-rebuilt; emitter-appended) ---
"""Pipeline reference for scband-gather-model-4226247819566 (READ-ONLY COPY).

The authoritative reference and input builder live on the scoring server;
editing this copy changes nothing except your own understanding.
"""

import jax, jax.numpy as jnp
import numpy as np

N = 10000
E = 320000
D = 128
STEPS = 6


def setup_inputs(seed: int = 0) -> dict:
    key = jax.random.key(seed)
    ks = jax.random.split(key, 16)
    s = 1.0 / np.sqrt(D)
    n_feat = jax.random.normal(ks[0], (N, D), dtype=jnp.float32)
    edge_index = jax.random.randint(ks[1], (2, E), 0, N, dtype=jnp.int32)
    W0 = jax.random.normal(ks[2], (D, D), dtype=jnp.float32) * s
    b0 = jax.random.normal(ks[3], (D,), dtype=jnp.float32) * s
    We = jax.random.normal(ks[4], (D, D), dtype=jnp.float32) * s
    be = jax.random.normal(ks[5], (D,), dtype=jnp.float32) * s
    W_ih = jax.random.normal(ks[6], (3 * D, D), dtype=jnp.float32) * s
    b_ih = jax.random.normal(ks[7], (3 * D,), dtype=jnp.float32) * s
    W_hh = jax.random.normal(ks[8], (3 * D, D), dtype=jnp.float32) * s
    b_hh = jax.random.normal(ks[9], (3 * D,), dtype=jnp.float32) * s
    Wm = jax.random.normal(ks[10], (D, 2 * D), dtype=jnp.float32) * s
    bm = jax.random.normal(ks[11], (D,), dtype=jnp.float32) * s
    return {"n_feat": n_feat, "edge_index": edge_index, "W0": W0, "b0": b0,
            "We": We, "be": be, "W_ih": W_ih, "b_ih": b_ih, "W_hh": W_hh,
            "b_hh": b_hh, "Wm": Wm, "bm": bm}


def reference(n_feat, edge_index, W0, b0, We, be, W_ih, b_ih, W_hh, b_hh, Wm, bm):
    n = n_feat.shape[0]
    # dgl.add_self_loop: append one self edge per node
    loop = jnp.arange(n, dtype=edge_index.dtype)
    src = jnp.concatenate([edge_index[0], loop])
    dst = jnp.concatenate([edge_index[1], loop])
    init = n_feat
    h = jax.nn.relu(n_feat @ W0.T + b0)
    feat = h
    for _ in range(STEPS):
        # per-edge message: Linear applied to source node feature (etype 0)
        m = feat[src] @ We.T + be
        # sum aggregation over destination nodes
        a = jax.ops.segment_sum(m, dst, num_segments=n)
        # torch GRUCell(a, feat)
        gi = a @ W_ih.T + b_ih
        gh = feat @ W_hh.T + b_hh
        i_r, i_z, i_n = jnp.split(gi, 3, axis=1)
        h_r, h_z, h_n = jnp.split(gh, 3, axis=1)
        r = jax.nn.sigmoid(i_r + h_r)
        z = jax.nn.sigmoid(i_z + h_z)
        ncand = jnp.tanh(i_n + r * h_n)
        feat = (1.0 - z) * ncand + z * feat
    out = jnp.concatenate([feat, h], axis=1) @ Wm.T + bm
    return out + init

if __name__ == "__main__":
    import jax
    _d = setup_inputs()
    print(jax.jit(kernel)(*tuple(_d.values())))

</pallas_src>

<mosaic_0001>
#map = affine_map<(d0, d1) -> (0, 0)>
#map1 = affine_map<(d0, d1) -> (0, 0, 0)>
module attributes {stable_mosaic.version = 14 : i64} {
  func.func @_sc_scatter_body(%arg0: i32, %arg1: i32, %arg2: memref<10000x128xf32, #tpu.memory_space<hbm>>, %arg3: memref<2528x2x128xi32, #tpu.memory_space<hbm>>, %arg4: memref<2x10240x128xf32, #tpu.memory_space<hbm>>, %arg5: memref<2x128xi32, #tpu.memory_space<vmem>>, %arg6: memref<2x128xi32, #tpu.memory_space<vmem>>, %arg7: memref<128x128xf32, #tpu.memory_space<vmem>>, %arg8: memref<128x128xf32, #tpu.memory_space<vmem>>, %arg9: memref<10240x128xf32, #tpu.memory_space<vmem_shared>>, %arg10: memref<!tpu.dma_semaphore, #tpu.memory_space<semaphore_mem>>, %arg11: memref<!tpu.dma_semaphore, #tpu.memory_space<semaphore_mem>>, %arg12: memref<!tpu.dma_semaphore, #tpu.memory_space<semaphore_mem>>) attributes {dimension_semantics = [#tpu.dimension_semantics<core_parallel>, #tpu.dimension_semantics<subcore_parallel>], iteration_bounds = array<i64: 2, 16>, scalar_prefetch = 0 : i64, scratch_operands = 8 : i64, tpu.core_type = #tpu.core_type<sc_vector_subcore>, window_params = [{transform_indices = #map}, {transform_indices = #map1}, {transform_indices = #map1}]} {
    %scan3A = arith.constant 0 : i32
    %scan3A_0 = arith.constant 0 : i32
    %scan3A_1 = arith.constant 128 : i32
    %scan3A_2 = arith.addi %scan3A_0, %scan3A_1 : i32
    %scan3A_3 = arith.constant 1 : i32
    %scan3A_4 = scf.for %scan3A_100 = %scan3A_0 to %scan3A_2 step %scan3A_3 iter_args(%scan3A_101 = %scan3A) -> (i32)  : i32 {
      %broadcast_in_dim3A = arith.constant 0.000000e+00 : f32
      %broadcast_in_dim3A_102 = vector.broadcast %broadcast_in_dim3A : f32 to vector<16xf32>
      %swap3A = arith.index_cast %scan3A_100 : i32 to index
      %swap3A_103 = arith.constant 0 : index
      %swap3A_104 = tpu.vector_load %arg7[%swap3A, %swap3A_103] {strides = array<i32>} : memref<128x128xf32, #tpu.memory_space<vmem>>, vector<1x16xf32>,
      %swap3A_105 = vector.shape_cast %swap3A_104 : vector<1x16xf32> to vector<16xf32>
      %swap3A_106 = vector.shape_cast %broadcast_in_dim3A_102 : vector<16xf32> to vector<1x16xf32>
      tpu.vector_store %arg7[%swap3A, %swap3A_103], %swap3A_106 {strides = array<i32>} : memref<128x128xf32, #tpu.memory_space<vmem>>, vector<1x16xf32>,
      %broadcast_in_dim3A_107 = arith.constant 0.000000e+00 : f32
      %broadcast_in_dim3A_108 = vector.broadcast %broadcast_in_dim3A_107 : f32 to vector<16xf32>
      %swap3A_109 = arith.index_cast %scan3A_100 : i32 to index
      %swap3A_110 = arith.constant 16 : index
      %swap3A_111 = tpu.vector_load %arg7[%swap3A_109, %swap3A_110] {strides = array<i32>} : memref<128x128xf32, #tpu.memory_space<vmem>>, vector<1x16xf32>,
      %swap3A_112 = vector.shape_cast %swap3A_111 : vector<1x16xf32> to vector<16xf32>
      %swap3A_113 = vector.shape_cast %broadcast_in_dim3A_108 : vector<16xf32> to vector<1x16xf32>
      tpu.vector_store %arg7[%swap3A_109, %swap3A_110], %swap3A_113 {strides = array<i32>} : memref<128x128xf32, #tpu.memory_space<vmem>>, vector<1x16xf32>,
      %broadcast_in_dim3A_114 = arith.constant 0.000000e+00 : f32
      %broadcast_in_dim3A_115 = vector.broadcast %broadcast_in_dim3A_114 : f32 to vector<16xf32>
      %swap3A_116 = arith.index_cast %scan3A_100 : i32 to index
      %swap3A_117 = arith.constant 32 : index
      %swap3A_118 = tpu.vector_load %arg7[%swap3A_116, %swap3A_117] {strides = array<i32>} : memref<128x128xf32, #tpu.memory_space<vmem>>, vector<1x16xf32>,
      %swap3A_119 = vector.shape_cast %swap3A_118 : vector<1x16xf32> to vector<16xf32>
      %swap3A_120 = vector.shape_cast %broadcast_in_dim3A_115 : vector<16xf32> to vector<1x16xf32>
      tpu.vector_store %arg7[%swap3A_116, %swap3A_117], %swap3A_120 {strides = array<i32>} : memref<128x128xf32, #tpu.memory_space<vmem>>, vector<1x16xf32>,
      %broadcast_in_dim3A_121 = arith.constant 0.000000e+00 : f32
      %broadcast_in_dim3A_122 = vector.broadcast %broadcast_in_dim3A_121 : f32 to vector<16xf32>
      %swap3A_123 = arith.index_cast %scan3A_100 : i32 to index
      %swap3A_124 = arith.constant 48 : index
      %swap3A_125 = tpu.vector_load %arg7[%swap3A_123, %swap3A_124] {strides = array<i32>} : memref<128x128xf32, #tpu.memory_space<vmem>>, vector<1x16xf32>,
      %swap3A_126 = vector.shape_cast %swap3A_125 : vector<1x16xf32> to vector<16xf32>
      %swap3A_127 = vector.shape_cast %broadcast_in_dim3A_122 : vector<16xf32> to vector<1x16xf32>
      tpu.vector_store %arg7[%swap3A_123, %swap3A_124], %swap3A_127 {strides = array<i32>} : memref<128x128xf32, #tpu.memory_space<vmem>>, vector<1x16xf32>,
      %broadcast_in_dim3A_128 = arith.constant 0.000000e+00 : f32
      %broadcast_in_dim3A_129 = vector.broadcast %broadcast_in_dim3A_128 : f32 to vector<16xf32>
      %swap3A_130 = arith.index_cast %scan3A_100 : i32 to index
      %swap3A_131 = arith.constant 64 : index
      %swap3A_132 = tpu.vector_load %arg7[%swap3A_130, %swap3A_131] {strides = array<i32>} : memref<128x128xf32, #tpu.memory_space<vmem>>, vector<1x16xf32>,
      %swap3A_133 = vector.shape_cast %swap3A_132 : vector<1x16xf32> to vector<16xf32>
      %swap3A_134 = vector.shape_cast %broadcast_in_dim3A_129 : vector<16xf32> to vector<1x16xf32>
      tpu.vector_store %arg7[%swap3A_130, %swap3A_131], %swap3A_134 {strides = array<i32>} : memref<128x128xf32, #tpu.memory_space<vmem>>, vector<1x16xf32>,
      %broadcast_in_dim3A_135 = arith.constant 0.000000e+00 : f32
      %broadcast_in_dim3A_136 = vector.broadcast %broadcast_in_dim3A_135 : f32 to vector<16xf32>
      %swap3A_137 = arith.index_cast %scan3A_100 : i32 to index
      %swap3A_138 = arith.constant 80 : index
      %swap3A_139 = tpu.vector_load %arg7[%swap3A_137, %swap3A_138] {strides = array<i32>} : memref<128x128xf32, #tpu.memory_space<vmem>>, vector<1x16xf32>,
      %swap3A_140 = vector.shape_cast %swap3A_139 : vector<1x16xf32> to vector<16xf32>
      %swap3A_141 = vector.shape_cast %broadcast_in_dim3A_136 : vector<16xf32> to vector<1x16xf32>
      tpu.vector_store %arg7[%swap3A_137, %swap3A_138], %swap3A_141 {strides = array<i32>} : memref<128x128xf32, #tpu.memory_space<vmem>>, vector<1x16xf32>,
      %broadcast_in_dim3A_142 = arith.constant 0.000000e+00 : f32
      %broadcast_in_dim3A_143 = vector.broadcast %broadcast_in_dim3A_142 : f32 to vector<16xf32>
      %swap3A_144 = arith.index_cast %scan3A_100 : i32 to index
      %swap3A_145 = arith.constant 96 : index
      %swap3A_146 = tpu.vector_load %arg7[%swap3A_144, %swap3A_145] {strides = array<i32>} : memref<128x128xf32, #tpu.memory_space<vmem>>, vector<1x16xf32>,
      %swap3A_147 = vector.shape_cast %swap3A_146 : vector<1x16xf32> to vector<16xf32>
      %swap3A_148 = vector.shape_cast %broadcast_in_dim3A_143 : vector<16xf32> to vector<1x16xf32>
      tpu.vector_store %arg7[%swap3A_144, %swap3A_145], %swap3A_148 {strides = array<i32>} : memref<128x128xf32, #tpu.memory_space<vmem>>, vector<1x16xf32>,
      %broadcast_in_dim3A_149 = arith.constant 0.000000e+00 : f32
      %broadcast_in_dim3A_150 = vector.broadcast %broadcast_in_dim3A_149 : f32 to vector<16xf32>
      %swap3A_151 = arith.index_cast %scan3A_100 : i32 to index
      %swap3A_152 = arith.constant 112 : index
      %swap3A_153 = tpu.vector_load %arg7[%swap3A_151, %swap3A_152] {strides = array<i32>} : memref<128x128xf32, #tpu.memory_space<vmem>>, vector<1x16xf32>,
      %swap3A_154 = vector.shape_cast %swap3A_153 : vector<1x16xf32> to vector<16xf32>
      %swap3A_155 = vector.shape_cast %broadcast_in_dim3A_150 : vector<16xf32> to vector<1x16xf32>
      tpu.vector_store %arg7[%swap3A_151, %swap3A_152], %swap3A_155 {strides = array<i32>} : memref<128x128xf32, #tpu.memory_space<vmem>>, vector<1x16xf32>,
      %scan3A_156 = arith.constant 0 : i32
      scf.yield %scan3A_156 : i32
    }
    %scan3A_5 = arith.constant 128 : i32
    %mul3A = arith.constant 640 : i32
    %mul3A_6 = arith.muli %arg1, %mul3A : i32
    %add3A = arith.constant 0 : i32
    %add3A_7 = arith.addi %mul3A_6, %add3A : i32
    "tpu.region"() ({
      %run_scoped3A = tpu.sem_alloc : memref<!tpu.dma_semaphore, #tpu.memory_space<semaphore_mem>>
      %dma_start3A_100 = arith.constant 0 : i32
      %dma_start3A_101 = tpu.memref_slice %arg9[%add3A_7, %dma_start3A_100] : memref<10240x128xf32, #tpu.memory_space<vmem_shared>> -> memref<128x128xf32, #tpu.memory_space<vmem_shared>>
      %dma_start3A_102 = arith.constant 0 : i32
      %dma_start3A_103 = tpu.memref_slice %arg9[%add3A_7, %dma_start3A_102] : memref<10240x128xf32, #tpu.memory_space<vmem_shared>> -> memref<128x128xf32, #tpu.memory_space<vmem_shared>>
      tpu.enqueue_dma source(%arg7 : memref<128x128xf32, #tpu.memory_space<vmem>>) target(%dma_start3A_103 : memref<128x128xf32, #tpu.memory_space<vmem_shared>>) target_semaphore(%run_scoped3A : memref<!tpu.dma_semaphore, #tpu.memory_space<semaphore_mem>>)
      %dma_wait3A_104 = arith.constant 0 : i32
      %dma_wait3A_105 = tpu.memref_slice %arg9[%add3A_7, %dma_wait3A_104] : memref<10240x128xf32, #tpu.memory_space<vmem_shared>> -> memref<128x128xf32, #tpu.memory_space<vmem_shared>>
      %dma_wait3A_106 = arith.constant 0 : i32
      %dma_wait3A_107 = tpu.memref_slice %arg9[%add3A_7, %dma_wait3A_106] : memref<10240x128xf32, #tpu.memory_space<vmem_shared>> -> memref<128x128xf32, #tpu.memory_space<vmem_shared>>
      tpu.wait_dma2 semaphore(%run_scoped3A : memref<!tpu.dma_semaphore, #tpu.memory_space<semaphore_mem>>) src(%arg7 : memref<128x128xf32, #tpu.memory_space<vmem>>) dst(%dma_wait3A_107 : memref<128x128xf32, #tpu.memory_space<vmem_shared>>)
      tpu.yield
    }) : () -> ()
    %mul3A_8 = arith.constant 640 : i32
    %mul3A_9 = arith.muli %arg1, %mul3A_8 : i32
    %add3A_10 = arith.constant 128 : i32
    %add3A_11 = arith.addi %mul3A_9, %add3A_10 : i32
    "tpu.region"() ({
      %run_scoped3A = tpu.sem_alloc : memref<!tpu.dma_semaphore, #tpu.memory_space<semaphore_mem>>
      %dma_start3A_100 = arith.constant 0 : i32
      %dma_start3A_101 = tpu.memref_slice %arg9[%add3A_11, %dma_start3A_100] : memref<10240x128xf32, #tpu.memory_space<vmem_shared>> -> memref<128x128xf32, #tpu.memory_space<vmem_shared>>
      %dma_start3A_102 = arith.constant 0 : i32
      %dma_start3A_103 = tpu.memref_slice %arg9[%add3A_11, %dma_start3A_102] : memref<10240x128xf32, #tpu.memory_space<vmem_shared>> -> memref<128x128xf32, #tpu.memory_space<vmem_shared>>
      tpu.enqueue_dma source(%arg7 : memref<128x128xf32, #tpu.memory_space<vmem>>) target(%dma_start3A_103 : memref<128x128xf32, #tpu.memory_space<vmem_shared>>) target_semaphore(%run_scoped3A : memref<!tpu.dma_semaphore, #tpu.memory_space<semaphore_mem>>)
      %dma_wait3A_104 = arith.constant 0 : i32
      %dma_wait3A_105 = tpu.memref_slice %arg9[%add3A_11, %dma_wait3A_104] : memref<10240x128xf32, #tpu.memory_space<vmem_shared>> -> memref<128x128xf32, #tpu.memory_space<vmem_shared>>
      %dma_wait3A_106 = arith.constant 0 : i32
      %dma_wait3A_107 = tpu.memref_slice %arg9[%add3A_11, %dma_wait3A_106] : memref<10240x128xf32, #tpu.memory_space<vmem_shared>> -> memref<128x128xf32, #tpu.memory_space<vmem_shared>>
      tpu.wait_dma2 semaphore(%run_scoped3A : memref<!tpu.dma_semaphore, #tpu.memory_space<semaphore_mem>>) src(%arg7 : memref<128x128xf32, #tpu.memory_space<vmem>>) dst(%dma_wait3A_107 : memref<128x128xf32, #tpu.memory_space<vmem_shared>>)
      tpu.yield
    }) : () -> ()
    %mul3A_12 = arith.constant 640 : i32
    %mul3A_13 = arith.muli %arg1, %mul3A_12 : i32
    %add3A_14 = arith.constant 256 : i32
    %add3A_15 = arith.addi %mul3A_13, %add3A_14 : i32
    "tpu.region"() ({
      %run_scoped3A = tpu.sem_alloc : memref<!tpu.dma_semaphore, #tpu.memory_space<semaphore_mem>>
      %dma_start3A_100 = arith.constant 0 : i32
      %dma_start3A_101 = tpu.memref_slice %arg9[%add3A_15, %dma_start3A_100] : memref<10240x128xf32, #tpu.memory_space<vmem_shared>> -> memref<128x128xf32, #tpu.memory_space<vmem_shared>>
      %dma_start3A_102 = arith.constant 0 : i32
      %dma_start3A_103 = tpu.memref_slice %arg9[%add3A_15, %dma_start3A_102] : memref<10240x128xf32, #tpu.memory_space<vmem_shared>> -> memref<128x128xf32, #tpu.memory_space<vmem_shared>>
      tpu.enqueue_dma source(%arg7 : memref<128x128xf32, #tpu.memory_space<vmem>>) target(%dma_start3A_103 : memref<128x128xf32, #tpu.memory_space<vmem_shared>>) target_semaphore(%run_scoped3A : memref<!tpu.dma_semaphore, #tpu.memory_space<semaphore_mem>>)
      %dma_wait3A_104 = arith.constant 0 : i32
      %dma_wait3A_105 = tpu.memref_slice %arg9[%add3A_15, %dma_wait3A_104] : memref<10240x128xf32, #tpu.memory_space<vmem_shared>> -> memref<128x128xf32, #tpu.memory_space<vmem_shared>>
      %dma_wait3A_106 = arith.constant 0 : i32
      %dma_wait3A_107 = tpu.memref_slice %arg9[%add3A_15, %dma_wait3A_106] : memref<10240x128xf32, #tpu.memory_space<vmem_shared>> -> memref<128x128xf32, #tpu.memory_space<vmem_shared>>
      tpu.wait_dma2 semaphore(%run_scoped3A : memref<!tpu.dma_semaphore, #tpu.memory_space<semaphore_mem>>) src(%arg7 : memref<128x128xf32, #tpu.memory_space<vmem>>) dst(%dma_wait3A_107 : memref<128x128xf32, #tpu.memory_space<vmem_shared>>)
      tpu.yield
    }) : () -> ()
    %mul3A_16 = arith.constant 640 : i32
    %mul3A_17 = arith.muli %arg1, %mul3A_16 : i32
    %add3A_18 = arith.constant 384 : i32
    %add3A_19 = arith.addi %mul3A_17, %add3A_18 : i32
    "tpu.region"() ({
      %run_scoped3A = tpu.sem_alloc : memref<!tpu.dma_semaphore, #tpu.memory_space<semaphore_mem>>
      %dma_start3A_100 = arith.constant 0 : i32
      %dma_start3A_101 = tpu.memref_slice %arg9[%add3A_19, %dma_start3A_100] : memref<10240x128xf32, #tpu.memory_space<vmem_shared>> -> memref<128x128xf32, #tpu.memory_space<vmem_shared>>
      %dma_start3A_102 = arith.constant 0 : i32
      %dma_start3A_103 = tpu.memref_slice %arg9[%add3A_19, %dma_start3A_102] : memref<10240x128xf32, #tpu.memory_space<vmem_shared>> -> memref<128x128xf32, #tpu.memory_space<vmem_shared>>
      tpu.enqueue_dma source(%arg7 : memref<128x128xf32, #tpu.memory_space<vmem>>) target(%dma_start3A_103 : memref<128x128xf32, #tpu.memory_space<vmem_shared>>) target_semaphore(%run_scoped3A : memref<!tpu.dma_semaphore, #tpu.memory_space<semaphore_mem>>)
      %dma_wait3A_104 = arith.constant 0 : i32
      %dma_wait3A_105 = tpu.memref_slice %arg9[%add3A_19, %dma_wait3A_104] : memref<10240x128xf32, #tpu.memory_space<vmem_shared>> -> memref<128x128xf32, #tpu.memory_space<vmem_shared>>
      %dma_wait3A_106 = arith.constant 0 : i32
      %dma_wait3A_107 = tpu.memref_slice %arg9[%add3A_19, %dma_wait3A_106] : memref<10240x128xf32, #tpu.memory_space<vmem_shared>> -> memref<128x128xf32, #tpu.memory_space<vmem_shared>>
      tpu.wait_dma2 semaphore(%run_scoped3A : memref<!tpu.dma_semaphore, #tpu.memory_space<semaphore_mem>>) src(%arg7 : memref<128x128xf32, #tpu.memory_space<vmem>>) dst(%dma_wait3A_107 : memref<128x128xf32, #tpu.memory_space<vmem_shared>>)
      tpu.yield
    }) : () -> ()
    %mul3A_20 = arith.constant 640 : i32
    %mul3A_21 = arith.muli %arg1, %mul3A_20 : i32
    %add3A_22 = arith.constant 512 : i32
    %add3A_23 = arith.addi %mul3A_21, %add3A_22 : i32
    "tpu.region"() ({
      %run_scoped3A = tpu.sem_alloc : memref<!tpu.dma_semaphore, #tpu.memory_space<semaphore_mem>>
      %dma_start3A_100 = arith.constant 0 : i32
      %dma_start3A_101 = tpu.memref_slice %arg9[%add3A_23, %dma_start3A_100] : memref<10240x128xf32, #tpu.memory_space<vmem_shared>> -> memref<128x128xf32, #tpu.memory_space<vmem_shared>>
      %dma_start3A_102 = arith.constant 0 : i32
      %dma_start3A_103 = tpu.memref_slice %arg9[%add3A_23, %dma_start3A_102] : memref<10240x128xf32, #tpu.memory_space<vmem_shared>> -> memref<128x128xf32, #tpu.memory_space<vmem_shared>>
      tpu.enqueue_dma source(%arg7 : memref<128x128xf32, #tpu.memory_space<vmem>>) target(%dma_start3A_103 : memref<128x128xf32, #tpu.memory_space<vmem_shared>>) target_semaphore(%run_scoped3A : memref<!tpu.dma_semaphore, #tpu.memory_space<semaphore_mem>>)
      %dma_wait3A_104 = arith.constant 0 : i32
      %dma_wait3A_105 = tpu.memref_slice %arg9[%add3A_23, %dma_wait3A_104] : memref<10240x128xf32, #tpu.memory_space<vmem_shared>> -> memref<128x128xf32, #tpu.memory_space<vmem_shared>>
      %dma_wait3A_106 = arith.constant 0 : i32
      %dma_wait3A_107 = tpu.memref_slice %arg9[%add3A_23, %dma_wait3A_106] : memref<10240x128xf32, #tpu.memory_space<vmem_shared>> -> memref<128x128xf32, #tpu.memory_space<vmem_shared>>
      tpu.wait_dma2 semaphore(%run_scoped3A : memref<!tpu.dma_semaphore, #tpu.memory_space<semaphore_mem>>) src(%arg7 : memref<128x128xf32, #tpu.memory_space<vmem>>) dst(%dma_wait3A_107 : memref<128x128xf32, #tpu.memory_space<vmem_shared>>)
      tpu.yield
    }) : () -> ()
    %barrier3A = arith.constant 0 : index
    tpu.barrier barrier_id(%barrier3A)
    %eq3A = arith.constant 0 : i32
    %eq3A_24 = arith.cmpi eq, %arg0, %eq3A : i32
    %jit3A = arith.constant 116 : i32
    %jit3A_25 = arith.constant 42 : i32
    %select_n3A = arith.select %eq3A_24, %jit3A, %jit3A_25 : i32
    %eq3A_26 = arith.constant 0 : i32
    %eq3A_27 = arith.cmpi eq, %arg0, %eq3A_26 : i32
    %mul3A_28 = arith.constant 116 : i32
    %mul3A_29 = arith.muli %arg1, %mul3A_28 : i32
    %mul3A_30 = arith.constant 42 : i32
    %mul3A_31 = arith.muli %arg1, %mul3A_30 : i32
    %add3A_32 = arith.constant 1856 : i32
    %add3A_33 = arith.addi %add3A_32, %mul3A_31 : i32
    %select_n3A_34 = arith.select %eq3A_27, %mul3A_29, %add3A_33 : i32
    %dma_start3A = arith.constant 0 : i32
    %dma_start3A_35 = arith.constant 0 : i32
    %dma_start3A_36 = tpu.memref_slice %arg3[%select_n3A_34, %dma_start3A, %dma_start3A_35] : memref<2528x2x128xi32, #tpu.memory_space<hbm>> -> memref<1x2x128xi32, #tpu.memory_space<hbm>>
    %dma_start3A_37 = tpu.memref_squeeze %dma_start3A_36 : memref<1x2x128xi32, #tpu.memory_space<hbm>> -> memref<2x128xi32, #tpu.memory_space<hbm>>
    %dma_start3A_38 = arith.constant 0 : i32
    %dma_start3A_39 = arith.constant 0 : i32
    %dma_start3A_40 = tpu.memref_slice %arg3[%select_n3A_34, %dma_start3A_38, %dma_start3A_39] : memref<2528x2x128xi32, #tpu.memory_space<hbm>> -> memref<1x2x128xi32, #tpu.memory_space<hbm>>
    %dma_start3A_41 = tpu.memref_squeeze %dma_start3A_40 : memref<1x2x128xi32, #tpu.memory_space<hbm>> -> memref<2x128xi32, #tpu.memory_space<hbm>>
    tpu.enqueue_dma source(%dma_start3A_41 : memref<2x128xi32, #tpu.memory_space<hbm>>) target(%arg5 : memref<2x128xi32, #tpu.memory_space<vmem>>) target_semaphore(%arg10 : memref<!tpu.dma_semaphore, #tpu.memory_space<semaphore_mem>>)
    %dma_wait3A = arith.constant 0 : i32
    %dma_wait3A_42 = arith.constant 0 : i32
    %dma_wait3A_43 = tpu.memref_slice %arg3[%select_n3A_34, %dma_wait3A, %dma_wait3A_42] : memref<2528x2x128xi32, #tpu.memory_space<hbm>> -> memref<1x2x128xi32, #tpu.memory_space<hbm>>
    %dma_wait3A_44 = tpu.memref_squeeze %dma_wait3A_43 : memref<1x2x128xi32, #tpu.memory_space<hbm>> -> memref<2x128xi32, #tpu.memory_space<hbm>>
    %dma_wait3A_45 = arith.constant 0 : i32
    %dma_wait3A_46 = arith.constant 0 : i32
    %dma_wait3A_47 = tpu.memref_slice %arg3[%select_n3A_34, %dma_wait3A_45, %dma_wait3A_46] : memref<2528x2x128xi32, #tpu.memory_space<hbm>> -> memref<1x2x128xi32, #tpu.memory_space<hbm>>
    %dma_wait3A_48 = tpu.memref_squeeze %dma_wait3A_47 : memref<1x2x128xi32, #tpu.memory_space<hbm>> -> memref<2x128xi32, #tpu.memory_space<hbm>>
    tpu.wait_dma2 semaphore(%arg10 : memref<!tpu.dma_semaphore, #tpu.memory_space<semaphore_mem>>) src(%dma_wait3A_48 : memref<2x128xi32, #tpu.memory_space<hbm>>) dst(%arg5 : memref<2x128xi32, #tpu.memory_space<vmem>>)
    %dma_start3A_49 = arith.constant 0 : i32
    %dma_start3A_50 = arith.constant 0 : i32
    %dma_start3A_51 = tpu.memref_slice %arg5[%dma_start3A_49, %dma_start3A_50] : memref<2x128xi32, #tpu.memory_space<vmem>> -> memref<1x128xi32, #tpu.memory_space<vmem>>
    %dma_start3A_52 = tpu.memref_squeeze %dma_start3A_51 : memref<1x128xi32, #tpu.memory_space<vmem>> -> memref<128xi32, #tpu.memory_space<vmem>>
    %dma_start3A_53 = arith.constant 0 : i32
    %dma_start3A_54 = arith.constant 0 : i32
    %dma_start3A_55 = tpu.memref_slice %arg2[%dma_start3A_53, %dma_start3A_54] : memref<10000x128xf32, #tpu.memory_space<hbm>> -> memref<10000x128xf32, #tpu.memory_space<hbm>>
    tpu.enqueue_indirect_dma source(%dma_start3A_55 : memref<10000x128xf32, #tpu.memory_space<hbm>>) target(%arg7 : memref<128x128xf32, #tpu.memory_space<vmem>>) offsets(%dma_start3A_52 : memref<128xi32, #tpu.memory_space<vmem>>) semaphore(%arg11 : memref<!tpu.dma_semaphore, #tpu.memory_space<semaphore_mem>>)
    %add3A_56 = arith.constant 1 : i32
    %add3A_57 = arith.addi %select_n3A_34, %add3A_56 : i32
    %dma_start3A_58 = arith.constant 0 : i32
    %dma_start3A_59 = arith.constant 0 : i32
    %dma_start3A_60 = tpu.memref_slice %arg3[%add3A_57, %dma_start3A_58, %dma_start3A_59] : memref<2528x2x128xi32, #tpu.memory_space<hbm>> -> memref<1x2x128xi32, #tpu.memory_space<hbm>>
    %dma_start3A_61 = tpu.memref_squeeze %dma_start3A_60 : memref<1x2x128xi32, #tpu.memory_space<hbm>> -> memref<2x128xi32, #tpu.memory_space<hbm>>
    %dma_start3A_62 = arith.constant 0 : i32
    %dma_start3A_63 = arith.constant 0 : i32
    %dma_start3A_64 = tpu.memref_slice %arg3[%add3A_57, %dma_start3A_62, %dma_start3A_63] : memref<2528x2x128xi32, #tpu.memory_space<hbm>> -> memref<1x2x128xi32, #tpu.memory_space<hbm>>
    %dma_start3A_65 = tpu.memref_squeeze %dma_start3A_64 : memref<1x2x128xi32, #tpu.memory_space<hbm>> -> memref<2x128xi32, #tpu.memory_space<hbm>>
    tpu.enqueue_dma source(%dma_start3A_65 : memref<2x128xi32, #tpu.memory_space<hbm>>) target(%arg6 : memref<2x128xi32, #tpu.memory_space<vmem>>) target_semaphore(%arg10 : memref<!tpu.dma_semaphore, #tpu.memory_space<semaphore_mem>>)
    %jit3A_66 = arith.constant 2 : i32
    %div3A = arith.divsi %select_n3A, %jit3A_66 : i32
    %sign3A = arith.constant 0 : i32
    %sign3A_67 = arith.cmpi sgt, %select_n3A, %sign3A : i32
    %sign3A_68 = arith.extui %sign3A_67 : i1 to i32
    %sign3A_69 = arith.constant 0 : i32
    %sign3A_70 = arith.cmpi slt, %select_n3A, %sign3A_69 : i32
    %sign3A_71 = arith.extui %sign3A_70 : i1 to i32
    %sign3A_72 = arith.subi %sign3A_68, %sign3A_71 : i32
    %sign3A_73 = arith.constant 0 : i32
    %sign3A_74 = arith.cmpi sgt, %jit3A_66, %sign3A_73 : i32
    %sign3A_75 = arith.extui %sign3A_74 : i1 to i32
    %sign3A_76 = arith.constant 0 : i32
    %sign3A_77 = arith.cmpi slt, %jit3A_66, %sign3A_76 : i32
    %sign3A_78 = arith.extui %sign3A_77 : i1 to i32
    %sign3A_79 = arith.subi %sign3A_75, %sign3A_78 : i32
    %ne3A = arith.cmpi ne, %sign3A_72, %sign3A_79 : i32
    %rem3A = arith.remsi %select_n3A, %jit3A_66 : i32
    %ne3A_80 = arith.constant 0 : i32
    %ne3A_81 = arith.cmpi ne, %rem3A, %ne3A_80 : i32
    %and3A = arith.andi %ne3A, %ne3A_81 : i1
    %sub3A = arith.constant 1 : i32
    %sub3A_82 = arith.subi %div3A, %sub3A : i32
    %select_n3A_83 = arith.select %and3A, %sub3A_82, %div3A : i32
    %while3A = arith.constant 0 : i32
    %while3A_84 = arith.constant 0 : i32
    %while3A_85 = arith.subi %select_n3A_83, %while3A : i32
    %while3A_86 = arith.addi %while3A, %while3A_85 : i32
    %while3A_87 = arith.constant 1 : i32
    %while3A_88 = arith.divsi %while3A_85, %while3A_87 : i32
    %while3A_89 = arith.muli %while3A_88, %while3A_87 : i32
    %while3A_90 = arith.addi %while3A, %while3A_89 : i32
    %while3A_91 = arith.constant 1 : i32
    %while3A_92 = scf.for %while3A_100 = %while3A to %while3A_90 step %while3A_91 iter_args(%while3A_101 = %while3A_84) -> (i32)  : i32 {
      %mul3A_102 = arith.constant 2 : i32
      %mul3A_103 = arith.muli %mul3A_102, %while3A_100 : i32
      %add3A_104 = arith.addi %select_n3A_34, %mul3A_103 : i32
      %add3A_105 = arith.constant 1 : i32
      %add3A_106 = arith.addi %add3A_104, %add3A_105 : i32
      %dma_wait3A_107 = arith.constant 0 : i32
      %dma_wait3A_108 = arith.constant 0 : i32
      %dma_wait3A_109 = tpu.memref_slice %arg3[%add3A_106, %dma_wait3A_107, %dma_wait3A_108] : memref<2528x2x128xi32, #tpu.memory_space<hbm>> -> memref<1x2x128xi32, #tpu.memory_space<hbm>>
      %dma_wait3A_110 = tpu.memref_squeeze %dma_wait3A_109 : memref<1x2x128xi32, #tpu.memory_space<hbm>> -> memref<2x128xi32, #tpu.memory_space<hbm>>
      %dma_wait3A_111 = arith.constant 0 : i32
      %dma_wait3A_112 = arith.constant 0 : i32
      %dma_wait3A_113 = tpu.memref_slice %arg3[%add3A_106, %dma_wait3A_111, %dma_wait3A_112] : memref<2528x2x128xi32, #tpu.memory_space<hbm>> -> memref<1x2x128xi32, #tpu.memory_space<hbm>>
      %dma_wait3A_114 = tpu.memref_squeeze %dma_wait3A_113 : memref<1x2x128xi32, #tpu.memory_space<hbm>> -> memref<2x128xi32, #tpu.memory_space<hbm>>
      tpu.wait_dma2 semaphore(%arg10 : memref<!tpu.dma_semaphore, #tpu.memory_space<semaphore_mem>>) src(%dma_wait3A_114 : memref<2x128xi32, #tpu.memory_space<hbm>>) dst(%arg6 : memref<2x128xi32, #tpu.memory_space<vmem>>)
      %dma_wait3A_115 = arith.constant 0 : i32
      %dma_wait3A_116 = arith.constant 0 : i32
      %dma_wait3A_117 = tpu.memref_slice %arg5[%dma_wait3A_115, %dma_wait3A_116] : memref<2x128xi32, #tpu.memory_space<vmem>> -> memref<1x128xi32, #tpu.memory_space<vmem>>
      %dma_wait3A_118 = tpu.memref_squeeze %dma_wait3A_117 : memref<1x128xi32, #tpu.memory_space<vmem>> -> memref<128xi32, #tpu.memory_space<vmem>>
      %dma_wait3A_119 = arith.constant 0 : i32
      %dma_wait3A_120 = arith.constant 0 : i32
      %dma_wait3A_121 = tpu.memref_slice %arg2[%dma_wait3A_119, %dma_wait3A_120] : memref<10000x128xf32, #tpu.memory_space<hbm>> -> memref<10000x128xf32, #tpu.memory_space<hbm>>
      tpu.wait_indirect_dma semaphore(%arg11 : memref<!tpu.dma_semaphore, #tpu.memory_space<semaphore_mem>>) src(%dma_wait3A_121 : memref<10000x128xf32, #tpu.memory_space<hbm>>) dst(%arg7 : memref<128x128xf32, #tpu.memory_space<vmem>>)
      %dma_start3A_122 = arith.constant 0 : i32
      %dma_start3A_123 = arith.constant 0 : i32
      %dma_start3A_124 = tpu.memref_slice %arg6[%dma_start3A_122, %dma_start3A_123] : memref<2x128xi32, #tpu.memory_space<vmem>> -> memref<1x128xi32, #tpu.memory_space<vmem>>
      %dma_start3A_125 = tpu.memref_squeeze %dma_start3A_124 : memref<1x128xi32, #tpu.memory_space<vmem>> -> memref<128xi32, #tpu.memory_space<vmem>>
      %dma_start3A_126 = arith.constant 0 : i32
      %dma_start3A_127 = arith.constant 0 : i32
      %dma_start3A_128 = tpu.memref_slice %arg2[%dma_start3A_126, %dma_start3A_127] : memref<10000x128xf32, #tpu.memory_space<hbm>> -> memref<10000x128xf32, #tpu.memory_space<hbm>>
      tpu.enqueue_indirect_dma source(%dma_start3A_128 : memref<10000x128xf32, #tpu.memory_space<hbm>>) target(%arg8 : memref<128x128xf32, #tpu.memory_space<vmem>>) offsets(%dma_start3A_125 : memref<128xi32, #tpu.memory_space<vmem>>) semaphore(%arg12 : memref<!tpu.dma_semaphore, #tpu.memory_space<semaphore_mem>>)
      %run_scoped3A = arith.constant 1 : i32
      "tpu.region"() ({
        %run_scoped3A_153 = tpu.sem_alloc : memref<!tpu.dma_semaphore, #tpu.memory_space<semaphore_mem>>
        %dma_start3A_154 = arith.constant 0 : i32
        %dma_start3A_155 = tpu.memref_slice %arg5[%run_scoped3A, %dma_start3A_154] : memref<2x128xi32, #tpu.memory_space<vmem>> -> memref<1x128xi32, #tpu.memory_space<vmem>>
        %dma_start3A_156 = tpu.memref_squeeze %dma_start3A_155 : memref<1x128xi32, #tpu.memory_space<vmem>> -> memref<128xi32, #tpu.memory_space<vmem>>
        %dma_start3A_157 = arith.constant 0 : i32
        %dma_start3A_158 = arith.constant 0 : i32
        %dma_start3A_159 = tpu.memref_slice %arg9[%dma_start3A_157, %dma_start3A_158] : memref<10240x128xf32, #tpu.memory_space<vmem_shared>> -> memref<10240x128xf32, #tpu.memory_space<vmem_shared>>
        tpu.enqueue_indirect_dma source(%arg7 : memref<128x128xf32, #tpu.memory_space<vmem>>) target(%dma_start3A_159 : memref<10240x128xf32, #tpu.memory_space<vmem_shared>>) offsets(%dma_start3A_156 : memref<128xi32, #tpu.memory_space<vmem>>) semaphore(%run_scoped3A_153 : memref<!tpu.dma_semaphore, #tpu.memory_space<semaphore_mem>>) {add = true}
        %dma_wait3A_160 = arith.constant 0 : i32
        %dma_wait3A_161 = tpu.memref_slice %arg5[%run_scoped3A, %dma_wait3A_160] : memref<2x128xi32, #tpu.memory_space<vmem>> -> memref<1x128xi32, #tpu.memory_space<vmem>>
        %dma_wait3A_162 = tpu.memref_squeeze %dma_wait3A_161 : memref<1x128xi32, #tpu.memory_space<vmem>> -> memref<128xi32, #tpu.memory_space<vmem>>
        %dma_wait3A_163 = arith.constant 0 : i32
        %dma_wait3A_164 = arith.constant 0 : i32
        %dma_wait3A_165 = tpu.memref_slice %arg9[%dma_wait3A_163, %dma_wait3A_164] : memref<10240x128xf32, #tpu.memory_space<vmem_shared>> -> memref<10240x128xf32, #tpu.memory_space<vmem_shared>>
        tpu.wait_indirect_dma semaphore(%run_scoped3A_153 : memref<!tpu.dma_semaphore, #tpu.memory_space<semaphore_mem>>) src(%arg7 : memref<128x128xf32, #tpu.memory_space<vmem>>) dst(%dma_wait3A_165 : memref<10240x128xf32, #tpu.memory_space<vmem_shared>>)
        tpu.yield
      }) : () -> ()
      %add3A_129 = arith.constant 2 : i32
      %add3A_130 = arith.addi %mul3A_103, %add3A_129 : i32
      %lt3A = arith.cmpi slt, %add3A_130, %select_n3A : i32
      %convert_element_type3A = arith.extui %lt3A : i1 to i32
      %cond3A = arith.constant 0 : i32
      %cond3A_131 = arith.cmpi ne, %convert_element_type3A, %cond3A : i32
      scf.if %cond3A_131 {
        %add3A_153 = arith.addi %select_n3A_34, %mul3A_103 : i32
        %add3A_154 = arith.constant 2 : i32
        %add3A_155 = arith.addi %add3A_153, %add3A_154 : i32
        %dma_start3A_156 = arith.constant 0 : i32
        %dma_start3A_157 = arith.constant 0 : i32
        %dma_start3A_158 = tpu.memref_slice %arg3[%add3A_155, %dma_start3A_156, %dma_start3A_157] : memref<2528x2x128xi32, #tpu.memory_space<hbm>> -> memref<1x2x128xi32, #tpu.memory_space<hbm>>
        %dma_start3A_159 = tpu.memref_squeeze %dma_start3A_158 : memref<1x2x128xi32, #tpu.memory_space<hbm>> -> memref<2x128xi32, #tpu.memory_space<hbm>>
        %dma_start3A_160 = arith.constant 0 : i32
        %dma_start3A_161 = arith.constant 0 : i32
        %dma_start3A_162 = tpu.memref_slice %arg3[%add3A_155, %dma_start3A_160, %dma_start3A_161] : memref<2528x2x128xi32, #tpu.memory_space<hbm>> -> memref<1x2x128xi32, #tpu.memory_space<hbm>>
        %dma_start3A_163 = tpu.memref_squeeze %dma_start3A_162 : memref<1x2x128xi32, #tpu.memory_space<hbm>> -> memref<2x128xi32, #tpu.memory_space<hbm>>
        tpu.enqueue_dma source(%dma_start3A_163 : memref<2x128xi32, #tpu.memory_space<hbm>>) target(%arg5 : memref<2x128xi32, #tpu.memory_space<vmem>>) target_semaphore(%arg10 : memref<!tpu.dma_semaphore, #tpu.memory_space<semaphore_mem>>)
      } else {
      }
      %dma_wait3A_132 = arith.constant 0 : i32
      %dma_wait3A_133 = arith.constant 0 : i32
      %dma_wait3A_134 = tpu.memref_slice %arg6[%dma_wait3A_132, %dma_wait3A_133] : memref<2x128xi32, #tpu.memory_space<vmem>> -> memref<1x128xi32, #tpu.memory_space<vmem>>
      %dma_wait3A_135 = tpu.memref_squeeze %dma_wait3A_134 : memref<1x128xi32, #tpu.memory_space<vmem>> -> memref<128xi32, #tpu.memory_space<vmem>>
      %dma_wait3A_136 = arith.constant 0 : i32
      %dma_wait3A_137 = arith.constant 0 : i32
      %dma_wait3A_138 = tpu.memref_slice %arg2[%dma_wait3A_136, %dma_wait3A_137] : memref<10000x128xf32, #tpu.memory_space<hbm>> -> memref<10000x128xf32, #tpu.memory_space<hbm>>
      tpu.wait_indirect_dma semaphore(%arg12 : memref<!tpu.dma_semaphore, #tpu.memory_space<semaphore_mem>>) src(%dma_wait3A_138 : memref<10000x128xf32, #tpu.memory_space<hbm>>) dst(%arg8 : memref<128x128xf32, #tpu.memory_space<vmem>>)
      %add3A_139 = arith.constant 2 : i32
      %add3A_140 = arith.addi %mul3A_103, %add3A_139 : i32
      %lt3A_141 = arith.cmpi slt, %add3A_140, %select_n3A : i32
      %convert_element_type3A_142 = arith.extui %lt3A_141 : i1 to i32
      %cond3A_143 = arith.constant 0 : i32
      %cond3A_144 = arith.cmpi ne, %convert_element_type3A_142, %cond3A_143 : i32
      scf.if %cond3A_144 {
        %add3A_153 = arith.addi %select_n3A_34, %mul3A_103 : i32
        %add3A_154 = arith.constant 2 : i32
        %add3A_155 = arith.addi %add3A_153, %add3A_154 : i32
        %dma_wait3A_156 = arith.constant 0 : i32
        %dma_wait3A_157 = arith.constant 0 : i32
        %dma_wait3A_158 = tpu.memref_slice %arg3[%add3A_155, %dma_wait3A_156, %dma_wait3A_157] : memref<2528x2x128xi32, #tpu.memory_space<hbm>> -> memref<1x2x128xi32, #tpu.memory_space<hbm>>
        %dma_wait3A_159 = tpu.memref_squeeze %dma_wait3A_158 : memref<1x2x128xi32, #tpu.memory_space<hbm>> -> memref<2x128xi32, #tpu.memory_space<hbm>>
        %dma_wait3A_160 = arith.constant 0 : i32
        %dma_wait3A_161 = arith.constant 0 : i32
        %dma_wait3A_162 = tpu.memref_slice %arg3[%add3A_155, %dma_wait3A_160, %dma_wait3A_161] : memref<2528x2x128xi32, #tpu.memory_space<hbm>> -> memref<1x2x128xi32, #tpu.memory_space<hbm>>
        %dma_wait3A_163 = tpu.memref_squeeze %dma_wait3A_162 : memref<1x2x128xi32, #tpu.memory_space<hbm>> -> memref<2x128xi32, #tpu.memory_space<hbm>>
        tpu.wait_dma2 semaphore(%arg10 : memref<!tpu.dma_semaphore, #tpu.memory_space<semaphore_mem>>) src(%dma_wait3A_163 : memref<2x128xi32, #tpu.memory_space<hbm>>) dst(%arg5 : memref<2x128xi32, #tpu.memory_space<vmem>>)
        %dma_start3A_164 = arith.constant 0 : i32
        %dma_start3A_165 = arith.constant 0 : i32
        %dma_start3A_166 = tpu.memref_slice %arg5[%dma_start3A_164, %dma_start3A_165] : memref<2x128xi32, #tpu.memory_space<vmem>> -> memref<1x128xi32, #tpu.memory_space<vmem>>
        %dma_start3A_167 = tpu.memref_squeeze %dma_start3A_166 : memref<1x128xi32, #tpu.memory_space<vmem>> -> memref<128xi32, #tpu.memory_space<vmem>>
        %dma_start3A_168 = arith.constant 0 : i32
        %dma_start3A_169 = arith.constant 0 : i32
        %dma_start3A_170 = tpu.memref_slice %arg2[%dma_start3A_168, %dma_start3A_169] : memref<10000x128xf32, #tpu.memory_space<hbm>> -> memref<10000x128xf32, #tpu.memory_space<hbm>>
        tpu.enqueue_indirect_dma source(%dma_start3A_170 : memref<10000x128xf32, #tpu.memory_space<hbm>>) target(%arg7 : memref<128x128xf32, #tpu.memory_space<vmem>>) offsets(%dma_start3A_167 : memref<128xi32, #tpu.memory_space<vmem>>) semaphore(%arg11 : memref<!tpu.dma_semaphore, #tpu.memory_space<semaphore_mem>>)
      } else {
      }
      %run_scoped3A_145 = arith.constant 1 : i32
      "tpu.region"() ({
        %run_scoped3A_153 = tpu.sem_alloc : memref<!tpu.dma_semaphore, #tpu.memory_space<semaphore_mem>>
        %dma_start3A_154 = arith.constant 0 : i32
        %dma_start3A_155 = tpu.memref_slice %arg6[%run_scoped3A_145, %dma_start3A_154] : memref<2x128xi32, #tpu.memory_space<vmem>> -> memref<1x128xi32, #tpu.memory_space<vmem>>
        %dma_start3A_156 = tpu.memref_squeeze %dma_start3A_155 : memref<1x128xi32, #tpu.memory_space<vmem>> -> memref<128xi32, #tpu.memory_space<vmem>>
        %dma_start3A_157 = arith.constant 0 : i32
        %dma_start3A_158 = arith.constant 0 : i32
        %dma_start3A_159 = tpu.memref_slice %arg9[%dma_start3A_157, %dma_start3A_158] : memref<10240x128xf32, #tpu.memory_space<vmem_shared>> -> memref<10240x128xf32, #tpu.memory_space<vmem_shared>>
        tpu.enqueue_indirect_dma source(%arg8 : memref<128x128xf32, #tpu.memory_space<vmem>>) target(%dma_start3A_159 : memref<10240x128xf32, #tpu.memory_space<vmem_shared>>) offsets(%dma_start3A_156 : memref<128xi32, #tpu.memory_space<vmem>>) semaphore(%run_scoped3A_153 : memref<!tpu.dma_semaphore, #tpu.memory_space<semaphore_mem>>) {add = true}
        %dma_wait3A_160 = arith.constant 0 : i32
        %dma_wait3A_161 = tpu.memref_slice %arg6[%run_scoped3A_145, %dma_wait3A_160] : memref<2x128xi32, #tpu.memory_space<vmem>> -> memref<1x128xi32, #tpu.memory_space<vmem>>
        %dma_wait3A_162 = tpu.memref_squeeze %dma_wait3A_161 : memref<1x128xi32, #tpu.memory_space<vmem>> -> memref<128xi32, #tpu.memory_space<vmem>>
        %dma_wait3A_163 = arith.constant 0 : i32
        %dma_wait3A_164 = arith.constant 0 : i32
        %dma_wait3A_165 = tpu.memref_slice %arg9[%dma_wait3A_163, %dma_wait3A_164] : memref<10240x128xf32, #tpu.memory_space<vmem_shared>> -> memref<10240x128xf32, #tpu.memory_space<vmem_shared>>
        tpu.wait_indirect_dma semaphore(%run_scoped3A_153 : memref<!tpu.dma_semaphore, #tpu.memory_space<semaphore_mem>>) src(%arg8 : memref<128x128xf32, #tpu.memory_space<vmem>>) dst(%dma_wait3A_165 : memref<10240x128xf32, #tpu.memory_space<vmem_shared>>)
        tpu.yield
      }) : () -> ()
      %add3A_146 = arith.constant 3 : i32
      %add3A_147 = arith.addi %mul3A_103, %add3A_146 : i32
      %lt3A_148 = arith.cmpi slt, %add3A_147, %select_n3A : i32
      %convert_element_type3A_149 = arith.extui %lt3A_148 : i1 to i32
      %cond3A_150 = arith.constant 0 : i32
      %cond3A_151 = arith.cmpi ne, %convert_element_type3A_149, %cond3A_150 : i32
      scf.if %cond3A_151 {
        %add3A_153 = arith.addi %select_n3A_34, %mul3A_103 : i32
        %add3A_154 = arith.constant 3 : i32
        %add3A_155 = arith.addi %add3A_153, %add3A_154 : i32
        %dma_start3A_156 = arith.constant 0 : i32
        %dma_start3A_157 = arith.constant 0 : i32
        %dma_start3A_158 = tpu.memref_slice %arg3[%add3A_155, %dma_start3A_156, %dma_start3A_157] : memref<2528x2x128xi32, #tpu.memory_space<hbm>> -> memref<1x2x128xi32, #tpu.memory_space<hbm>>
        %dma_start3A_159 = tpu.memref_squeeze %dma_start3A_158 : memref<1x2x128xi32, #tpu.memory_space<hbm>> -> memref<2x128xi32, #tpu.memory_space<hbm>>
        %dma_start3A_160 = arith.constant 0 : i32
        %dma_start3A_161 = arith.constant 0 : i32
        %dma_start3A_162 = tpu.memref_slice %arg3[%add3A_155, %dma_start3A_160, %dma_start3A_161] : memref<2528x2x128xi32, #tpu.memory_space<hbm>> -> memref<1x2x128xi32, #tpu.memory_space<hbm>>
        %dma_start3A_163 = tpu.memref_squeeze %dma_start3A_162 : memref<1x2x128xi32, #tpu.memory_space<hbm>> -> memref<2x128xi32, #tpu.memory_space<hbm>>
        tpu.enqueue_dma source(%dma_start3A_163 : memref<2x128xi32, #tpu.memory_space<hbm>>) target(%arg6 : memref<2x128xi32, #tpu.memory_space<vmem>>) target_semaphore(%arg10 : memref<!tpu.dma_semaphore, #tpu.memory_space<semaphore_mem>>)
      } else {
      }
      %while3A_152 = arith.constant 0 : i32
      scf.yield %while3A_152 : i32
    }
    %while3A_93 = arith.constant 1 : i32
    %while3A_94 = scf.for %while3A_100 = %while3A_90 to %while3A_86 step %while3A_93 iter_args(%while3A_101 = %while3A_92) -> (i32)  : i32 {
      %mul3A_102 = arith.constant 2 : i32
      %mul3A_103 = arith.muli %mul3A_102, %while3A_100 : i32
      %add3A_104 = arith.addi %select_n3A_34, %mul3A_103 : i32
      %add3A_105 = arith.constant 1 : i32
      %add3A_106 = arith.addi %add3A_104, %add3A_105 : i32
      %dma_wait3A_107 = arith.constant 0 : i32
      %dma_wait3A_108 = arith.constant 0 : i32
      %dma_wait3A_109 = tpu.memref_slice %arg3[%add3A_106, %dma_wait3A_107, %dma_wait3A_108] : memref<2528x2x128xi32, #tpu.memory_space<hbm>> -> memref<1x2x128xi32, #tpu.memory_space<hbm>>
      %dma_wait3A_110 = tpu.memref_squeeze %dma_wait3A_109 : memref<1x2x128xi32, #tpu.memory_space<hbm>> -> memref<2x128xi32, #tpu.memory_space<hbm>>
      %dma_wait3A_111 = arith.constant 0 : i32
      %dma_wait3A_112 = arith.constant 0 : i32
      %dma_wait3A_113 = tpu.memref_slice %arg3[%add3A_106, %dma_wait3A_111, %dma_wait3A_112] : memref<2528x2x128xi32, #tpu.memory_space<hbm>> -> memref<1x2x128xi32, #tpu.memory_space<hbm>>
      %dma_wait3A_114 = tpu.memref_squeeze %dma_wait3A_113 : memref<1x2x128xi32, #tpu.memory_space<hbm>> -> memref<2x128xi32, #tpu.memory_space<hbm>>
      tpu.wait_dma2 semaphore(%arg10 : memref<!tpu.dma_semaphore, #tpu.memory_space<semaphore_mem>>) src(%dma_wait3A_114 : memref<2x128xi32, #tpu.memory_space<hbm>>) dst(%arg6 : memref<2x128xi32, #tpu.memory_space<vmem>>)
      %dma_wait3A_115 = arith.constant 0 : i32
      %dma_wait3A_116 = arith.constant 0 : i32
      %dma_wait3A_117 = tpu.memref_slice %arg5[%dma_wait3A_115, %dma_wait3A_116] : memref<2x128xi32, #tpu.memory_space<vmem>> -> memref<1x128xi32, #tpu.memory_space<vmem>>
      %dma_wait3A_118 = tpu.memref_squeeze %dma_wait3A_117 : memref<1x128xi32, #tpu.memory_space<vmem>> -> memref<128xi32, #tpu.memory_space<vmem>>
      %dma_wait3A_119 = arith.constant 0 : i32
      %dma_wait3A_120 = arith.constant 0 : i32
      %dma_wait3A_121 = tpu.memref_slice %arg2[%dma_wait3A_119, %dma_wait3A_120] : memref<10000x128xf32, #tpu.memory_space<hbm>> -> memref<10000x128xf32, #tpu.memory_space<hbm>>
      tpu.wait_indirect_dma semaphore(%arg11 : memref<!tpu.dma_semaphore, #tpu.memory_space<semaphore_mem>>) src(%dma_wait3A_121 : memref<10000x128xf32, #tpu.memory_space<hbm>>) dst(%arg7 : memref<128x128xf32, #tpu.memory_space<vmem>>)
      %dma_start3A_122 = arith.constant 0 : i32
      %dma_start3A_123 = arith.constant 0 : i32
      %dma_start3A_124 = tpu.memref_slice %arg6[%dma_start3A_122, %dma_start3A_123] : memref<2x128xi32, #tpu.memory_space<vmem>> -> memref<1x128xi32, #tpu.memory_space<vmem>>
      %dma_start3A_125 = tpu.memref_squeeze %dma_start3A_124 : memref<1x128xi32, #tpu.memory_space<vmem>> -> memref<128xi32, #tpu.memory_space<vmem>>
      %dma_start3A_126 = arith.constant 0 : i32
      %dma_start3A_127 = arith.constant 0 : i32
      %dma_start3A_128 = tpu.memref_slice %arg2[%dma_start3A_126, %dma_start3A_127] : memref<10000x128xf32, #tpu.memory_space<hbm>> -> memref<10000x128xf32, #tpu.memory_space<hbm>>
      tpu.enqueue_indirect_dma source(%dma_start3A_128 : memref<10000x128xf32, #tpu.memory_space<hbm>>) target(%arg8 : memref<128x128xf32, #tpu.memory_space<vmem>>) offsets(%dma_start3A_125 : memref<128xi32, #tpu.memory_space<vmem>>) semaphore(%arg12 : memref<!tpu.dma_semaphore, #tpu.memory_space<semaphore_mem>>)
      %run_scoped3A = arith.constant 1 : i32
      "tpu.region"() ({
        %run_scoped3A_153 = tpu.sem_alloc : memref<!tpu.dma_semaphore, #tpu.memory_space<semaphore_mem>>
        %dma_start3A_154 = arith.constant 0 : i32
        %dma_start3A_155 = tpu.memref_slice %arg5[%run_scoped3A, %dma_start3A_154] : memref<2x128xi32, #tpu.memory_space<vmem>> -> memref<1x128xi32, #tpu.memory_space<vmem>>
        %dma_start3A_156 = tpu.memref_squeeze %dma_start3A_155 : memref<1x128xi32, #tpu.memory_space<vmem>> -> memref<128xi32, #tpu.memory_space<vmem>>
        %dma_start3A_157 = arith.constant 0 : i32
        %dma_start3A_158 = arith.constant 0 : i32
        %dma_start3A_159 = tpu.memref_slice %arg9[%dma_start3A_157, %dma_start3A_158] : memref<10240x128xf32, #tpu.memory_space<vmem_shared>> -> memref<10240x128xf32, #tpu.memory_space<vmem_shared>>
        tpu.enqueue_indirect_dma source(%arg7 : memref<128x128xf32, #tpu.memory_space<vmem>>) target(%dma_start3A_159 : memref<10240x128xf32, #tpu.memory_space<vmem_shared>>) offsets(%dma_start3A_156 : memref<128xi32, #tpu.memory_space<vmem>>) semaphore(%run_scoped3A_153 : memref<!tpu.dma_semaphore, #tpu.memory_space<semaphore_mem>>) {add = true}
        %dma_wait3A_160 = arith.constant 0 : i32
        %dma_wait3A_161 = tpu.memref_slice %arg5[%run_scoped3A, %dma_wait3A_160] : memref<2x128xi32, #tpu.memory_space<vmem>> -> memref<1x128xi32, #tpu.memory_space<vmem>>
        %dma_wait3A_162 = tpu.memref_squeeze %dma_wait3A_161 : memref<1x128xi32, #tpu.memory_space<vmem>> -> memref<128xi32, #tpu.memory_space<vmem>>
        %dma_wait3A_163 = arith.constant 0 : i32
        %dma_wait3A_164 = arith.constant 0 : i32
        %dma_wait3A_165 = tpu.memref_slice %arg9[%dma_wait3A_163, %dma_wait3A_164] : memref<10240x128xf32, #tpu.memory_space<vmem_shared>> -> memref<10240x128xf32, #tpu.memory_space<vmem_shared>>
        tpu.wait_indirect_dma semaphore(%run_scoped3A_153 : memref<!tpu.dma_semaphore, #tpu.memory_space<semaphore_mem>>) src(%arg7 : memref<128x128xf32, #tpu.memory_space<vmem>>) dst(%dma_wait3A_165 : memref<10240x128xf32, #tpu.memory_space<vmem_shared>>)
        tpu.yield
      }) : () -> ()
      %add3A_129 = arith.constant 2 : i32
      %add3A_130 = arith.addi %mul3A_103, %add3A_129 : i32
      %lt3A = arith.cmpi slt, %add3A_130, %select_n3A : i32
      %convert_element_type3A = arith.extui %lt3A : i1 to i32
      %cond3A = arith.constant 0 : i32
      %cond3A_131 = arith.cmpi ne, %convert_element_type3A, %cond3A : i32
      scf.if %cond3A_131 {
        %add3A_153 = arith.addi %select_n3A_34, %mul3A_103 : i32
        %add3A_154 = arith.constant 2 : i32
        %add3A_155 = arith.addi %add3A_153, %add3A_154 : i32
        %dma_start3A_156 = arith.constant 0 : i32
        %dma_start3A_157 = arith.constant 0 : i32
        %dma_start3A_158 = tpu.memref_slice %arg3[%add3A_155, %dma_start3A_156, %dma_start3A_157] : memref<2528x2x128xi32, #tpu.memory_space<hbm>> -> memref<1x2x128xi32, #tpu.memory_space<hbm>>
        %dma_start3A_159 = tpu.memref_squeeze %dma_start3A_158 : memref<1x2x128xi32, #tpu.memory_space<hbm>> -> memref<2x128xi32, #tpu.memory_space<hbm>>
        %dma_start3A_160 = arith.constant 0 : i32
        %dma_start3A_161 = arith.constant 0 : i32
        %dma_start3A_162 = tpu.memref_slice %arg3[%add3A_155, %dma_start3A_160, %dma_start3A_161] : memref<2528x2x128xi32, #tpu.memory_space<hbm>> -> memref<1x2x128xi32, #tpu.memory_space<hbm>>
        %dma_start3A_163 = tpu.memref_squeeze %dma_start3A_162 : memref<1x2x128xi32, #tpu.memory_space<hbm>> -> memref<2x128xi32, #tpu.memory_space<hbm>>
        tpu.enqueue_dma source(%dma_start3A_163 : memref<2x128xi32, #tpu.memory_space<hbm>>) target(%arg5 : memref<2x128xi32, #tpu.memory_space<vmem>>) target_semaphore(%arg10 : memref<!tpu.dma_semaphore, #tpu.memory_space<semaphore_mem>>)
      } else {
      }
      %dma_wait3A_132 = arith.constant 0 : i32
      %dma_wait3A_133 = arith.constant 0 : i32
      %dma_wait3A_134 = tpu.memref_slice %arg6[%dma_wait3A_132, %dma_wait3A_133] : memref<2x128xi32, #tpu.memory_space<vmem>> -> memref<1x128xi32, #tpu.memory_space<vmem>>
      %dma_wait3A_135 = tpu.memref_squeeze %dma_wait3A_134 : memref<1x128xi32, #tpu.memory_space<vmem>> -> memref<128xi32, #tpu.memory_space<vmem>>
      %dma_wait3A_136 = arith.constant 0 : i32
      %dma_wait3A_137 = arith.constant 0 : i32
      %dma_wait3A_138 = tpu.memref_slice %arg2[%dma_wait3A_136, %dma_wait3A_137] : memref<10000x128xf32, #tpu.memory_space<hbm>> -> memref<10000x128xf32, #tpu.memory_space<hbm>>
      tpu.wait_indirect_dma semaphore(%arg12 : memref<!tpu.dma_semaphore, #tpu.memory_space<semaphore_mem>>) src(%dma_wait3A_138 : memref<10000x128xf32, #tpu.memory_space<hbm>>) dst(%arg8 : memref<128x128xf32, #tpu.memory_space<vmem>>)
      %add3A_139 = arith.constant 2 : i32
      %add3A_140 = arith.addi %mul3A_103, %add3A_139 : i32
      %lt3A_141 = arith.cmpi slt, %add3A_140, %select_n3A : i32
      %convert_element_type3A_142 = arith.extui %lt3A_141 : i1 to i32
      %cond3A_143 = arith.constant 0 : i32
      %cond3A_144 = arith.cmpi ne, %convert_element_type3A_142, %cond3A_143 : i32
      scf.if %cond3A_144 {
        %add3A_153 = arith.addi %select_n3A_34, %mul3A_103 : i32
        %add3A_154 = arith.constant 2 : i32
        %add3A_155 = arith.addi %add3A_153, %add3A_154 : i32
        %dma_wait3A_156 = arith.constant 0 : i32
        %dma_wait3A_157 = arith.constant 0 : i32
        %dma_wait3A_158 = tpu.memref_slice %arg3[%add3A_155, %dma_wait3A_156, %dma_wait3A_157] : memref<2528x2x128xi32, #tpu.memory_space<hbm>> -> memref<1x2x128xi32, #tpu.memory_space<hbm>>
        %dma_wait3A_159 = tpu.memref_squeeze %dma_wait3A_158 : memref<1x2x128xi32, #tpu.memory_space<hbm>> -> memref<2x128xi32, #tpu.memory_space<hbm>>
        %dma_wait3A_160 = arith.constant 0 : i32
        %dma_wait3A_161 = arith.constant 0 : i32
        %dma_wait3A_162 = tpu.memref_slice %arg3[%add3A_155, %dma_wait3A_160, %dma_wait3A_161] : memref<2528x2x128xi32, #tpu.memory_space<hbm>> -> memref<1x2x128xi32, #tpu.memory_space<hbm>>
        %dma_wait3A_163 = tpu.memref_squeeze %dma_wait3A_162 : memref<1x2x128xi32, #tpu.memory_space<hbm>> -> memref<2x128xi32, #tpu.memory_space<hbm>>
        tpu.wait_dma2 semaphore(%arg10 : memref<!tpu.dma_semaphore, #tpu.memory_space<semaphore_mem>>) src(%dma_wait3A_163 : memref<2x128xi32, #tpu.memory_space<hbm>>) dst(%arg5 : memref<2x128xi32, #tpu.memory_space<vmem>>)
        %dma_start3A_164 = arith.constant 0 : i32
        %dma_start3A_165 = arith.constant 0 : i32
        %dma_start3A_166 = tpu.memref_slice %arg5[%dma_start3A_164, %dma_start3A_165] : memref<2x128xi32, #tpu.memory_space<vmem>> -> memref<1x128xi32, #tpu.memory_space<vmem>>
        %dma_start3A_167 = tpu.memref_squeeze %dma_start3A_166 : memref<1x128xi32, #tpu.memory_space<vmem>> -> memref<128xi32, #tpu.memory_space<vmem>>
        %dma_start3A_168 = arith.constant 0 : i32
        %dma_start3A_169 = arith.constant 0 : i32
        %dma_start3A_170 = tpu.memref_slice %arg2[%dma_start3A_168, %dma_start3A_169] : memref<10000x128xf32, #tpu.memory_space<hbm>> -> memref<10000x128xf32, #tpu.memory_space<hbm>>
        tpu.enqueue_indirect_dma source(%dma_start3A_170 : memref<10000x128xf32, #tpu.memory_space<hbm>>) target(%arg7 : memref<128x128xf32, #tpu.memory_space<vmem>>) offsets(%dma_start3A_167 : memref<128xi32, #tpu.memory_space<vmem>>) semaphore(%arg11 : memref<!tpu.dma_semaphore, #tpu.memory_space<semaphore_mem>>)
      } else {
      }
      %run_scoped3A_145 = arith.constant 1 : i32
      "tpu.region"() ({
        %run_scoped3A_153 = tpu.sem_alloc : memref<!tpu.dma_semaphore, #tpu.memory_space<semaphore_mem>>
        %dma_start3A_154 = arith.constant 0 : i32
        %dma_start3A_155 = tpu.memref_slice %arg6[%run_scoped3A_145, %dma_start3A_154] : memref<2x128xi32, #tpu.memory_space<vmem>> -> memref<1x128xi32, #tpu.memory_space<vmem>>
        %dma_start3A_156 = tpu.memref_squeeze %dma_start3A_155 : memref<1x128xi32, #tpu.memory_space<vmem>> -> memref<128xi32, #tpu.memory_space<vmem>>
        %dma_start3A_157 = arith.constant 0 : i32
        %dma_start3A_158 = arith.constant 0 : i32
        %dma_start3A_159 = tpu.memref_slice %arg9[%dma_start3A_157, %dma_start3A_158] : memref<10240x128xf32, #tpu.memory_space<vmem_shared>> -> memref<10240x128xf32, #tpu.memory_space<vmem_shared>>
        tpu.enqueue_indirect_dma source(%arg8 : memref<128x128xf32, #tpu.memory_space<vmem>>) target(%dma_start3A_159 : memref<10240x128xf32, #tpu.memory_space<vmem_shared>>) offsets(%dma_start3A_156 : memref<128xi32, #tpu.memory_space<vmem>>) semaphore(%run_scoped3A_153 : memref<!tpu.dma_semaphore, #tpu.memory_space<semaphore_mem>>) {add = true}
        %dma_wait3A_160 = arith.constant 0 : i32
        %dma_wait3A_161 = tpu.memref_slice %arg6[%run_scoped3A_145, %dma_wait3A_160] : memref<2x128xi32, #tpu.memory_space<vmem>> -> memref<1x128xi32, #tpu.memory_space<vmem>>
        %dma_wait3A_162 = tpu.memref_squeeze %dma_wait3A_161 : memref<1x128xi32, #tpu.memory_space<vmem>> -> memref<128xi32, #tpu.memory_space<vmem>>
        %dma_wait3A_163 = arith.constant 0 : i32
        %dma_wait3A_164 = arith.constant 0 : i32
        %dma_wait3A_165 = tpu.memref_slice %arg9[%dma_wait3A_163, %dma_wait3A_164] : memref<10240x128xf32, #tpu.memory_space<vmem_shared>> -> memref<10240x128xf32, #tpu.memory_space<vmem_shared>>
        tpu.wait_indirect_dma semaphore(%run_scoped3A_153 : memref<!tpu.dma_semaphore, #tpu.memory_space<semaphore_mem>>) src(%arg8 : memref<128x128xf32, #tpu.memory_space<vmem>>) dst(%dma_wait3A_165 : memref<10240x128xf32, #tpu.memory_space<vmem_shared>>)
        tpu.yield
      }) : () -> ()
      %add3A_146 = arith.constant 3 : i32
      %add3A_147 = arith.addi %mul3A_103, %add3A_146 : i32
      %lt3A_148 = arith.cmpi slt, %add3A_147, %select_n3A : i32
      %convert_element_type3A_149 = arith.extui %lt3A_148 : i1 to i32
      %cond3A_150 = arith.constant 0 : i32
      %cond3A_151 = arith.cmpi ne, %convert_element_type3A_149, %cond3A_150 : i32
      scf.if %cond3A_151 {
        %add3A_153 = arith.addi %select_n3A_34, %mul3A_103 : i32
        %add3A_154 = arith.constant 3 : i32
        %add3A_155 = arith.addi %add3A_153, %add3A_154 : i32
        %dma_start3A_156 = arith.constant 0 : i32
        %dma_start3A_157 = arith.constant 0 : i32
        %dma_start3A_158 = tpu.memref_slice %arg3[%add3A_155, %dma_start3A_156, %dma_start3A_157] : memref<2528x2x128xi32, #tpu.memory_space<hbm>> -> memref<1x2x128xi32, #tpu.memory_space<hbm>>
        %dma_start3A_159 = tpu.memref_squeeze %dma_start3A_158 : memref<1x2x128xi32, #tpu.memory_space<hbm>> -> memref<2x128xi32, #tpu.memory_space<hbm>>
        %dma_start3A_160 = arith.constant 0 : i32
        %dma_start3A_161 = arith.constant 0 : i32
        %dma_start3A_162 = tpu.memref_slice %arg3[%add3A_155, %dma_start3A_160, %dma_start3A_161] : memref<2528x2x128xi32, #tpu.memory_space<hbm>> -> memref<1x2x128xi32, #tpu.memory_space<hbm>>
        %dma_start3A_163 = tpu.memref_squeeze %dma_start3A_162 : memref<1x2x128xi32, #tpu.memory_space<hbm>> -> memref<2x128xi32, #tpu.memory_space<hbm>>
        tpu.enqueue_dma source(%dma_start3A_163 : memref<2x128xi32, #tpu.memory_space<hbm>>) target(%arg6 : memref<2x128xi32, #tpu.memory_space<vmem>>) target_semaphore(%arg10 : memref<!tpu.dma_semaphore, #tpu.memory_space<semaphore_mem>>)
      } else {
      }
      %while3A_152 = arith.constant 0 : i32
      scf.yield %while3A_152 : i32
    }
    %barrier3A_95 = arith.constant 0 : index
    tpu.barrier barrier_id(%barrier3A_95)
    %mul3A_96 = arith.constant 640 : i32
    %mul3A_97 = arith.muli %arg1, %mul3A_96 : i32
    %mul3A_98 = arith.constant 640 : i32
    %mul3A_99 = arith.muli %arg1, %mul3A_98 : i32
    "tpu.region"() ({
      %run_scoped3A = tpu.sem_alloc : memref<!tpu.dma_semaphore, #tpu.memory_space<semaphore_mem>>
      %dma_start3A_100 = arith.constant 0 : i32
      %dma_start3A_101 = tpu.memref_slice %arg4[%arg0, %mul3A_99, %dma_start3A_100] : memref<2x10240x128xf32, #tpu.memory_space<hbm>> -> memref<1x640x128xf32, #tpu.memory_space<hbm>>
      %dma_start3A_102 = tpu.memref_squeeze %dma_start3A_101 : memref<1x640x128xf32, #tpu.memory_space<hbm>> -> memref<640x128xf32, #tpu.memory_space<hbm>>
      %dma_start3A_103 = arith.constant 0 : i32
      %dma_start3A_104 = tpu.memref_slice %arg9[%mul3A_97, %dma_start3A_103] : memref<10240x128xf32, #tpu.memory_space<vmem_shared>> -> memref<640x128xf32, #tpu.memory_space<vmem_shared>>
      tpu.enqueue_dma source(%dma_start3A_104 : memref<640x128xf32, #tpu.memory_space<vmem_shared>>) target(%dma_start3A_102 : memref<640x128xf32, #tpu.memory_space<hbm>>) target_semaphore(%run_scoped3A : memref<!tpu.dma_semaphore, #tpu.memory_space<semaphore_mem>>)
      %dma_wait3A_105 = arith.constant 0 : i32
      %dma_wait3A_106 = tpu.memref_slice %arg4[%arg0, %mul3A_99, %dma_wait3A_105] : memref<2x10240x128xf32, #tpu.memory_space<hbm>> -> memref<1x640x128xf32, #tpu.memory_space<hbm>>
      %dma_wait3A_107 = tpu.memref_squeeze %dma_wait3A_106 : memref<1x640x128xf32, #tpu.memory_space<hbm>> -> memref<640x128xf32, #tpu.memory_space<hbm>>
      %dma_wait3A_108 = arith.constant 0 : i32
      %dma_wait3A_109 = tpu.memref_slice %arg9[%mul3A_97, %dma_wait3A_108] : memref<10240x128xf32, #tpu.memory_space<vmem_shared>> -> memref<640x128xf32, #tpu.memory_space<vmem_shared>>
      tpu.wait_dma2 semaphore(%run_scoped3A : memref<!tpu.dma_semaphore, #tpu.memory_space<semaphore_mem>>) src(%dma_wait3A_109 : memref<640x128xf32, #tpu.memory_space<vmem_shared>>) dst(%dma_wait3A_107 : memref<640x128xf32, #tpu.memory_space<hbm>>)
      tpu.yield
    }) : () -> ()
    return
  }
}

#map = affine_map<(d0, d1) -> (0, 0)>
#map1 = affine_map<(d0, d1) -> (0, 0, 0)>
module attributes {stable_mosaic.version = 14 : i64} {
  func.func @_sc_scatter_body(%arg0: i32, %arg1: i32, %arg2: memref<10000x128xf32, #tpu.memory_space<hbm>>, %arg3: memref<2528x2x128xi32, #tpu.memory_space<hbm>>, %arg4: memref<2x10240x128xf32, #tpu.memory_space<hbm>>, %arg5: memref<2x128xi32, #tpu.memory_space<vmem>>, %arg6: memref<2x128xi32, #tpu.memory_space<vmem>>, %arg7: memref<128x128xf32, #tpu.memory_space<vmem>>, %arg8: memref<128x128xf32, #tpu.memory_space<vmem>>, %arg9: memref<10240x128xf32, #tpu.memory_space<vmem_shared>>, %arg10: memref<!tpu.dma_semaphore, #tpu.memory_space<semaphore_mem>>, %arg11: memref<!tpu.dma_semaphore, #tpu.memory_space<semaphore_mem>>, %arg12: memref<!tpu.dma_semaphore, #tpu.memory_space<semaphore_mem>>) attributes {dimension_semantics = [#tpu.dimension_semantics<core_parallel>, #tpu.dimension_semantics<subcore_parallel>], iteration_bounds = array<i64: 2, 16>, scalar_prefetch = 0 : i64, scratch_operands = 8 : i64, tpu.core_type = #tpu.core_type<sc_vector_subcore>, window_params = [{transform_indices = #map}, {transform_indices = #map1}, {transform_indices = #map1}]} {
    %scan3A = arith.constant 0 : i32
    %scan3A_0 = arith.constant 0 : i32
    %scan3A_1 = arith.constant 128 : i32
    %scan3A_2 = arith.addi %scan3A_0, %scan3A_1 : i32
    %scan3A_3 = arith.constant 1 : i32
    %scan3A_4 = scf.for %scan3A_100 = %scan3A_0 to %scan3A_2 step %scan3A_3 iter_args(%scan3A_101 = %scan3A) -> (i32)  : i32 {
      %broadcast_in_dim3A = arith.constant 0.000000e+00 : f32
      %broadcast_in_dim3A_102 = vector.broadcast %broadcast_in_dim3A : f32 to vector<16xf32>
      %swap3A = arith.index_cast %scan3A_100 : i32 to index
      %swap3A_103 = arith.constant 0 : index
      %swap3A_104 = tpu.vector_load %arg7[%swap3A, %swap3A_103] {strides = array<i32>} : memref<128x128xf32, #tpu.memory_space<vmem>>, vector<1x16xf32>,
      %swap3A_105 = vector.shape_cast %swap3A_104 : vector<1x16xf32> to vector<16xf32>
      %swap3A_106 = vector.shape_cast %broadcast_in_dim3A_102 : vector<16xf32> to vector<1x16xf32>
      tpu.vector_store %arg7[%swap3A, %swap3A_103], %swap3A_106 {strides = array<i32>} : memref<128x128xf32, #tpu.memory_space<vmem>>, vector<1x16xf32>,
      %broadcast_in_dim3A_107 = arith.constant 0.000000e+00 : f32
      %broadcast_in_dim3A_108 = vector.broadcast %broadcast_in_dim3A_107 : f32 to vector<16xf32>
      %swap3A_109 = arith.index_cast %scan3A_100 : i32 to index
      %swap3A_110 = arith.constant 16 : index
      %swap3A_111 = tpu.vector_load %arg7[%swap3A_109, %swap3A_110] {strides = array<i32>} : memref<128x128xf32, #tpu.memory_space<vmem>>, vector<1x16xf32>,
      %swap3A_112 = vector.shape_cast %swap3A_111 : vector<1x16xf32> to vector<16xf32>
      %swap3A_113 = vector.shape_cast %broadcast_in_dim3A_108 : vector<16xf32> to vector<1x16xf32>
      tpu.vector_store %arg7[%swap3A_109, %swap3A_110], %swap3A_113 {strides = array<i32>} : memref<128x128xf32, #tpu.memory_space<vmem>>, vector<1x16xf32>,
      %broadcast_in_dim3A_114 = arith.constant 0.000000e+00 : f32
      %broadcast_in_dim3A_115 = vector.broadcast %broadcast_in_dim3A_114 : f32 to vector<16xf32>
      %swap3A_116 = arith.index_cast %scan3A_100 : i32 to index
      %swap3A_117 = arith.constant 32 : index
      %swap3A_118 = tpu.vector_load %arg7[%swap3A_116, %swap3A_117] {strides = array<i32>} : memref<128x128xf32, #tpu.memory_space<vmem>>, vector<1x16xf32>,
      %swap3A_119 = vector.shape_cast %swap3A_118 : vector<1x16xf32> to vector<16xf32>
      %swap3A_120 = vector.shape_cast %broadcast_in_dim3A_115 : vector<16xf32> to vector<1x16xf32>
      tpu.vector_store %arg7[%swap3A_116, %swap3A_117], %swap3A_120 {strides = array<i32>} : memref<128x128xf32, #tpu.memory_space<vmem>>, vector<1x16xf32>,
      %broadcast_in_dim3A_121 = arith.constant 0.000000e+00 : f32
      %broadcast_in_dim3A_122 = vector.broadcast %broadcast_in_dim3A_121 : f32 to vector<16xf32>
      %swap3A_123 = arith.index_cast %scan3A_100 : i32 to index
      %swap3A_124 = arith.constant 48 : index
      %swap3A_125 = tpu.vector_load %arg7[%swap3A_123, %swap3A_124] {strides = array<i32>} : memref<128x128xf32, #tpu.memory_space<vmem>>, vector<1x16xf32>,
      %swap3A_126 = vector.shape_cast %swap3A_125 : vector<1x16xf32> to vector<16xf32>
      %swap3A_127 = vector.shape_cast %broadcast_in_dim3A_122 : vector<16xf32> to vector<1x16xf32>
      tpu.vector_store %arg7[%swap3A_123, %swap3A_124], %swap3A_127 {strides = array<i32>} : memref<128x128xf32, #tpu.memory_space<vmem>>, vector<1x16xf32>,
      %broadcast_in_dim3A_128 = arith.constant 0.000000e+00 : f32
      %broadcast_in_dim3A_129 = vector.broadcast %broadcast_in_dim3A_128 : f32 to vector<16xf32>
      %swap3A_130 = arith.index_cast %scan3A_100 : i32 to index
      %swap3A_131 = arith.constant 64 : index
      %swap3A_132 = tpu.vector_load %arg7[%swap3A_130, %swap3A_131] {strides = array<i32>} : memref<128x128xf32, #tpu.memory_space<vmem>>, vector<1x16xf32>,
      %swap3A_133 = vector.shape_cast %swap3A_132 : vector<1x16xf32> to vector<16xf32>
      %swap3A_134 = vector.shape_cast %broadcast_in_dim3A_129 : vector<16xf32> to vector<1x16xf32>
      tpu.vector_store %arg7[%swap3A_130, %swap3A_131], %swap3A_134 {strides = array<i32>} : memref<128x128xf32, #tpu.memory_space<vmem>>, vector<1x16xf32>,
      %broadcast_in_dim3A_135 = arith.constant 0.000000e+00 : f32
      %broadcast_in_dim3A_136 = vector.broadcast %broadcast_in_dim3A_135 : f32 to vector<16xf32>
      %swap3A_137 = arith.index_cast %scan3A_100 : i32 to index
      %swap3A_138 = arith.constant 80 : index
      %swap3A_139 = tpu.vector_load %arg7[%swap3A_137, %swap3A_138] {strides = array<i32>} : memref<128x128xf32, #tpu.memory_space<vmem>>, vector<1x16xf32>,
      %swap3A_140 = vector.shape_cast %swap3A_139 : vector<1x16xf32> to vector<16xf32>
      %swap3A_141 = vector.shape_cast %broadcast_in_dim3A_136 : vector<16xf32> to vector<1x16xf32>
      tpu.vector_store %arg7[%swap3A_137, %swap3A_138], %swap3A_141 {strides = array<i32>} : memref<128x128xf32, #tpu.memory_space<vmem>>, vector<1x16xf32>,
      %broadcast_in_dim3A_142 = arith.constant 0.000000e+00 : f32
      %broadcast_in_dim3A_143 = vector.broadcast %broadcast_in_dim3A_142 : f32 to vector<16xf32>
      %swap3A_144 = arith.index_cast %scan3A_100 : i32 to index
      %swap3A_145 = arith.constant 96 : index
      %swap3A_146 = tpu.vector_load %arg7[%swap3A_144, %swap3A_145] {strides = array<i32>} : memref<128x128xf32, #tpu.memory_space<vmem>>, vector<1x16xf32>,
      %swap3A_147 = vector.shape_cast %swap3A_146 : vector<1x16xf32> to vector<16xf32>
      %swap3A_148 = vector.shape_cast %broadcast_in_dim3A_143 : vector<16xf32> to vector<1x16xf32>
      tpu.vector_store %arg7[%swap3A_144, %swap3A_145], %swap3A_148 {strides = array<i32>} : memref<128x128xf32, #tpu.memory_space<vmem>>, vector<1x16xf32>,
      %broadcast_in_dim3A_149 = arith.constant 0.000000e+00 : f32
      %broadcast_in_dim3A_150 = vector.broadcast %broadcast_in_dim3A_149 : f32 to vector<16xf32>
      %swap3A_151 = arith.index_cast %scan3A_100 : i32 to index
      %swap3A_152 = arith.constant 112 : index
      %swap3A_153 = tpu.vector_load %arg7[%swap3A_151, %swap3A_152] {strides = array<i32>} : memref<128x128xf32, #tpu.memory_space<vmem>>, vector<1x16xf32>,
      %swap3A_154 = vector.shape_cast %swap3A_153 : vector<1x16xf32> to vector<16xf32>
      %swap3A_155 = vector.shape_cast %broadcast_in_dim3A_150 : vector<16xf32> to vector<1x16xf32>
      tpu.vector_store %arg7[%swap3A_151, %swap3A_152], %swap3A_155 {strides = array<i32>} : memref<128x128xf32, #tpu.memory_space<vmem>>, vector<1x16xf32>,
      %scan3A_156 = arith.constant 0 : i32
      scf.yield %scan3A_156 : i32
    }
    %scan3A_5 = arith.constant 128 : i32
    %mul3A = arith.constant 640 : i32
    %mul3A_6 = arith.muli %arg1, %mul3A : i32
    %add3A = arith.constant 0 : i32
    %add3A_7 = arith.addi %mul3A_6, %add3A : i32
    "tpu.region"() ({
      %run_scoped3A = tpu.sem_alloc : memref<!tpu.dma_semaphore, #tpu.memory_space<semaphore_mem>>
      %dma_start3A_100 = arith.constant 0 : i32
      %dma_start3A_101 = tpu.memref_slice %arg9[%add3A_7, %dma_start3A_100] : memref<10240x128xf32, #tpu.memory_space<vmem_shared>> -> memref<128x128xf32, #tpu.memory_space<vmem_shared>>
      %dma_start3A_102 = arith.constant 0 : i32
      %dma_start3A_103 = tpu.memref_slice %arg9[%add3A_7, %dma_start3A_102] : memref<10240x128xf32, #tpu.memory_space<vmem_shared>> -> memref<128x128xf32, #tpu.memory_space<vmem_shared>>
      tpu.enqueue_dma source(%arg7 : memref<128x128xf32, #tpu.memory_space<vmem>>) target(%dma_start3A_103 : memref<128x128xf32, #tpu.memory_space<vmem_shared>>) target_semaphore(%run_scoped3A : memref<!tpu.dma_semaphore, #tpu.memory_space<semaphore_mem>>)
      %dma_wait3A_104 = arith.constant 0 : i32
      %dma_wait3A_105 = tpu.memref_slice %arg9[%add3A_7, %dma_wait3A_104] : memref<10240x128xf32, #tpu.memory_space<vmem_shared>> -> memref<128x128xf32, #tpu.memory_space<vmem_shared>>
      %dma_wait3A_106 = arith.constant 0 : i32
      %dma_wait3A_107 = tpu.memref_slice %arg9[%add3A_7, %dma_wait3A_106] : memref<10240x128xf32, #tpu.memory_space<vmem_shared>> -> memref<128x128xf32, #tpu.memory_space<vmem_shared>>
      tpu.wait_dma2 semaphore(%run_scoped3A : memref<!tpu.dma_semaphore, #tpu.memory_space<semaphore_mem>>) src(%arg7 : memref<128x128xf32, #tpu.memory_space<vmem>>) dst(%dma_wait3A_107 : memref<128x128xf32, #tpu.memory_space<vmem_shared>>)
      tpu.yield
    }) : () -> ()
    %mul3A_8 = arith.constant 640 : i32
    %mul3A_9 = arith.muli %arg1, %mul3A_8 : i32
    %add3A_10 = arith.constant 128 : i32
    %add3A_11 = arith.addi %mul3A_9, %add3A_10 : i32
    "tpu.region"() ({
      %run_scoped3A = tpu.sem_alloc : memref<!tpu.dma_semaphore, #tpu.memory_space<semaphore_mem>>
      %dma_start3A_100 = arith.constant 0 : i32
      %dma_start3A_101 = tpu.memref_slice %arg9[%add3A_11, %dma_start3A_100] : memref<10240x128xf32, #tpu.memory_space<vmem_shared>> -> memref<128x128xf32, #tpu.memory_space<vmem_shared>>
      %dma_start3A_102 = arith.constant 0 : i32
      %dma_start3A_103 = tpu.memref_slice %arg9[%add3A_11, %dma_start3A_102] : memref<10240x128xf32, #tpu.memory_space<vmem_shared>> -> memref<128x128xf32, #tpu.memory_space<vmem_shared>>
      tpu.enqueue_dma source(%arg7 : memref<128x128xf32, #tpu.memory_space<vmem>>) target(%dma_start3A_103 : memref<128x128xf32, #tpu.memory_space<vmem_shared>>) target_semaphore(%run_scoped3A : memref<!tpu.dma_semaphore, #tpu.memory_space<semaphore_mem>>)
      %dma_wait3A_104 = arith.constant 0 : i32
      %dma_wait3A_105 = tpu.memref_slice %arg9[%add3A_11, %dma_wait3A_104] : memref<10240x128xf32, #tpu.memory_space<vmem_shared>> -> memref<128x128xf32, #tpu.memory_space<vmem_shared>>
      %dma_wait3A_106 = arith.constant 0 : i32
      %dma_wait3A_107 = tpu.memref_slice %arg9[%add3A_11, %dma_wait3A_106] : memref<10240x128xf32, #tpu.memory_space<vmem_shared>> -> memref<128x128xf32, #tpu.memory_space<vmem_shared>>
      tpu.wait_dma2 semaphore(%run_scoped3A : memref<!tpu.dma_semaphore, #tpu.memory_space<semaphore_mem>>) src(%arg7 : memref<128x128xf32, #tpu.memory_space<vmem>>) dst(%dma_wait3A_107 : memref<128x128xf32, #tpu.memory_space<vmem_shared>>)
      tpu.yield
    }) : () -> ()
    %mul3A_12 = arith.constant 640 : i32
    %mul3A_13 = arith.muli %arg1, %mul3A_12 : i32
    %add3A_14 = arith.constant 256 : i32
    %add3A_15 = arith.addi %mul3A_13, %add3A_14 : i32
    "tpu.region"() ({
      %run_scoped3A = tpu.sem_alloc : memref<!tpu.dma_semaphore, #tpu.memory_space<semaphore_mem>>
      %dma_start3A_100 = arith.constant 0 : i32
      %dma_start3A_101 = tpu.memref_slice %arg9[%add3A_15, %dma_start3A_100] : memref<10240x128xf32, #tpu.memory_space<vmem_shared>> -> memref<128x128xf32, #tpu.memory_space<vmem_shared>>
      %dma_start3A_102 = arith.constant 0 : i32
      %dma_start3A_103 = tpu.memref_slice %arg9[%add3A_15, %dma_start3A_102] : memref<10240x128xf32, #tpu.memory_space<vmem_shared>> -> memref<128x128xf32, #tpu.memory_space<vmem_shared>>
      tpu.enqueue_dma source(%arg7 : memref<128x128xf32, #tpu.memory_space<vmem>>) target(%dma_start3A_103 : memref<128x128xf32, #tpu.memory_space<vmem_shared>>) target_semaphore(%run_scoped3A : memref<!tpu.dma_semaphore, #tpu.memory_space<semaphore_mem>>)
      %dma_wait3A_104 = arith.constant 0 : i32
      %dma_wait3A_105 = tpu.memref_slice %arg9[%add3A_15, %dma_wait3A_104] : memref<10240x128xf32, #tpu.memory_space<vmem_shared>> -> memref<128x128xf32, #tpu.memory_space<vmem_shared>>
      %dma_wait3A_106 = arith.constant 0 : i32
      %dma_wait3A_107 = tpu.memref_slice %arg9[%add3A_15, %dma_wait3A_106] : memref<10240x128xf32, #tpu.memory_space<vmem_shared>> -> memref<128x128xf32, #tpu.memory_space<vmem_shared>>
      tpu.wait_dma2 semaphore(%run_scoped3A : memref<!tpu.dma_semaphore, #tpu.memory_space<semaphore_mem>>) src(%arg7 : memref<128x128xf32, #tpu.memory_space<vmem>>) dst(%dma_wait3A_107 : memref<128x128xf32, #tpu.memory_space<vmem_shared>>)
      tpu.yield
    }) : () -> ()
    %mul3A_16 = arith.constant 640 : i32
    %mul3A_17 = arith.muli %arg1, %mul3A_16 : i32
    %add3A_18 = arith.constant 384 : i32
    %add3A_19 = arith.addi %mul3A_17, %add3A_18 : i32
    "tpu.region"() ({
      %run_scoped3A = tpu.sem_alloc : memref<!tpu.dma_semaphore, #tpu.memory_space<semaphore_mem>>
      %dma_start3A_100 = arith.constant 0 : i32
      %dma_start3A_101 = tpu.memref_slice %arg9[%add3A_19, %dma_start3A_100] : memref<10240x128xf32, #tpu.memory_space<vmem_shared>> -> memref<128x128xf32, #tpu.memory_space<vmem_shared>>
      %dma_start3A_102 = arith.constant 0 : i32
      %dma_start3A_103 = tpu.memref_slice %arg9[%add3A_19, %dma_start3A_102] : memref<10240x128xf32, #tpu.memory_space<vmem_shared>> -> memref<128x128xf32, #tpu.memory_space<vmem_shared>>
      tpu.enqueue_dma source(%arg7 : memref<128x128xf32, #tpu.memory_space<vmem>>) target(%dma_start3A_103 : memref<128x128xf32, #tpu.memory_space<vmem_shared>>) target_semaphore(%run_scoped3A : memref<!tpu.dma_semaphore, #tpu.memory_space<semaphore_mem>>)
      %dma_wait3A_104 = arith.constant 0 : i32
      %dma_wait3A_105 = tpu.memref_slice %arg9[%add3A_19, %dma_wait3A_104] : memref<10240x128xf32, #tpu.memory_space<vmem_shared>> -> memref<128x128xf32, #tpu.memory_space<vmem_shared>>
      %dma_wait3A_106 = arith.constant 0 : i32
      %dma_wait3A_107 = tpu.memref_slice %arg9[%add3A_19, %dma_wait3A_106] : memref<10240x128xf32, #tpu.memory_space<vmem_shared>> -> memref<128x128xf32, #tpu.memory_space<vmem_shared>>
      tpu.wait_dma2 semaphore(%run_scoped3A : memref<!tpu.dma_semaphore, #tpu.memory_space<semaphore_mem>>) src(%arg7 : memref<128x128xf32, #tpu.memory_space<vmem>>) dst(%dma_wait3A_107 : memref<128x128xf32, #tpu.memory_space<vmem_shared>>)
      tpu.yield
    }) : () -> ()
    %mul3A_20 = arith.constant 640 : i32
    %mul3A_21 = arith.muli %arg1, %mul3A_20 : i32
    %add3A_22 = arith.constant 512 : i32
    %add3A_23 = arith.addi %mul3A_21, %add3A_22 : i32
    "tpu.region"() ({
      %run_scoped3A = tpu.sem_alloc : memref<!tpu.dma_semaphore, #tpu.memory_space<semaphore_mem>>
      %dma_start3A_100 = arith.constant 0 : i32
      %dma_start3A_101 = tpu.memref_slice %arg9[%add3A_23, %dma_start3A_100] : memref<10240x128xf32, #tpu.memory_space<vmem_shared>> -> memref<128x128xf32, #tpu.memory_space<vmem_shared>>
      %dma_start3A_102 = arith.constant 0 : i32
      %dma_start3A_103 = tpu.memref_slice %arg9[%add3A_23, %dma_start3A_102] : memref<10240x128xf32, #tpu.memory_space<vmem_shared>> -> memref<128x128xf32, #tpu.memory_space<vmem_shared>>
      tpu.enqueue_dma source(%arg7 : memref<128x128xf32, #tpu.memory_space<vmem>>) target(%dma_start3A_103 : memref<128x128xf32, #tpu.memory_space<vmem_shared>>) target_semaphore(%run_scoped3A : memref<!tpu.dma_semaphore, #tpu.memory_space<semaphore_mem>>)
      %dma_wait3A_104 = arith.constant 0 : i32
      %dma_wait3A_105 = tpu.memref_slice %arg9[%add3A_23, %dma_wait3A_104] : memref<10240x128xf32, #tpu.memory_space<vmem_shared>> -> memref<128x128xf32, #tpu.memory_space<vmem_shared>>
      %dma_wait3A_106 = arith.constant 0 : i32
      %dma_wait3A_107 = tpu.memref_slice %arg9[%add3A_23, %dma_wait3A_106] : memref<10240x128xf32, #tpu.memory_space<vmem_shared>> -> memref<128x128xf32, #tpu.memory_space<vmem_shared>>
      tpu.wait_dma2 semaphore(%run_scoped3A : memref<!tpu.dma_semaphore, #tpu.memory_space<semaphore_mem>>) src(%arg7 : memref<128x128xf32, #tpu.memory_space<vmem>>) dst(%dma_wait3A_107 : memref<128x128xf32, #tpu.memory_space<vmem_shared>>)
      tpu.yield
    }) : () -> ()
    %barrier3A = arith.constant 0 : index
    tpu.barrier barrier_id(%barrier3A)
    %eq3A = arith.constant 0 : i32
    %eq3A_24 = arith.cmpi eq, %arg0, %eq3A : i32
    %jit3A = arith.constant 116 : i32
    %jit3A_25 = arith.constant 42 : i32
    %select_n3A = arith.select %eq3A_24, %jit3A, %jit3A_25 : i32
    %eq3A_26 = arith.constant 0 : i32
    %eq3A_27 = arith.cmpi eq, %arg0, %eq3A_26 : i32
    %mul3A_28 = arith.constant 116 : i32
    %mul3A_29 = arith.muli %arg1, %mul3A_28 : i32
    %mul3A_30 = arith.constant 42 : i32
    %mul3A_31 = arith.muli %arg1, %mul3A_30 : i32
    %add3A_32 = arith.constant 1856 : i32
    %add3A_33 = arith.addi %add3A_32, %mul3A_31 : i32
    %select_n3A_34 = arith.select %eq3A_27, %mul3A_29, %add3A_33 : i32
    %dma_start3A = arith.constant 0 : i32
    %dma_start3A_35 = arith.constant 0 : i32
    %dma_start3A_36 = tpu.memref_slice %arg3[%select_n3A_34, %dma_start3A, %dma_start3A_35] : memref<2528x2x128xi32, #tpu.memory_space<hbm>> -> memref<1x2x128xi32, #tpu.memory_space<hbm>>
    %dma_start3A_37 = tpu.memref_squeeze %dma_start3A_36 : memref<1x2x128xi32, #tpu.memory_space<hbm>> -> memref<2x128xi32, #tpu.memory_space<hbm>>
    %dma_start3A_38 = arith.constant 0 : i32
    %dma_start3A_39 = arith.constant 0 : i32
    %dma_start3A_40 = tpu.memref_slice %arg3[%select_n3A_34, %dma_start3A_38, %dma_start3A_39] : memref<2528x2x128xi32, #tpu.memory_space<hbm>> -> memref<1x2x128xi32, #tpu.memory_space<hbm>>
    %dma_start3A_41 = tpu.memref_squeeze %dma_start3A_40 : memref<1x2x128xi32, #tpu.memory_space<hbm>> -> memref<2x128xi32, #tpu.memory_space<hbm>>
    tpu.enqueue_dma source(%dma_start3A_41 : memref<2x128xi32, #tpu.memory_space<hbm>>) target(%arg5 : memref<2x128xi32, #tpu.memory_space<vmem>>) target_semaphore(%arg10 : memref<!tpu.dma_semaphore, #tpu.memory_space<semaphore_mem>>)
    %dma_wait3A = arith.constant 0 : i32
    %dma_wait3A_42 = arith.constant 0 : i32
    %dma_wait3A_43 = tpu.memref_slice %arg3[%select_n3A_34, %dma_wait3A, %dma_wait3A_42] : memref<2528x2x128xi32, #tpu.memory_space<hbm>> -> memref<1x2x128xi32, #tpu.memory_space<hbm>>
    %dma_wait3A_44 = tpu.memref_squeeze %dma_wait3A_43 : memref<1x2x128xi32, #tpu.memory_space<hbm>> -> memref<2x128xi32, #tpu.memory_space<hbm>>
    %dma_wait3A_45 = arith.constant 0 : i32
    %dma_wait3A_46 = arith.constant 0 : i32
    %dma_wait3A_47 = tpu.memref_slice %arg3[%select_n3A_34, %dma_wait3A_45, %dma_wait3A_46] : memref<2528x2x128xi32, #tpu.memory_space<hbm>> -> memref<1x2x128xi32, #tpu.memory_space<hbm>>
    %dma_wait3A_48 = tpu.memref_squeeze %dma_wait3A_47 : memref<1x2x128xi32, #tpu.memory_space<hbm>> -> memref<2x128xi32, #tpu.memory_space<hbm>>
    tpu.wait_dma2 semaphore(%arg10 : memref<!tpu.dma_semaphore, #tpu.memory_space<semaphore_mem>>) src(%dma_wait3A_48 : memref<2x128xi32, #tpu.memory_space<hbm>>) dst(%arg5 : memref<2x128xi32, #tpu.memory_space<vmem>>)
    %dma_start3A_49 = arith.constant 0 : i32
    %dma_start3A_50 = arith.constant 0 : i32
    %dma_start3A_51 = tpu.memref_slice %arg5[%dma_start3A_49, %dma_start3A_50] : memref<2x128xi32, #tpu.memory_space<vmem>> -> memref<1x128xi32, #tpu.memory_space<vmem>>
    %dma_start3A_52 = tpu.memref_squeeze %dma_start3A_51 : memref<1x128xi32, #tpu.memory_space<vmem>> -> memref<128xi32, #tpu.memory_space<vmem>>
    %dma_start3A_53 = arith.constant 0 : i32
    %dma_start3A_54 = arith.constant 0 : i32
    %dma_start3A_55 = tpu.memref_slice %arg2[%dma_start3A_53, %dma_start3A_54] : memref<10000x128xf32, #tpu.memory_space<hbm>> -> memref<10000x128xf32, #tpu.memory_space<hbm>>
    tpu.enqueue_indirect_dma source(%dma_start3A_55 : memref<10000x128xf32, #tpu.memory_space<hbm>>) target(%arg7 : memref<128x128xf32, #tpu.memory_space<vmem>>) offsets(%dma_start3A_52 : memref<128xi32, #tpu.memory_space<vmem>>) semaphore(%arg11 : memref<!tpu.dma_semaphore, #tpu.memory_space<semaphore_mem>>)
    %add3A_56 = arith.constant 1 : i32
    %add3A_57 = arith.addi %select_n3A_34, %add3A_56 : i32
    %dma_start3A_58 = arith.constant 0 : i32
    %dma_start3A_59 = arith.constant 0 : i32
    %dma_start3A_60 = tpu.memref_slice %arg3[%add3A_57, %dma_start3A_58, %dma_start3A_59] : memref<2528x2x128xi32, #tpu.memory_space<hbm>> -> memref<1x2x128xi32, #tpu.memory_space<hbm>>
    %dma_start3A_61 = tpu.memref_squeeze %dma_start3A_60 : memref<1x2x128xi32, #tpu.memory_space<hbm>> -> memref<2x128xi32, #tpu.memory_space<hbm>>
    %dma_start3A_62 = arith.constant 0 : i32
    %dma_start3A_63 = arith.constant 0 : i32
    %dma_start3A_64 = tpu.memref_slice %arg3[%add3A_57, %dma_start3A_62, %dma_start3A_63] : memref<2528x2x128xi32, #tpu.memory_space<hbm>> -> memref<1x2x128xi32, #tpu.memory_space<hbm>>
    %dma_start3A_65 = tpu.memref_squeeze %dma_start3A_64 : memref<1x2x128xi32, #tpu.memory_space<hbm>> -> memref<2x128xi32, #tpu.memory_space<hbm>>
    tpu.enqueue_dma source(%dma_start3A_65 : memref<2x128xi32, #tpu.memory_space<hbm>>) target(%arg6 : memref<2x128xi32, #tpu.memory_space<vmem>>) target_semaphore(%arg10 : memref<!tpu.dma_semaphore, #tpu.memory_space<semaphore_mem>>)
    %jit3A_66 = arith.constant 2 : i32
    %div3A = arith.divsi %select_n3A, %jit3A_66 : i32
    %sign3A = arith.constant 0 : i32
    %sign3A_67 = arith.cmpi sgt, %select_n3A, %sign3A : i32
    %sign3A_68 = arith.extui %sign3A_67 : i1 to i32
    %sign3A_69 = arith.constant 0 : i32
    %sign3A_70 = arith.cmpi slt, %select_n3A, %sign3A_69 : i32
    %sign3A_71 = arith.extui %sign3A_70 : i1 to i32
    %sign3A_72 = arith.subi %sign3A_68, %sign3A_71 : i32
    %sign3A_73 = arith.constant 0 : i32
    %sign3A_74 = arith.cmpi sgt, %jit3A_66, %sign3A_73 : i32
    %sign3A_75 = arith.extui %sign3A_74 : i1 to i32
    %sign3A_76 = arith.constant 0 : i32
    %sign3A_77 = arith.cmpi slt, %jit3A_66, %sign3A_76 : i32
    %sign3A_78 = arith.extui %sign3A_77 : i1 to i32
    %sign3A_79 = arith.subi %sign3A_75, %sign3A_78 : i32
    %ne3A = arith.cmpi ne, %sign3A_72, %sign3A_79 : i32
    %rem3A = arith.remsi %select_n3A, %jit3A_66 : i32
    %ne3A_80 = arith.constant 0 : i32
    %ne3A_81 = arith.cmpi ne, %rem3A, %ne3A_80 : i32
    %and3A = arith.andi %ne3A, %ne3A_81 : i1
    %sub3A = arith.constant 1 : i32
    %sub3A_82 = arith.subi %div3A, %sub3A : i32
    %select_n3A_83 = arith.select %and3A, %sub3A_82, %div3A : i32
    %while3A = arith.constant 0 : i32
    %while3A_84 = arith.constant 0 : i32
    %while3A_85 = arith.subi %select_n3A_83, %while3A : i32
    %while3A_86 = arith.addi %while3A, %while3A_85 : i32
    %while3A_87 = arith.constant 1 : i32
    %while3A_88 = arith.divsi %while3A_85, %while3A_87 : i32
    %while3A_89 = arith.muli %while3A_88, %while3A_87 : i32
    %while3A_90 = arith.addi %while3A, %while3A_89 : i32
    %while3A_91 = arith.constant 1 : i32
    %while3A_92 = scf.for %while3A_100 = %while3A to %while3A_90 step %while3A_91 iter_args(%while3A_101 = %while3A_84) -> (i32)  : i32 {
      %mul3A_102 = arith.constant 2 : i32
      %mul3A_103 = arith.muli %mul3A_102, %while3A_100 : i32
      %add3A_104 = arith.addi %select_n3A_34, %mul3A_103 : i32
      %add3A_105 = arith.constant 1 : i32
      %add3A_106 = arith.addi %add3A_104, %add3A_105 : i32
      %dma_wait3A_107 = arith.constant 0 : i32
      %dma_wait3A_108 = arith.constant 0 : i32
      %dma_wait3A_109 = tpu.memref_slice %arg3[%add3A_106, %dma_wait3A_107, %dma_wait3A_108] : memref<2528x2x128xi32, #tpu.memory_space<hbm>> -> memref<1x2x128xi32, #tpu.memory_space<hbm>>
      %dma_wait3A_110 = tpu.memref_squeeze %dma_wait3A_109 : memref<1x2x128xi32, #tpu.memory_space<hbm>> -> memref<2x128xi32, #tpu.memory_space<hbm>>
      %dma_wait3A_111 = arith.constant 0 : i32
      %dma_wait3A_112 = arith.constant 0 : i32
      %dma_wait3A_113 = tpu.memref_slice %arg3[%add3A_106, %dma_wait3A_111, %dma_wait3A_112] : memref<2528x2x128xi32, #tpu.memory_space<hbm>> -> memref<1x2x128xi32, #tpu.memory_space<hbm>>
      %dma_wait3A_114 = tpu.memref_squeeze %dma_wait3A_113 : memref<1x2x128xi32, #tpu.memory_space<hbm>> -> memref<2x128xi32, #tpu.memory_space<hbm>>
      tpu.wait_dma2 semaphore(%arg10 : memref<!tpu.dma_semaphore, #tpu.memory_space<semaphore_mem>>) src(%dma_wait3A_114 : memref<2x128xi32, #tpu.memory_space<hbm>>) dst(%arg6 : memref<2x128xi32, #tpu.memory_space<vmem>>)
      %dma_wait3A_115 = arith.constant 0 : i32
      %dma_wait3A_116 = arith.constant 0 : i32
      %dma_wait3A_117 = tpu.memref_slice %arg5[%dma_wait3A_115, %dma_wait3A_116] : memref<2x128xi32, #tpu.memory_space<vmem>> -> memref<1x128xi32, #tpu.memory_space<vmem>>
      %dma_wait3A_118 = tpu.memref_squeeze %dma_wait3A_117 : memref<1x128xi32, #tpu.memory_space<vmem>> -> memref<128xi32, #tpu.memory_space<vmem>>
      %dma_wait3A_119 = arith.constant 0 : i32
      %dma_wait3A_120 = arith.constant 0 : i32
      %dma_wait3A_121 = tpu.memref_slice %arg2[%dma_wait3A_119, %dma_wait3A_120] : memref<10000x128xf32, #tpu.memory_space<hbm>> -> memref<10000x128xf32, #tpu.memory_space<hbm>>
      tpu.wait_indirect_dma semaphore(%arg11 : memref<!tpu.dma_semaphore, #tpu.memory_space<semaphore_mem>>) src(%dma_wait3A_121 : memref<10000x128xf32, #tpu.memory_space<hbm>>) dst(%arg7 : memref<128x128xf32, #tpu.memory_space<vmem>>)
      %dma_start3A_122 = arith.constant 0 : i32
      %dma_start3A_123 = arith.constant 0 : i32
      %dma_start3A_124 = tpu.memref_slice %arg6[%dma_start3A_122, %dma_start3A_123] : memref<2x128xi32, #tpu.memory_space<vmem>> -> memref<1x128xi32, #tpu.memory_space<vmem>>
      %dma_start3A_125 = tpu.memref_squeeze %dma_start3A_124 : memref<1x128xi32, #tpu.memory_space<vmem>> -> memref<128xi32, #tpu.memory_space<vmem>>
      %dma_start3A_126 = arith.constant 0 : i32
      %dma_start3A_127 = arith.constant 0 : i32
      %dma_start3A_128 = tpu.memref_slice %arg2[%dma_start3A_126, %dma_start3A_127] : memref<10000x128xf32, #tpu.memory_space<hbm>> -> memref<10000x128xf32, #tpu.memory_space<hbm>>
      tpu.enqueue_indirect_dma source(%dma_start3A_128 : memref<10000x128xf32, #tpu.memory_space<hbm>>) target(%arg8 : memref<128x128xf32, #tpu.memory_space<vmem>>) offsets(%dma_start3A_125 : memref<128xi32, #tpu.memory_space<vmem>>) semaphore(%arg12 : memref<!tpu.dma_semaphore, #tpu.memory_space<semaphore_mem>>)
      %run_scoped3A = arith.constant 1 : i32
      "tpu.region"() ({
        %run_scoped3A_153 = tpu.sem_alloc : memref<!tpu.dma_semaphore, #tpu.memory_space<semaphore_mem>>
        %dma_start3A_154 = arith.constant 0 : i32
        %dma_start3A_155 = tpu.memref_slice %arg5[%run_scoped3A, %dma_start3A_154] : memref<2x128xi32, #tpu.memory_space<vmem>> -> memref<1x128xi32, #tpu.memory_space<vmem>>
        %dma_start3A_156 = tpu.memref_squeeze %dma_start3A_155 : memref<1x128xi32, #tpu.memory_space<vmem>> -> memref<128xi32, #tpu.memory_space<vmem>>
        %dma_start3A_157 = arith.constant 0 : i32
        %dma_start3A_158 = arith.constant 0 : i32
        %dma_start3A_159 = tpu.memref_slice %arg9[%dma_start3A_157, %dma_start3A_158] : memref<10240x128xf32, #tpu.memory_space<vmem_shared>> -> memref<10240x128xf32, #tpu.memory_space<vmem_shared>>
        tpu.enqueue_indirect_dma source(%arg7 : memref<128x128xf32, #tpu.memory_space<vmem>>) target(%dma_start3A_159 : memref<10240x128xf32, #tpu.memory_space<vmem_shared>>) offsets(%dma_start3A_156 : memref<128xi32, #tpu.memory_space<vmem>>) semaphore(%run_scoped3A_153 : memref<!tpu.dma_semaphore, #tpu.memory_space<semaphore_mem>>) {add = true}
        %dma_wait3A_160 = arith.constant 0 : i32
        %dma_wait3A_161 = tpu.memref_slice %arg5[%run_scoped3A, %dma_wait3A_160] : memref<2x128xi32, #tpu.memory_space<vmem>> -> memref<1x128xi32, #tpu.memory_space<vmem>>
        %dma_wait3A_162 = tpu.memref_squeeze %dma_wait3A_161 : memref<1x128xi32, #tpu.memory_space<vmem>> -> memref<128xi32, #tpu.memory_space<vmem>>
        %dma_wait3A_163 = arith.constant 0 : i32
        %dma_wait3A_164 = arith.constant 0 : i32
        %dma_wait3A_165 = tpu.memref_slice %arg9[%dma_wait3A_163, %dma_wait3A_164] : memref<10240x128xf32, #tpu.memory_space<vmem_shared>> -> memref<10240x128xf32, #tpu.memory_space<vmem_shared>>
        tpu.wait_indirect_dma semaphore(%run_scoped3A_153 : memref<!tpu.dma_semaphore, #tpu.memory_space<semaphore_mem>>) src(%arg7 : memref<128x128xf32, #tpu.memory_space<vmem>>) dst(%dma_wait3A_165 : memref<10240x128xf32, #tpu.memory_space<vmem_shared>>)
        tpu.yield
      }) : () -> ()
      %add3A_129 = arith.constant 2 : i32
      %add3A_130 = arith.addi %mul3A_103, %add3A_129 : i32
      %lt3A = arith.cmpi slt, %add3A_130, %select_n3A : i32
      %convert_element_type3A = arith.extui %lt3A : i1 to i32
      %cond3A = arith.constant 0 : i32
      %cond3A_131 = arith.cmpi ne, %convert_element_type3A, %cond3A : i32
      scf.if %cond3A_131 {
        %add3A_153 = arith.addi %select_n3A_34, %mul3A_103 : i32
        %add3A_154 = arith.constant 2 : i32
        %add3A_155 = arith.addi %add3A_153, %add3A_154 : i32
        %dma_start3A_156 = arith.constant 0 : i32
        %dma_start3A_157 = arith.constant 0 : i32
        %dma_start3A_158 = tpu.memref_slice %arg3[%add3A_155, %dma_start3A_156, %dma_start3A_157] : memref<2528x2x128xi32, #tpu.memory_space<hbm>> -> memref<1x2x128xi32, #tpu.memory_space<hbm>>
        %dma_start3A_159 = tpu.memref_squeeze %dma_start3A_158 : memref<1x2x128xi32, #tpu.memory_space<hbm>> -> memref<2x128xi32, #tpu.memory_space<hbm>>
        %dma_start3A_160 = arith.constant 0 : i32
        %dma_start3A_161 = arith.constant 0 : i32
        %dma_start3A_162 = tpu.memref_slice %arg3[%add3A_155, %dma_start3A_160, %dma_start3A_161] : memref<2528x2x128xi32, #tpu.memory_space<hbm>> -> memref<1x2x128xi32, #tpu.memory_space<hbm>>
        %dma_start3A_163 = tpu.memref_squeeze %dma_start3A_162 : memref<1x2x128xi32, #tpu.memory_space<hbm>> -> memref<2x128xi32, #tpu.memory_space<hbm>>
        tpu.enqueue_dma source(%dma_start3A_163 : memref<2x128xi32, #tpu.memory_space<hbm>>) target(%arg5 : memref<2x128xi32, #tpu.memory_space<vmem>>) target_semaphore(%arg10 : memref<!tpu.dma_semaphore, #tpu.memory_space<semaphore_mem>>)
      } else {
      }
      %dma_wait3A_132 = arith.constant 0 : i32
      %dma_wait3A_133 = arith.constant 0 : i32
      %dma_wait3A_134 = tpu.memref_slice %arg6[%dma_wait3A_132, %dma_wait3A_133] : memref<2x128xi32, #tpu.memory_space<vmem>> -> memref<1x128xi32, #tpu.memory_space<vmem>>
      %dma_wait3A_135 = tpu.memref_squeeze %dma_wait3A_134 : memref<1x128xi32, #tpu.memory_space<vmem>> -> memref<128xi32, #tpu.memory_space<vmem>>
      %dma_wait3A_136 = arith.constant 0 : i32
      %dma_wait3A_137 = arith.constant 0 : i32
      %dma_wait3A_138 = tpu.memref_slice %arg2[%dma_wait3A_136, %dma_wait3A_137] : memref<10000x128xf32, #tpu.memory_space<hbm>> -> memref<10000x128xf32, #tpu.memory_space<hbm>>
      tpu.wait_indirect_dma semaphore(%arg12 : memref<!tpu.dma_semaphore, #tpu.memory_space<semaphore_mem>>) src(%dma_wait3A_138 : memref<10000x128xf32, #tpu.memory_space<hbm>>) dst(%arg8 : memref<128x128xf32, #tpu.memory_space<vmem>>)
      %add3A_139 = arith.constant 2 : i32
      %add3A_140 = arith.addi %mul3A_103, %add3A_139 : i32
      %lt3A_141 = arith.cmpi slt, %add3A_140, %select_n3A : i32
      %convert_element_type3A_142 = arith.extui %lt3A_141 : i1 to i32
      %cond3A_143 = arith.constant 0 : i32
      %cond3A_144 = arith.cmpi ne, %convert_element_type3A_142, %cond3A_143 : i32
      scf.if %cond3A_144 {
        %add3A_153 = arith.addi %select_n3A_34, %mul3A_103 : i32
        %add3A_154 = arith.constant 2 : i32
        %add3A_155 = arith.addi %add3A_153, %add3A_154 : i32
        %dma_wait3A_156 = arith.constant 0 : i32
        %dma_wait3A_157 = arith.constant 0 : i32
        %dma_wait3A_158 = tpu.memref_slice %arg3[%add3A_155, %dma_wait3A_156, %dma_wait3A_157] : memref<2528x2x128xi32, #tpu.memory_space<hbm>> -> memref<1x2x128xi32, #tpu.memory_space<hbm>>
        %dma_wait3A_159 = tpu.memref_squeeze %dma_wait3A_158 : memref<1x2x128xi32, #tpu.memory_space<hbm>> -> memref<2x128xi32, #tpu.memory_space<hbm>>
        %dma_wait3A_160 = arith.constant 0 : i32
        %dma_wait3A_161 = arith.constant 0 : i32
        %dma_wait3A_162 = tpu.memref_slice %arg3[%add3A_155, %dma_wait3A_160, %dma_wait3A_161] : memref<2528x2x128xi32, #tpu.memory_space<hbm>> -> memref<1x2x128xi32, #tpu.memory_space<hbm>>
        %dma_wait3A_163 = tpu.memref_squeeze %dma_wait3A_162 : memref<1x2x128xi32, #tpu.memory_space<hbm>> -> memref<2x128xi32, #tpu.memory_space<hbm>>
        tpu.wait_dma2 semaphore(%arg10 : memref<!tpu.dma_semaphore, #tpu.memory_space<semaphore_mem>>) src(%dma_wait3A_163 : memref<2x128xi32, #tpu.memory_space<hbm>>) dst(%arg5 : memref<2x128xi32, #tpu.memory_space<vmem>>)
        %dma_start3A_164 = arith.constant 0 : i32
        %dma_start3A_165 = arith.constant 0 : i32
        %dma_start3A_166 = tpu.memref_slice %arg5[%dma_start3A_164, %dma_start3A_165] : memref<2x128xi32, #tpu.memory_space<vmem>> -> memref<1x128xi32, #tpu.memory_space<vmem>>
        %dma_start3A_167 = tpu.memref_squeeze %dma_start3A_166 : memref<1x128xi32, #tpu.memory_space<vmem>> -> memref<128xi32, #tpu.memory_space<vmem>>
        %dma_start3A_168 = arith.constant 0 : i32
        %dma_start3A_169 = arith.constant 0 : i32
        %dma_start3A_170 = tpu.memref_slice %arg2[%dma_start3A_168, %dma_start3A_169] : memref<10000x128xf32, #tpu.memory_space<hbm>> -> memref<10000x128xf32, #tpu.memory_space<hbm>>
        tpu.enqueue_indirect_dma source(%dma_start3A_170 : memref<10000x128xf32, #tpu.memory_space<hbm>>) target(%arg7 : memref<128x128xf32, #tpu.memory_space<vmem>>) offsets(%dma_start3A_167 : memref<128xi32, #tpu.memory_space<vmem>>) semaphore(%arg11 : memref<!tpu.dma_semaphore, #tpu.memory_space<semaphore_mem>>)
      } else {
      }
      %run_scoped3A_145 = arith.constant 1 : i32
      "tpu.region"() ({
        %run_scoped3A_153 = tpu.sem_alloc : memref<!tpu.dma_semaphore, #tpu.memory_space<semaphore_mem>>
        %dma_start3A_154 = arith.constant 0 : i32
        %dma_start3A_155 = tpu.memref_slice %arg6[%run_scoped3A_145, %dma_start3A_154] : memref<2x128xi32, #tpu.memory_space<vmem>> -> memref<1x128xi32, #tpu.memory_space<vmem>>
        %dma_start3A_156 = tpu.memref_squeeze %dma_start3A_155 : memref<1x128xi32, #tpu.memory_space<vmem>> -> memref<128xi32, #tpu.memory_space<vmem>>
        %dma_start3A_157 = arith.constant 0 : i32
        %dma_start3A_158 = arith.constant 0 : i32
        %dma_start3A_159 = tpu.memref_slice %arg9[%dma_start3A_157, %dma_start3A_158] : memref<10240x128xf32, #tpu.memory_space<vmem_shared>> -> memref<10240x128xf32, #tpu.memory_space<vmem_shared>>
        tpu.enqueue_indirect_dma source(%arg8 : memref<128x128xf32, #tpu.memory_space<vmem>>) target(%dma_start3A_159 : memref<10240x128xf32, #tpu.memory_space<vmem_shared>>) offsets(%dma_start3A_156 : memref<128xi32, #tpu.memory_space<vmem>>) semaphore(%run_scoped3A_153 : memref<!tpu.dma_semaphore, #tpu.memory_space<semaphore_mem>>) {add = true}
        %dma_wait3A_160 = arith.constant 0 : i32
        %dma_wait3A_161 = tpu.memref_slice %arg6[%run_scoped3A_145, %dma_wait3A_160] : memref<2x128xi32, #tpu.memory_space<vmem>> -> memref<1x128xi32, #tpu.memory_space<vmem>>
        %dma_wait3A_162 = tpu.memref_squeeze %dma_wait3A_161 : memref<1x128xi32, #tpu.memory_space<vmem>> -> memref<128xi32, #tpu.memory_space<vmem>>
        %dma_wait3A_163 = arith.constant 0 : i32
        %dma_wait3A_164 = arith.constant 0 : i32
        %dma_wait3A_165 = tpu.memref_slice %arg9[%dma_wait3A_163, %dma_wait3A_164] : memref<10240x128xf32, #tpu.memory_space<vmem_shared>> -> memref<10240x128xf32, #tpu.memory_space<vmem_shared>>
        tpu.wait_indirect_dma semaphore(%run_scoped3A_153 : memref<!tpu.dma_semaphore, #tpu.memory_space<semaphore_mem>>) src(%arg8 : memref<128x128xf32, #tpu.memory_space<vmem>>) dst(%dma_wait3A_165 : memref<10240x128xf32, #tpu.memory_space<vmem_shared>>)
        tpu.yield
      }) : () -> ()
      %add3A_146 = arith.constant 3 : i32
      %add3A_147 = arith.addi %mul3A_103, %add3A_146 : i32
      %lt3A_148 = arith.cmpi slt, %add3A_147, %select_n3A : i32
      %convert_element_type3A_149 = arith.extui %lt3A_148 : i1 to i32
      %cond3A_150 = arith.constant 0 : i32
      %cond3A_151 = arith.cmpi ne, %convert_element_type3A_149, %cond3A_150 : i32
      scf.if %cond3A_151 {
        %add3A_153 = arith.addi %select_n3A_34, %mul3A_103 : i32
        %add3A_154 = arith.constant 3 : i32
        %add3A_155 = arith.addi %add3A_153, %add3A_154 : i32
        %dma_start3A_156 = arith.constant 0 : i32
        %dma_start3A_157 = arith.constant 0 : i32
        %dma_start3A_158 = tpu.memref_slice %arg3[%add3A_155, %dma_start3A_156, %dma_start3A_157] : memref<2528x2x128xi32, #tpu.memory_space<hbm>> -> memref<1x2x128xi32, #tpu.memory_space<hbm>>
        %dma_start3A_159 = tpu.memref_squeeze %dma_start3A_158 : memref<1x2x128xi32, #tpu.memory_space<hbm>> -> memref<2x128xi32, #tpu.memory_space<hbm>>
        %dma_start3A_160 = arith.constant 0 : i32
        %dma_start3A_161 = arith.constant 0 : i32
        %dma_start3A_162 = tpu.memref_slice %arg3[%add3A_155, %dma_start3A_160, %dma_start3A_161] : memref<2528x2x128xi32, #tpu.memory_space<hbm>> -> memref<1x2x128xi32, #tpu.memory_space<hbm>>
        %dma_start3A_163 = tpu.memref_squeeze %dma_start3A_162 : memref<1x2x128xi32, #tpu.memory_space<hbm>> -> memref<2x128xi32, #tpu.memory_space<hbm>>
        tpu.enqueue_dma source(%dma_start3A_163 : memref<2x128xi32, #tpu.memory_space<hbm>>) target(%arg6 : memref<2x128xi32, #tpu.memory_space<vmem>>) target_semaphore(%arg10 : memref<!tpu.dma_semaphore, #tpu.memory_space<semaphore_mem>>)
      } else {
      }
      %while3A_152 = arith.constant 0 : i32
      scf.yield %while3A_152 : i32
    }
    %while3A_93 = arith.constant 1 : i32
    %while3A_94 = scf.for %while3A_100 = %while3A_90 to %while3A_86 step %while3A_93 iter_args(%while3A_101 = %while3A_92) -> (i32)  : i32 {
      %mul3A_102 = arith.constant 2 : i32
      %mul3A_103 = arith.muli %mul3A_102, %while3A_100 : i32
      %add3A_104 = arith.addi %select_n3A_34, %mul3A_103 : i32
      %add3A_105 = arith.constant 1 : i32
      %add3A_106 = arith.addi %add3A_104, %add3A_105 : i32
      %dma_wait3A_107 = arith.constant 0 : i32
      %dma_wait3A_108 = arith.constant 0 : i32
      %dma_wait3A_109 = tpu.memref_slice %arg3[%add3A_106, %dma_wait3A_107, %dma_wait3A_108] : memref<2528x2x128xi32, #tpu.memory_space<hbm>> -> memref<1x2x128xi32, #tpu.memory_space<hbm>>
      %dma_wait3A_110 = tpu.memref_squeeze %dma_wait3A_109 : memref<1x2x128xi32, #tpu.memory_space<hbm>> -> memref<2x128xi32, #tpu.memory_space<hbm>>
      %dma_wait3A_111 = arith.constant 0 : i32
      %dma_wait3A_112 = arith.constant 0 : i32
      %dma_wait3A_113 = tpu.memref_slice %arg3[%add3A_106, %dma_wait3A_111, %dma_wait3A_112] : memref<2528x2x128xi32, #tpu.memory_space<hbm>> -> memref<1x2x128xi32, #tpu.memory_space<hbm>>
      %dma_wait3A_114 = tpu.memref_squeeze %dma_wait3A_113 : memref<1x2x128xi32, #tpu.memory_space<hbm>> -> memref<2x128xi32, #tpu.memory_space<hbm>>
      tpu.wait_dma2 semaphore(%arg10 : memref<!tpu.dma_semaphore, #tpu.memory_space<semaphore_mem>>) src(%dma_wait3A_114 : memref<2x128xi32, #tpu.memory_space<hbm>>) dst(%arg6 : memref<2x128xi32, #tpu.memory_space<vmem>>)
      %dma_wait3A_115 = arith.constant 0 : i32
      %dma_wait3A_116 = arith.constant 0 : i32
      %dma_wait3A_117 = tpu.memref_slice %arg5[%dma_wait3A_115, %dma_wait3A_116] : memref<2x128xi32, #tpu.memory_space<vmem>> -> memref<1x128xi32, #tpu.memory_space<vmem>>
      %dma_wait3A_118 = tpu.memref_squeeze %dma_wait3A_117 : memref<1x128xi32, #tpu.memory_space<vmem>> -> memref<128xi32, #tpu.memory_space<vmem>>
      %dma_wait3A_119 = arith.constant 0 : i32
      %dma_wait3A_120 = arith.constant 0 : i32
      %dma_wait3A_121 = tpu.memref_slice %arg2[%dma_wait3A_119, %dma_wait3A_120] : memref<10000x128xf32, #tpu.memory_space<hbm>> -> memref<10000x128xf32, #tpu.memory_space<hbm>>
      tpu.wait_indirect_dma semaphore(%arg11 : memref<!tpu.dma_semaphore, #tpu.memory_space<semaphore_mem>>) src(%dma_wait3A_121 : memref<10000x128xf32, #tpu.memory_space<hbm>>) dst(%arg7 : memref<128x128xf32, #tpu.memory_space<vmem>>)
      %dma_start3A_122 = arith.constant 0 : i32
      %dma_start3A_123 = arith.constant 0 : i32
      %dma_start3A_124 = tpu.memref_slice %arg6[%dma_start3A_122, %dma_start3A_123] : memref<2x128xi32, #tpu.memory_space<vmem>> -> memref<1x128xi32, #tpu.memory_space<vmem>>
      %dma_start3A_125 = tpu.memref_squeeze %dma_start3A_124 : memref<1x128xi32, #tpu.memory_space<vmem>> -> memref<128xi32, #tpu.memory_space<vmem>>
      %dma_start3A_126 = arith.constant 0 : i32
      %dma_start3A_127 = arith.constant 0 : i32
      %dma_start3A_128 = tpu.memref_slice %arg2[%dma_start3A_126, %dma_start3A_127] : memref<10000x128xf32, #tpu.memory_space<hbm>> -> memref<10000x128xf32, #tpu.memory_space<hbm>>
      tpu.enqueue_indirect_dma source(%dma_start3A_128 : memref<10000x128xf32, #tpu.memory_space<hbm>>) target(%arg8 : memref<128x128xf32, #tpu.memory_space<vmem>>) offsets(%dma_start3A_125 : memref<128xi32, #tpu.memory_space<vmem>>) semaphore(%arg12 : memref<!tpu.dma_semaphore, #tpu.memory_space<semaphore_mem>>)
      %run_scoped3A = arith.constant 1 : i32
      "tpu.region"() ({
        %run_scoped3A_153 = tpu.sem_alloc : memref<!tpu.dma_semaphore, #tpu.memory_space<semaphore_mem>>
        %dma_start3A_154 = arith.constant 0 : i32
        %dma_start3A_155 = tpu.memref_slice %arg5[%run_scoped3A, %dma_start3A_154] : memref<2x128xi32, #tpu.memory_space<vmem>> -> memref<1x128xi32, #tpu.memory_space<vmem>>
        %dma_start3A_156 = tpu.memref_squeeze %dma_start3A_155 : memref<1x128xi32, #tpu.memory_space<vmem>> -> memref<128xi32, #tpu.memory_space<vmem>>
        %dma_start3A_157 = arith.constant 0 : i32
        %dma_start3A_158 = arith.constant 0 : i32
        %dma_start3A_159 = tpu.memref_slice %arg9[%dma_start3A_157, %dma_start3A_158] : memref<10240x128xf32, #tpu.memory_space<vmem_shared>> -> memref<10240x128xf32, #tpu.memory_space<vmem_shared>>
        tpu.enqueue_indirect_dma source(%arg7 : memref<128x128xf32, #tpu.memory_space<vmem>>) target(%dma_start3A_159 : memref<10240x128xf32, #tpu.memory_space<vmem_shared>>) offsets(%dma_start3A_156 : memref<128xi32, #tpu.memory_space<vmem>>) semaphore(%run_scoped3A_153 : memref<!tpu.dma_semaphore, #tpu.memory_space<semaphore_mem>>) {add = true}
        %dma_wait3A_160 = arith.constant 0 : i32
        %dma_wait3A_161 = tpu.memref_slice %arg5[%run_scoped3A, %dma_wait3A_160] : memref<2x128xi32, #tpu.memory_space<vmem>> -> memref<1x128xi32, #tpu.memory_space<vmem>>
        %dma_wait3A_162 = tpu.memref_squeeze %dma_wait3A_161 : memref<1x128xi32, #tpu.memory_space<vmem>> -> memref<128xi32, #tpu.memory_space<vmem>>
        %dma_wait3A_163 = arith.constant 0 : i32
        %dma_wait3A_164 = arith.constant 0 : i32
        %dma_wait3A_165 = tpu.memref_slice %arg9[%dma_wait3A_163, %dma_wait3A_164] : memref<10240x128xf32, #tpu.memory_space<vmem_shared>> -> memref<10240x128xf32, #tpu.memory_space<vmem_shared>>
        tpu.wait_indirect_dma semaphore(%run_scoped3A_153 : memref<!tpu.dma_semaphore, #tpu.memory_space<semaphore_mem>>) src(%arg7 : memref<128x128xf32, #tpu.memory_space<vmem>>) dst(%dma_wait3A_165 : memref<10240x128xf32, #tpu.memory_space<vmem_shared>>)
        tpu.yield
      }) : () -> ()
      %add3A_129 = arith.constant 2 : i32
      %add3A_130 = arith.addi %mul3A_103, %add3A_129 : i32
      %lt3A = arith.cmpi slt, %add3A_130, %select_n3A : i32
      %convert_element_type3A = arith.extui %lt3A : i1 to i32
      %cond3A = arith.constant 0 : i32
      %cond3A_131 = arith.cmpi ne, %convert_element_type3A, %cond3A : i32
      scf.if %cond3A_131 {
        %add3A_153 = arith.addi %select_n3A_34, %mul3A_103 : i32
        %add3A_154 = arith.constant 2 : i32
        %add3A_155 = arith.addi %add3A_153, %add3A_154 : i32
        %dma_start3A_156 = arith.constant 0 : i32
        %dma_start3A_157 = arith.constant 0 : i32
        %dma_start3A_158 = tpu.memref_slice %arg3[%add3A_155, %dma_start3A_156, %dma_start3A_157] : memref<2528x2x128xi32, #tpu.memory_space<hbm>> -> memref<1x2x128xi32, #tpu.memory_space<hbm>>
        %dma_start3A_159 = tpu.memref_squeeze %dma_start3A_158 : memref<1x2x128xi32, #tpu.memory_space<hbm>> -> memref<2x128xi32, #tpu.memory_space<hbm>>
        %dma_start3A_160 = arith.constant 0 : i32
        %dma_start3A_161 = arith.constant 0 : i32
        %dma_start3A_162 = tpu.memref_slice %arg3[%add3A_155, %dma_start3A_160, %dma_start3A_161] : memref<2528x2x128xi32, #tpu.memory_space<hbm>> -> memref<1x2x128xi32, #tpu.memory_space<hbm>>
        %dma_start3A_163 = tpu.memref_squeeze %dma_start3A_162 : memref<1x2x128xi32, #tpu.memory_space<hbm>> -> memref<2x128xi32, #tpu.memory_space<hbm>>
        tpu.enqueue_dma source(%dma_start3A_163 : memref<2x128xi32, #tpu.memory_space<hbm>>) target(%arg5 : memref<2x128xi32, #tpu.memory_space<vmem>>) target_semaphore(%arg10 : memref<!tpu.dma_semaphore, #tpu.memory_space<semaphore_mem>>)
      } else {
      }
      %dma_wait3A_132 = arith.constant 0 : i32
      %dma_wait3A_133 = arith.constant 0 : i32
      %dma_wait3A_134 = tpu.memref_slice %arg6[%dma_wait3A_132, %dma_wait3A_133] : memref<2x128xi32, #tpu.memory_space<vmem>> -> memref<1x128xi32, #tpu.memory_space<vmem>>
      %dma_wait3A_135 = tpu.memref_squeeze %dma_wait3A_134 : memref<1x128xi32, #tpu.memory_space<vmem>> -> memref<128xi32, #tpu.memory_space<vmem>>
      %dma_wait3A_136 = arith.constant 0 : i32
      %dma_wait3A_137 = arith.constant 0 : i32
      %dma_wait3A_138 = tpu.memref_slice %arg2[%dma_wait3A_136, %dma_wait3A_137] : memref<10000x128xf32, #tpu.memory_space<hbm>> -> memref<10000x128xf32, #tpu.memory_space<hbm>>
      tpu.wait_indirect_dma semaphore(%arg12 : memref<!tpu.dma_semaphore, #tpu.memory_space<semaphore_mem>>) src(%dma_wait3A_138 : memref<10000x128xf32, #tpu.memory_space<hbm>>) dst(%arg8 : memref<128x128xf32, #tpu.memory_space<vmem>>)
      %add3A_139 = arith.constant 2 : i32
      %add3A_140 = arith.addi %mul3A_103, %add3A_139 : i32
      %lt3A_141 = arith.cmpi slt, %add3A_140, %select_n3A : i32
      %convert_element_type3A_142 = arith.extui %lt3A_141 : i1 to i32
      %cond3A_143 = arith.constant 0 : i32
      %cond3A_144 = arith.cmpi ne, %convert_element_type3A_142, %cond3A_143 : i32
      scf.if %cond3A_144 {
        %add3A_153 = arith.addi %select_n3A_34, %mul3A_103 : i32
        %add3A_154 = arith.constant 2 : i32
        %add3A_155 = arith.addi %add3A_153, %add3A_154 : i32
        %dma_wait3A_156 = arith.constant 0 : i32
        %dma_wait3A_157 = arith.constant 0 : i32
        %dma_wait3A_158 = tpu.memref_slice %arg3[%add3A_155, %dma_wait3A_156, %dma_wait3A_157] : memref<2528x2x128xi32, #tpu.memory_space<hbm>> -> memref<1x2x128xi32, #tpu.memory_space<hbm>>
        %dma_wait3A_159 = tpu.memref_squeeze %dma_wait3A_158 : memref<1x2x128xi32, #tpu.memory_space<hbm>> -> memref<2x128xi32, #tpu.memory_space<hbm>>
        %dma_wait3A_160 = arith.constant 0 : i32
        %dma_wait3A_161 = arith.constant 0 : i32
        %dma_wait3A_162 = tpu.memref_slice %arg3[%add3A_155, %dma_wait3A_160, %dma_wait3A_161] : memref<2528x2x128xi32, #tpu.memory_space<hbm>> -> memref<1x2x128xi32, #tpu.memory_space<hbm>>
        %dma_wait3A_163 = tpu.memref_squeeze %dma_wait3A_162 : memref<1x2x128xi32, #tpu.memory_space<hbm>> -> memref<2x128xi32, #tpu.memory_space<hbm>>
        tpu.wait_dma2 semaphore(%arg10 : memref<!tpu.dma_semaphore, #tpu.memory_space<semaphore_mem>>) src(%dma_wait3A_163 : memref<2x128xi32, #tpu.memory_space<hbm>>) dst(%arg5 : memref<2x128xi32, #tpu.memory_space<vmem>>)
        %dma_start3A_164 = arith.constant 0 : i32
        %dma_start3A_165 = arith.constant 0 : i32
        %dma_start3A_166 = tpu.memref_slice %arg5[%dma_start3A_164, %dma_start3A_165] : memref<2x128xi32, #tpu.memory_space<vmem>> -> memref<1x128xi32, #tpu.memory_space<vmem>>
        %dma_start3A_167 = tpu.memref_squeeze %dma_start3A_166 : memref<1x128xi32, #tpu.memory_space<vmem>> -> memref<128xi32, #tpu.memory_space<vmem>>
        %dma_start3A_168 = arith.constant 0 : i32
        %dma_start3A_169 = arith.constant 0 : i32
        %dma_start3A_170 = tpu.memref_slice %arg2[%dma_start3A_168, %dma_start3A_169] : memref<10000x128xf32, #tpu.memory_space<hbm>> -> memref<10000x128xf32, #tpu.memory_space<hbm>>
        tpu.enqueue_indirect_dma source(%dma_start3A_170 : memref<10000x128xf32, #tpu.memory_space<hbm>>) target(%arg7 : memref<128x128xf32, #tpu.memory_space<vmem>>) offsets(%dma_start3A_167 : memref<128xi32, #tpu.memory_space<vmem>>) semaphore(%arg11 : memref<!tpu.dma_semaphore, #tpu.memory_space<semaphore_mem>>)
      } else {
      }
      %run_scoped3A_145 = arith.constant 1 : i32
      "tpu.region"() ({
        %run_scoped3A_153 = tpu.sem_alloc : memref<!tpu.dma_semaphore, #tpu.memory_space<semaphore_mem>>
        %dma_start3A_154 = arith.constant 0 : i32
        %dma_start3A_155 = tpu.memref_slice %arg6[%run_scoped3A_145, %dma_start3A_154] : memref<2x128xi32, #tpu.memory_space<vmem>> -> memref<1x128xi32, #tpu.memory_space<vmem>>
        %dma_start3A_156 = tpu.memref_squeeze %dma_start3A_155 : memref<1x128xi32, #tpu.memory_space<vmem>> -> memref<128xi32, #tpu.memory_space<vmem>>
        %dma_start3A_157 = arith.constant 0 : i32
        %dma_start3A_158 = arith.constant 0 : i32
        %dma_start3A_159 = tpu.memref_slice %arg9[%dma_start3A_157, %dma_start3A_158] : memref<10240x128xf32, #tpu.memory_space<vmem_shared>> -> memref<10240x128xf32, #tpu.memory_space<vmem_shared>>
        tpu.enqueue_indirect_dma source(%arg8 : memref<128x128xf32, #tpu.memory_space<vmem>>) target(%dma_start3A_159 : memref<10240x128xf32, #tpu.memory_space<vmem_shared>>) offsets(%dma_start3A_156 : memref<128xi32, #tpu.memory_space<vmem>>) semaphore(%run_scoped3A_153 : memref<!tpu.dma_semaphore, #tpu.memory_space<semaphore_mem>>) {add = true}
        %dma_wait3A_160 = arith.constant 0 : i32
        %dma_wait3A_161 = tpu.memref_slice %arg6[%run_scoped3A_145, %dma_wait3A_160] : memref<2x128xi32, #tpu.memory_space<vmem>> -> memref<1x128xi32, #tpu.memory_space<vmem>>
        %dma_wait3A_162 = tpu.memref_squeeze %dma_wait3A_161 : memref<1x128xi32, #tpu.memory_space<vmem>> -> memref<128xi32, #tpu.memory_space<vmem>>
        %dma_wait3A_163 = arith.constant 0 : i32
        %dma_wait3A_164 = arith.constant 0 : i32
        %dma_wait3A_165 = tpu.memref_slice %arg9[%dma_wait3A_163, %dma_wait3A_164] : memref<10240x128xf32, #tpu.memory_space<vmem_shared>> -> memref<10240x128xf32, #tpu.memory_space<vmem_shared>>
        tpu.wait_indirect_dma semaphore(%run_scoped3A_153 : memref<!tpu.dma_semaphore, #tpu.memory_space<semaphore_mem>>) src(%arg8 : memref<128x128xf32, #tpu.memory_space<vmem>>) dst(%dma_wait3A_165 : memref<10240x128xf32, #tpu.memory_space<vmem_shared>>)
        tpu.yield
      }) : () -> ()
      %add3A_146 = arith.constant 3 : i32
      %add3A_147 = arith.addi %mul3A_103, %add3A_146 : i32
      %lt3A_148 = arith.cmpi slt, %add3A_147, %select_n3A : i32
      %convert_element_type3A_149 = arith.extui %lt3A_148 : i1 to i32
      %cond3A_150 = arith.constant 0 : i32
      %cond3A_151 = arith.cmpi ne, %convert_element_type3A_149, %cond3A_150 : i32
      scf.if %cond3A_151 {
        %add3A_153 = arith.addi %select_n3A_34, %mul3A_103 : i32
        %add3A_154 = arith.constant 3 : i32
        %add3A_155 = arith.addi %add3A_153, %add3A_154 : i32
        %dma_start3A_156 = arith.constant 0 : i32
        %dma_start3A_157 = arith.constant 0 : i32
        %dma_start3A_158 = tpu.memref_slice %arg3[%add3A_155, %dma_start3A_156, %dma_start3A_157] : memref<2528x2x128xi32, #tpu.memory_space<hbm>> -> memref<1x2x128xi32, #tpu.memory_space<hbm>>
        %dma_start3A_159 = tpu.memref_squeeze %dma_start3A_158 : memref<1x2x128xi32, #tpu.memory_space<hbm>> -> memref<2x128xi32, #tpu.memory_space<hbm>>
        %dma_start3A_160 = arith.constant 0 : i32
        %dma_start3A_161 = arith.constant 0 : i32
        %dma_start3A_162 = tpu.memref_slice %arg3[%add3A_155, %dma_start3A_160, %dma_start3A_161] : memref<2528x2x128xi32, #tpu.memory_space<hbm>> -> memref<1x2x128xi32, #tpu.memory_space<hbm>>
        %dma_start3A_163 = tpu.memref_squeeze %dma_start3A_162 : memref<1x2x128xi32, #tpu.memory_space<hbm>> -> memref<2x128xi32, #tpu.memory_space<hbm>>
        tpu.enqueue_dma source(%dma_start3A_163 : memref<2x128xi32, #tpu.memory_space<hbm>>) target(%arg6 : memref<2x128xi32, #tpu.memory_space<vmem>>) target_semaphore(%arg10 : memref<!tpu.dma_semaphore, #tpu.memory_space<semaphore_mem>>)
      } else {
      }
      %while3A_152 = arith.constant 0 : i32
      scf.yield %while3A_152 : i32
    }
    %barrier3A_95 = arith.constant 0 : index
    tpu.barrier barrier_id(%barrier3A_95)
    %mul3A_96 = arith.constant 640 : i32
    %mul3A_97 = arith.muli %arg1, %mul3A_96 : i32
    %mul3A_98 = arith.constant 640 : i32
    %mul3A_99 = arith.muli %arg1, %mul3A_98 : i32
    "tpu.region"() ({
      %run_scoped3A = tpu.sem_alloc : memref<!tpu.dma_semaphore, #tpu.memory_space<semaphore_mem>>
      %dma_start3A_100 = arith.constant 0 : i32
      %dma_start3A_101 = tpu.memref_slice %arg4[%arg0, %mul3A_99, %dma_start3A_100] : memref<2x10240x128xf32, #tpu.memory_space<hbm>> -> memref<1x640x128xf32, #tpu.memory_space<hbm>>
      %dma_start3A_102 = tpu.memref_squeeze %dma_start3A_101 : memref<1x640x128xf32, #tpu.memory_space<hbm>> -> memref<640x128xf32, #tpu.memory_space<hbm>>
      %dma_start3A_103 = arith.constant 0 : i32
      %dma_start3A_104 = tpu.memref_slice %arg9[%mul3A_97, %dma_start3A_103] : memref<10240x128xf32, #tpu.memory_space<vmem_shared>> -> memref<640x128xf32, #tpu.memory_space<vmem_shared>>
      tpu.enqueue_dma source(%dma_start3A_104 : memref<640x128xf32, #tpu.memory_space<vmem_shared>>) target(%dma_start3A_102 : memref<640x128xf32, #tpu.memory_space<hbm>>) target_semaphore(%run_scoped3A : memref<!tpu.dma_semaphore, #tpu.memory_space<semaphore_mem>>)
      %dma_wait3A_105 = arith.constant 0 : i32
      %dma_wait3A_106 = tpu.memref_slice %arg4[%arg0, %mul3A_99, %dma_wait3A_105] : memref<2x10240x128xf32, #tpu.memory_space<hbm>> -> memref<1x640x128xf32, #tpu.memory_space<hbm>>
      %dma_wait3A_107 = tpu.memref_squeeze %dma_wait3A_106 : memref<1x640x128xf32, #tpu.memory_space<hbm>> -> memref<640x128xf32, #tpu.memory_space<hbm>>
      %dma_wait3A_108 = arith.constant 0 : i32
      %dma_wait3A_109 = tpu.memref_slice %arg9[%mul3A_97, %dma_wait3A_108] : memref<10240x128xf32, #tpu.memory_space<vmem_shared>> -> memref<640x128xf32, #tpu.memory_space<vmem_shared>>
      tpu.wait_dma2 semaphore(%run_scoped3A : memref<!tpu.dma_semaphore, #tpu.memory_space<semaphore_mem>>) src(%dma_wait3A_109 : memref<640x128xf32, #tpu.memory_space<vmem_shared>>) dst(%dma_wait3A_107 : memref<640x128xf32, #tpu.memory_space<hbm>>)
      tpu.yield
    }) : () -> ()
    return
  }
}

#map = affine_map<(d0, d1) -> (0, 0)>
#map1 = affine_map<(d0, d1) -> (0, 0, 0)>
module attributes {stable_mosaic.version = 14 : i64} {
  func.func @_sc_scatter_body(%arg0: i32, %arg1: i32, %arg2: memref<10000x128xf32, #tpu.memory_space<hbm>>, %arg3: memref<2528x2x128xi32, #tpu.memory_space<hbm>>, %arg4: memref<2x10240x128xf32, #tpu.memory_space<hbm>>, %arg5: memref<2x128xi32, #tpu.memory_space<vmem>>, %arg6: memref<2x128xi32, #tpu.memory_space<vmem>>, %arg7: memref<128x128xf32, #tpu.memory_space<vmem>>, %arg8: memref<128x128xf32, #tpu.memory_space<vmem>>, %arg9: memref<10240x128xf32, #tpu.memory_space<vmem_shared>>, %arg10: memref<!tpu.dma_semaphore, #tpu.memory_space<semaphore_mem>>, %arg11: memref<!tpu.dma_semaphore, #tpu.memory_space<semaphore_mem>>, %arg12: memref<!tpu.dma_semaphore, #tpu.memory_space<semaphore_mem>>) attributes {dimension_semantics = [#tpu.dimension_semantics<core_parallel>, #tpu.dimension_semantics<subcore_parallel>], iteration_bounds = array<i64: 2, 16>, scalar_prefetch = 0 : i64, scratch_operands = 8 : i64, tpu.core_type = #tpu.core_type<sc_vector_subcore>, window_params = [{transform_indices = #map}, {transform_indices = #map1}, {transform_indices = #map1}]} {
    %scan3A = arith.constant 0 : i32
    %scan3A_0 = arith.constant 0 : i32
    %scan3A_1 = arith.constant 128 : i32
    %scan3A_2 = arith.addi %scan3A_0, %scan3A_1 : i32
    %scan3A_3 = arith.constant 1 : i32
    %scan3A_4 = scf.for %scan3A_100 = %scan3A_0 to %scan3A_2 step %scan3A_3 iter_args(%scan3A_101 = %scan3A) -> (i32)  : i32 {
      %broadcast_in_dim3A = arith.constant 0.000000e+00 : f32
      %broadcast_in_dim3A_102 = vector.broadcast %broadcast_in_dim3A : f32 to vector<16xf32>
      %swap3A = arith.index_cast %scan3A_100 : i32 to index
      %swap3A_103 = arith.constant 0 : index
      %swap3A_104 = tpu.vector_load %arg7[%swap3A, %swap3A_103] {strides = array<i32>} : memref<128x128xf32, #tpu.memory_space<vmem>>, vector<1x16xf32>,
      %swap3A_105 = vector.shape_cast %swap3A_104 : vector<1x16xf32> to vector<16xf32>
      %swap3A_106 = vector.shape_cast %broadcast_in_dim3A_102 : vector<16xf32> to vector<1x16xf32>
      tpu.vector_store %arg7[%swap3A, %swap3A_103], %swap3A_106 {strides = array<i32>} : memref<128x128xf32, #tpu.memory_space<vmem>>, vector<1x16xf32>,
      %broadcast_in_dim3A_107 = arith.constant 0.000000e+00 : f32
      %broadcast_in_dim3A_108 = vector.broadcast %broadcast_in_dim3A_107 : f32 to vector<16xf32>
      %swap3A_109 = arith.index_cast %scan3A_100 : i32 to index
      %swap3A_110 = arith.constant 16 : index
      %swap3A_111 = tpu.vector_load %arg7[%swap3A_109, %swap3A_110] {strides = array<i32>} : memref<128x128xf32, #tpu.memory_space<vmem>>, vector<1x16xf32>,
      %swap3A_112 = vector.shape_cast %swap3A_111 : vector<1x16xf32> to vector<16xf32>
      %swap3A_113 = vector.shape_cast %broadcast_in_dim3A_108 : vector<16xf32> to vector<1x16xf32>
      tpu.vector_store %arg7[%swap3A_109, %swap3A_110], %swap3A_113 {strides = array<i32>} : memref<128x128xf32, #tpu.memory_space<vmem>>, vector<1x16xf32>,
      %broadcast_in_dim3A_114 = arith.constant 0.000000e+00 : f32
      %broadcast_in_dim3A_115 = vector.broadcast %broadcast_in_dim3A_114 : f32 to vector<16xf32>
      %swap3A_116 = arith.index_cast %scan3A_100 : i32 to index
      %swap3A_117 = arith.constant 32 : index
      %swap3A_118 = tpu.vector_load %arg7[%swap3A_116, %swap3A_117] {strides = array<i32>} : memref<128x128xf32, #tpu.memory_space<vmem>>, vector<1x16xf32>,
      %swap3A_119 = vector.shape_cast %swap3A_118 : vector<1x16xf32> to vector<16xf32>
      %swap3A_120 = vector.shape_cast %broadcast_in_dim3A_115 : vector<16xf32> to vector<1x16xf32>
      tpu.vector_store %arg7[%swap3A_116, %swap3A_117], %swap3A_120 {strides = array<i32>} : memref<128x128xf32, #tpu.memory_space<vmem>>, vector<1x16xf32>,
      %broadcast_in_dim3A_121 = arith.constant 0.000000e+00 : f32
      %broadcast_in_dim3A_122 = vector.broadcast %broadcast_in_dim3A_121 : f32 to vector<16xf32>
      %swap3A_123 = arith.index_cast %scan3A_100 : i32 to index
      %swap3A_124 = arith.constant 48 : index
      %swap3A_125 = tpu.vector_load %arg7[%swap3A_123, %swap3A_124] {strides = array<i32>} : memref<128x128xf32, #tpu.memory_space<vmem>>, vector<1x16xf32>,
      %swap3A_126 = vector.shape_cast %swap3A_125 : vector<1x16xf32> to vector<16xf32>
      %swap3A_127 = vector.shape_cast %broadcast_in_dim3A_122 : vector<16xf32> to vector<1x16xf32>
      tpu.vector_store %arg7[%swap3A_123, %swap3A_124], %swap3A_127 {strides = array<i32>} : memref<128x128xf32, #tpu.memory_space<vmem>>, vector<1x16xf32>,
      %broadcast_in_dim3A_128 = arith.constant 0.000000e+00 : f32
      %broadcast_in_dim3A_129 = vector.broadcast %broadcast_in_dim3A_128 : f32 to vector<16xf32>
      %swap3A_130 = arith.index_cast %scan3A_100 : i32 to index
      %swap3A_131 = arith.constant 64 : index
      %swap3A_132 = tpu.vector_load %arg7[%swap3A_130, %swap3A_131] {strides = array<i32>} : memref<128x128xf32, #tpu.memory_space<vmem>>, vector<1x16xf32>,
      %swap3A_133 = vector.shape_cast %swap3A_132 : vector<1x16xf32> to vector<16xf32>
      %swap3A_134 = vector.shape_cast %broadcast_in_dim3A_129 : vector<16xf32> to vector<1x16xf32>
      tpu.vector_store %arg7[%swap3A_130, %swap3A_131], %swap3A_134 {strides = array<i32>} : memref<128x128xf32, #tpu.memory_space<vmem>>, vector<1x16xf32>,
      %broadcast_in_dim3A_135 = arith.constant 0.000000e+00 : f32
      %broadcast_in_dim3A_136 = vector.broadcast %broadcast_in_dim3A_135 : f32 to vector<16xf32>
      %swap3A_137 = arith.index_cast %scan3A_100 : i32 to index
      %swap3A_138 = arith.constant 80 : index
      %swap3A_139 = tpu.vector_load %arg7[%swap3A_137, %swap3A_138] {strides = array<i32>} : memref<128x128xf32, #tpu.memory_space<vmem>>, vector<1x16xf32>,
      %swap3A_140 = vector.shape_cast %swap3A_139 : vector<1x16xf32> to vector<16xf32>
      %swap3A_141 = vector.shape_cast %broadcast_in_dim3A_136 : vector<16xf32> to vector<1x16xf32>
      tpu.vector_store %arg7[%swap3A_137, %swap3A_138], %swap3A_141 {strides = array<i32>} : memref<128x128xf32, #tpu.memory_space<vmem>>, vector<1x16xf32>,
      %broadcast_in_dim3A_142 = arith.constant 0.000000e+00 : f32
      %broadcast_in_dim3A_143 = vector.broadcast %broadcast_in_dim3A_142 : f32 to vector<16xf32>
      %swap3A_144 = arith.index_cast %scan3A_100 : i32 to index
      %swap3A_145 = arith.constant 96 : index
      %swap3A_146 = tpu.vector_load %arg7[%swap3A_144, %swap3A_145] {strides = array<i32>} : memref<128x128xf32, #tpu.memory_space<vmem>>, vector<1x16xf32>,
      %swap3A_147 = vector.shape_cast %swap3A_146 : vector<1x16xf32> to vector<16xf32>
      %swap3A_148 = vector.shape_cast %broadcast_in_dim3A_143 : vector<16xf32> to vector<1x16xf32>
      tpu.vector_store %arg7[%swap3A_144, %swap3A_145], %swap3A_148 {strides = array<i32>} : memref<128x128xf32, #tpu.memory_space<vmem>>, vector<1x16xf32>,
      %broadcast_in_dim3A_149 = arith.constant 0.000000e+00 : f32
      %broadcast_in_dim3A_150 = vector.broadcast %broadcast_in_dim3A_149 : f32 to vector<16xf32>
      %swap3A_151 = arith.index_cast %scan3A_100 : i32 to index
      %swap3A_152 = arith.constant 112 : index
      %swap3A_153 = tpu.vector_load %arg7[%swap3A_151, %swap3A_152] {strides = array<i32>} : memref<128x128xf32, #tpu.memory_space<vmem>>, vector<1x16xf32>,
      %swap3A_154 = vector.shape_cast %swap3A_153 : vector<1x16xf32> to vector<16xf32>
      %swap3A_155 = vector.shape_cast %broadcast_in_dim3A_150 : vector<16xf32> to vector<1x16xf32>
      tpu.vector_store %arg7[%swap3A_151, %swap3A_152], %swap3A_155 {strides = array<i32>} : memref<128x128xf32, #tpu.memory_space<vmem>>, vector<1x16xf32>,
      %scan3A_156 = arith.constant 0 : i32
      scf.yield %scan3A_156 : i32
    }
    %scan3A_5 = arith.constant 128 : i32
    %mul3A = arith.constant 640 : i32
    %mul3A_6 = arith.muli %arg1, %mul3A : i32
    %add3A = arith.constant 0 : i32
    %add3A_7 = arith.addi %mul3A_6, %add3A : i32
    "tpu.region"() ({
      %run_scoped3A = tpu.sem_alloc : memref<!tpu.dma_semaphore, #tpu.memory_space<semaphore_mem>>
      %dma_start3A_100 = arith.constant 0 : i32
      %dma_start3A_101 = tpu.memref_slice %arg9[%add3A_7, %dma_start3A_100] : memref<10240x128xf32, #tpu.memory_space<vmem_shared>> -> memref<128x128xf32, #tpu.memory_space<vmem_shared>>
      %dma_start3A_102 = arith.constant 0 : i32
      %dma_start3A_103 = tpu.memref_slice %arg9[%add3A_7, %dma_start3A_102] : memref<10240x128xf32, #tpu.memory_space<vmem_shared>> -> memref<128x128xf32, #tpu.memory_space<vmem_shared>>
      tpu.enqueue_dma source(%arg7 : memref<128x128xf32, #tpu.memory_space<vmem>>) target(%dma_start3A_103 : memref<128x128xf32, #tpu.memory_space<vmem_shared>>) target_semaphore(%run_scoped3A : memref<!tpu.dma_semaphore, #tpu.memory_space<semaphore_mem>>)
      %dma_wait3A_104 = arith.constant 0 : i32
      %dma_wait3A_105 = tpu.memref_slice %arg9[%add3A_7, %dma_wait3A_104] : memref<10240x128xf32, #tpu.memory_space<vmem_shared>> -> memref<128x128xf32, #tpu.memory_space<vmem_shared>>
      %dma_wait3A_106 = arith.constant 0 : i32
      %dma_wait3A_107 = tpu.memref_slice %arg9[%add3A_7, %dma_wait3A_106] : memref<10240x128xf32, #tpu.memory_space<vmem_shared>> -> memref<128x128xf32, #tpu.memory_space<vmem_shared>>
      tpu.wait_dma2 semaphore(%run_scoped3A : memref<!tpu.dma_semaphore, #tpu.memory_space<semaphore_mem>>) src(%arg7 : memref<128x128xf32, #tpu.memory_space<vmem>>) dst(%dma_wait3A_107 : memref<128x128xf32, #tpu.memory_space<vmem_shared>>)
      tpu.yield
    }) : () -> ()
    %mul3A_8 = arith.constant 640 : i32
    %mul3A_9 = arith.muli %arg1, %mul3A_8 : i32
    %add3A_10 = arith.constant 128 : i32
    %add3A_11 = arith.addi %mul3A_9, %add3A_10 : i32
    "tpu.region"() ({
      %run_scoped3A = tpu.sem_alloc : memref<!tpu.dma_semaphore, #tpu.memory_space<semaphore_mem>>
      %dma_start3A_100 = arith.constant 0 : i32
      %dma_start3A_101 = tpu.memref_slice %arg9[%add3A_11, %dma_start3A_100] : memref<10240x128xf32, #tpu.memory_space<vmem_shared>> -> memref<128x128xf32, #tpu.memory_space<vmem_shared>>
      %dma_start3A_102 = arith.constant 0 : i32
      %dma_start3A_103 = tpu.memref_slice %arg9[%add3A_11, %dma_start3A_102] : memref<10240x128xf32, #tpu.memory_space<vmem_shared>> -> memref<128x128xf32, #tpu.memory_space<vmem_shared>>
      tpu.enqueue_dma source(%arg7 : memref<128x128xf32, #tpu.memory_space<vmem>>) target(%dma_start3A_103 : memref<128x128xf32, #tpu.memory_space<vmem_shared>>) target_semaphore(%run_scoped3A : memref<!tpu.dma_semaphore, #tpu.memory_space<semaphore_mem>>)
      %dma_wait3A_104 = arith.constant 0 : i32
      %dma_wait3A_105 = tpu.memref_slice %arg9[%add3A_11, %dma_wait3A_104] : memref<10240x128xf32, #tpu.memory_space<vmem_shared>> -> memref<128x128xf32, #tpu.memory_space<vmem_shared>>
      %dma_wait3A_106 = arith.constant 0 : i32
      %dma_wait3A_107 = tpu.memref_slice %arg9[%add3A_11, %dma_wait3A_106] : memref<10240x128xf32, #tpu.memory_space<vmem_shared>> -> memref<128x128xf32, #tpu.memory_space<vmem_shared>>
      tpu.wait_dma2 semaphore(%run_scoped3A : memref<!tpu.dma_semaphore, #tpu.memory_space<semaphore_mem>>) src(%arg7 : memref<128x128xf32, #tpu.memory_space<vmem>>) dst(%dma_wait3A_107 : memref<128x128xf32, #tpu.memory_space<vmem_shared>>)
      tpu.yield
    }) : () -> ()
    %mul3A_12 = arith.constant 640 : i32
    %mul3A_13 = arith.muli %arg1, %mul3A_12 : i32
    %add3A_14 = arith.constant 256 : i32
    %add3A_15 = arith.addi %mul3A_13, %add3A_14 : i32
    "tpu.region"() ({
      %run_scoped3A = tpu.sem_alloc : memref<!tpu.dma_semaphore, #tpu.memory_space<semaphore_mem>>
      %dma_start3A_100 = arith.constant 0 : i32
      %dma_start3A_101 = tpu.memref_slice %arg9[%add3A_15, %dma_start3A_100] : memref<10240x128xf32, #tpu.memory_space<vmem_shared>> -> memref<128x128xf32, #tpu.memory_space<vmem_shared>>
      %dma_start3A_102 = arith.constant 0 : i32
      %dma_start3A_103 = tpu.memref_slice %arg9[%add3A_15, %dma_start3A_102] : memref<10240x128xf32, #tpu.memory_space<vmem_shared>> -> memref<128x128xf32, #tpu.memory_space<vmem_shared>>
      tpu.enqueue_dma source(%arg7 : memref<128x128xf32, #tpu.memory_space<vmem>>) target(%dma_start3A_103 : memref<128x128xf32, #tpu.memory_space<vmem_shared>>) target_semaphore(%run_scoped3A : memref<!tpu.dma_semaphore, #tpu.memory_space<semaphore_mem>>)
      %dma_wait3A_104 = arith.constant 0 : i32
      %dma_wait3A_105 = tpu.memref_slice %arg9[%add3A_15, %dma_wait3A_104] : memref<10240x128xf32, #tpu.memory_space<vmem_shared>> -> memref<128x128xf32, #tpu.memory_space<vmem_shared>>
      %dma_wait3A_106 = arith.constant 0 : i32
      %dma_wait3A_107 = tpu.memref_slice %arg9[%add3A_15, %dma_wait3A_106] : memref<10240x128xf32, #tpu.memory_space<vmem_shared>> -> memref<128x128xf32, #tpu.memory_space<vmem_shared>>
      tpu.wait_dma2 semaphore(%run_scoped3A : memref<!tpu.dma_semaphore, #tpu.memory_space<semaphore_mem>>) src(%arg7 : memref<128x128xf32, #tpu.memory_space<vmem>>) dst(%dma_wait3A_107 : memref<128x128xf32, #tpu.memory_space<vmem_shared>>)
      tpu.yield
    }) : () -> ()
    %mul3A_16 = arith.constant 640 : i32
    %mul3A_17 = arith.muli %arg1, %mul3A_16 : i32
    %add3A_18 = arith.constant 384 : i32
    %add3A_19 = arith.addi %mul3A_17, %add3A_18 : i32
    "tpu.region"() ({
      %run_scoped3A = tpu.sem_alloc : memref<!tpu.dma_semaphore, #tpu.memory_space<semaphore_mem>>
      %dma_start3A_100 = arith.constant 0 : i32
      %dma_start3A_101 = tpu.memref_slice %arg9[%add3A_19, %dma_start3A_100] : memref<10240x128xf32, #tpu.memory_space<vmem_shared>> -> memref<128x128xf32, #tpu.memory_space<vmem_shared>>
      %dma_start3A_102 = arith.constant 0 : i32
      %dma_start3A_103 = tpu.memref_slice %arg9[%add3A_19, %dma_start3A_102] : memref<10240x128xf32, #tpu.memory_space<vmem_shared>> -> memref<128x128xf32, #tpu.memory_space<vmem_shared>>
      tpu.enqueue_dma source(%arg7 : memref<128x128xf32, #tpu.memory_space<vmem>>) target(%dma_start3A_103 : memref<128x128xf32, #tpu.memory_space<vmem_shared>>) target_semaphore(%run_scoped3A : memref<!tpu.dma_semaphore, #tpu.memory_space<semaphore_mem>>)
      %dma_wait3A_104 = arith.constant 0 : i32
      %dma_wait3A_105 = tpu.memref_slice %arg9[%add3A_19, %dma_wait3A_104] : memref<10240x128xf32, #tpu.memory_space<vmem_shared>> -> memref<128x128xf32, #tpu.memory_space<vmem_shared>>
      %dma_wait3A_106 = arith.constant 0 : i32
      %dma_wait3A_107 = tpu.memref_slice %arg9[%add3A_19, %dma_wait3A_106] : memref<10240x128xf32, #tpu.memory_space<vmem_shared>> -> memref<128x128xf32, #tpu.memory_space<vmem_shared>>
      tpu.wait_dma2 semaphore(%run_scoped3A : memref<!tpu.dma_semaphore, #tpu.memory_space<semaphore_mem>>) src(%arg7 : memref<128x128xf32, #tpu.memory_space<vmem>>) dst(%dma_wait3A_107 : memref<128x128xf32, #tpu.memory_space<vmem_shared>>)
      tpu.yield
    }) : () -> ()
    %mul3A_20 = arith.constant 640 : i32
    %mul3A_21 = arith.muli %arg1, %mul3A_20 : i32
    %add3A_22 = arith.constant 512 : i32
    %add3A_23 = arith.addi %mul3A_21, %add3A_22 : i32
    "tpu.region"() ({
      %run_scoped3A = tpu.sem_alloc : memref<!tpu.dma_semaphore, #tpu.memory_space<semaphore_mem>>
      %dma_start3A_100 = arith.constant 0 : i32
      %dma_start3A_101 = tpu.memref_slice %arg9[%add3A_23, %dma_start3A_100] : memref<10240x128xf32, #tpu.memory_space<vmem_shared>> -> memref<128x128xf32, #tpu.memory_space<vmem_shared>>
      %dma_start3A_102 = arith.constant 0 : i32
      %dma_start3A_103 = tpu.memref_slice %arg9[%add3A_23, %dma_start3A_102] : memref<10240x128xf32, #tpu.memory_space<vmem_shared>> -> memref<128x128xf32, #tpu.memory_space<vmem_shared>>
      tpu.enqueue_dma source(%arg7 : memref<128x128xf32, #tpu.memory_space<vmem>>) target(%dma_start3A_103 : memref<128x128xf32, #tpu.memory_space<vmem_shared>>) target_semaphore(%run_scoped3A : memref<!tpu.dma_semaphore, #tpu.memory_space<semaphore_mem>>)
      %dma_wait3A_104 = arith.constant 0 : i32
      %dma_wait3A_105 = tpu.memref_slice %arg9[%add3A_23, %dma_wait3A_104] : memref<10240x128xf32, #tpu.memory_space<vmem_shared>> -> memref<128x128xf32, #tpu.memory_space<vmem_shared>>
      %dma_wait3A_106 = arith.constant 0 : i32
      %dma_wait3A_107 = tpu.memref_slice %arg9[%add3A_23, %dma_wait3A_106] : memref<10240x128xf32, #tpu.memory_space<vmem_shared>> -> memref<128x128xf32, #tpu.memory_space<vmem_shared>>
      tpu.wait_dma2 semaphore(%run_scoped3A : memref<!tpu.dma_semaphore, #tpu.memory_space<semaphore_mem>>) src(%arg7 : memref<128x128xf32, #tpu.memory_space<vmem>>) dst(%dma_wait3A_107 : memref<128x128xf32, #tpu.memory_space<vmem_shared>>)
      tpu.yield
    }) : () -> ()
    %barrier3A = arith.constant 0 : index
    tpu.barrier barrier_id(%barrier3A)
    %eq3A = arith.constant 0 : i32
    %eq3A_24 = arith.cmpi eq, %arg0, %eq3A : i32
    %jit3A = arith.constant 116 : i32
    %jit3A_25 = arith.constant 42 : i32
    %select_n3A = arith.select %eq3A_24, %jit3A, %jit3A_25 : i32
    %eq3A_26 = arith.constant 0 : i32
    %eq3A_27 = arith.cmpi eq, %arg0, %eq3A_26 : i32
    %mul3A_28 = arith.constant 116 : i32
    %mul3A_29 = arith.muli %arg1, %mul3A_28 : i32
    %mul3A_30 = arith.constant 42 : i32
    %mul3A_31 = arith.muli %arg1, %mul3A_30 : i32
    %add3A_32 = arith.constant 1856 : i32
    %add3A_33 = arith.addi %add3A_32, %mul3A_31 : i32
    %select_n3A_34 = arith.select %eq3A_27, %mul3A_29, %add3A_33 : i32
    %dma_start3A = arith.constant 0 : i32
    %dma_start3A_35 = arith.constant 0 : i32
    %dma_start3A_36 = tpu.memref_slice %arg3[%select_n3A_34, %dma_start3A, %dma_start3A_35] : memref<2528x2x128xi32, #tpu.memory_space<hbm>> -> memref<1x2x128xi32, #tpu.memory_space<hbm>>
    %dma_start3A_37 = tpu.memref_squeeze %dma_start3A_36 : memref<1x2x128xi32, #tpu.memory_space<hbm>> -> memref<2x128xi32, #tpu.memory_space<hbm>>
    %dma_start3A_38 = arith.constant 0 : i32
    %dma_start3A_39 = arith.constant 0 : i32
    %dma_start3A_40 = tpu.memref_slice %arg3[%select_n3A_34, %dma_start3A_38, %dma_start3A_39] : memref<2528x2x128xi32, #tpu.memory_space<hbm>> -> memref<1x2x128xi32, #tpu.memory_space<hbm>>
    %dma_start3A_41 = tpu.memref_squeeze %dma_start3A_40 : memref<1x2x128xi32, #tpu.memory_space<hbm>> -> memref<2x128xi32, #tpu.memory_space<hbm>>
    tpu.enqueue_dma source(%dma_start3A_41 : memref<2x128xi32, #tpu.memory_space<hbm>>) target(%arg5 : memref<2x128xi32, #tpu.memory_space<vmem>>) target_semaphore(%arg10 : memref<!tpu.dma_semaphore, #tpu.memory_space<semaphore_mem>>)
    %dma_wait3A = arith.constant 0 : i32
    %dma_wait3A_42 = arith.constant 0 : i32
    %dma_wait3A_43 = tpu.memref_slice %arg3[%select_n3A_34, %dma_wait3A, %dma_wait3A_42] : memref<2528x2x128xi32, #tpu.memory_space<hbm>> -> memref<1x2x128xi32, #tpu.memory_space<hbm>>
    %dma_wait3A_44 = tpu.memref_squeeze %dma_wait3A_43 : memref<1x2x128xi32, #tpu.memory_space<hbm>> -> memref<2x128xi32, #tpu.memory_space<hbm>>
    %dma_wait3A_45 = arith.constant 0 : i32
    %dma_wait3A_46 = arith.constant 0 : i32
    %dma_wait3A_47 = tpu.memref_slice %arg3[%select_n3A_34, %dma_wait3A_45, %dma_wait3A_46] : memref<2528x2x128xi32, #tpu.memory_space<hbm>> -> memref<1x2x128xi32, #tpu.memory_space<hbm>>
    %dma_wait3A_48 = tpu.memref_squeeze %dma_wait3A_47 : memref<1x2x128xi32, #tpu.memory_space<hbm>> -> memref<2x128xi32, #tpu.memory_space<hbm>>
    tpu.wait_dma2 semaphore(%arg10 : memref<!tpu.dma_semaphore, #tpu.memory_space<semaphore_mem>>) src(%dma_wait3A_48 : memref<2x128xi32, #tpu.memory_space<hbm>>) dst(%arg5 : memref<2x128xi32, #tpu.memory_space<vmem>>)
    %dma_start3A_49 = arith.constant 0 : i32
    %dma_start3A_50 = arith.constant 0 : i32
    %dma_start3A_51 = tpu.memref_slice %arg5[%dma_start3A_49, %dma_start3A_50] : memref<2x128xi32, #tpu.memory_space<vmem>> -> memref<1x128xi32, #tpu.memory_space<vmem>>
    %dma_start3A_52 = tpu.memref_squeeze %dma_start3A_51 : memref<1x128xi32, #tpu.memory_space<vmem>> -> memref<128xi32, #tpu.memory_space<vmem>>
    %dma_start3A_53 = arith.constant 0 : i32
    %dma_start3A_54 = arith.constant 0 : i32
    %dma_start3A_55 = tpu.memref_slice %arg2[%dma_start3A_53, %dma_start3A_54] : memref<10000x128xf32, #tpu.memory_space<hbm>> -> memref<10000x128xf32, #tpu.memory_space<hbm>>
    tpu.enqueue_indirect_dma source(%dma_start3A_55 : memref<10000x128xf32, #tpu.memory_space<hbm>>) target(%arg7 : memref<128x128xf32, #tpu.memory_space<vmem>>) offsets(%dma_start3A_52 : memref<128xi32, #tpu.memory_space<vmem>>) semaphore(%arg11 : memref<!tpu.dma_semaphore, #tpu.memory_space<semaphore_mem>>)
    %add3A_56 = arith.constant 1 : i32
    %add3A_57 = arith.addi %select_n3A_34, %add3A_56 : i32
    %dma_start3A_58 = arith.constant 0 : i32
    %dma_start3A_59 = arith.constant 0 : i32
    %dma_start3A_60 = tpu.memref_slice %arg3[%add3A_57, %dma_start3A_58, %dma_start3A_59] : memref<2528x2x128xi32, #tpu.memory_space<hbm>> -> memref<1x2x128xi32, #tpu.memory_space<hbm>>
    %dma_start3A_61 = tpu.memref_squeeze %dma_start3A_60 : memref<1x2x128xi32, #tpu.memory_space<hbm>> -> memref<2x128xi32, #tpu.memory_space<hbm>>
    %dma_start3A_62 = arith.constant 0 : i32
    %dma_start3A_63 = arith.constant 0 : i32
    %dma_start3A_64 = tpu.memref_slice %arg3[%add3A_57, %dma_start3A_62, %dma_start3A_63] : memref<2528x2x128xi32, #tpu.memory_space<hbm>> -> memref<1x2x128xi32, #tpu.memory_space<hbm>>
    %dma_start3A_65 = tpu.memref_squeeze %dma_start3A_64 : memref<1x2x128xi32, #tpu.memory_space<hbm>> -> memref<2x128xi32, #tpu.memory_space<hbm>>
    tpu.enqueue_dma source(%dma_start3A_65 : memref<2x128xi32, #tpu.memory_space<hbm>>) target(%arg6 : memref<2x128xi32, #tpu.memory_space<vmem>>) target_semaphore(%arg10 : memref<!tpu.dma_semaphore, #tpu.memory_space<semaphore_mem>>)
    %jit3A_66 = arith.constant 2 : i32
    %div3A = arith.divsi %select_n3A, %jit3A_66 : i32
    %sign3A = arith.constant 0 : i32
    %sign3A_67 = arith.cmpi sgt, %select_n3A, %sign3A : i32
    %sign3A_68 = arith.extui %sign3A_67 : i1 to i32
    %sign3A_69 = arith.constant 0 : i32
    %sign3A_70 = arith.cmpi slt, %select_n3A, %sign3A_69 : i32
    %sign3A_71 = arith.extui %sign3A_70 : i1 to i32
    %sign3A_72 = arith.subi %sign3A_68, %sign3A_71 : i32
    %sign3A_73 = arith.constant 0 : i32
    %sign3A_74 = arith.cmpi sgt, %jit3A_66, %sign3A_73 : i32
    %sign3A_75 = arith.extui %sign3A_74 : i1 to i32
    %sign3A_76 = arith.constant 0 : i32
    %sign3A_77 = arith.cmpi slt, %jit3A_66, %sign3A_76 : i32
    %sign3A_78 = arith.extui %sign3A_77 : i1 to i32
    %sign3A_79 = arith.subi %sign3A_75, %sign3A_78 : i32
    %ne3A = arith.cmpi ne, %sign3A_72, %sign3A_79 : i32
    %rem3A = arith.remsi %select_n3A, %jit3A_66 : i32
    %ne3A_80 = arith.constant 0 : i32
    %ne3A_81 = arith.cmpi ne, %rem3A, %ne3A_80 : i32
    %and3A = arith.andi %ne3A, %ne3A_81 : i1
    %sub3A = arith.constant 1 : i32
    %sub3A_82 = arith.subi %div3A, %sub3A : i32
    %select_n3A_83 = arith.select %and3A, %sub3A_82, %div3A : i32
    %while3A = arith.constant 0 : i32
    %while3A_84 = arith.constant 0 : i32
    %while3A_85 = arith.subi %select_n3A_83, %while3A : i32
    %while3A_86 = arith.addi %while3A, %while3A_85 : i32
    %while3A_87 = arith.constant 1 : i32
    %while3A_88 = arith.divsi %while3A_85, %while3A_87 : i32
    %while3A_89 = arith.muli %while3A_88, %while3A_87 : i32
    %while3A_90 = arith.addi %while3A, %while3A_89 : i32
    %while3A_91 = arith.constant 1 : i32
    %while3A_92 = scf.for %while3A_100 = %while3A to %while3A_90 step %while3A_91 iter_args(%while3A_101 = %while3A_84) -> (i32)  : i32 {
      %mul3A_102 = arith.constant 2 : i32
      %mul3A_103 = arith.muli %mul3A_102, %while3A_100 : i32
      %add3A_104 = arith.addi %select_n3A_34, %mul3A_103 : i32
      %add3A_105 = arith.constant 1 : i32
      %add3A_106 = arith.addi %add3A_104, %add3A_105 : i32
      %dma_wait3A_107 = arith.constant 0 : i32
      %dma_wait3A_108 = arith.constant 0 : i32
      %dma_wait3A_109 = tpu.memref_slice %arg3[%add3A_106, %dma_wait3A_107, %dma_wait3A_108] : memref<2528x2x128xi32, #tpu.memory_space<hbm>> -> memref<1x2x128xi32, #tpu.memory_space<hbm>>
      %dma_wait3A_110 = tpu.memref_squeeze %dma_wait3A_109 : memref<1x2x128xi32, #tpu.memory_space<hbm>> -> memref<2x128xi32, #tpu.memory_space<hbm>>
      %dma_wait3A_111 = arith.constant 0 : i32
      %dma_wait3A_112 = arith.constant 0 : i32
      %dma_wait3A_113 = tpu.memref_slice %arg3[%add3A_106, %dma_wait3A_111, %dma_wait3A_112] : memref<2528x2x128xi32, #tpu.memory_space<hbm>> -> memref<1x2x128xi32, #tpu.memory_space<hbm>>
      %dma_wait3A_114 = tpu.memref_squeeze %dma_wait3A_113 : memref<1x2x128xi32, #tpu.memory_space<hbm>> -> memref<2x128xi32, #tpu.memory_space<hbm>>
      tpu.wait_dma2 semaphore(%arg10 : memref<!tpu.dma_semaphore, #tpu.memory_space<semaphore_mem>>) src(%dma_wait3A_114 : memref<2x128xi32, #tpu.memory_space<hbm>>) dst(%arg6 : memref<2x128xi32, #tpu.memory_space<vmem>>)
      %dma_wait3A_115 = arith.constant 0 : i32
      %dma_wait3A_116 = arith.constant 0 : i32
      %dma_wait3A_117 = tpu.memref_slice %arg5[%dma_wait3A_115, %dma_wait3A_116] : memref<2x128xi32, #tpu.memory_space<vmem>> -> memref<1x128xi32, #tpu.memory_space<vmem>>
      %dma_wait3A_118 = tpu.memref_squeeze %dma_wait3A_117 : memref<1x128xi32, #tpu.memory_space<vmem>> -> memref<128xi32, #tpu.memory_space<vmem>>
      %dma_wait3A_119 = arith.constant 0 : i32
      %dma_wait3A_120 = arith.constant 0 : i32
      %dma_wait3A_121 = tpu.memref_slice %arg2[%dma_wait3A_119, %dma_wait3A_120] : memref<10000x128xf32, #tpu.memory_space<hbm>> -> memref<10000x128xf32, #tpu.memory_space<hbm>>
      tpu.wait_indirect_dma semaphore(%arg11 : memref<!tpu.dma_semaphore, #tpu.memory_space<semaphore_mem>>) src(%dma_wait3A_121 : memref<10000x128xf32, #tpu.memory_space<hbm>>) dst(%arg7 : memref<128x128xf32, #tpu.memory_space<vmem>>)
      %dma_start3A_122 = arith.constant 0 : i32
      %dma_start3A_123 = arith.constant 0 : i32
      %dma_start3A_124 = tpu.memref_slice %arg6[%dma_start3A_122, %dma_start3A_123] : memref<2x128xi32, #tpu.memory_space<vmem>> -> memref<1x128xi32, #tpu.memory_space<vmem>>
      %dma_start3A_125 = tpu.memref_squeeze %dma_start3A_124 : memref<1x128xi32, #tpu.memory_space<vmem>> -> memref<128xi32, #tpu.memory_space<vmem>>
      %dma_start3A_126 = arith.constant 0 : i32
      %dma_start3A_127 = arith.constant 0 : i32
      %dma_start3A_128 = tpu.memref_slice %arg2[%dma_start3A_126, %dma_start3A_127] : memref<10000x128xf32, #tpu.memory_space<hbm>> -> memref<10000x128xf32, #tpu.memory_space<hbm>>
      tpu.enqueue_indirect_dma source(%dma_start3A_128 : memref<10000x128xf32, #tpu.memory_space<hbm>>) target(%arg8 : memref<128x128xf32, #tpu.memory_space<vmem>>) offsets(%dma_start3A_125 : memref<128xi32, #tpu.memory_space<vmem>>) semaphore(%arg12 : memref<!tpu.dma_semaphore, #tpu.memory_space<semaphore_mem>>)
      %run_scoped3A = arith.constant 1 : i32
      "tpu.region"() ({
        %run_scoped3A_153 = tpu.sem_alloc : memref<!tpu.dma_semaphore, #tpu.memory_space<semaphore_mem>>
        %dma_start3A_154 = arith.constant 0 : i32
        %dma_start3A_155 = tpu.memref_slice %arg5[%run_scoped3A, %dma_start3A_154] : memref<2x128xi32, #tpu.memory_space<vmem>> -> memref<1x128xi32, #tpu.memory_space<vmem>>
        %dma_start3A_156 = tpu.memref_squeeze %dma_start3A_155 : memref<1x128xi32, #tpu.memory_space<vmem>> -> memref<128xi32, #tpu.memory_space<vmem>>
        %dma_start3A_157 = arith.constant 0 : i32
        %dma_start3A_158 = arith.constant 0 : i32
        %dma_start3A_159 = tpu.memref_slice %arg9[%dma_start3A_157, %dma_start3A_158] : memref<10240x128xf32, #tpu.memory_space<vmem_shared>> -> memref<10240x128xf32, #tpu.memory_space<vmem_shared>>
        tpu.enqueue_indirect_dma source(%arg7 : memref<128x128xf32, #tpu.memory_space<vmem>>) target(%dma_start3A_159 : memref<10240x128xf32, #tpu.memory_space<vmem_shared>>) offsets(%dma_start3A_156 : memref<128xi32, #tpu.memory_space<vmem>>) semaphore(%run_scoped3A_153 : memref<!tpu.dma_semaphore, #tpu.memory_space<semaphore_mem>>) {add = true}
        %dma_wait3A_160 = arith.constant 0 : i32
        %dma_wait3A_161 = tpu.memref_slice %arg5[%run_scoped3A, %dma_wait3A_160] : memref<2x128xi32, #tpu.memory_space<vmem>> -> memref<1x128xi32, #tpu.memory_space<vmem>>
        %dma_wait3A_162 = tpu.memref_squeeze %dma_wait3A_161 : memref<1x128xi32, #tpu.memory_space<vmem>> -> memref<128xi32, #tpu.memory_space<vmem>>
        %dma_wait3A_163 = arith.constant 0 : i32
        %dma_wait3A_164 = arith.constant 0 : i32
        %dma_wait3A_165 = tpu.memref_slice %arg9[%dma_wait3A_163, %dma_wait3A_164] : memref<10240x128xf32, #tpu.memory_space<vmem_shared>> -> memref<10240x128xf32, #tpu.memory_space<vmem_shared>>
        tpu.wait_indirect_dma semaphore(%run_scoped3A_153 : memref<!tpu.dma_semaphore, #tpu.memory_space<semaphore_mem>>) src(%arg7 : memref<128x128xf32, #tpu.memory_space<vmem>>) dst(%dma_wait3A_165 : memref<10240x128xf32, #tpu.memory_space<vmem_shared>>)
        tpu.yield
      }) : () -> ()
      %add3A_129 = arith.constant 2 : i32
      %add3A_130 = arith.addi %mul3A_103, %add3A_129 : i32
      %lt3A = arith.cmpi slt, %add3A_130, %select_n3A : i32
      %convert_element_type3A = arith.extui %lt3A : i1 to i32
      %cond3A = arith.constant 0 : i32
      %cond3A_131 = arith.cmpi ne, %convert_element_type3A, %cond3A : i32
      scf.if %cond3A_131 {
        %add3A_153 = arith.addi %select_n3A_34, %mul3A_103 : i32
        %add3A_154 = arith.constant 2 : i32
        %add3A_155 = arith.addi %add3A_153, %add3A_154 : i32
        %dma_start3A_156 = arith.constant 0 : i32
        %dma_start3A_157 = arith.constant 0 : i32
        %dma_start3A_158 = tpu.memref_slice %arg3[%add3A_155, %dma_start3A_156, %dma_start3A_157] : memref<2528x2x128xi32, #tpu.memory_space<hbm>> -> memref<1x2x128xi32, #tpu.memory_space<hbm>>
        %dma_start3A_159 = tpu.memref_squeeze %dma_start3A_158 : memref<1x2x128xi32, #tpu.memory_space<hbm>> -> memref<2x128xi32, #tpu.memory_space<hbm>>
        %dma_start3A_160 = arith.constant 0 : i32
        %dma_start3A_161 = arith.constant 0 : i32
        %dma_start3A_162 = tpu.memref_slice %arg3[%add3A_155, %dma_start3A_160, %dma_start3A_161] : memref<2528x2x128xi32, #tpu.memory_space<hbm>> -> memref<1x2x128xi32, #tpu.memory_space<hbm>>
        %dma_start3A_163 = tpu.memref_squeeze %dma_start3A_162 : memref<1x2x128xi32, #tpu.memory_space<hbm>> -> memref<2x128xi32, #tpu.memory_space<hbm>>
        tpu.enqueue_dma source(%dma_start3A_163 : memref<2x128xi32, #tpu.memory_space<hbm>>) target(%arg5 : memref<2x128xi32, #tpu.memory_space<vmem>>) target_semaphore(%arg10 : memref<!tpu.dma_semaphore, #tpu.memory_space<semaphore_mem>>)
      } else {
      }
      %dma_wait3A_132 = arith.constant 0 : i32
      %dma_wait3A_133 = arith.constant 0 : i32
      %dma_wait3A_134 = tpu.memref_slice %arg6[%dma_wait3A_132, %dma_wait3A_133] : memref<2x128xi32, #tpu.memory_space<vmem>> -> memref<1x128xi32, #tpu.memory_space<vmem>>
      %dma_wait3A_135 = tpu.memref_squeeze %dma_wait3A_134 : memref<1x128xi32, #tpu.memory_space<vmem>> -> memref<128xi32, #tpu.memory_space<vmem>>
      %dma_wait3A_136 = arith.constant 0 : i32
      %dma_wait3A_137 = arith.constant 0 : i32
      %dma_wait3A_138 = tpu.memref_slice %arg2[%dma_wait3A_136, %dma_wait3A_137] : memref<10000x128xf32, #tpu.memory_space<hbm>> -> memref<10000x128xf32, #tpu.memory_space<hbm>>
      tpu.wait_indirect_dma semaphore(%arg12 : memref<!tpu.dma_semaphore, #tpu.memory_space<semaphore_mem>>) src(%dma_wait3A_138 : memref<10000x128xf32, #tpu.memory_space<hbm>>) dst(%arg8 : memref<128x128xf32, #tpu.memory_space<vmem>>)
      %add3A_139 = arith.constant 2 : i32
      %add3A_140 = arith.addi %mul3A_103, %add3A_139 : i32
      %lt3A_141 = arith.cmpi slt, %add3A_140, %select_n3A : i32
      %convert_element_type3A_142 = arith.extui %lt3A_141 : i1 to i32
      %cond3A_143 = arith.constant 0 : i32
      %cond3A_144 = arith.cmpi ne, %convert_element_type3A_142, %cond3A_143 : i32
      scf.if %cond3A_144 {
        %add3A_153 = arith.addi %select_n3A_34, %mul3A_103 : i32
        %add3A_154 = arith.constant 2 : i32
        %add3A_155 = arith.addi %add3A_153, %add3A_154 : i32
        %dma_wait3A_156 = arith.constant 0 : i32
        %dma_wait3A_157 = arith.constant 0 : i32
        %dma_wait3A_158 = tpu.memref_slice %arg3[%add3A_155, %dma_wait3A_156, %dma_wait3A_157] : memref<2528x2x128xi32, #tpu.memory_space<hbm>> -> memref<1x2x128xi32, #tpu.memory_space<hbm>>
        %dma_wait3A_159 = tpu.memref_squeeze %dma_wait3A_158 : memref<1x2x128xi32, #tpu.memory_space<hbm>> -> memref<2x128xi32, #tpu.memory_space<hbm>>
        %dma_wait3A_160 = arith.constant 0 : i32
        %dma_wait3A_161 = arith.constant 0 : i32
        %dma_wait3A_162 = tpu.memref_slice %arg3[%add3A_155, %dma_wait3A_160, %dma_wait3A_161] : memref<2528x2x128xi32, #tpu.memory_space<hbm>> -> memref<1x2x128xi32, #tpu.memory_space<hbm>>
        %dma_wait3A_163 = tpu.memref_squeeze %dma_wait3A_162 : memref<1x2x128xi32, #tpu.memory_space<hbm>> -> memref<2x128xi32, #tpu.memory_space<hbm>>
        tpu.wait_dma2 semaphore(%arg10 : memref<!tpu.dma_semaphore, #tpu.memory_space<semaphore_mem>>) src(%dma_wait3A_163 : memref<2x128xi32, #tpu.memory_space<hbm>>) dst(%arg5 : memref<2x128xi32, #tpu.memory_space<vmem>>)
        %dma_start3A_164 = arith.constant 0 : i32
        %dma_start3A_165 = arith.constant 0 : i32
        %dma_start3A_166 = tpu.memref_slice %arg5[%dma_start3A_164, %dma_start3A_165] : memref<2x128xi32, #tpu.memory_space<vmem>> -> memref<1x128xi32, #tpu.memory_space<vmem>>
        %dma_start3A_167 = tpu.memref_squeeze %dma_start3A_166 : memref<1x128xi32, #tpu.memory_space<vmem>> -> memref<128xi32, #tpu.memory_space<vmem>>
        %dma_start3A_168 = arith.constant 0 : i32
        %dma_start3A_169 = arith.constant 0 : i32
        %dma_start3A_170 = tpu.memref_slice %arg2[%dma_start3A_168, %dma_start3A_169] : memref<10000x128xf32, #tpu.memory_space<hbm>> -> memref<10000x128xf32, #tpu.memory_space<hbm>>
        tpu.enqueue_indirect_dma source(%dma_start3A_170 : memref<10000x128xf32, #tpu.memory_space<hbm>>) target(%arg7 : memref<128x128xf32, #tpu.memory_space<vmem>>) offsets(%dma_start3A_167 : memref<128xi32, #tpu.memory_space<vmem>>) semaphore(%arg11 : memref<!tpu.dma_semaphore, #tpu.memory_space<semaphore_mem>>)
      } else {
      }
      %run_scoped3A_145 = arith.constant 1 : i32
      "tpu.region"() ({
        %run_scoped3A_153 = tpu.sem_alloc : memref<!tpu.dma_semaphore, #tpu.memory_space<semaphore_mem>>
        %dma_start3A_154 = arith.constant 0 : i32
        %dma_start3A_155 = tpu.memref_slice %arg6[%run_scoped3A_145, %dma_start3A_154] : memref<2x128xi32, #tpu.memory_space<vmem>> -> memref<1x128xi32, #tpu.memory_space<vmem>>
        %dma_start3A_156 = tpu.memref_squeeze %dma_start3A_155 : memref<1x128xi32, #tpu.memory_space<vmem>> -> memref<128xi32, #tpu.memory_space<vmem>>
        %dma_start3A_157 = arith.constant 0 : i32
        %dma_start3A_158 = arith.constant 0 : i32
        %dma_start3A_159 = tpu.memref_slice %arg9[%dma_start3A_157, %dma_start3A_158] : memref<10240x128xf32, #tpu.memory_space<vmem_shared>> -> memref<10240x128xf32, #tpu.memory_space<vmem_shared>>
        tpu.enqueue_indirect_dma source(%arg8 : memref<128x128xf32, #tpu.memory_space<vmem>>) target(%dma_start3A_159 : memref<10240x128xf32, #tpu.memory_space<vmem_shared>>) offsets(%dma_start3A_156 : memref<128xi32, #tpu.memory_space<vmem>>) semaphore(%run_scoped3A_153 : memref<!tpu.dma_semaphore, #tpu.memory_space<semaphore_mem>>) {add = true}
        %dma_wait3A_160 = arith.constant 0 : i32
        %dma_wait3A_161 = tpu.memref_slice %arg6[%run_scoped3A_145, %dma_wait3A_160] : memref<2x128xi32, #tpu.memory_space<vmem>> -> memref<1x128xi32, #tpu.memory_space<vmem>>
        %dma_wait3A_162 = tpu.memref_squeeze %dma_wait3A_161 : memref<1x128xi32, #tpu.memory_space<vmem>> -> memref<128xi32, #tpu.memory_space<vmem>>
        %dma_wait3A_163 = arith.constant 0 : i32
        %dma_wait3A_164 = arith.constant 0 : i32
        %dma_wait3A_165 = tpu.memref_slice %arg9[%dma_wait3A_163, %dma_wait3A_164] : memref<10240x128xf32, #tpu.memory_space<vmem_shared>> -> memref<10240x128xf32, #tpu.memory_space<vmem_shared>>
        tpu.wait_indirect_dma semaphore(%run_scoped3A_153 : memref<!tpu.dma_semaphore, #tpu.memory_space<semaphore_mem>>) src(%arg8 : memref<128x128xf32, #tpu.memory_space<vmem>>) dst(%dma_wait3A_165 : memref<10240x128xf32, #tpu.memory_space<vmem_shared>>)
        tpu.yield
      }) : () -> ()
      %add3A_146 = arith.constant 3 : i32
      %add3A_147 = arith.addi %mul3A_103, %add3A_146 : i32
      %lt3A_148 = arith.cmpi slt, %add3A_147, %select_n3A : i32
      %convert_element_type3A_149 = arith.extui %lt3A_148 : i1 to i32
      %cond3A_150 = arith.constant 0 : i32
      %cond3A_151 = arith.cmpi ne, %convert_element_type3A_149, %cond3A_150 : i32
      scf.if %cond3A_151 {
        %add3A_153 = arith.addi %select_n3A_34, %mul3A_103 : i32
        %add3A_154 = arith.constant 3 : i32
        %add3A_155 = arith.addi %add3A_153, %add3A_154 : i32
        %dma_start3A_156 = arith.constant 0 : i32
        %dma_start3A_157 = arith.constant 0 : i32
        %dma_start3A_158 = tpu.memref_slice %arg3[%add3A_155, %dma_start3A_156, %dma_start3A_157] : memref<2528x2x128xi32, #tpu.memory_space<hbm>> -> memref<1x2x128xi32, #tpu.memory_space<hbm>>
        %dma_start3A_159 = tpu.memref_squeeze %dma_start3A_158 : memref<1x2x128xi32, #tpu.memory_space<hbm>> -> memref<2x128xi32, #tpu.memory_space<hbm>>
        %dma_start3A_160 = arith.constant 0 : i32
        %dma_start3A_161 = arith.constant 0 : i32
        %dma_start3A_162 = tpu.memref_slice %arg3[%add3A_155, %dma_start3A_160, %dma_start3A_161] : memref<2528x2x128xi32, #tpu.memory_space<hbm>> -> memref<1x2x128xi32, #tpu.memory_space<hbm>>
        %dma_start3A_163 = tpu.memref_squeeze %dma_start3A_162 : memref<1x2x128xi32, #tpu.memory_space<hbm>> -> memref<2x128xi32, #tpu.memory_space<hbm>>
        tpu.enqueue_dma source(%dma_start3A_163 : memref<2x128xi32, #tpu.memory_space<hbm>>) target(%arg6 : memref<2x128xi32, #tpu.memory_space<vmem>>) target_semaphore(%arg10 : memref<!tpu.dma_semaphore, #tpu.memory_space<semaphore_mem>>)
      } else {
      }
      %while3A_152 = arith.constant 0 : i32
      scf.yield %while3A_152 : i32
    }
    %while3A_93 = arith.constant 1 : i32
    %while3A_94 = scf.for %while3A_100 = %while3A_90 to %while3A_86 step %while3A_93 iter_args(%while3A_101 = %while3A_92) -> (i32)  : i32 {
      %mul3A_102 = arith.constant 2 : i32
      %mul3A_103 = arith.muli %mul3A_102, %while3A_100 : i32
      %add3A_104 = arith.addi %select_n3A_34, %mul3A_103 : i32
      %add3A_105 = arith.constant 1 : i32
      %add3A_106 = arith.addi %add3A_104, %add3A_105 : i32
      %dma_wait3A_107 = arith.constant 0 : i32
      %dma_wait3A_108 = arith.constant 0 : i32
      %dma_wait3A_109 = tpu.memref_slice %arg3[%add3A_106, %dma_wait3A_107, %dma_wait3A_108] : memref<2528x2x128xi32, #tpu.memory_space<hbm>> -> memref<1x2x128xi32, #tpu.memory_space<hbm>>
      %dma_wait3A_110 = tpu.memref_squeeze %dma_wait3A_109 : memref<1x2x128xi32, #tpu.memory_space<hbm>> -> memref<2x128xi32, #tpu.memory_space<hbm>>
      %dma_wait3A_111 = arith.constant 0 : i32
      %dma_wait3A_112 = arith.constant 0 : i32
      %dma_wait3A_113 = tpu.memref_slice %arg3[%add3A_106, %dma_wait3A_111, %dma_wait3A_112] : memref<2528x2x128xi32, #tpu.memory_space<hbm>> -> memref<1x2x128xi32, #tpu.memory_space<hbm>>
      %dma_wait3A_114 = tpu.memref_squeeze %dma_wait3A_113 : memref<1x2x128xi32, #tpu.memory_space<hbm>> -> memref<2x128xi32, #tpu.memory_space<hbm>>
      tpu.wait_dma2 semaphore(%arg10 : memref<!tpu.dma_semaphore, #tpu.memory_space<semaphore_mem>>) src(%dma_wait3A_114 : memref<2x128xi32, #tpu.memory_space<hbm>>) dst(%arg6 : memref<2x128xi32, #tpu.memory_space<vmem>>)
      %dma_wait3A_115 = arith.constant 0 : i32
      %dma_wait3A_116 = arith.constant 0 : i32
      %dma_wait3A_117 = tpu.memref_slice %arg5[%dma_wait3A_115, %dma_wait3A_116] : memref<2x128xi32, #tpu.memory_space<vmem>> -> memref<1x128xi32, #tpu.memory_space<vmem>>
      %dma_wait3A_118 = tpu.memref_squeeze %dma_wait3A_117 : memref<1x128xi32, #tpu.memory_space<vmem>> -> memref<128xi32, #tpu.memory_space<vmem>>
      %dma_wait3A_119 = arith.constant 0 : i32
      %dma_wait3A_120 = arith.constant 0 : i32
      %dma_wait3A_121 = tpu.memref_slice %arg2[%dma_wait3A_119, %dma_wait3A_120] : memref<10000x128xf32, #tpu.memory_space<hbm>> -> memref<10000x128xf32, #tpu.memory_space<hbm>>
      tpu.wait_indirect_dma semaphore(%arg11 : memref<!tpu.dma_semaphore, #tpu.memory_space<semaphore_mem>>) src(%dma_wait3A_121 : memref<10000x128xf32, #tpu.memory_space<hbm>>) dst(%arg7 : memref<128x128xf32, #tpu.memory_space<vmem>>)
      %dma_start3A_122 = arith.constant 0 : i32
      %dma_start3A_123 = arith.constant 0 : i32
      %dma_start3A_124 = tpu.memref_slice %arg6[%dma_start3A_122, %dma_start3A_123] : memref<2x128xi32, #tpu.memory_space<vmem>> -> memref<1x128xi32, #tpu.memory_space<vmem>>
      %dma_start3A_125 = tpu.memref_squeeze %dma_start3A_124 : memref<1x128xi32, #tpu.memory_space<vmem>> -> memref<128xi32, #tpu.memory_space<vmem>>
      %dma_start3A_126 = arith.constant 0 : i32
      %dma_start3A_127 = arith.constant 0 : i32
      %dma_start3A_128 = tpu.memref_slice %arg2[%dma_start3A_126, %dma_start3A_127] : memref<10000x128xf32, #tpu.memory_space<hbm>> -> memref<10000x128xf32, #tpu.memory_space<hbm>>
      tpu.enqueue_indirect_dma source(%dma_start3A_128 : memref<10000x128xf32, #tpu.memory_space<hbm>>) target(%arg8 : memref<128x128xf32, #tpu.memory_space<vmem>>) offsets(%dma_start3A_125 : memref<128xi32, #tpu.memory_space<vmem>>) semaphore(%arg12 : memref<!tpu.dma_semaphore, #tpu.memory_space<semaphore_mem>>)
      %run_scoped3A = arith.constant 1 : i32
      "tpu.region"() ({
        %run_scoped3A_153 = tpu.sem_alloc : memref<!tpu.dma_semaphore, #tpu.memory_space<semaphore_mem>>
        %dma_start3A_154 = arith.constant 0 : i32
        %dma_start3A_155 = tpu.memref_slice %arg5[%run_scoped3A, %dma_start3A_154] : memref<2x128xi32, #tpu.memory_space<vmem>> -> memref<1x128xi32, #tpu.memory_space<vmem>>
        %dma_start3A_156 = tpu.memref_squeeze %dma_start3A_155 : memref<1x128xi32, #tpu.memory_space<vmem>> -> memref<128xi32, #tpu.memory_space<vmem>>
        %dma_start3A_157 = arith.constant 0 : i32
        %dma_start3A_158 = arith.constant 0 : i32
        %dma_start3A_159 = tpu.memref_slice %arg9[%dma_start3A_157, %dma_start3A_158] : memref<10240x128xf32, #tpu.memory_space<vmem_shared>> -> memref<10240x128xf32, #tpu.memory_space<vmem_shared>>
        tpu.enqueue_indirect_dma source(%arg7 : memref<128x128xf32, #tpu.memory_space<vmem>>) target(%dma_start3A_159 : memref<10240x128xf32, #tpu.memory_space<vmem_shared>>) offsets(%dma_start3A_156 : memref<128xi32, #tpu.memory_space<vmem>>) semaphore(%run_scoped3A_153 : memref<!tpu.dma_semaphore, #tpu.memory_space<semaphore_mem>>) {add = true}
        %dma_wait3A_160 = arith.constant 0 : i32
        %dma_wait3A_161 = tpu.memref_slice %arg5[%run_scoped3A, %dma_wait3A_160] : memref<2x128xi32, #tpu.memory_space<vmem>> -> memref<1x128xi32, #tpu.memory_space<vmem>>
        %dma_wait3A_162 = tpu.memref_squeeze %dma_wait3A_161 : memref<1x128xi32, #tpu.memory_space<vmem>> -> memref<128xi32, #tpu.memory_space<vmem>>
        %dma_wait3A_163 = arith.constant 0 : i32
        %dma_wait3A_164 = arith.constant 0 : i32
        %dma_wait3A_165 = tpu.memref_slice %arg9[%dma_wait3A_163, %dma_wait3A_164] : memref<10240x128xf32, #tpu.memory_space<vmem_shared>> -> memref<10240x128xf32, #tpu.memory_space<vmem_shared>>
        tpu.wait_indirect_dma semaphore(%run_scoped3A_153 : memref<!tpu.dma_semaphore, #tpu.memory_space<semaphore_mem>>) src(%arg7 : memref<128x128xf32, #tpu.memory_space<vmem>>) dst(%dma_wait3A_165 : memref<10240x128xf32, #tpu.memory_space<vmem_shared>>)
        tpu.yield
      }) : () -> ()
      %add3A_129 = arith.constant 2 : i32
      %add3A_130 = arith.addi %mul3A_103, %add3A_129 : i32
      %lt3A = arith.cmpi slt, %add3A_130, %select_n3A : i32
      %convert_element_type3A = arith.extui %lt3A : i1 to i32
      %cond3A = arith.constant 0 : i32
      %cond3A_131 = arith.cmpi ne, %convert_element_type3A, %cond3A : i32
      scf.if %cond3A_131 {
        %add3A_153 = arith.addi %select_n3A_34, %mul3A_103 : i32
        %add3A_154 = arith.constant 2 : i32
        %add3A_155 = arith.addi %add3A_153, %add3A_154 : i32
        %dma_start3A_156 = arith.constant 0 : i32
        %dma_start3A_157 = arith.constant 0 : i32
        %dma_start3A_158 = tpu.memref_slice %arg3[%add3A_155, %dma_start3A_156, %dma_start3A_157] : memref<2528x2x128xi32, #tpu.memory_space<hbm>> -> memref<1x2x128xi32, #tpu.memory_space<hbm>>
        %dma_start3A_159 = tpu.memref_squeeze %dma_start3A_158 : memref<1x2x128xi32, #tpu.memory_space<hbm>> -> memref<2x128xi32, #tpu.memory_space<hbm>>
        %dma_start3A_160 = arith.constant 0 : i32
        %dma_start3A_161 = arith.constant 0 : i32
        %dma_start3A_162 = tpu.memref_slice %arg3[%add3A_155, %dma_start3A_160, %dma_start3A_161] : memref<2528x2x128xi32, #tpu.memory_space<hbm>> -> memref<1x2x128xi32, #tpu.memory_space<hbm>>
        %dma_start3A_163 = tpu.memref_squeeze %dma_start3A_162 : memref<1x2x128xi32, #tpu.memory_space<hbm>> -> memref<2x128xi32, #tpu.memory_space<hbm>>
        tpu.enqueue_dma source(%dma_start3A_163 : memref<2x128xi32, #tpu.memory_space<hbm>>) target(%arg5 : memref<2x128xi32, #tpu.memory_space<vmem>>) target_semaphore(%arg10 : memref<!tpu.dma_semaphore, #tpu.memory_space<semaphore_mem>>)
      } else {
      }
      %dma_wait3A_132 = arith.constant 0 : i32
      %dma_wait3A_133 = arith.constant 0 : i32
      %dma_wait3A_134 = tpu.memref_slice %arg6[%dma_wait3A_132, %dma_wait3A_133] : memref<2x128xi32, #tpu.memory_space<vmem>> -> memref<1x128xi32, #tpu.memory_space<vmem>>
      %dma_wait3A_135 = tpu.memref_squeeze %dma_wait3A_134 : memref<1x128xi32, #tpu.memory_space<vmem>> -> memref<128xi32, #tpu.memory_space<vmem>>
      %dma_wait3A_136 = arith.constant 0 : i32
      %dma_wait3A_137 = arith.constant 0 : i32
      %dma_wait3A_138 = tpu.memref_slice %arg2[%dma_wait3A_136, %dma_wait3A_137] : memref<10000x128xf32, #tpu.memory_space<hbm>> -> memref<10000x128xf32, #tpu.memory_space<hbm>>
      tpu.wait_indirect_dma semaphore(%arg12 : memref<!tpu.dma_semaphore, #tpu.memory_space<semaphore_mem>>) src(%dma_wait3A_138 : memref<10000x128xf32, #tpu.memory_space<hbm>>) dst(%arg8 : memref<128x128xf32, #tpu.memory_space<vmem>>)
      %add3A_139 = arith.constant 2 : i32
      %add3A_140 = arith.addi %mul3A_103, %add3A_139 : i32
      %lt3A_141 = arith.cmpi slt, %add3A_140, %select_n3A : i32
      %convert_element_type3A_142 = arith.extui %lt3A_141 : i1 to i32
      %cond3A_143 = arith.constant 0 : i32
      %cond3A_144 = arith.cmpi ne, %convert_element_type3A_142, %cond3A_143 : i32
      scf.if %cond3A_144 {
        %add3A_153 = arith.addi %select_n3A_34, %mul3A_103 : i32
        %add3A_154 = arith.constant 2 : i32
        %add3A_155 = arith.addi %add3A_153, %add3A_154 : i32
        %dma_wait3A_156 = arith.constant 0 : i32
        %dma_wait3A_157 = arith.constant 0 : i32
        %dma_wait3A_158 = tpu.memref_slice %arg3[%add3A_155, %dma_wait3A_156, %dma_wait3A_157] : memref<2528x2x128xi32, #tpu.memory_space<hbm>> -> memref<1x2x128xi32, #tpu.memory_space<hbm>>
        %dma_wait3A_159 = tpu.memref_squeeze %dma_wait3A_158 : memref<1x2x128xi32, #tpu.memory_space<hbm>> -> memref<2x128xi32, #tpu.memory_space<hbm>>
        %dma_wait3A_160 = arith.constant 0 : i32
        %dma_wait3A_161 = arith.constant 0 : i32
        %dma_wait3A_162 = tpu.memref_slice %arg3[%add3A_155, %dma_wait3A_160, %dma_wait3A_161] : memref<2528x2x128xi32, #tpu.memory_space<hbm>> -> memref<1x2x128xi32, #tpu.memory_space<hbm>>
        %dma_wait3A_163 = tpu.memref_squeeze %dma_wait3A_162 : memref<1x2x128xi32, #tpu.memory_space<hbm>> -> memref<2x128xi32, #tpu.memory_space<hbm>>
        tpu.wait_dma2 semaphore(%arg10 : memref<!tpu.dma_semaphore, #tpu.memory_space<semaphore_mem>>) src(%dma_wait3A_163 : memref<2x128xi32, #tpu.memory_space<hbm>>) dst(%arg5 : memref<2x128xi32, #tpu.memory_space<vmem>>)
        %dma_start3A_164 = arith.constant 0 : i32
        %dma_start3A_165 = arith.constant 0 : i32
        %dma_start3A_166 = tpu.memref_slice %arg5[%dma_start3A_164, %dma_start3A_165] : memref<2x128xi32, #tpu.memory_space<vmem>> -> memref<1x128xi32, #tpu.memory_space<vmem>>
        %dma_start3A_167 = tpu.memref_squeeze %dma_start3A_166 : memref<1x128xi32, #tpu.memory_space<vmem>> -> memref<128xi32, #tpu.memory_space<vmem>>
        %dma_start3A_168 = arith.constant 0 : i32
        %dma_start3A_169 = arith.constant 0 : i32
        %dma_start3A_170 = tpu.memref_slice %arg2[%dma_start3A_168, %dma_start3A_169] : memref<10000x128xf32, #tpu.memory_space<hbm>> -> memref<10000x128xf32, #tpu.memory_space<hbm>>
        tpu.enqueue_indirect_dma source(%dma_start3A_170 : memref<10000x128xf32, #tpu.memory_space<hbm>>) target(%arg7 : memref<128x128xf32, #tpu.memory_space<vmem>>) offsets(%dma_start3A_167 : memref<128xi32, #tpu.memory_space<vmem>>) semaphore(%arg11 : memref<!tpu.dma_semaphore, #tpu.memory_space<semaphore_mem>>)
      } else {
      }
      %run_scoped3A_145 = arith.constant 1 : i32
      "tpu.region"() ({
        %run_scoped3A_153 = tpu.sem_alloc : memref<!tpu.dma_semaphore, #tpu.memory_space<semaphore_mem>>
        %dma_start3A_154 = arith.constant 0 : i32
        %dma_start3A_155 = tpu.memref_slice %arg6[%run_scoped3A_145, %dma_start3A_154] : memref<2x128xi32, #tpu.memory_space<vmem>> -> memref<1x128xi32, #tpu.memory_space<vmem>>
        %dma_start3A_156 = tpu.memref_squeeze %dma_start3A_155 : memref<1x128xi32, #tpu.memory_space<vmem>> -> memref<128xi32, #tpu.memory_space<vmem>>
        %dma_start3A_157 = arith.constant 0 : i32
        %dma_start3A_158 = arith.constant 0 : i32
        %dma_start3A_159 = tpu.memref_slice %arg9[%dma_start3A_157, %dma_start3A_158] : memref<10240x128xf32, #tpu.memory_space<vmem_shared>> -> memref<10240x128xf32, #tpu.memory_space<vmem_shared>>
        tpu.enqueue_indirect_dma source(%arg8 : memref<128x128xf32, #tpu.memory_space<vmem>>) target(%dma_start3A_159 : memref<10240x128xf32, #tpu.memory_space<vmem_shared>>) offsets(%dma_start3A_156 : memref<128xi32, #tpu.memory_space<vmem>>) semaphore(%run_scoped3A_153 : memref<!tpu.dma_semaphore, #tpu.memory_space<semaphore_mem>>) {add = true}
        %dma_wait3A_160 = arith.constant 0 : i32
        %dma_wait3A_161 = tpu.memref_slice %arg6[%run_scoped3A_145, %dma_wait3A_160] : memref<2x128xi32, #tpu.memory_space<vmem>> -> memref<1x128xi32, #tpu.memory_space<vmem>>
        %dma_wait3A_162 = tpu.memref_squeeze %dma_wait3A_161 : memref<1x128xi32, #tpu.memory_space<vmem>> -> memref<128xi32, #tpu.memory_space<vmem>>
        %dma_wait3A_163 = arith.constant 0 : i32
        %dma_wait3A_164 = arith.constant 0 : i32
        %dma_wait3A_165 = tpu.memref_slice %arg9[%dma_wait3A_163, %dma_wait3A_164] : memref<10240x128xf32, #tpu.memory_space<vmem_shared>> -> memref<10240x128xf32, #tpu.memory_space<vmem_shared>>
        tpu.wait_indirect_dma semaphore(%run_scoped3A_153 : memref<!tpu.dma_semaphore, #tpu.memory_space<semaphore_mem>>) src(%arg8 : memref<128x128xf32, #tpu.memory_space<vmem>>) dst(%dma_wait3A_165 : memref<10240x128xf32, #tpu.memory_space<vmem_shared>>)
        tpu.yield
      }) : () -> ()
      %add3A_146 = arith.constant 3 : i32
      %add3A_147 = arith.addi %mul3A_103, %add3A_146 : i32
      %lt3A_148 = arith.cmpi slt, %add3A_147, %select_n3A : i32
      %convert_element_type3A_149 = arith.extui %lt3A_148 : i1 to i32
      %cond3A_150 = arith.constant 0 : i32
      %cond3A_151 = arith.cmpi ne, %convert_element_type3A_149, %cond3A_150 : i32
      scf.if %cond3A_151 {
        %add3A_153 = arith.addi %select_n3A_34, %mul3A_103 : i32
        %add3A_154 = arith.constant 3 : i32
        %add3A_155 = arith.addi %add3A_153, %add3A_154 : i32
        %dma_start3A_156 = arith.constant 0 : i32
        %dma_start3A_157 = arith.constant 0 : i32
        %dma_start3A_158 = tpu.memref_slice %arg3[%add3A_155, %dma_start3A_156, %dma_start3A_157] : memref<2528x2x128xi32, #tpu.memory_space<hbm>> -> memref<1x2x128xi32, #tpu.memory_space<hbm>>
        %dma_start3A_159 = tpu.memref_squeeze %dma_start3A_158 : memref<1x2x128xi32, #tpu.memory_space<hbm>> -> memref<2x128xi32, #tpu.memory_space<hbm>>
        %dma_start3A_160 = arith.constant 0 : i32
        %dma_start3A_161 = arith.constant 0 : i32
        %dma_start3A_162 = tpu.memref_slice %arg3[%add3A_155, %dma_start3A_160, %dma_start3A_161] : memref<2528x2x128xi32, #tpu.memory_space<hbm>> -> memref<1x2x128xi32, #tpu.memory_space<hbm>>
        %dma_start3A_163 = tpu.memref_squeeze %dma_start3A_162 : memref<1x2x128xi32, #tpu.memory_space<hbm>> -> memref<2x128xi32, #tpu.memory_space<hbm>>
        tpu.enqueue_dma source(%dma_start3A_163 : memref<2x128xi32, #tpu.memory_space<hbm>>) target(%arg6 : memref<2x128xi32, #tpu.memory_space<vmem>>) target_semaphore(%arg10 : memref<!tpu.dma_semaphore, #tpu.memory_space<semaphore_mem>>)
      } else {
      }
      %while3A_152 = arith.constant 0 : i32
      scf.yield %while3A_152 : i32
    }
    %barrier3A_95 = arith.constant 0 : index
    tpu.barrier barrier_id(%barrier3A_95)
    %mul3A_96 = arith.constant 640 : i32
    %mul3A_97 = arith.muli %arg1, %mul3A_96 : i32
    %mul3A_98 = arith.constant 640 : i32
    %mul3A_99 = arith.muli %arg1, %mul3A_98 : i32
    "tpu.region"() ({
      %run_scoped3A = tpu.sem_alloc : memref<!tpu.dma_semaphore, #tpu.memory_space<semaphore_mem>>
      %dma_start3A_100 = arith.constant 0 : i32
      %dma_start3A_101 = tpu.memref_slice %arg4[%arg0, %mul3A_99, %dma_start3A_100] : memref<2x10240x128xf32, #tpu.memory_space<hbm>> -> memref<1x640x128xf32, #tpu.memory_space<hbm>>
      %dma_start3A_102 = tpu.memref_squeeze %dma_start3A_101 : memref<1x640x128xf32, #tpu.memory_space<hbm>> -> memref<640x128xf32, #tpu.memory_space<hbm>>
      %dma_start3A_103 = arith.constant 0 : i32
      %dma_start3A_104 = tpu.memref_slice %arg9[%mul3A_97, %dma_start3A_103] : memref<10240x128xf32, #tpu.memory_space<vmem_shared>> -> memref<640x128xf32, #tpu.memory_space<vmem_shared>>
      tpu.enqueue_dma source(%dma_start3A_104 : memref<640x128xf32, #tpu.memory_space<vmem_shared>>) target(%dma_start3A_102 : memref<640x128xf32, #tpu.memory_space<hbm>>) target_semaphore(%run_scoped3A : memref<!tpu.dma_semaphore, #tpu.memory_space<semaphore_mem>>)
      %dma_wait3A_105 = arith.constant 0 : i32
      %dma_wait3A_106 = tpu.memref_slice %arg4[%arg0, %mul3A_99, %dma_wait3A_105] : memref<2x10240x128xf32, #tpu.memory_space<hbm>> -> memref<1x640x128xf32, #tpu.memory_space<hbm>>
      %dma_wait3A_107 = tpu.memref_squeeze %dma_wait3A_106 : memref<1x640x128xf32, #tpu.memory_space<hbm>> -> memref<640x128xf32, #tpu.memory_space<hbm>>
      %dma_wait3A_108 = arith.constant 0 : i32
      %dma_wait3A_109 = tpu.memref_slice %arg9[%mul3A_97, %dma_wait3A_108] : memref<10240x128xf32, #tpu.memory_space<vmem_shared>> -> memref<640x128xf32, #tpu.memory_space<vmem_shared>>
      tpu.wait_dma2 semaphore(%run_scoped3A : memref<!tpu.dma_semaphore, #tpu.memory_space<semaphore_mem>>) src(%dma_wait3A_109 : memref<640x128xf32, #tpu.memory_space<vmem_shared>>) dst(%dma_wait3A_107 : memref<640x128xf32, #tpu.memory_space<hbm>>)
      tpu.yield
    }) : () -> ()
    return
  }
}

#map = affine_map<(d0, d1) -> (0, 0)>
#map1 = affine_map<(d0, d1) -> (0, 0, 0)>
module attributes {stable_mosaic.version = 14 : i64} {
  func.func @_sc_scatter_body(%arg0: i32, %arg1: i32, %arg2: memref<10000x128xf32, #tpu.memory_space<hbm>>, %arg3: memref<2528x2x128xi32, #tpu.memory_space<hbm>>, %arg4: memref<2x10240x128xf32, #tpu.memory_space<hbm>>, %arg5: memref<2x128xi32, #tpu.memory_space<vmem>>, %arg6: memref<2x128xi32, #tpu.memory_space<vmem>>, %arg7: memref<128x128xf32, #tpu.memory_space<vmem>>, %arg8: memref<128x128xf32, #tpu.memory_space<vmem>>, %arg9: memref<10240x128xf32, #tpu.memory_space<vmem_shared>>, %arg10: memref<!tpu.dma_semaphore, #tpu.memory_space<semaphore_mem>>, %arg11: memref<!tpu.dma_semaphore, #tpu.memory_space<semaphore_mem>>, %arg12: memref<!tpu.dma_semaphore, #tpu.memory_space<semaphore_mem>>) attributes {dimension_semantics = [#tpu.dimension_semantics<core_parallel>, #tpu.dimension_semantics<subcore_parallel>], iteration_bounds = array<i64: 2, 16>, scalar_prefetch = 0 : i64, scratch_operands = 8 : i64, tpu.core_type = #tpu.core_type<sc_vector_subcore>, window_params = [{transform_indices = #map}, {transform_indices = #map1}, {transform_indices = #map1}]} {
    %scan3A = arith.constant 0 : i32
    %scan3A_0 = arith.constant 0 : i32
    %scan3A_1 = arith.constant 128 : i32
    %scan3A_2 = arith.addi %scan3A_0, %scan3A_1 : i32
    %scan3A_3 = arith.constant 1 : i32
    %scan3A_4 = scf.for %scan3A_100 = %scan3A_0 to %scan3A_2 step %scan3A_3 iter_args(%scan3A_101 = %scan3A) -> (i32)  : i32 {
      %broadcast_in_dim3A = arith.constant 0.000000e+00 : f32
      %broadcast_in_dim3A_102 = vector.broadcast %broadcast_in_dim3A : f32 to vector<16xf32>
      %swap3A = arith.index_cast %scan3A_100 : i32 to index
      %swap3A_103 = arith.constant 0 : index
      %swap3A_104 = tpu.vector_load %arg7[%swap3A, %swap3A_103] {strides = array<i32>} : memref<128x128xf32, #tpu.memory_space<vmem>>, vector<1x16xf32>,
      %swap3A_105 = vector.shape_cast %swap3A_104 : vector<1x16xf32> to vector<16xf32>
      %swap3A_106 = vector.shape_cast %broadcast_in_dim3A_102 : vector<16xf32> to vector<1x16xf32>
      tpu.vector_store %arg7[%swap3A, %swap3A_103], %swap3A_106 {strides = array<i32>} : memref<128x128xf32, #tpu.memory_space<vmem>>, vector<1x16xf32>,
      %broadcast_in_dim3A_107 = arith.constant 0.000000e+00 : f32
      %broadcast_in_dim3A_108 = vector.broadcast %broadcast_in_dim3A_107 : f32 to vector<16xf32>
      %swap3A_109 = arith.index_cast %scan3A_100 : i32 to index
      %swap3A_110 = arith.constant 16 : index
      %swap3A_111 = tpu.vector_load %arg7[%swap3A_109, %swap3A_110] {strides = array<i32>} : memref<128x128xf32, #tpu.memory_space<vmem>>, vector<1x16xf32>,
      %swap3A_112 = vector.shape_cast %swap3A_111 : vector<1x16xf32> to vector<16xf32>
      %swap3A_113 = vector.shape_cast %broadcast_in_dim3A_108 : vector<16xf32> to vector<1x16xf32>
      tpu.vector_store %arg7[%swap3A_109, %swap3A_110], %swap3A_113 {strides = array<i32>} : memref<128x128xf32, #tpu.memory_space<vmem>>, vector<1x16xf32>,
      %broadcast_in_dim3A_114 = arith.constant 0.000000e+00 : f32
      %broadcast_in_dim3A_115 = vector.broadcast %broadcast_in_dim3A_114 : f32 to vector<16xf32>
      %swap3A_116 = arith.index_cast %scan3A_100 : i32 to index
      %swap3A_117 = arith.constant 32 : index
      %swap3A_118 = tpu.vector_load %arg7[%swap3A_116, %swap3A_117] {strides = array<i32>} : memref<128x128xf32, #tpu.memory_space<vmem>>, vector<1x16xf32>,
      %swap3A_119 = vector.shape_cast %swap3A_118 : vector<1x16xf32> to vector<16xf32>
      %swap3A_120 = vector.shape_cast %broadcast_in_dim3A_115 : vector<16xf32> to vector<1x16xf32>
      tpu.vector_store %arg7[%swap3A_116, %swap3A_117], %swap3A_120 {strides = array<i32>} : memref<128x128xf32, #tpu.memory_space<vmem>>, vector<1x16xf32>,
      %broadcast_in_dim3A_121 = arith.constant 0.000000e+00 : f32
      %broadcast_in_dim3A_122 = vector.broadcast %broadcast_in_dim3A_121 : f32 to vector<16xf32>
      %swap3A_123 = arith.index_cast %scan3A_100 : i32 to index
      %swap3A_124 = arith.constant 48 : index
      %swap3A_125 = tpu.vector_load %arg7[%swap3A_123, %swap3A_124] {strides = array<i32>} : memref<128x128xf32, #tpu.memory_space<vmem>>, vector<1x16xf32>,
      %swap3A_126 = vector.shape_cast %swap3A_125 : vector<1x16xf32> to vector<16xf32>
      %swap3A_127 = vector.shape_cast %broadcast_in_dim3A_122 : vector<16xf32> to vector<1x16xf32>
      tpu.vector_store %arg7[%swap3A_123, %swap3A_124], %swap3A_127 {strides = array<i32>} : memref<128x128xf32, #tpu.memory_space<vmem>>, vector<1x16xf32>,
      %broadcast_in_dim3A_128 = arith.constant 0.000000e+00 : f32
      %broadcast_in_dim3A_129 = vector.broadcast %broadcast_in_dim3A_128 : f32 to vector<16xf32>
      %swap3A_130 = arith.index_cast %scan3A_100 : i32 to index
      %swap3A_131 = arith.constant 64 : index
      %swap3A_132 = tpu.vector_load %arg7[%swap3A_130, %swap3A_131] {strides = array<i32>} : memref<128x128xf32, #tpu.memory_space<vmem>>, vector<1x16xf32>,
      %swap3A_133 = vector.shape_cast %swap3A_132 : vector<1x16xf32> to vector<16xf32>
      %swap3A_134 = vector.shape_cast %broadcast_in_dim3A_129 : vector<16xf32> to vector<1x16xf32>
      tpu.vector_store %arg7[%swap3A_130, %swap3A_131], %swap3A_134 {strides = array<i32>} : memref<128x128xf32, #tpu.memory_space<vmem>>, vector<1x16xf32>,
      %broadcast_in_dim3A_135 = arith.constant 0.000000e+00 : f32
      %broadcast_in_dim3A_136 = vector.broadcast %broadcast_in_dim3A_135 : f32 to vector<16xf32>
      %swap3A_137 = arith.index_cast %scan3A_100 : i32 to index
      %swap3A_138 = arith.constant 80 : index
      %swap3A_139 = tpu.vector_load %arg7[%swap3A_137, %swap3A_138] {strides = array<i32>} : memref<128x128xf32, #tpu.memory_space<vmem>>, vector<1x16xf32>,
      %swap3A_140 = vector.shape_cast %swap3A_139 : vector<1x16xf32> to vector<16xf32>
      %swap3A_141 = vector.shape_cast %broadcast_in_dim3A_136 : vector<16xf32> to vector<1x16xf32>
      tpu.vector_store %arg7[%swap3A_137, %swap3A_138], %swap3A_141 {strides = array<i32>} : memref<128x128xf32, #tpu.memory_space<vmem>>, vector<1x16xf32>,
      %broadcast_in_dim3A_142 = arith.constant 0.000000e+00 : f32
      %broadcast_in_dim3A_143 = vector.broadcast %broadcast_in_dim3A_142 : f32 to vector<16xf32>
      %swap3A_144 = arith.index_cast %scan3A_100 : i32 to index
      %swap3A_145 = arith.constant 96 : index
      %swap3A_146 = tpu.vector_load %arg7[%swap3A_144, %swap3A_145] {strides = array<i32>} : memref<128x128xf32, #tpu.memory_space<vmem>>, vector<1x16xf32>,
      %swap3A_147 = vector.shape_cast %swap3A_146 : vector<1x16xf32> to vector<16xf32>
      %swap3A_148 = vector.shape_cast %broadcast_in_dim3A_143 : vector<16xf32> to vector<1x16xf32>
      tpu.vector_store %arg7[%swap3A_144, %swap3A_145], %swap3A_148 {strides = array<i32>} : memref<128x128xf32, #tpu.memory_space<vmem>>, vector<1x16xf32>,
      %broadcast_in_dim3A_149 = arith.constant 0.000000e+00 : f32
      %broadcast_in_dim3A_150 = vector.broadcast %broadcast_in_dim3A_149 : f32 to vector<16xf32>
      %swap3A_151 = arith.index_cast %scan3A_100 : i32 to index
      %swap3A_152 = arith.constant 112 : index
      %swap3A_153 = tpu.vector_load %arg7[%swap3A_151, %swap3A_152] {strides = array<i32>} : memref<128x128xf32, #tpu.memory_space<vmem>>, vector<1x16xf32>,
      %swap3A_154 = vector.shape_cast %swap3A_153 : vector<1x16xf32> to vector<16xf32>
      %swap3A_155 = vector.shape_cast %broadcast_in_dim3A_150 : vector<16xf32> to vector<1x16xf32>
      tpu.vector_store %arg7[%swap3A_151, %swap3A_152], %swap3A_155 {strides = array<i32>} : memref<128x128xf32, #tpu.memory_space<vmem>>, vector<1x16xf32>,
      %scan3A_156 = arith.constant 0 : i32
      scf.yield %scan3A_156 : i32
    }
    %scan3A_5 = arith.constant 128 : i32
    %mul3A = arith.constant 640 : i32
    %mul3A_6 = arith.muli %arg1, %mul3A : i32
    %add3A = arith.constant 0 : i32
    %add3A_7 = arith.addi %mul3A_6, %add3A : i32
    "tpu.region"() ({
      %run_scoped3A = tpu.sem_alloc : memref<!tpu.dma_semaphore, #tpu.memory_space<semaphore_mem>>
      %dma_start3A_100 = arith.constant 0 : i32
      %dma_start3A_101 = tpu.memref_slice %arg9[%add3A_7, %dma_start3A_100] : memref<10240x128xf32, #tpu.memory_space<vmem_shared>> -> memref<128x128xf32, #tpu.memory_space<vmem_shared>>
      %dma_start3A_102 = arith.constant 0 : i32
      %dma_start3A_103 = tpu.memref_slice %arg9[%add3A_7, %dma_start3A_102] : memref<10240x128xf32, #tpu.memory_space<vmem_shared>> -> memref<128x128xf32, #tpu.memory_space<vmem_shared>>
      tpu.enqueue_dma source(%arg7 : memref<128x128xf32, #tpu.memory_space<vmem>>) target(%dma_start3A_103 : memref<128x128xf32, #tpu.memory_space<vmem_shared>>) target_semaphore(%run_scoped3A : memref<!tpu.dma_semaphore, #tpu.memory_space<semaphore_mem>>)
      %dma_wait3A_104 = arith.constant 0 : i32
      %dma_wait3A_105 = tpu.memref_slice %arg9[%add3A_7, %dma_wait3A_104] : memref<10240x128xf32, #tpu.memory_space<vmem_shared>> -> memref<128x128xf32, #tpu.memory_space<vmem_shared>>
      %dma_wait3A_106 = arith.constant 0 : i32
      %dma_wait3A_107 = tpu.memref_slice %arg9[%add3A_7, %dma_wait3A_106] : memref<10240x128xf32, #tpu.memory_space<vmem_shared>> -> memref<128x128xf32, #tpu.memory_space<vmem_shared>>
      tpu.wait_dma2 semaphore(%run_scoped3A : memref<!tpu.dma_semaphore, #tpu.memory_space<semaphore_mem>>) src(%arg7 : memref<128x128xf32, #tpu.memory_space<vmem>>) dst(%dma_wait3A_107 : memref<128x128xf32, #tpu.memory_space<vmem_shared>>)
      tpu.yield
    }) : () -> ()
    %mul3A_8 = arith.constant 640 : i32
    %mul3A_9 = arith.muli %arg1, %mul3A_8 : i32
    %add3A_10 = arith.constant 128 : i32
    %add3A_11 = arith.addi %mul3A_9, %add3A_10 : i32
    "tpu.region"() ({
      %run_scoped3A = tpu.sem_alloc : memref<!tpu.dma_semaphore, #tpu.memory_space<semaphore_mem>>
      %dma_start3A_100 = arith.constant 0 : i32
      %dma_start3A_101 = tpu.memref_slice %arg9[%add3A_11, %dma_start3A_100] : memref<10240x128xf32, #tpu.memory_space<vmem_shared>> -> memref<128x128xf32, #tpu.memory_space<vmem_shared>>
      %dma_start3A_102 = arith.constant 0 : i32
      %dma_start3A_103 = tpu.memref_slice %arg9[%add3A_11, %dma_start3A_102] : memref<10240x128xf32, #tpu.memory_space<vmem_shared>> -> memref<128x128xf32, #tpu.memory_space<vmem_shared>>
      tpu.enqueue_dma source(%arg7 : memref<128x128xf32, #tpu.memory_space<vmem>>) target(%dma_start3A_103 : memref<128x128xf32, #tpu.memory_space<vmem_shared>>) target_semaphore(%run_scoped3A : memref<!tpu.dma_semaphore, #tpu.memory_space<semaphore_mem>>)
      %dma_wait3A_104 = arith.constant 0 : i32
      %dma_wait3A_105 = tpu.memref_slice %arg9[%add3A_11, %dma_wait3A_104] : memref<10240x128xf32, #tpu.memory_space<vmem_shared>> -> memref<128x128xf32, #tpu.memory_space<vmem_shared>>
      %dma_wait3A_106 = arith.constant 0 : i32
      %dma_wait3A_107 = tpu.memref_slice %arg9[%add3A_11, %dma_wait3A_106] : memref<10240x128xf32, #tpu.memory_space<vmem_shared>> -> memref<128x128xf32, #tpu.memory_space<vmem_shared>>
      tpu.wait_dma2 semaphore(%run_scoped3A : memref<!tpu.dma_semaphore, #tpu.memory_space<semaphore_mem>>) src(%arg7 : memref<128x128xf32, #tpu.memory_space<vmem>>) dst(%dma_wait3A_107 : memref<128x128xf32, #tpu.memory_space<vmem_shared>>)
      tpu.yield
    }) : () -> ()
    %mul3A_12 = arith.constant 640 : i32
    %mul3A_13 = arith.muli %arg1, %mul3A_12 : i32
    %add3A_14 = arith.constant 256 : i32
    %add3A_15 = arith.addi %mul3A_13, %add3A_14 : i32
    "tpu.region"() ({
      %run_scoped3A = tpu.sem_alloc : memref<!tpu.dma_semaphore, #tpu.memory_space<semaphore_mem>>
      %dma_start3A_100 = arith.constant 0 : i32
      %dma_start3A_101 = tpu.memref_slice %arg9[%add3A_15, %dma_start3A_100] : memref<10240x128xf32, #tpu.memory_space<vmem_shared>> -> memref<128x128xf32, #tpu.memory_space<vmem_shared>>
      %dma_start3A_102 = arith.constant 0 : i32
      %dma_start3A_103 = tpu.memref_slice %arg9[%add3A_15, %dma_start3A_102] : memref<10240x128xf32, #tpu.memory_space<vmem_shared>> -> memref<128x128xf32, #tpu.memory_space<vmem_shared>>
      tpu.enqueue_dma source(%arg7 : memref<128x128xf32, #tpu.memory_space<vmem>>) target(%dma_start3A_103 : memref<128x128xf32, #tpu.memory_space<vmem_shared>>) target_semaphore(%run_scoped3A : memref<!tpu.dma_semaphore, #tpu.memory_space<semaphore_mem>>)
      %dma_wait3A_104 = arith.constant 0 : i32
      %dma_wait3A_105 = tpu.memref_slice %arg9[%add3A_15, %dma_wait3A_104] : memref<10240x128xf32, #tpu.memory_space<vmem_shared>> -> memref<128x128xf32, #tpu.memory_space<vmem_shared>>
      %dma_wait3A_106 = arith.constant 0 : i32
      %dma_wait3A_107 = tpu.memref_slice %arg9[%add3A_15, %dma_wait3A_106] : memref<10240x128xf32, #tpu.memory_space<vmem_shared>> -> memref<128x128xf32, #tpu.memory_space<vmem_shared>>
      tpu.wait_dma2 semaphore(%run_scoped3A : memref<!tpu.dma_semaphore, #tpu.memory_space<semaphore_mem>>) src(%arg7 : memref<128x128xf32, #tpu.memory_space<vmem>>) dst(%dma_wait3A_107 : memref<128x128xf32, #tpu.memory_space<vmem_shared>>)
      tpu.yield
    }) : () -> ()
    %mul3A_16 = arith.constant 640 : i32
    %mul3A_17 = arith.muli %arg1, %mul3A_16 : i32
    %add3A_18 = arith.constant 384 : i32
    %add3A_19 = arith.addi %mul3A_17, %add3A_18 : i32
    "tpu.region"() ({
      %run_scoped3A = tpu.sem_alloc : memref<!tpu.dma_semaphore, #tpu.memory_space<semaphore_mem>>
      %dma_start3A_100 = arith.constant 0 : i32
      %dma_start3A_101 = tpu.memref_slice %arg9[%add3A_19, %dma_start3A_100] : memref<10240x128xf32, #tpu.memory_space<vmem_shared>> -> memref<128x128xf32, #tpu.memory_space<vmem_shared>>
      %dma_start3A_102 = arith.constant 0 : i32
      %dma_start3A_103 = tpu.memref_slice %arg9[%add3A_19, %dma_start3A_102] : memref<10240x128xf32, #tpu.memory_space<vmem_shared>> -> memref<128x128xf32, #tpu.memory_space<vmem_shared>>
      tpu.enqueue_dma source(%arg7 : memref<128x128xf32, #tpu.memory_space<vmem>>) target(%dma_start3A_103 : memref<128x128xf32, #tpu.memory_space<vmem_shared>>) target_semaphore(%run_scoped3A : memref<!tpu.dma_semaphore, #tpu.memory_space<semaphore_mem>>)
      %dma_wait3A_104 = arith.constant 0 : i32
      %dma_wait3A_105 = tpu.memref_slice %arg9[%add3A_19, %dma_wait3A_104] : memref<10240x128xf32, #tpu.memory_space<vmem_shared>> -> memref<128x128xf32, #tpu.memory_space<vmem_shared>>
      %dma_wait3A_106 = arith.constant 0 : i32
      %dma_wait3A_107 = tpu.memref_slice %arg9[%add3A_19, %dma_wait3A_106] : memref<10240x128xf32, #tpu.memory_space<vmem_shared>> -> memref<128x128xf32, #tpu.memory_space<vmem_shared>>
      tpu.wait_dma2 semaphore(%run_scoped3A : memref<!tpu.dma_semaphore, #tpu.memory_space<semaphore_mem>>) src(%arg7 : memref<128x128xf32, #tpu.memory_space<vmem>>) dst(%dma_wait3A_107 : memref<128x128xf32, #tpu.memory_space<vmem_shared>>)
      tpu.yield
    }) : () -> ()
    %mul3A_20 = arith.constant 640 : i32
    %mul3A_21 = arith.muli %arg1, %mul3A_20 : i32
    %add3A_22 = arith.constant 512 : i32
    %add3A_23 = arith.addi %mul3A_21, %add3A_22 : i32
    "tpu.region"() ({
      %run_scoped3A = tpu.sem_alloc : memref<!tpu.dma_semaphore, #tpu.memory_space<semaphore_mem>>
      %dma_start3A_100 = arith.constant 0 : i32
      %dma_start3A_101 = tpu.memref_slice %arg9[%add3A_23, %dma_start3A_100] : memref<10240x128xf32, #tpu.memory_space<vmem_shared>> -> memref<128x128xf32, #tpu.memory_space<vmem_shared>>
      %dma_start3A_102 = arith.constant 0 : i32
      %dma_start3A_103 = tpu.memref_slice %arg9[%add3A_23, %dma_start3A_102] : memref<10240x128xf32, #tpu.memory_space<vmem_shared>> -> memref<128x128xf32, #tpu.memory_space<vmem_shared>>
      tpu.enqueue_dma source(%arg7 : memref<128x128xf32, #tpu.memory_space<vmem>>) target(%dma_start3A_103 : memref<128x128xf32, #tpu.memory_space<vmem_shared>>) target_semaphore(%run_scoped3A : memref<!tpu.dma_semaphore, #tpu.memory_space<semaphore_mem>>)
      %dma_wait3A_104 = arith.constant 0 : i32
      %dma_wait3A_105 = tpu.memref_slice %arg9[%add3A_23, %dma_wait3A_104] : memref<10240x128xf32, #tpu.memory_space<vmem_shared>> -> memref<128x128xf32, #tpu.memory_space<vmem_shared>>
      %dma_wait3A_106 = arith.constant 0 : i32
      %dma_wait3A_107 = tpu.memref_slice %arg9[%add3A_23, %dma_wait3A_106] : memref<10240x128xf32, #tpu.memory_space<vmem_shared>> -> memref<128x128xf32, #tpu.memory_space<vmem_shared>>
      tpu.wait_dma2 semaphore(%run_scoped3A : memref<!tpu.dma_semaphore, #tpu.memory_space<semaphore_mem>>) src(%arg7 : memref<128x128xf32, #tpu.memory_space<vmem>>) dst(%dma_wait3A_107 : memref<128x128xf32, #tpu.memory_space<vmem_shared>>)
      tpu.yield
    }) : () -> ()
    %barrier3A = arith.constant 0 : index
    tpu.barrier barrier_id(%barrier3A)
    %eq3A = arith.constant 0 : i32
    %eq3A_24 = arith.cmpi eq, %arg0, %eq3A : i32
    %jit3A = arith.constant 116 : i32
    %jit3A_25 = arith.constant 42 : i32
    %select_n3A = arith.select %eq3A_24, %jit3A, %jit3A_25 : i32
    %eq3A_26 = arith.constant 0 : i32
    %eq3A_27 = arith.cmpi eq, %arg0, %eq3A_26 : i32
    %mul3A_28 = arith.constant 116 : i32
    %mul3A_29 = arith.muli %arg1, %mul3A_28 : i32
    %mul3A_30 = arith.constant 42 : i32
    %mul3A_31 = arith.muli %arg1, %mul3A_30 : i32
    %add3A_32 = arith.constant 1856 : i32
    %add3A_33 = arith.addi %add3A_32, %mul3A_31 : i32
    %select_n3A_34 = arith.select %eq3A_27, %mul3A_29, %add3A_33 : i32
    %dma_start3A = arith.constant 0 : i32
    %dma_start3A_35 = arith.constant 0 : i32
    %dma_start3A_36 = tpu.memref_slice %arg3[%select_n3A_34, %dma_start3A, %dma_start3A_35] : memref<2528x2x128xi32, #tpu.memory_space<hbm>> -> memref<1x2x128xi32, #tpu.memory_space<hbm>>
    %dma_start3A_37 = tpu.memref_squeeze %dma_start3A_36 : memref<1x2x128xi32, #tpu.memory_space<hbm>> -> memref<2x128xi32, #tpu.memory_space<hbm>>
    %dma_start3A_38 = arith.constant 0 : i32
    %dma_start3A_39 = arith.constant 0 : i32
    %dma_start3A_40 = tpu.memref_slice %arg3[%select_n3A_34, %dma_start3A_38, %dma_start3A_39] : memref<2528x2x128xi32, #tpu.memory_space<hbm>> -> memref<1x2x128xi32, #tpu.memory_space<hbm>>
    %dma_start3A_41 = tpu.memref_squeeze %dma_start3A_40 : memref<1x2x128xi32, #tpu.memory_space<hbm>> -> memref<2x128xi32, #tpu.memory_space<hbm>>
    tpu.enqueue_dma source(%dma_start3A_41 : memref<2x128xi32, #tpu.memory_space<hbm>>) target(%arg5 : memref<2x128xi32, #tpu.memory_space<vmem>>) target_semaphore(%arg10 : memref<!tpu.dma_semaphore, #tpu.memory_space<semaphore_mem>>)
    %dma_wait3A = arith.constant 0 : i32
    %dma_wait3A_42 = arith.constant 0 : i32
    %dma_wait3A_43 = tpu.memref_slice %arg3[%select_n3A_34, %dma_wait3A, %dma_wait3A_42] : memref<2528x2x128xi32, #tpu.memory_space<hbm>> -> memref<1x2x128xi32, #tpu.memory_space<hbm>>
    %dma_wait3A_44 = tpu.memref_squeeze %dma_wait3A_43 : memref<1x2x128xi32, #tpu.memory_space<hbm>> -> memref<2x128xi32, #tpu.memory_space<hbm>>
    %dma_wait3A_45 = arith.constant 0 : i32
    %dma_wait3A_46 = arith.constant 0 : i32
    %dma_wait3A_47 = tpu.memref_slice %arg3[%select_n3A_34, %dma_wait3A_45, %dma_wait3A_46] : memref<2528x2x128xi32, #tpu.memory_space<hbm>> -> memref<1x2x128xi32, #tpu.memory_space<hbm>>
    %dma_wait3A_48 = tpu.memref_squeeze %dma_wait3A_47 : memref<1x2x128xi32, #tpu.memory_space<hbm>> -> memref<2x128xi32, #tpu.memory_space<hbm>>
    tpu.wait_dma2 semaphore(%arg10 : memref<!tpu.dma_semaphore, #tpu.memory_space<semaphore_mem>>) src(%dma_wait3A_48 : memref<2x128xi32, #tpu.memory_space<hbm>>) dst(%arg5 : memref<2x128xi32, #tpu.memory_space<vmem>>)
    %dma_start3A_49 = arith.constant 0 : i32
    %dma_start3A_50 = arith.constant 0 : i32
    %dma_start3A_51 = tpu.memref_slice %arg5[%dma_start3A_49, %dma_start3A_50] : memref<2x128xi32, #tpu.memory_space<vmem>> -> memref<1x128xi32, #tpu.memory_space<vmem>>
    %dma_start3A_52 = tpu.memref_squeeze %dma_start3A_51 : memref<1x128xi32, #tpu.memory_space<vmem>> -> memref<128xi32, #tpu.memory_space<vmem>>
    %dma_start3A_53 = arith.constant 0 : i32
    %dma_start3A_54 = arith.constant 0 : i32
    %dma_start3A_55 = tpu.memref_slice %arg2[%dma_start3A_53, %dma_start3A_54] : memref<10000x128xf32, #tpu.memory_space<hbm>> -> memref<10000x128xf32, #tpu.memory_space<hbm>>
    tpu.enqueue_indirect_dma source(%dma_start3A_55 : memref<10000x128xf32, #tpu.memory_space<hbm>>) target(%arg7 : memref<128x128xf32, #tpu.memory_space<vmem>>) offsets(%dma_start3A_52 : memref<128xi32, #tpu.memory_space<vmem>>) semaphore(%arg11 : memref<!tpu.dma_semaphore, #tpu.memory_space<semaphore_mem>>)
    %add3A_56 = arith.constant 1 : i32
    %add3A_57 = arith.addi %select_n3A_34, %add3A_56 : i32
    %dma_start3A_58 = arith.constant 0 : i32
    %dma_start3A_59 = arith.constant 0 : i32
    %dma_start3A_60 = tpu.memref_slice %arg3[%add3A_57, %dma_start3A_58, %dma_start3A_59] : memref<2528x2x128xi32, #tpu.memory_space<hbm>> -> memref<1x2x128xi32, #tpu.memory_space<hbm>>
    %dma_start3A_61 = tpu.memref_squeeze %dma_start3A_60 : memref<1x2x128xi32, #tpu.memory_space<hbm>> -> memref<2x128xi32, #tpu.memory_space<hbm>>
    %dma_start3A_62 = arith.constant 0 : i32
    %dma_start3A_63 = arith.constant 0 : i32
    %dma_start3A_64 = tpu.memref_slice %arg3[%add3A_57, %dma_start3A_62, %dma_start3A_63] : memref<2528x2x128xi32, #tpu.memory_space<hbm>> -> memref<1x2x128xi32, #tpu.memory_space<hbm>>
    %dma_start3A_65 = tpu.memref_squeeze %dma_start3A_64 : memref<1x2x128xi32, #tpu.memory_space<hbm>> -> memref<2x128xi32, #tpu.memory_space<hbm>>
    tpu.enqueue_dma source(%dma_start3A_65 : memref<2x128xi32, #tpu.memory_space<hbm>>) target(%arg6 : memref<2x128xi32, #tpu.memory_space<vmem>>) target_semaphore(%arg10 : memref<!tpu.dma_semaphore, #tpu.memory_space<semaphore_mem>>)
    %jit3A_66 = arith.constant 2 : i32
    %div3A = arith.divsi %select_n3A, %jit3A_66 : i32
    %sign3A = arith.constant 0 : i32
    %sign3A_67 = arith.cmpi sgt, %select_n3A, %sign3A : i32
    %sign3A_68 = arith.extui %sign3A_67 : i1 to i32
    %sign3A_69 = arith.constant 0 : i32
    %sign3A_70 = arith.cmpi slt, %select_n3A, %sign3A_69 : i32
    %sign3A_71 = arith.extui %sign3A_70 : i1 to i32
    %sign3A_72 = arith.subi %sign3A_68, %sign3A_71 : i32
    %sign3A_73 = arith.constant 0 : i32
    %sign3A_74 = arith.cmpi sgt, %jit3A_66, %sign3A_73 : i32
    %sign3A_75 = arith.extui %sign3A_74 : i1 to i32
    %sign3A_76 = arith.constant 0 : i32
    %sign3A_77 = arith.cmpi slt, %jit3A_66, %sign3A_76 : i32
    %sign3A_78 = arith.extui %sign3A_77 : i1 to i32
    %sign3A_79 = arith.subi %sign3A_75, %sign3A_78 : i32
    %ne3A = arith.cmpi ne, %sign3A_72, %sign3A_79 : i32
    %rem3A = arith.remsi %select_n3A, %jit3A_66 : i32
    %ne3A_80 = arith.constant 0 : i32
    %ne3A_81 = arith.cmpi ne, %rem3A, %ne3A_80 : i32
    %and3A = arith.andi %ne3A, %ne3A_81 : i1
    %sub3A = arith.constant 1 : i32
    %sub3A_82 = arith.subi %div3A, %sub3A : i32
    %select_n3A_83 = arith.select %and3A, %sub3A_82, %div3A : i32
    %while3A = arith.constant 0 : i32
    %while3A_84 = arith.constant 0 : i32
    %while3A_85 = arith.subi %select_n3A_83, %while3A : i32
    %while3A_86 = arith.addi %while3A, %while3A_85 : i32
    %while3A_87 = arith.constant 1 : i32
    %while3A_88 = arith.divsi %while3A_85, %while3A_87 : i32
    %while3A_89 = arith.muli %while3A_88, %while3A_87 : i32
    %while3A_90 = arith.addi %while3A, %while3A_89 : i32
    %while3A_91 = arith.constant 1 : i32
    %while3A_92 = scf.for %while3A_100 = %while3A to %while3A_90 step %while3A_91 iter_args(%while3A_101 = %while3A_84) -> (i32)  : i32 {
      %mul3A_102 = arith.constant 2 : i32
      %mul3A_103 = arith.muli %mul3A_102, %while3A_100 : i32
      %add3A_104 = arith.addi %select_n3A_34, %mul3A_103 : i32
      %add3A_105 = arith.constant 1 : i32
      %add3A_106 = arith.addi %add3A_104, %add3A_105 : i32
      %dma_wait3A_107 = arith.constant 0 : i32
      %dma_wait3A_108 = arith.constant 0 : i32
      %dma_wait3A_109 = tpu.memref_slice %arg3[%add3A_106, %dma_wait3A_107, %dma_wait3A_108] : memref<2528x2x128xi32, #tpu.memory_space<hbm>> -> memref<1x2x128xi32, #tpu.memory_space<hbm>>
      %dma_wait3A_110 = tpu.memref_squeeze %dma_wait3A_109 : memref<1x2x128xi32, #tpu.memory_space<hbm>> -> memref<2x128xi32, #tpu.memory_space<hbm>>
      %dma_wait3A_111 = arith.constant 0 : i32
      %dma_wait3A_112 = arith.constant 0 : i32
      %dma_wait3A_113 = tpu.memref_slice %arg3[%add3A_106, %dma_wait3A_111, %dma_wait3A_112] : memref<2528x2x128xi32, #tpu.memory_space<hbm>> -> memref<1x2x128xi32, #tpu.memory_space<hbm>>
      %dma_wait3A_114 = tpu.memref_squeeze %dma_wait3A_113 : memref<1x2x128xi32, #tpu.memory_space<hbm>> -> memref<2x128xi32, #tpu.memory_space<hbm>>
      tpu.wait_dma2 semaphore(%arg10 : memref<!tpu.dma_semaphore, #tpu.memory_space<semaphore_mem>>) src(%dma_wait3A_114 : memref<2x128xi32, #tpu.memory_space<hbm>>) dst(%arg6 : memref<2x128xi32, #tpu.memory_space<vmem>>)
      %dma_wait3A_115 = arith.constant 0 : i32
      %dma_wait3A_116 = arith.constant 0 : i32
      %dma_wait3A_117 = tpu.memref_slice %arg5[%dma_wait3A_115, %dma_wait3A_116] : memref<2x128xi32, #tpu.memory_space<vmem>> -> memref<1x128xi32, #tpu.memory_space<vmem>>
      %dma_wait3A_118 = tpu.memref_squeeze %dma_wait3A_117 : memref<1x128xi32, #tpu.memory_space<vmem>> -> memref<128xi32, #tpu.memory_space<vmem>>
      %dma_wait3A_119 = arith.constant 0 : i32
      %dma_wait3A_120 = arith.constant 0 : i32
      %dma_wait3A_121 = tpu.memref_slice %arg2[%dma_wait3A_119, %dma_wait3A_120] : memref<10000x128xf32, #tpu.memory_space<hbm>> -> memref<10000x128xf32, #tpu.memory_space<hbm>>
      tpu.wait_indirect_dma semaphore(%arg11 : memref<!tpu.dma_semaphore, #tpu.memory_space<semaphore_mem>>) src(%dma_wait3A_121 : memref<10000x128xf32, #tpu.memory_space<hbm>>) dst(%arg7 : memref<128x128xf32, #tpu.memory_space<vmem>>)
      %dma_start3A_122 = arith.constant 0 : i32
      %dma_start3A_123 = arith.constant 0 : i32
      %dma_start3A_124 = tpu.memref_slice %arg6[%dma_start3A_122, %dma_start3A_123] : memref<2x128xi32, #tpu.memory_space<vmem>> -> memref<1x128xi32, #tpu.memory_space<vmem>>
      %dma_start3A_125 = tpu.memref_squeeze %dma_start3A_124 : memref<1x128xi32, #tpu.memory_space<vmem>> -> memref<128xi32, #tpu.memory_space<vmem>>
      %dma_start3A_126 = arith.constant 0 : i32
      %dma_start3A_127 = arith.constant 0 : i32
      %dma_start3A_128 = tpu.memref_slice %arg2[%dma_start3A_126, %dma_start3A_127] : memref<10000x128xf32, #tpu.memory_space<hbm>> -> memref<10000x128xf32, #tpu.memory_space<hbm>>
      tpu.enqueue_indirect_dma source(%dma_start3A_128 : memref<10000x128xf32, #tpu.memory_space<hbm>>) target(%arg8 : memref<128x128xf32, #tpu.memory_space<vmem>>) offsets(%dma_start3A_125 : memref<128xi32, #tpu.memory_space<vmem>>) semaphore(%arg12 : memref<!tpu.dma_semaphore, #tpu.memory_space<semaphore_mem>>)
      %run_scoped3A = arith.constant 1 : i32
      "tpu.region"() ({
        %run_scoped3A_153 = tpu.sem_alloc : memref<!tpu.dma_semaphore, #tpu.memory_space<semaphore_mem>>
        %dma_start3A_154 = arith.constant 0 : i32
        %dma_start3A_155 = tpu.memref_slice %arg5[%run_scoped3A, %dma_start3A_154] : memref<2x128xi32, #tpu.memory_space<vmem>> -> memref<1x128xi32, #tpu.memory_space<vmem>>
        %dma_start3A_156 = tpu.memref_squeeze %dma_start3A_155 : memref<1x128xi32, #tpu.memory_space<vmem>> -> memref<128xi32, #tpu.memory_space<vmem>>
        %dma_start3A_157 = arith.constant 0 : i32
        %dma_start3A_158 = arith.constant 0 : i32
        %dma_start3A_159 = tpu.memref_slice %arg9[%dma_start3A_157, %dma_start3A_158] : memref<10240x128xf32, #tpu.memory_space<vmem_shared>> -> memref<10240x128xf32, #tpu.memory_space<vmem_shared>>
        tpu.enqueue_indirect_dma source(%arg7 : memref<128x128xf32, #tpu.memory_space<vmem>>) target(%dma_start3A_159 : memref<10240x128xf32, #tpu.memory_space<vmem_shared>>) offsets(%dma_start3A_156 : memref<128xi32, #tpu.memory_space<vmem>>) semaphore(%run_scoped3A_153 : memref<!tpu.dma_semaphore, #tpu.memory_space<semaphore_mem>>) {add = true}
        %dma_wait3A_160 = arith.constant 0 : i32
        %dma_wait3A_161 = tpu.memref_slice %arg5[%run_scoped3A, %dma_wait3A_160] : memref<2x128xi32, #tpu.memory_space<vmem>> -> memref<1x128xi32, #tpu.memory_space<vmem>>
        %dma_wait3A_162 = tpu.memref_squeeze %dma_wait3A_161 : memref<1x128xi32, #tpu.memory_space<vmem>> -> memref<128xi32, #tpu.memory_space<vmem>>
        %dma_wait3A_163 = arith.constant 0 : i32
        %dma_wait3A_164 = arith.constant 0 : i32
        %dma_wait3A_165 = tpu.memref_slice %arg9[%dma_wait3A_163, %dma_wait3A_164] : memref<10240x128xf32, #tpu.memory_space<vmem_shared>> -> memref<10240x128xf32, #tpu.memory_space<vmem_shared>>
        tpu.wait_indirect_dma semaphore(%run_scoped3A_153 : memref<!tpu.dma_semaphore, #tpu.memory_space<semaphore_mem>>) src(%arg7 : memref<128x128xf32, #tpu.memory_space<vmem>>) dst(%dma_wait3A_165 : memref<10240x128xf32, #tpu.memory_space<vmem_shared>>)
        tpu.yield
      }) : () -> ()
      %add3A_129 = arith.constant 2 : i32
      %add3A_130 = arith.addi %mul3A_103, %add3A_129 : i32
      %lt3A = arith.cmpi slt, %add3A_130, %select_n3A : i32
      %convert_element_type3A = arith.extui %lt3A : i1 to i32
      %cond3A = arith.constant 0 : i32
      %cond3A_131 = arith.cmpi ne, %convert_element_type3A, %cond3A : i32
      scf.if %cond3A_131 {
        %add3A_153 = arith.addi %select_n3A_34, %mul3A_103 : i32
        %add3A_154 = arith.constant 2 : i32
        %add3A_155 = arith.addi %add3A_153, %add3A_154 : i32
        %dma_start3A_156 = arith.constant 0 : i32
        %dma_start3A_157 = arith.constant 0 : i32
        %dma_start3A_158 = tpu.memref_slice %arg3[%add3A_155, %dma_start3A_156, %dma_start3A_157] : memref<2528x2x128xi32, #tpu.memory_space<hbm>> -> memref<1x2x128xi32, #tpu.memory_space<hbm>>
        %dma_start3A_159 = tpu.memref_squeeze %dma_start3A_158 : memref<1x2x128xi32, #tpu.memory_space<hbm>> -> memref<2x128xi32, #tpu.memory_space<hbm>>
        %dma_start3A_160 = arith.constant 0 : i32
        %dma_start3A_161 = arith.constant 0 : i32
        %dma_start3A_162 = tpu.memref_slice %arg3[%add3A_155, %dma_start3A_160, %dma_start3A_161] : memref<2528x2x128xi32, #tpu.memory_space<hbm>> -> memref<1x2x128xi32, #tpu.memory_space<hbm>>
        %dma_start3A_163 = tpu.memref_squeeze %dma_start3A_162 : memref<1x2x128xi32, #tpu.memory_space<hbm>> -> memref<2x128xi32, #tpu.memory_space<hbm>>
        tpu.enqueue_dma source(%dma_start3A_163 : memref<2x128xi32, #tpu.memory_space<hbm>>) target(%arg5 : memref<2x128xi32, #tpu.memory_space<vmem>>) target_semaphore(%arg10 : memref<!tpu.dma_semaphore, #tpu.memory_space<semaphore_mem>>)
      } else {
      }
      %dma_wait3A_132 = arith.constant 0 : i32
      %dma_wait3A_133 = arith.constant 0 : i32
      %dma_wait3A_134 = tpu.memref_slice %arg6[%dma_wait3A_132, %dma_wait3A_133] : memref<2x128xi32, #tpu.memory_space<vmem>> -> memref<1x128xi32, #tpu.memory_space<vmem>>
      %dma_wait3A_135 = tpu.memref_squeeze %dma_wait3A_134 : memref<1x128xi32, #tpu.memory_space<vmem>> -> memref<128xi32, #tpu.memory_space<vmem>>
      %dma_wait3A_136 = arith.constant 0 : i32
      %dma_wait3A_137 = arith.constant 0 : i32
      %dma_wait3A_138 = tpu.memref_slice %arg2[%dma_wait3A_136, %dma_wait3A_137] : memref<10000x128xf32, #tpu.memory_space<hbm>> -> memref<10000x128xf32, #tpu.memory_space<hbm>>
      tpu.wait_indirect_dma semaphore(%arg12 : memref<!tpu.dma_semaphore, #tpu.memory_space<semaphore_mem>>) src(%dma_wait3A_138 : memref<10000x128xf32, #tpu.memory_space<hbm>>) dst(%arg8 : memref<128x128xf32, #tpu.memory_space<vmem>>)
      %add3A_139 = arith.constant 2 : i32
      %add3A_140 = arith.addi %mul3A_103, %add3A_139 : i32
      %lt3A_141 = arith.cmpi slt, %add3A_140, %select_n3A : i32
      %convert_element_type3A_142 = arith.extui %lt3A_141 : i1 to i32
      %cond3A_143 = arith.constant 0 : i32
      %cond3A_144 = arith.cmpi ne, %convert_element_type3A_142, %cond3A_143 : i32
      scf.if %cond3A_144 {
        %add3A_153 = arith.addi %select_n3A_34, %mul3A_103 : i32
        %add3A_154 = arith.constant 2 : i32
        %add3A_155 = arith.addi %add3A_153, %add3A_154 : i32
        %dma_wait3A_156 = arith.constant 0 : i32
        %dma_wait3A_157 = arith.constant 0 : i32
        %dma_wait3A_158 = tpu.memref_slice %arg3[%add3A_155, %dma_wait3A_156, %dma_wait3A_157] : memref<2528x2x128xi32, #tpu.memory_space<hbm>> -> memref<1x2x128xi32, #tpu.memory_space<hbm>>
        %dma_wait3A_159 = tpu.memref_squeeze %dma_wait3A_158 : memref<1x2x128xi32, #tpu.memory_space<hbm>> -> memref<2x128xi32, #tpu.memory_space<hbm>>
        %dma_wait3A_160 = arith.constant 0 : i32
        %dma_wait3A_161 = arith.constant 0 : i32
        %dma_wait3A_162 = tpu.memref_slice %arg3[%add3A_155, %dma_wait3A_160, %dma_wait3A_161] : memref<2528x2x128xi32, #tpu.memory_space<hbm>> -> memref<1x2x128xi32, #tpu.memory_space<hbm>>
        %dma_wait3A_163 = tpu.memref_squeeze %dma_wait3A_162 : memref<1x2x128xi32, #tpu.memory_space<hbm>> -> memref<2x128xi32, #tpu.memory_space<hbm>>
        tpu.wait_dma2 semaphore(%arg10 : memref<!tpu.dma_semaphore, #tpu.memory_space<semaphore_mem>>) src(%dma_wait3A_163 : memref<2x128xi32, #tpu.memory_space<hbm>>) dst(%arg5 : memref<2x128xi32, #tpu.memory_space<vmem>>)
        %dma_start3A_164 = arith.constant 0 : i32
        %dma_start3A_165 = arith.constant 0 : i32
        %dma_start3A_166 = tpu.memref_slice %arg5[%dma_start3A_164, %dma_start3A_165] : memref<2x128xi32, #tpu.memory_space<vmem>> -> memref<1x128xi32, #tpu.memory_space<vmem>>
        %dma_start3A_167 = tpu.memref_squeeze %dma_start3A_166 : memref<1x128xi32, #tpu.memory_space<vmem>> -> memref<128xi32, #tpu.memory_space<vmem>>
        %dma_start3A_168 = arith.constant 0 : i32
        %dma_start3A_169 = arith.constant 0 : i32
        %dma_start3A_170 = tpu.memref_slice %arg2[%dma_start3A_168, %dma_start3A_169] : memref<10000x128xf32, #tpu.memory_space<hbm>> -> memref<10000x128xf32, #tpu.memory_space<hbm>>
        tpu.enqueue_indirect_dma source(%dma_start3A_170 : memref<10000x128xf32, #tpu.memory_space<hbm>>) target(%arg7 : memref<128x128xf32, #tpu.memory_space<vmem>>) offsets(%dma_start3A_167 : memref<128xi32, #tpu.memory_space<vmem>>) semaphore(%arg11 : memref<!tpu.dma_semaphore, #tpu.memory_space<semaphore_mem>>)
      } else {
      }
      %run_scoped3A_145 = arith.constant 1 : i32
      "tpu.region"() ({
        %run_scoped3A_153 = tpu.sem_alloc : memref<!tpu.dma_semaphore, #tpu.memory_space<semaphore_mem>>
        %dma_start3A_154 = arith.constant 0 : i32
        %dma_start3A_155 = tpu.memref_slice %arg6[%run_scoped3A_145, %dma_start3A_154] : memref<2x128xi32, #tpu.memory_space<vmem>> -> memref<1x128xi32, #tpu.memory_space<vmem>>
        %dma_start3A_156 = tpu.memref_squeeze %dma_start3A_155 : memref<1x128xi32, #tpu.memory_space<vmem>> -> memref<128xi32, #tpu.memory_space<vmem>>
        %dma_start3A_157 = arith.constant 0 : i32
        %dma_start3A_158 = arith.constant 0 : i32
        %dma_start3A_159 = tpu.memref_slice %arg9[%dma_start3A_157, %dma_start3A_158] : memref<10240x128xf32, #tpu.memory_space<vmem_shared>> -> memref<10240x128xf32, #tpu.memory_space<vmem_shared>>
        tpu.enqueue_indirect_dma source(%arg8 : memref<128x128xf32, #tpu.memory_space<vmem>>) target(%dma_start3A_159 : memref<10240x128xf32, #tpu.memory_space<vmem_shared>>) offsets(%dma_start3A_156 : memref<128xi32, #tpu.memory_space<vmem>>) semaphore(%run_scoped3A_153 : memref<!tpu.dma_semaphore, #tpu.memory_space<semaphore_mem>>) {add = true}
        %dma_wait3A_160 = arith.constant 0 : i32
        %dma_wait3A_161 = tpu.memref_slice %arg6[%run_scoped3A_145, %dma_wait3A_160] : memref<2x128xi32, #tpu.memory_space<vmem>> -> memref<1x128xi32, #tpu.memory_space<vmem>>
        %dma_wait3A_162 = tpu.memref_squeeze %dma_wait3A_161 : memref<1x128xi32, #tpu.memory_space<vmem>> -> memref<128xi32, #tpu.memory_space<vmem>>
        %dma_wait3A_163 = arith.constant 0 : i32
        %dma_wait3A_164 = arith.constant 0 : i32
        %dma_wait3A_165 = tpu.memref_slice %arg9[%dma_wait3A_163, %dma_wait3A_164] : memref<10240x128xf32, #tpu.memory_space<vmem_shared>> -> memref<10240x128xf32, #tpu.memory_space<vmem_shared>>
        tpu.wait_indirect_dma semaphore(%run_scoped3A_153 : memref<!tpu.dma_semaphore, #tpu.memory_space<semaphore_mem>>) src(%arg8 : memref<128x128xf32, #tpu.memory_space<vmem>>) dst(%dma_wait3A_165 : memref<10240x128xf32, #tpu.memory_space<vmem_shared>>)
        tpu.yield
      }) : () -> ()
      %add3A_146 = arith.constant 3 : i32
      %add3A_147 = arith.addi %mul3A_103, %add3A_146 : i32
      %lt3A_148 = arith.cmpi slt, %add3A_147, %select_n3A : i32
      %convert_element_type3A_149 = arith.extui %lt3A_148 : i1 to i32
      %cond3A_150 = arith.constant 0 : i32
      %cond3A_151 = arith.cmpi ne, %convert_element_type3A_149, %cond3A_150 : i32
      scf.if %cond3A_151 {
        %add3A_153 = arith.addi %select_n3A_34, %mul3A_103 : i32
        %add3A_154 = arith.constant 3 : i32
        %add3A_155 = arith.addi %add3A_153, %add3A_154 : i32
        %dma_start3A_156 = arith.constant 0 : i32
        %dma_start3A_157 = arith.constant 0 : i32
        %dma_start3A_158 = tpu.memref_slice %arg3[%add3A_155, %dma_start3A_156, %dma_start3A_157] : memref<2528x2x128xi32, #tpu.memory_space<hbm>> -> memref<1x2x128xi32, #tpu.memory_space<hbm>>
        %dma_start3A_159 = tpu.memref_squeeze %dma_start3A_158 : memref<1x2x128xi32, #tpu.memory_space<hbm>> -> memref<2x128xi32, #tpu.memory_space<hbm>>
        %dma_start3A_160 = arith.constant 0 : i32
        %dma_start3A_161 = arith.constant 0 : i32
        %dma_start3A_162 = tpu.memref_slice %arg3[%add3A_155, %dma_start3A_160, %dma_start3A_161] : memref<2528x2x128xi32, #tpu.memory_space<hbm>> -> memref<1x2x128xi32, #tpu.memory_space<hbm>>
        %dma_start3A_163 = tpu.memref_squeeze %dma_start3A_162 : memref<1x2x128xi32, #tpu.memory_space<hbm>> -> memref<2x128xi32, #tpu.memory_space<hbm>>
        tpu.enqueue_dma source(%dma_start3A_163 : memref<2x128xi32, #tpu.memory_space<hbm>>) target(%arg6 : memref<2x128xi32, #tpu.memory_space<vmem>>) target_semaphore(%arg10 : memref<!tpu.dma_semaphore, #tpu.memory_space<semaphore_mem>>)
      } else {
      }
      %while3A_152 = arith.constant 0 : i32
      scf.yield %while3A_152 : i32
    }
    %while3A_93 = arith.constant 1 : i32
    %while3A_94 = scf.for %while3A_100 = %while3A_90 to %while3A_86 step %while3A_93 iter_args(%while3A_101 = %while3A_92) -> (i32)  : i32 {
      %mul3A_102 = arith.constant 2 : i32
      %mul3A_103 = arith.muli %mul3A_102, %while3A_100 : i32
      %add3A_104 = arith.addi %select_n3A_34, %mul3A_103 : i32
      %add3A_105 = arith.constant 1 : i32
      %add3A_106 = arith.addi %add3A_104, %add3A_105 : i32
      %dma_wait3A_107 = arith.constant 0 : i32
      %dma_wait3A_108 = arith.constant 0 : i32
      %dma_wait3A_109 = tpu.memref_slice %arg3[%add3A_106, %dma_wait3A_107, %dma_wait3A_108] : memref<2528x2x128xi32, #tpu.memory_space<hbm>> -> memref<1x2x128xi32, #tpu.memory_space<hbm>>
      %dma_wait3A_110 = tpu.memref_squeeze %dma_wait3A_109 : memref<1x2x128xi32, #tpu.memory_space<hbm>> -> memref<2x128xi32, #tpu.memory_space<hbm>>
      %dma_wait3A_111 = arith.constant 0 : i32
      %dma_wait3A_112 = arith.constant 0 : i32
      %dma_wait3A_113 = tpu.memref_slice %arg3[%add3A_106, %dma_wait3A_111, %dma_wait3A_112] : memref<2528x2x128xi32, #tpu.memory_space<hbm>> -> memref<1x2x128xi32, #tpu.memory_space<hbm>>
      %dma_wait3A_114 = tpu.memref_squeeze %dma_wait3A_113 : memref<1x2x128xi32, #tpu.memory_space<hbm>> -> memref<2x128xi32, #tpu.memory_space<hbm>>
      tpu.wait_dma2 semaphore(%arg10 : memref<!tpu.dma_semaphore, #tpu.memory_space<semaphore_mem>>) src(%dma_wait3A_114 : memref<2x128xi32, #tpu.memory_space<hbm>>) dst(%arg6 : memref<2x128xi32, #tpu.memory_space<vmem>>)
      %dma_wait3A_115 = arith.constant 0 : i32
      %dma_wait3A_116 = arith.constant 0 : i32
      %dma_wait3A_117 = tpu.memref_slice %arg5[%dma_wait3A_115, %dma_wait3A_116] : memref<2x128xi32, #tpu.memory_space<vmem>> -> memref<1x128xi32, #tpu.memory_space<vmem>>
      %dma_wait3A_118 = tpu.memref_squeeze %dma_wait3A_117 : memref<1x128xi32, #tpu.memory_space<vmem>> -> memref<128xi32, #tpu.memory_space<vmem>>
      %dma_wait3A_119 = arith.constant 0 : i32
      %dma_wait3A_120 = arith.constant 0 : i32
      %dma_wait3A_121 = tpu.memref_slice %arg2[%dma_wait3A_119, %dma_wait3A_120] : memref<10000x128xf32, #tpu.memory_space<hbm>> -> memref<10000x128xf32, #tpu.memory_space<hbm>>
      tpu.wait_indirect_dma semaphore(%arg11 : memref<!tpu.dma_semaphore, #tpu.memory_space<semaphore_mem>>) src(%dma_wait3A_121 : memref<10000x128xf32, #tpu.memory_space<hbm>>) dst(%arg7 : memref<128x128xf32, #tpu.memory_space<vmem>>)
      %dma_start3A_122 = arith.constant 0 : i32
      %dma_start3A_123 = arith.constant 0 : i32
      %dma_start3A_124 = tpu.memref_slice %arg6[%dma_start3A_122, %dma_start3A_123] : memref<2x128xi32, #tpu.memory_space<vmem>> -> memref<1x128xi32, #tpu.memory_space<vmem>>
      %dma_start3A_125 = tpu.memref_squeeze %dma_start3A_124 : memref<1x128xi32, #tpu.memory_space<vmem>> -> memref<128xi32, #tpu.memory_space<vmem>>
      %dma_start3A_126 = arith.constant 0 : i32
      %dma_start3A_127 = arith.constant 0 : i32
      %dma_start3A_128 = tpu.memref_slice %arg2[%dma_start3A_126, %dma_start3A_127] : memref<10000x128xf32, #tpu.memory_space<hbm>> -> memref<10000x128xf32, #tpu.memory_space<hbm>>
      tpu.enqueue_indirect_dma source(%dma_start3A_128 : memref<10000x128xf32, #tpu.memory_space<hbm>>) target(%arg8 : memref<128x128xf32, #tpu.memory_space<vmem>>) offsets(%dma_start3A_125 : memref<128xi32, #tpu.memory_space<vmem>>) semaphore(%arg12 : memref<!tpu.dma_semaphore, #tpu.memory_space<semaphore_mem>>)
      %run_scoped3A = arith.constant 1 : i32
      "tpu.region"() ({
        %run_scoped3A_153 = tpu.sem_alloc : memref<!tpu.dma_semaphore, #tpu.memory_space<semaphore_mem>>
        %dma_start3A_154 = arith.constant 0 : i32
        %dma_start3A_155 = tpu.memref_slice %arg5[%run_scoped3A, %dma_start3A_154] : memref<2x128xi32, #tpu.memory_space<vmem>> -> memref<1x128xi32, #tpu.memory_space<vmem>>
        %dma_start3A_156 = tpu.memref_squeeze %dma_start3A_155 : memref<1x128xi32, #tpu.memory_space<vmem>> -> memref<128xi32, #tpu.memory_space<vmem>>
        %dma_start3A_157 = arith.constant 0 : i32
        %dma_start3A_158 = arith.constant 0 : i32
        %dma_start3A_159 = tpu.memref_slice %arg9[%dma_start3A_157, %dma_start3A_158] : memref<10240x128xf32, #tpu.memory_space<vmem_shared>> -> memref<10240x128xf32, #tpu.memory_space<vmem_shared>>
        tpu.enqueue_indirect_dma source(%arg7 : memref<128x128xf32, #tpu.memory_space<vmem>>) target(%dma_start3A_159 : memref<10240x128xf32, #tpu.memory_space<vmem_shared>>) offsets(%dma_start3A_156 : memref<128xi32, #tpu.memory_space<vmem>>) semaphore(%run_scoped3A_153 : memref<!tpu.dma_semaphore, #tpu.memory_space<semaphore_mem>>) {add = true}
        %dma_wait3A_160 = arith.constant 0 : i32
        %dma_wait3A_161 = tpu.memref_slice %arg5[%run_scoped3A, %dma_wait3A_160] : memref<2x128xi32, #tpu.memory_space<vmem>> -> memref<1x128xi32, #tpu.memory_space<vmem>>
        %dma_wait3A_162 = tpu.memref_squeeze %dma_wait3A_161 : memref<1x128xi32, #tpu.memory_space<vmem>> -> memref<128xi32, #tpu.memory_space<vmem>>
        %dma_wait3A_163 = arith.constant 0 : i32
        %dma_wait3A_164 = arith.constant 0 : i32
        %dma_wait3A_165 = tpu.memref_slice %arg9[%dma_wait3A_163, %dma_wait3A_164] : memref<10240x128xf32, #tpu.memory_space<vmem_shared>> -> memref<10240x128xf32, #tpu.memory_space<vmem_shared>>
        tpu.wait_indirect_dma semaphore(%run_scoped3A_153 : memref<!tpu.dma_semaphore, #tpu.memory_space<semaphore_mem>>) src(%arg7 : memref<128x128xf32, #tpu.memory_space<vmem>>) dst(%dma_wait3A_165 : memref<10240x128xf32, #tpu.memory_space<vmem_shared>>)
        tpu.yield
      }) : () -> ()
      %add3A_129 = arith.constant 2 : i32
      %add3A_130 = arith.addi %mul3A_103, %add3A_129 : i32
      %lt3A = arith.cmpi slt, %add3A_130, %select_n3A : i32
      %convert_element_type3A = arith.extui %lt3A : i1 to i32
      %cond3A = arith.constant 0 : i32
      %cond3A_131 = arith.cmpi ne, %convert_element_type3A, %cond3A : i32
      scf.if %cond3A_131 {
        %add3A_153 = arith.addi %select_n3A_34, %mul3A_103 : i32
        %add3A_154 = arith.constant 2 : i32
        %add3A_155 = arith.addi %add3A_153, %add3A_154 : i32
        %dma_start3A_156 = arith.constant 0 : i32
        %dma_start3A_157 = arith.constant 0 : i32
        %dma_start3A_158 = tpu.memref_slice %arg3[%add3A_155, %dma_start3A_156, %dma_start3A_157] : memref<2528x2x128xi32, #tpu.memory_space<hbm>> -> memref<1x2x128xi32, #tpu.memory_space<hbm>>
        %dma_start3A_159 = tpu.memref_squeeze %dma_start3A_158 : memref<1x2x128xi32, #tpu.memory_space<hbm>> -> memref<2x128xi32, #tpu.memory_space<hbm>>
        %dma_start3A_160 = arith.constant 0 : i32
        %dma_start3A_161 = arith.constant 0 : i32
        %dma_start3A_162 = tpu.memref_slice %arg3[%add3A_155, %dma_start3A_160, %dma_start3A_161] : memref<2528x2x128xi32, #tpu.memory_space<hbm>> -> memref<1x2x128xi32, #tpu.memory_space<hbm>>
        %dma_start3A_163 = tpu.memref_squeeze %dma_start3A_162 : memref<1x2x128xi32, #tpu.memory_space<hbm>> -> memref<2x128xi32, #tpu.memory_space<hbm>>
        tpu.enqueue_dma source(%dma_start3A_163 : memref<2x128xi32, #tpu.memory_space<hbm>>) target(%arg5 : memref<2x128xi32, #tpu.memory_space<vmem>>) target_semaphore(%arg10 : memref<!tpu.dma_semaphore, #tpu.memory_space<semaphore_mem>>)
      } else {
      }
      %dma_wait3A_132 = arith.constant 0 : i32
      %dma_wait3A_133 = arith.constant 0 : i32
      %dma_wait3A_134 = tpu.memref_slice %arg6[%dma_wait3A_132, %dma_wait3A_133] : memref<2x128xi32, #tpu.memory_space<vmem>> -> memref<1x128xi32, #tpu.memory_space<vmem>>
      %dma_wait3A_135 = tpu.memref_squeeze %dma_wait3A_134 : memref<1x128xi32, #tpu.memory_space<vmem>> -> memref<128xi32, #tpu.memory_space<vmem>>
      %dma_wait3A_136 = arith.constant 0 : i32
      %dma_wait3A_137 = arith.constant 0 : i32
      %dma_wait3A_138 = tpu.memref_slice %arg2[%dma_wait3A_136, %dma_wait3A_137] : memref<10000x128xf32, #tpu.memory_space<hbm>> -> memref<10000x128xf32, #tpu.memory_space<hbm>>
      tpu.wait_indirect_dma semaphore(%arg12 : memref<!tpu.dma_semaphore, #tpu.memory_space<semaphore_mem>>) src(%dma_wait3A_138 : memref<10000x128xf32, #tpu.memory_space<hbm>>) dst(%arg8 : memref<128x128xf32, #tpu.memory_space<vmem>>)
      %add3A_139 = arith.constant 2 : i32
      %add3A_140 = arith.addi %mul3A_103, %add3A_139 : i32
      %lt3A_141 = arith.cmpi slt, %add3A_140, %select_n3A : i32
      %convert_element_type3A_142 = arith.extui %lt3A_141 : i1 to i32
      %cond3A_143 = arith.constant 0 : i32
      %cond3A_144 = arith.cmpi ne, %convert_element_type3A_142, %cond3A_143 : i32
      scf.if %cond3A_144 {
        %add3A_153 = arith.addi %select_n3A_34, %mul3A_103 : i32
        %add3A_154 = arith.constant 2 : i32
        %add3A_155 = arith.addi %add3A_153, %add3A_154 : i32
        %dma_wait3A_156 = arith.constant 0 : i32
        %dma_wait3A_157 = arith.constant 0 : i32
        %dma_wait3A_158 = tpu.memref_slice %arg3[%add3A_155, %dma_wait3A_156, %dma_wait3A_157] : memref<2528x2x128xi32, #tpu.memory_space<hbm>> -> memref<1x2x128xi32, #tpu.memory_space<hbm>>
        %dma_wait3A_159 = tpu.memref_squeeze %dma_wait3A_158 : memref<1x2x128xi32, #tpu.memory_space<hbm>> -> memref<2x128xi32, #tpu.memory_space<hbm>>
        %dma_wait3A_160 = arith.constant 0 : i32
        %dma_wait3A_161 = arith.constant 0 : i32
        %dma_wait3A_162 = tpu.memref_slice %arg3[%add3A_155, %dma_wait3A_160, %dma_wait3A_161] : memref<2528x2x128xi32, #tpu.memory_space<hbm>> -> memref<1x2x128xi32, #tpu.memory_space<hbm>>
        %dma_wait3A_163 = tpu.memref_squeeze %dma_wait3A_162 : memref<1x2x128xi32, #tpu.memory_space<hbm>> -> memref<2x128xi32, #tpu.memory_space<hbm>>
        tpu.wait_dma2 semaphore(%arg10 : memref<!tpu.dma_semaphore, #tpu.memory_space<semaphore_mem>>) src(%dma_wait3A_163 : memref<2x128xi32, #tpu.memory_space<hbm>>) dst(%arg5 : memref<2x128xi32, #tpu.memory_space<vmem>>)
        %dma_start3A_164 = arith.constant 0 : i32
        %dma_start3A_165 = arith.constant 0 : i32
        %dma_start3A_166 = tpu.memref_slice %arg5[%dma_start3A_164, %dma_start3A_165] : memref<2x128xi32, #tpu.memory_space<vmem>> -> memref<1x128xi32, #tpu.memory_space<vmem>>
        %dma_start3A_167 = tpu.memref_squeeze %dma_start3A_166 : memref<1x128xi32, #tpu.memory_space<vmem>> -> memref<128xi32, #tpu.memory_space<vmem>>
        %dma_start3A_168 = arith.constant 0 : i32
        %dma_start3A_169 = arith.constant 0 : i32
        %dma_start3A_170 = tpu.memref_slice %arg2[%dma_start3A_168, %dma_start3A_169] : memref<10000x128xf32, #tpu.memory_space<hbm>> -> memref<10000x128xf32, #tpu.memory_space<hbm>>
        tpu.enqueue_indirect_dma source(%dma_start3A_170 : memref<10000x128xf32, #tpu.memory_space<hbm>>) target(%arg7 : memref<128x128xf32, #tpu.memory_space<vmem>>) offsets(%dma_start3A_167 : memref<128xi32, #tpu.memory_space<vmem>>) semaphore(%arg11 : memref<!tpu.dma_semaphore, #tpu.memory_space<semaphore_mem>>)
      } else {
      }
      %run_scoped3A_145 = arith.constant 1 : i32
      "tpu.region"() ({
        %run_scoped3A_153 = tpu.sem_alloc : memref<!tpu.dma_semaphore, #tpu.memory_space<semaphore_mem>>
        %dma_start3A_154 = arith.constant 0 : i32
        %dma_start3A_155 = tpu.memref_slice %arg6[%run_scoped3A_145, %dma_start3A_154] : memref<2x128xi32, #tpu.memory_space<vmem>> -> memref<1x128xi32, #tpu.memory_space<vmem>>
        %dma_start3A_156 = tpu.memref_squeeze %dma_start3A_155 : memref<1x128xi32, #tpu.memory_space<vmem>> -> memref<128xi32, #tpu.memory_space<vmem>>
        %dma_start3A_157 = arith.constant 0 : i32
        %dma_start3A_158 = arith.constant 0 : i32
        %dma_start3A_159 = tpu.memref_slice %arg9[%dma_start3A_157, %dma_start3A_158] : memref<10240x128xf32, #tpu.memory_space<vmem_shared>> -> memref<10240x128xf32, #tpu.memory_space<vmem_shared>>
        tpu.enqueue_indirect_dma source(%arg8 : memref<128x128xf32, #tpu.memory_space<vmem>>) target(%dma_start3A_159 : memref<10240x128xf32, #tpu.memory_space<vmem_shared>>) offsets(%dma_start3A_156 : memref<128xi32, #tpu.memory_space<vmem>>) semaphore(%run_scoped3A_153 : memref<!tpu.dma_semaphore, #tpu.memory_space<semaphore_mem>>) {add = true}
        %dma_wait3A_160 = arith.constant 0 : i32
        %dma_wait3A_161 = tpu.memref_slice %arg6[%run_scoped3A_145, %dma_wait3A_160] : memref<2x128xi32, #tpu.memory_space<vmem>> -> memref<1x128xi32, #tpu.memory_space<vmem>>
        %dma_wait3A_162 = tpu.memref_squeeze %dma_wait3A_161 : memref<1x128xi32, #tpu.memory_space<vmem>> -> memref<128xi32, #tpu.memory_space<vmem>>
        %dma_wait3A_163 = arith.constant 0 : i32
        %dma_wait3A_164 = arith.constant 0 : i32
        %dma_wait3A_165 = tpu.memref_slice %arg9[%dma_wait3A_163, %dma_wait3A_164] : memref<10240x128xf32, #tpu.memory_space<vmem_shared>> -> memref<10240x128xf32, #tpu.memory_space<vmem_shared>>
        tpu.wait_indirect_dma semaphore(%run_scoped3A_153 : memref<!tpu.dma_semaphore, #tpu.memory_space<semaphore_mem>>) src(%arg8 : memref<128x128xf32, #tpu.memory_space<vmem>>) dst(%dma_wait3A_165 : memref<10240x128xf32, #tpu.memory_space<vmem_shared>>)
        tpu.yield
      }) : () -> ()
      %add3A_146 = arith.constant 3 : i32
      %add3A_147 = arith.addi %mul3A_103, %add3A_146 : i32
      %lt3A_148 = arith.cmpi slt, %add3A_147, %select_n3A : i32
      %convert_element_type3A_149 = arith.extui %lt3A_148 : i1 to i32
      %cond3A_150 = arith.constant 0 : i32
      %cond3A_151 = arith.cmpi ne, %convert_element_type3A_149, %cond3A_150 : i32
      scf.if %cond3A_151 {
        %add3A_153 = arith.addi %select_n3A_34, %mul3A_103 : i32
        %add3A_154 = arith.constant 3 : i32
        %add3A_155 = arith.addi %add3A_153, %add3A_154 : i32
        %dma_start3A_156 = arith.constant 0 : i32
        %dma_start3A_157 = arith.constant 0 : i32
        %dma_start3A_158 = tpu.memref_slice %arg3[%add3A_155, %dma_start3A_156, %dma_start3A_157] : memref<2528x2x128xi32, #tpu.memory_space<hbm>> -> memref<1x2x128xi32, #tpu.memory_space<hbm>>
        %dma_start3A_159 = tpu.memref_squeeze %dma_start3A_158 : memref<1x2x128xi32, #tpu.memory_space<hbm>> -> memref<2x128xi32, #tpu.memory_space<hbm>>
        %dma_start3A_160 = arith.constant 0 : i32
        %dma_start3A_161 = arith.constant 0 : i32
        %dma_start3A_162 = tpu.memref_slice %arg3[%add3A_155, %dma_start3A_160, %dma_start3A_161] : memref<2528x2x128xi32, #tpu.memory_space<hbm>> -> memref<1x2x128xi32, #tpu.memory_space<hbm>>
        %dma_start3A_163 = tpu.memref_squeeze %dma_start3A_162 : memref<1x2x128xi32, #tpu.memory_space<hbm>> -> memref<2x128xi32, #tpu.memory_space<hbm>>
        tpu.enqueue_dma source(%dma_start3A_163 : memref<2x128xi32, #tpu.memory_space<hbm>>) target(%arg6 : memref<2x128xi32, #tpu.memory_space<vmem>>) target_semaphore(%arg10 : memref<!tpu.dma_semaphore, #tpu.memory_space<semaphore_mem>>)
      } else {
      }
      %while3A_152 = arith.constant 0 : i32
      scf.yield %while3A_152 : i32
    }
    %barrier3A_95 = arith.constant 0 : index
    tpu.barrier barrier_id(%barrier3A_95)
    %mul3A_96 = arith.constant 640 : i32
    %mul3A_97 = arith.muli %arg1, %mul3A_96 : i32
    %mul3A_98 = arith.constant 640 : i32
    %mul3A_99 = arith.muli %arg1, %mul3A_98 : i32
    "tpu.region"() ({
      %run_scoped3A = tpu.sem_alloc : memref<!tpu.dma_semaphore, #tpu.memory_space<semaphore_mem>>
      %dma_start3A_100 = arith.constant 0 : i32
      %dma_start3A_101 = tpu.memref_slice %arg4[%arg0, %mul3A_99, %dma_start3A_100] : memref<2x10240x128xf32, #tpu.memory_space<hbm>> -> memref<1x640x128xf32, #tpu.memory_space<hbm>>
      %dma_start3A_102 = tpu.memref_squeeze %dma_start3A_101 : memref<1x640x128xf32, #tpu.memory_space<hbm>> -> memref<640x128xf32, #tpu.memory_space<hbm>>
      %dma_start3A_103 = arith.constant 0 : i32
      %dma_start3A_104 = tpu.memref_slice %arg9[%mul3A_97, %dma_start3A_103] : memref<10240x128xf32, #tpu.memory_space<vmem_shared>> -> memref<640x128xf32, #tpu.memory_space<vmem_shared>>
      tpu.enqueue_dma source(%dma_start3A_104 : memref<640x128xf32, #tpu.memory_space<vmem_shared>>) target(%dma_start3A_102 : memref<640x128xf32, #tpu.memory_space<hbm>>) target_semaphore(%run_scoped3A : memref<!tpu.dma_semaphore, #tpu.memory_space<semaphore_mem>>)
      %dma_wait3A_105 = arith.constant 0 : i32
      %dma_wait3A_106 = tpu.memref_slice %arg4[%arg0, %mul3A_99, %dma_wait3A_105] : memref<2x10240x128xf32, #tpu.memory_space<hbm>> -> memref<1x640x128xf32, #tpu.memory_space<hbm>>
      %dma_wait3A_107 = tpu.memref_squeeze %dma_wait3A_106 : memref<1x640x128xf32, #tpu.memory_space<hbm>> -> memref<640x128xf32, #tpu.memory_space<hbm>>
      %dma_wait3A_108 = arith.constant 0 : i32
      %dma_wait3A_109 = tpu.memref_slice %arg9[%mul3A_97, %dma_wait3A_108] : memref<10240x128xf32, #tpu.memory_space<vmem_shared>> -> memref<640x128xf32, #tpu.memory_space<vmem_shared>>
      tpu.wait_dma2 semaphore(%run_scoped3A : memref<!tpu.dma_semaphore, #tpu.memory_space<semaphore_mem>>) src(%dma_wait3A_109 : memref<640x128xf32, #tpu.memory_space<vmem_shared>>) dst(%dma_wait3A_107 : memref<640x128xf32, #tpu.memory_space<hbm>>)
      tpu.yield
    }) : () -> ()
    return
  }
}

#map = affine_map<(d0, d1) -> (0, 0)>
#map1 = affine_map<(d0, d1) -> (0, 0, 0)>
module attributes {stable_mosaic.version = 14 : i64} {
  func.func @_sc_scatter_body(%arg0: i32, %arg1: i32, %arg2: memref<10000x128xf32, #tpu.memory_space<hbm>>, %arg3: memref<2528x2x128xi32, #tpu.memory_space<hbm>>, %arg4: memref<2x10240x128xf32, #tpu.memory_space<hbm>>, %arg5: memref<2x128xi32, #tpu.memory_space<vmem>>, %arg6: memref<2x128xi32, #tpu.memory_space<vmem>>, %arg7: memref<128x128xf32, #tpu.memory_space<vmem>>, %arg8: memref<128x128xf32, #tpu.memory_space<vmem>>, %arg9: memref<10240x128xf32, #tpu.memory_space<vmem_shared>>, %arg10: memref<!tpu.dma_semaphore, #tpu.memory_space<semaphore_mem>>, %arg11: memref<!tpu.dma_semaphore, #tpu.memory_space<semaphore_mem>>, %arg12: memref<!tpu.dma_semaphore, #tpu.memory_space<semaphore_mem>>) attributes {dimension_semantics = [#tpu.dimension_semantics<core_parallel>, #tpu.dimension_semantics<subcore_parallel>], iteration_bounds = array<i64: 2, 16>, scalar_prefetch = 0 : i64, scratch_operands = 8 : i64, tpu.core_type = #tpu.core_type<sc_vector_subcore>, window_params = [{transform_indices = #map}, {transform_indices = #map1}, {transform_indices = #map1}]} {
    %scan3A = arith.constant 0 : i32
    %scan3A_0 = arith.constant 0 : i32
    %scan3A_1 = arith.constant 128 : i32
    %scan3A_2 = arith.addi %scan3A_0, %scan3A_1 : i32
    %scan3A_3 = arith.constant 1 : i32
    %scan3A_4 = scf.for %scan3A_100 = %scan3A_0 to %scan3A_2 step %scan3A_3 iter_args(%scan3A_101 = %scan3A) -> (i32)  : i32 {
      %broadcast_in_dim3A = arith.constant 0.000000e+00 : f32
      %broadcast_in_dim3A_102 = vector.broadcast %broadcast_in_dim3A : f32 to vector<16xf32>
      %swap3A = arith.index_cast %scan3A_100 : i32 to index
      %swap3A_103 = arith.constant 0 : index
      %swap3A_104 = tpu.vector_load %arg7[%swap3A, %swap3A_103] {strides = array<i32>} : memref<128x128xf32, #tpu.memory_space<vmem>>, vector<1x16xf32>,
      %swap3A_105 = vector.shape_cast %swap3A_104 : vector<1x16xf32> to vector<16xf32>
      %swap3A_106 = vector.shape_cast %broadcast_in_dim3A_102 : vector<16xf32> to vector<1x16xf32>
      tpu.vector_store %arg7[%swap3A, %swap3A_103], %swap3A_106 {strides = array<i32>} : memref<128x128xf32, #tpu.memory_space<vmem>>, vector<1x16xf32>,
      %broadcast_in_dim3A_107 = arith.constant 0.000000e+00 : f32
      %broadcast_in_dim3A_108 = vector.broadcast %broadcast_in_dim3A_107 : f32 to vector<16xf32>
      %swap3A_109 = arith.index_cast %scan3A_100 : i32 to index
      %swap3A_110 = arith.constant 16 : index
      %swap3A_111 = tpu.vector_load %arg7[%swap3A_109, %swap3A_110] {strides = array<i32>} : memref<128x128xf32, #tpu.memory_space<vmem>>, vector<1x16xf32>,
      %swap3A_112 = vector.shape_cast %swap3A_111 : vector<1x16xf32> to vector<16xf32>
      %swap3A_113 = vector.shape_cast %broadcast_in_dim3A_108 : vector<16xf32> to vector<1x16xf32>
      tpu.vector_store %arg7[%swap3A_109, %swap3A_110], %swap3A_113 {strides = array<i32>} : memref<128x128xf32, #tpu.memory_space<vmem>>, vector<1x16xf32>,
      %broadcast_in_dim3A_114 = arith.constant 0.000000e+00 : f32
      %broadcast_in_dim3A_115 = vector.broadcast %broadcast_in_dim3A_114 : f32 to vector<16xf32>
      %swap3A_116 = arith.index_cast %scan3A_100 : i32 to index
      %swap3A_117 = arith.constant 32 : index
      %swap3A_118 = tpu.vector_load %arg7[%swap3A_116, %swap3A_117] {strides = array<i32>} : memref<128x128xf32, #tpu.memory_space<vmem>>, vector<1x16xf32>,
      %swap3A_119 = vector.shape_cast %swap3A_118 : vector<1x16xf32> to vector<16xf32>
      %swap3A_120 = vector.shape_cast %broadcast_in_dim3A_115 : vector<16xf32> to vector<1x16xf32>
      tpu.vector_store %arg7[%swap3A_116, %swap3A_117], %swap3A_120 {strides = array<i32>} : memref<128x128xf32, #tpu.memory_space<vmem>>, vector<1x16xf32>,
      %broadcast_in_dim3A_121 = arith.constant 0.000000e+00 : f32
      %broadcast_in_dim3A_122 = vector.broadcast %broadcast_in_dim3A_121 : f32 to vector<16xf32>
      %swap3A_123 = arith.index_cast %scan3A_100 : i32 to index
      %swap3A_124 = arith.constant 48 : index
      %swap3A_125 = tpu.vector_load %arg7[%swap3A_123, %swap3A_124] {strides = array<i32>} : memref<128x128xf32, #tpu.memory_space<vmem>>, vector<1x16xf32>,
      %swap3A_126 = vector.shape_cast %swap3A_125 : vector<1x16xf32> to vector<16xf32>
      %swap3A_127 = vector.shape_cast %broadcast_in_dim3A_122 : vector<16xf32> to vector<1x16xf32>
      tpu.vector_store %arg7[%swap3A_123, %swap3A_124], %swap3A_127 {strides = array<i32>} : memref<128x128xf32, #tpu.memory_space<vmem>>, vector<1x16xf32>,
      %broadcast_in_dim3A_128 = arith.constant 0.000000e+00 : f32
      %broadcast_in_dim3A_129 = vector.broadcast %broadcast_in_dim3A_128 : f32 to vector<16xf32>
      %swap3A_130 = arith.index_cast %scan3A_100 : i32 to index
      %swap3A_131 = arith.constant 64 : index
      %swap3A_132 = tpu.vector_load %arg7[%swap3A_130, %swap3A_131] {strides = array<i32>} : memref<128x128xf32, #tpu.memory_space<vmem>>, vector<1x16xf32>,
      %swap3A_133 = vector.shape_cast %swap3A_132 : vector<1x16xf32> to vector<16xf32>
      %swap3A_134 = vector.shape_cast %broadcast_in_dim3A_129 : vector<16xf32> to vector<1x16xf32>
      tpu.vector_store %arg7[%swap3A_130, %swap3A_131], %swap3A_134 {strides = array<i32>} : memref<128x128xf32, #tpu.memory_space<vmem>>, vector<1x16xf32>,
      %broadcast_in_dim3A_135 = arith.constant 0.000000e+00 : f32
      %broadcast_in_dim3A_136 = vector.broadcast %broadcast_in_dim3A_135 : f32 to vector<16xf32>
      %swap3A_137 = arith.index_cast %scan3A_100 : i32 to index
      %swap3A_138 = arith.constant 80 : index
      %swap3A_139 = tpu.vector_load %arg7[%swap3A_137, %swap3A_138] {strides = array<i32>} : memref<128x128xf32, #tpu.memory_space<vmem>>, vector<1x16xf32>,
      %swap3A_140 = vector.shape_cast %swap3A_139 : vector<1x16xf32> to vector<16xf32>
      %swap3A_141 = vector.shape_cast %broadcast_in_dim3A_136 : vector<16xf32> to vector<1x16xf32>
      tpu.vector_store %arg7[%swap3A_137, %swap3A_138], %swap3A_141 {strides = array<i32>} : memref<128x128xf32, #tpu.memory_space<vmem>>, vector<1x16xf32>,
      %broadcast_in_dim3A_142 = arith.constant 0.000000e+00 : f32
      %broadcast_in_dim3A_143 = vector.broadcast %broadcast_in_dim3A_142 : f32 to vector<16xf32>
      %swap3A_144 = arith.index_cast %scan3A_100 : i32 to index
      %swap3A_145 = arith.constant 96 : index
      %swap3A_146 = tpu.vector_load %arg7[%swap3A_144, %swap3A_145] {strides = array<i32>} : memref<128x128xf32, #tpu.memory_space<vmem>>, vector<1x16xf32>,
      %swap3A_147 = vector.shape_cast %swap3A_146 : vector<1x16xf32> to vector<16xf32>
      %swap3A_148 = vector.shape_cast %broadcast_in_dim3A_143 : vector<16xf32> to vector<1x16xf32>
      tpu.vector_store %arg7[%swap3A_144, %swap3A_145], %swap3A_148 {strides = array<i32>} : memref<128x128xf32, #tpu.memory_space<vmem>>, vector<1x16xf32>,
      %broadcast_in_dim3A_149 = arith.constant 0.000000e+00 : f32
      %broadcast_in_dim3A_150 = vector.broadcast %broadcast_in_dim3A_149 : f32 to vector<16xf32>
      %swap3A_151 = arith.index_cast %scan3A_100 : i32 to index
      %swap3A_152 = arith.constant 112 : index
      %swap3A_153 = tpu.vector_load %arg7[%swap3A_151, %swap3A_152] {strides = array<i32>} : memref<128x128xf32, #tpu.memory_space<vmem>>, vector<1x16xf32>,
      %swap3A_154 = vector.shape_cast %swap3A_153 : vector<1x16xf32> to vector<16xf32>
      %swap3A_155 = vector.shape_cast %broadcast_in_dim3A_150 : vector<16xf32> to vector<1x16xf32>
      tpu.vector_store %arg7[%swap3A_151, %swap3A_152], %swap3A_155 {strides = array<i32>} : memref<128x128xf32, #tpu.memory_space<vmem>>, vector<1x16xf32>,
      %scan3A_156 = arith.constant 0 : i32
      scf.yield %scan3A_156 : i32
    }
    %scan3A_5 = arith.constant 128 : i32
    %mul3A = arith.constant 640 : i32
    %mul3A_6 = arith.muli %arg1, %mul3A : i32
    %add3A = arith.constant 0 : i32
    %add3A_7 = arith.addi %mul3A_6, %add3A : i32
    "tpu.region"() ({
      %run_scoped3A = tpu.sem_alloc : memref<!tpu.dma_semaphore, #tpu.memory_space<semaphore_mem>>
      %dma_start3A_100 = arith.constant 0 : i32
      %dma_start3A_101 = tpu.memref_slice %arg9[%add3A_7, %dma_start3A_100] : memref<10240x128xf32, #tpu.memory_space<vmem_shared>> -> memref<128x128xf32, #tpu.memory_space<vmem_shared>>
      %dma_start3A_102 = arith.constant 0 : i32
      %dma_start3A_103 = tpu.memref_slice %arg9[%add3A_7, %dma_start3A_102] : memref<10240x128xf32, #tpu.memory_space<vmem_shared>> -> memref<128x128xf32, #tpu.memory_space<vmem_shared>>
      tpu.enqueue_dma source(%arg7 : memref<128x128xf32, #tpu.memory_space<vmem>>) target(%dma_start3A_103 : memref<128x128xf32, #tpu.memory_space<vmem_shared>>) target_semaphore(%run_scoped3A : memref<!tpu.dma_semaphore, #tpu.memory_space<semaphore_mem>>)
      %dma_wait3A_104 = arith.constant 0 : i32
      %dma_wait3A_105 = tpu.memref_slice %arg9[%add3A_7, %dma_wait3A_104] : memref<10240x128xf32, #tpu.memory_space<vmem_shared>> -> memref<128x128xf32, #tpu.memory_space<vmem_shared>>
      %dma_wait3A_106 = arith.constant 0 : i32
      %dma_wait3A_107 = tpu.memref_slice %arg9[%add3A_7, %dma_wait3A_106] : memref<10240x128xf32, #tpu.memory_space<vmem_shared>> -> memref<128x128xf32, #tpu.memory_space<vmem_shared>>
      tpu.wait_dma2 semaphore(%run_scoped3A : memref<!tpu.dma_semaphore, #tpu.memory_space<semaphore_mem>>) src(%arg7 : memref<128x128xf32, #tpu.memory_space<vmem>>) dst(%dma_wait3A_107 : memref<128x128xf32, #tpu.memory_space<vmem_shared>>)
      tpu.yield
    }) : () -> ()
    %mul3A_8 = arith.constant 640 : i32
    %mul3A_9 = arith.muli %arg1, %mul3A_8 : i32
    %add3A_10 = arith.constant 128 : i32
    %add3A_11 = arith.addi %mul3A_9, %add3A_10 : i32
    "tpu.region"() ({
      %run_scoped3A = tpu.sem_alloc : memref<!tpu.dma_semaphore, #tpu.memory_space<semaphore_mem>>
      %dma_start3A_100 = arith.constant 0 : i32
      %dma_start3A_101 = tpu.memref_slice %arg9[%add3A_11, %dma_start3A_100] : memref<10240x128xf32, #tpu.memory_space<vmem_shared>> -> memref<128x128xf32, #tpu.memory_space<vmem_shared>>
      %dma_start3A_102 = arith.constant 0 : i32
      %dma_start3A_103 = tpu.memref_slice %arg9[%add3A_11, %dma_start3A_102] : memref<10240x128xf32, #tpu.memory_space<vmem_shared>> -> memref<128x128xf32, #tpu.memory_space<vmem_shared>>
      tpu.enqueue_dma source(%arg7 : memref<128x128xf32, #tpu.memory_space<vmem>>) target(%dma_start3A_103 : memref<128x128xf32, #tpu.memory_space<vmem_shared>>) target_semaphore(%run_scoped3A : memref<!tpu.dma_semaphore, #tpu.memory_space<semaphore_mem>>)
      %dma_wait3A_104 = arith.constant 0 : i32
      %dma_wait3A_105 = tpu.memref_slice %arg9[%add3A_11, %dma_wait3A_104] : memref<10240x128xf32, #tpu.memory_space<vmem_shared>> -> memref<128x128xf32, #tpu.memory_space<vmem_shared>>
      %dma_wait3A_106 = arith.constant 0 : i32
      %dma_wait3A_107 = tpu.memref_slice %arg9[%add3A_11, %dma_wait3A_106] : memref<10240x128xf32, #tpu.memory_space<vmem_shared>> -> memref<128x128xf32, #tpu.memory_space<vmem_shared>>
      tpu.wait_dma2 semaphore(%run_scoped3A : memref<!tpu.dma_semaphore, #tpu.memory_space<semaphore_mem>>) src(%arg7 : memref<128x128xf32, #tpu.memory_space<vmem>>) dst(%dma_wait3A_107 : memref<128x128xf32, #tpu.memory_space<vmem_shared>>)
      tpu.yield
    }) : () -> ()
    %mul3A_12 = arith.constant 640 : i32
    %mul3A_13 = arith.muli %arg1, %mul3A_12 : i32
    %add3A_14 = arith.constant 256 : i32
    %add3A_15 = arith.addi %mul3A_13, %add3A_14 : i32
    "tpu.region"() ({
      %run_scoped3A = tpu.sem_alloc : memref<!tpu.dma_semaphore, #tpu.memory_space<semaphore_mem>>
      %dma_start3A_100 = arith.constant 0 : i32
      %dma_start3A_101 = tpu.memref_slice %arg9[%add3A_15, %dma_start3A_100] : memref<10240x128xf32, #tpu.memory_space<vmem_shared>> -> memref<128x128xf32, #tpu.memory_space<vmem_shared>>
      %dma_start3A_102 = arith.constant 0 : i32
      %dma_start3A_103 = tpu.memref_slice %arg9[%add3A_15, %dma_start3A_102] : memref<10240x128xf32, #tpu.memory_space<vmem_shared>> -> memref<128x128xf32, #tpu.memory_space<vmem_shared>>
      tpu.enqueue_dma source(%arg7 : memref<128x128xf32, #tpu.memory_space<vmem>>) target(%dma_start3A_103 : memref<128x128xf32, #tpu.memory_space<vmem_shared>>) target_semaphore(%run_scoped3A : memref<!tpu.dma_semaphore, #tpu.memory_space<semaphore_mem>>)
      %dma_wait3A_104 = arith.constant 0 : i32
      %dma_wait3A_105 = tpu.memref_slice %arg9[%add3A_15, %dma_wait3A_104] : memref<10240x128xf32, #tpu.memory_space<vmem_shared>> -> memref<128x128xf32, #tpu.memory_space<vmem_shared>>
      %dma_wait3A_106 = arith.constant 0 : i32
      %dma_wait3A_107 = tpu.memref_slice %arg9[%add3A_15, %dma_wait3A_106] : memref<10240x128xf32, #tpu.memory_space<vmem_shared>> -> memref<128x128xf32, #tpu.memory_space<vmem_shared>>
      tpu.wait_dma2 semaphore(%run_scoped3A : memref<!tpu.dma_semaphore, #tpu.memory_space<semaphore_mem>>) src(%arg7 : memref<128x128xf32, #tpu.memory_space<vmem>>) dst(%dma_wait3A_107 : memref<128x128xf32, #tpu.memory_space<vmem_shared>>)
      tpu.yield
    }) : () -> ()
    %mul3A_16 = arith.constant 640 : i32
    %mul3A_17 = arith.muli %arg1, %mul3A_16 : i32
    %add3A_18 = arith.constant 384 : i32
    %add3A_19 = arith.addi %mul3A_17, %add3A_18 : i32
    "tpu.region"() ({
      %run_scoped3A = tpu.sem_alloc : memref<!tpu.dma_semaphore, #tpu.memory_space<semaphore_mem>>
      %dma_start3A_100 = arith.constant 0 : i32
      %dma_start3A_101 = tpu.memref_slice %arg9[%add3A_19, %dma_start3A_100] : memref<10240x128xf32, #tpu.memory_space<vmem_shared>> -> memref<128x128xf32, #tpu.memory_space<vmem_shared>>
      %dma_start3A_102 = arith.constant 0 : i32
      %dma_start3A_103 = tpu.memref_slice %arg9[%add3A_19, %dma_start3A_102] : memref<10240x128xf32, #tpu.memory_space<vmem_shared>> -> memref<128x128xf32, #tpu.memory_space<vmem_shared>>
      tpu.enqueue_dma source(%arg7 : memref<128x128xf32, #tpu.memory_space<vmem>>) target(%dma_start3A_103 : memref<128x128xf32, #tpu.memory_space<vmem_shared>>) target_semaphore(%run_scoped3A : memref<!tpu.dma_semaphore, #tpu.memory_space<semaphore_mem>>)
      %dma_wait3A_104 = arith.constant 0 : i32
      %dma_wait3A_105 = tpu.memref_slice %arg9[%add3A_19, %dma_wait3A_104] : memref<10240x128xf32, #tpu.memory_space<vmem_shared>> -> memref<128x128xf32, #tpu.memory_space<vmem_shared>>
      %dma_wait3A_106 = arith.constant 0 : i32
      %dma_wait3A_107 = tpu.memref_slice %arg9[%add3A_19, %dma_wait3A_106] : memref<10240x128xf32, #tpu.memory_space<vmem_shared>> -> memref<128x128xf32, #tpu.memory_space<vmem_shared>>
      tpu.wait_dma2 semaphore(%run_scoped3A : memref<!tpu.dma_semaphore, #tpu.memory_space<semaphore_mem>>) src(%arg7 : memref<128x128xf32, #tpu.memory_space<vmem>>) dst(%dma_wait3A_107 : memref<128x128xf32, #tpu.memory_space<vmem_shared>>)
      tpu.yield
    }) : () -> ()
    %mul3A_20 = arith.constant 640 : i32
    %mul3A_21 = arith.muli %arg1, %mul3A_20 : i32
    %add3A_22 = arith.constant 512 : i32
    %add3A_23 = arith.addi %mul3A_21, %add3A_22 : i32
    "tpu.region"() ({
      %run_scoped3A = tpu.sem_alloc : memref<!tpu.dma_semaphore, #tpu.memory_space<semaphore_mem>>
      %dma_start3A_100 = arith.constant 0 : i32
      %dma_start3A_101 = tpu.memref_slice %arg9[%add3A_23, %dma_start3A_100] : memref<10240x128xf32, #tpu.memory_space<vmem_shared>> -> memref<128x128xf32, #tpu.memory_space<vmem_shared>>
      %dma_start3A_102 = arith.constant 0 : i32
      %dma_start3A_103 = tpu.memref_slice %arg9[%add3A_23, %dma_start3A_102] : memref<10240x128xf32, #tpu.memory_space<vmem_shared>> -> memref<128x128xf32, #tpu.memory_space<vmem_shared>>
      tpu.enqueue_dma source(%arg7 : memref<128x128xf32, #tpu.memory_space<vmem>>) target(%dma_start3A_103 : memref<128x128xf32, #tpu.memory_space<vmem_shared>>) target_semaphore(%run_scoped3A : memref<!tpu.dma_semaphore, #tpu.memory_space<semaphore_mem>>)
      %dma_wait3A_104 = arith.constant 0 : i32
      %dma_wait3A_105 = tpu.memref_slice %arg9[%add3A_23, %dma_wait3A_104] : memref<10240x128xf32, #tpu.memory_space<vmem_shared>> -> memref<128x128xf32, #tpu.memory_space<vmem_shared>>
      %dma_wait3A_106 = arith.constant 0 : i32
      %dma_wait3A_107 = tpu.memref_slice %arg9[%add3A_23, %dma_wait3A_106] : memref<10240x128xf32, #tpu.memory_space<vmem_shared>> -> memref<128x128xf32, #tpu.memory_space<vmem_shared>>
      tpu.wait_dma2 semaphore(%run_scoped3A : memref<!tpu.dma_semaphore, #tpu.memory_space<semaphore_mem>>) src(%arg7 : memref<128x128xf32, #tpu.memory_space<vmem>>) dst(%dma_wait3A_107 : memref<128x128xf32, #tpu.memory_space<vmem_shared>>)
      tpu.yield
    }) : () -> ()
    %barrier3A = arith.constant 0 : index
    tpu.barrier barrier_id(%barrier3A)
    %eq3A = arith.constant 0 : i32
    %eq3A_24 = arith.cmpi eq, %arg0, %eq3A : i32
    %jit3A = arith.constant 116 : i32
    %jit3A_25 = arith.constant 42 : i32
    %select_n3A = arith.select %eq3A_24, %jit3A, %jit3A_25 : i32
    %eq3A_26 = arith.constant 0 : i32
    %eq3A_27 = arith.cmpi eq, %arg0, %eq3A_26 : i32
    %mul3A_28 = arith.constant 116 : i32
    %mul3A_29 = arith.muli %arg1, %mul3A_28 : i32
    %mul3A_30 = arith.constant 42 : i32
    %mul3A_31 = arith.muli %arg1, %mul3A_30 : i32
    %add3A_32 = arith.constant 1856 : i32
    %add3A_33 = arith.addi %add3A_32, %mul3A_31 : i32
    %select_n3A_34 = arith.select %eq3A_27, %mul3A_29, %add3A_33 : i32
    %dma_start3A = arith.constant 0 : i32
    %dma_start3A_35 = arith.constant 0 : i32
    %dma_start3A_36 = tpu.memref_slice %arg3[%select_n3A_34, %dma_start3A, %dma_start3A_35] : memref<2528x2x128xi32, #tpu.memory_space<hbm>> -> memref<1x2x128xi32, #tpu.memory_space<hbm>>
    %dma_start3A_37 = tpu.memref_squeeze %dma_start3A_36 : memref<1x2x128xi32, #tpu.memory_space<hbm>> -> memref<2x128xi32, #tpu.memory_space<hbm>>
    %dma_start3A_38 = arith.constant 0 : i32
    %dma_start3A_39 = arith.constant 0 : i32
    %dma_start3A_40 = tpu.memref_slice %arg3[%select_n3A_34, %dma_start3A_38, %dma_start3A_39] : memref<2528x2x128xi32, #tpu.memory_space<hbm>> -> memref<1x2x128xi32, #tpu.memory_space<hbm>>
    %dma_start3A_41 = tpu.memref_squeeze %dma_start3A_40 : memref<1x2x128xi32, #tpu.memory_space<hbm>> -> memref<2x128xi32, #tpu.memory_space<hbm>>
    tpu.enqueue_dma source(%dma_start3A_41 : memref<2x128xi32, #tpu.memory_space<hbm>>) target(%arg5 : memref<2x128xi32, #tpu.memory_space<vmem>>) target_semaphore(%arg10 : memref<!tpu.dma_semaphore, #tpu.memory_space<semaphore_mem>>)
    %dma_wait3A = arith.constant 0 : i32
    %dma_wait3A_42 = arith.constant 0 : i32
    %dma_wait3A_43 = tpu.memref_slice %arg3[%select_n3A_34, %dma_wait3A, %dma_wait3A_42] : memref<2528x2x128xi32, #tpu.memory_space<hbm>> -> memref<1x2x128xi32, #tpu.memory_space<hbm>>
    %dma_wait3A_44 = tpu.memref_squeeze %dma_wait3A_43 : memref<1x2x128xi32, #tpu.memory_space<hbm>> -> memref<2x128xi32, #tpu.memory_space<hbm>>
    %dma_wait3A_45 = arith.constant 0 : i32
    %dma_wait3A_46 = arith.constant 0 : i32
    %dma_wait3A_47 = tpu.memref_slice %arg3[%select_n3A_34, %dma_wait3A_45, %dma_wait3A_46] : memref<2528x2x128xi32, #tpu.memory_space<hbm>> -> memref<1x2x128xi32, #tpu.memory_space<hbm>>
    %dma_wait3A_48 = tpu.memref_squeeze %dma_wait3A_47 : memref<1x2x128xi32, #tpu.memory_space<hbm>> -> memref<2x128xi32, #tpu.memory_space<hbm>>
    tpu.wait_dma2 semaphore(%arg10 : memref<!tpu.dma_semaphore, #tpu.memory_space<semaphore_mem>>) src(%dma_wait3A_48 : memref<2x128xi32, #tpu.memory_space<hbm>>) dst(%arg5 : memref<2x128xi32, #tpu.memory_space<vmem>>)
    %dma_start3A_49 = arith.constant 0 : i32
    %dma_start3A_50 = arith.constant 0 : i32
    %dma_start3A_51 = tpu.memref_slice %arg5[%dma_start3A_49, %dma_start3A_50] : memref<2x128xi32, #tpu.memory_space<vmem>> -> memref<1x128xi32, #tpu.memory_space<vmem>>
    %dma_start3A_52 = tpu.memref_squeeze %dma_start3A_51 : memref<1x128xi32, #tpu.memory_space<vmem>> -> memref<128xi32, #tpu.memory_space<vmem>>
    %dma_start3A_53 = arith.constant 0 : i32
    %dma_start3A_54 = arith.constant 0 : i32
    %dma_start3A_55 = tpu.memref_slice %arg2[%dma_start3A_53, %dma_start3A_54] : memref<10000x128xf32, #tpu.memory_space<hbm>> -> memref<10000x128xf32, #tpu.memory_space<hbm>>
    tpu.enqueue_indirect_dma source(%dma_start3A_55 : memref<10000x128xf32, #tpu.memory_space<hbm>>) target(%arg7 : memref<128x128xf32, #tpu.memory_space<vmem>>) offsets(%dma_start3A_52 : memref<128xi32, #tpu.memory_space<vmem>>) semaphore(%arg11 : memref<!tpu.dma_semaphore, #tpu.memory_space<semaphore_mem>>)
    %add3A_56 = arith.constant 1 : i32
    %add3A_57 = arith.addi %select_n3A_34, %add3A_56 : i32
    %dma_start3A_58 = arith.constant 0 : i32
    %dma_start3A_59 = arith.constant 0 : i32
    %dma_start3A_60 = tpu.memref_slice %arg3[%add3A_57, %dma_start3A_58, %dma_start3A_59] : memref<2528x2x128xi32, #tpu.memory_space<hbm>> -> memref<1x2x128xi32, #tpu.memory_space<hbm>>
    %dma_start3A_61 = tpu.memref_squeeze %dma_start3A_60 : memref<1x2x128xi32, #tpu.memory_space<hbm>> -> memref<2x128xi32, #tpu.memory_space<hbm>>
    %dma_start3A_62 = arith.constant 0 : i32
    %dma_start3A_63 = arith.constant 0 : i32
    %dma_start3A_64 = tpu.memref_slice %arg3[%add3A_57, %dma_start3A_62, %dma_start3A_63] : memref<2528x2x128xi32, #tpu.memory_space<hbm>> -> memref<1x2x128xi32, #tpu.memory_space<hbm>>
    %dma_start3A_65 = tpu.memref_squeeze %dma_start3A_64 : memref<1x2x128xi32, #tpu.memory_space<hbm>> -> memref<2x128xi32, #tpu.memory_space<hbm>>
    tpu.enqueue_dma source(%dma_start3A_65 : memref<2x128xi32, #tpu.memory_space<hbm>>) target(%arg6 : memref<2x128xi32, #tpu.memory_space<vmem>>) target_semaphore(%arg10 : memref<!tpu.dma_semaphore, #tpu.memory_space<semaphore_mem>>)
    %jit3A_66 = arith.constant 2 : i32
    %div3A = arith.divsi %select_n3A, %jit3A_66 : i32
    %sign3A = arith.constant 0 : i32
    %sign3A_67 = arith.cmpi sgt, %select_n3A, %sign3A : i32
    %sign3A_68 = arith.extui %sign3A_67 : i1 to i32
    %sign3A_69 = arith.constant 0 : i32
    %sign3A_70 = arith.cmpi slt, %select_n3A, %sign3A_69 : i32
    %sign3A_71 = arith.extui %sign3A_70 : i1 to i32
    %sign3A_72 = arith.subi %sign3A_68, %sign3A_71 : i32
    %sign3A_73 = arith.constant 0 : i32
    %sign3A_74 = arith.cmpi sgt, %jit3A_66, %sign3A_73 : i32
    %sign3A_75 = arith.extui %sign3A_74 : i1 to i32
    %sign3A_76 = arith.constant 0 : i32
    %sign3A_77 = arith.cmpi slt, %jit3A_66, %sign3A_76 : i32
    %sign3A_78 = arith.extui %sign3A_77 : i1 to i32
    %sign3A_79 = arith.subi %sign3A_75, %sign3A_78 : i32
    %ne3A = arith.cmpi ne, %sign3A_72, %sign3A_79 : i32
    %rem3A = arith.remsi %select_n3A, %jit3A_66 : i32
    %ne3A_80 = arith.constant 0 : i32
    %ne3A_81 = arith.cmpi ne, %rem3A, %ne3A_80 : i32
    %and3A = arith.andi %ne3A, %ne3A_81 : i1
    %sub3A = arith.constant 1 : i32
    %sub3A_82 = arith.subi %div3A, %sub3A : i32
    %select_n3A_83 = arith.select %and3A, %sub3A_82, %div3A : i32
    %while3A = arith.constant 0 : i32
    %while3A_84 = arith.constant 0 : i32
    %while3A_85 = arith.subi %select_n3A_83, %while3A : i32
    %while3A_86 = arith.addi %while3A, %while3A_85 : i32
    %while3A_87 = arith.constant 1 : i32
    %while3A_88 = arith.divsi %while3A_85, %while3A_87 : i32
    %while3A_89 = arith.muli %while3A_88, %while3A_87 : i32
    %while3A_90 = arith.addi %while3A, %while3A_89 : i32
    %while3A_91 = arith.constant 1 : i32
    %while3A_92 = scf.for %while3A_100 = %while3A to %while3A_90 step %while3A_91 iter_args(%while3A_101 = %while3A_84) -> (i32)  : i32 {
      %mul3A_102 = arith.constant 2 : i32
      %mul3A_103 = arith.muli %mul3A_102, %while3A_100 : i32
      %add3A_104 = arith.addi %select_n3A_34, %mul3A_103 : i32
      %add3A_105 = arith.constant 1 : i32
      %add3A_106 = arith.addi %add3A_104, %add3A_105 : i32
      %dma_wait3A_107 = arith.constant 0 : i32
      %dma_wait3A_108 = arith.constant 0 : i32
      %dma_wait3A_109 = tpu.memref_slice %arg3[%add3A_106, %dma_wait3A_107, %dma_wait3A_108] : memref<2528x2x128xi32, #tpu.memory_space<hbm>> -> memref<1x2x128xi32, #tpu.memory_space<hbm>>
      %dma_wait3A_110 = tpu.memref_squeeze %dma_wait3A_109 : memref<1x2x128xi32, #tpu.memory_space<hbm>> -> memref<2x128xi32, #tpu.memory_space<hbm>>
      %dma_wait3A_111 = arith.constant 0 : i32
      %dma_wait3A_112 = arith.constant 0 : i32
      %dma_wait3A_113 = tpu.memref_slice %arg3[%add3A_106, %dma_wait3A_111, %dma_wait3A_112] : memref<2528x2x128xi32, #tpu.memory_space<hbm>> -> memref<1x2x128xi32, #tpu.memory_space<hbm>>
      %dma_wait3A_114 = tpu.memref_squeeze %dma_wait3A_113 : memref<1x2x128xi32, #tpu.memory_space<hbm>> -> memref<2x128xi32, #tpu.memory_space<hbm>>
      tpu.wait_dma2 semaphore(%arg10 : memref<!tpu.dma_semaphore, #tpu.memory_space<semaphore_mem>>) src(%dma_wait3A_114 : memref<2x128xi32, #tpu.memory_space<hbm>>) dst(%arg6 : memref<2x128xi32, #tpu.memory_space<vmem>>)
      %dma_wait3A_115 = arith.constant 0 : i32
      %dma_wait3A_116 = arith.constant 0 : i32
      %dma_wait3A_117 = tpu.memref_slice %arg5[%dma_wait3A_115, %dma_wait3A_116] : memref<2x128xi32, #tpu.memory_space<vmem>> -> memref<1x128xi32, #tpu.memory_space<vmem>>
      %dma_wait3A_118 = tpu.memref_squeeze %dma_wait3A_117 : memref<1x128xi32, #tpu.memory_space<vmem>> -> memref<128xi32, #tpu.memory_space<vmem>>
      %dma_wait3A_119 = arith.constant 0 : i32
      %dma_wait3A_120 = arith.constant 0 : i32
      %dma_wait3A_121 = tpu.memref_slice %arg2[%dma_wait3A_119, %dma_wait3A_120] : memref<10000x128xf32, #tpu.memory_space<hbm>> -> memref<10000x128xf32, #tpu.memory_space<hbm>>
      tpu.wait_indirect_dma semaphore(%arg11 : memref<!tpu.dma_semaphore, #tpu.memory_space<semaphore_mem>>) src(%dma_wait3A_121 : memref<10000x128xf32, #tpu.memory_space<hbm>>) dst(%arg7 : memref<128x128xf32, #tpu.memory_space<vmem>>)
      %dma_start3A_122 = arith.constant 0 : i32
      %dma_start3A_123 = arith.constant 0 : i32
      %dma_start3A_124 = tpu.memref_slice %arg6[%dma_start3A_122, %dma_start3A_123] : memref<2x128xi32, #tpu.memory_space<vmem>> -> memref<1x128xi32, #tpu.memory_space<vmem>>
      %dma_start3A_125 = tpu.memref_squeeze %dma_start3A_124 : memref<1x128xi32, #tpu.memory_space<vmem>> -> memref<128xi32, #tpu.memory_space<vmem>>
      %dma_start3A_126 = arith.constant 0 : i32
      %dma_start3A_127 = arith.constant 0 : i32
      %dma_start3A_128 = tpu.memref_slice %arg2[%dma_start3A_126, %dma_start3A_127] : memref<10000x128xf32, #tpu.memory_space<hbm>> -> memref<10000x128xf32, #tpu.memory_space<hbm>>
      tpu.enqueue_indirect_dma source(%dma_start3A_128 : memref<10000x128xf32, #tpu.memory_space<hbm>>) target(%arg8 : memref<128x128xf32, #tpu.memory_space<vmem>>) offsets(%dma_start3A_125 : memref<128xi32, #tpu.memory_space<vmem>>) semaphore(%arg12 : memref<!tpu.dma_semaphore, #tpu.memory_space<semaphore_mem>>)
      %run_scoped3A = arith.constant 1 : i32
      "tpu.region"() ({
        %run_scoped3A_153 = tpu.sem_alloc : memref<!tpu.dma_semaphore, #tpu.memory_space<semaphore_mem>>
        %dma_start3A_154 = arith.constant 0 : i32
        %dma_start3A_155 = tpu.memref_slice %arg5[%run_scoped3A, %dma_start3A_154] : memref<2x128xi32, #tpu.memory_space<vmem>> -> memref<1x128xi32, #tpu.memory_space<vmem>>
        %dma_start3A_156 = tpu.memref_squeeze %dma_start3A_155 : memref<1x128xi32, #tpu.memory_space<vmem>> -> memref<128xi32, #tpu.memory_space<vmem>>
        %dma_start3A_157 = arith.constant 0 : i32
        %dma_start3A_158 = arith.constant 0 : i32
        %dma_start3A_159 = tpu.memref_slice %arg9[%dma_start3A_157, %dma_start3A_158] : memref<10240x128xf32, #tpu.memory_space<vmem_shared>> -> memref<10240x128xf32, #tpu.memory_space<vmem_shared>>
        tpu.enqueue_indirect_dma source(%arg7 : memref<128x128xf32, #tpu.memory_space<vmem>>) target(%dma_start3A_159 : memref<10240x128xf32, #tpu.memory_space<vmem_shared>>) offsets(%dma_start3A_156 : memref<128xi32, #tpu.memory_space<vmem>>) semaphore(%run_scoped3A_153 : memref<!tpu.dma_semaphore, #tpu.memory_space<semaphore_mem>>) {add = true}
        %dma_wait3A_160 = arith.constant 0 : i32
        %dma_wait3A_161 = tpu.memref_slice %arg5[%run_scoped3A, %dma_wait3A_160] : memref<2x128xi32, #tpu.memory_space<vmem>> -> memref<1x128xi32, #tpu.memory_space<vmem>>
        %dma_wait3A_162 = tpu.memref_squeeze %dma_wait3A_161 : memref<1x128xi32, #tpu.memory_space<vmem>> -> memref<128xi32, #tpu.memory_space<vmem>>
        %dma_wait3A_163 = arith.constant 0 : i32
        %dma_wait3A_164 = arith.constant 0 : i32
        %dma_wait3A_165 = tpu.memref_slice %arg9[%dma_wait3A_163, %dma_wait3A_164] : memref<10240x128xf32, #tpu.memory_space<vmem_shared>> -> memref<10240x128xf32, #tpu.memory_space<vmem_shared>>
        tpu.wait_indirect_dma semaphore(%run_scoped3A_153 : memref<!tpu.dma_semaphore, #tpu.memory_space<semaphore_mem>>) src(%arg7 : memref<128x128xf32, #tpu.memory_space<vmem>>) dst(%dma_wait3A_165 : memref<10240x128xf32, #tpu.memory_space<vmem_shared>>)
        tpu.yield
      }) : () -> ()
      %add3A_129 = arith.constant 2 : i32
      %add3A_130 = arith.addi %mul3A_103, %add3A_129 : i32
      %lt3A = arith.cmpi slt, %add3A_130, %select_n3A : i32
      %convert_element_type3A = arith.extui %lt3A : i1 to i32
      %cond3A = arith.constant 0 : i32
      %cond3A_131 = arith.cmpi ne, %convert_element_type3A, %cond3A : i32
      scf.if %cond3A_131 {
        %add3A_153 = arith.addi %select_n3A_34, %mul3A_103 : i32
        %add3A_154 = arith.constant 2 : i32
        %add3A_155 = arith.addi %add3A_153, %add3A_154 : i32
        %dma_start3A_156 = arith.constant 0 : i32
        %dma_start3A_157 = arith.constant 0 : i32
        %dma_start3A_158 = tpu.memref_slice %arg3[%add3A_155, %dma_start3A_156, %dma_start3A_157] : memref<2528x2x128xi32, #tpu.memory_space<hbm>> -> memref<1x2x128xi32, #tpu.memory_space<hbm>>
        %dma_start3A_159 = tpu.memref_squeeze %dma_start3A_158 : memref<1x2x128xi32, #tpu.memory_space<hbm>> -> memref<2x128xi32, #tpu.memory_space<hbm>>
        %dma_start3A_160 = arith.constant 0 : i32
        %dma_start3A_161 = arith.constant 0 : i32
        %dma_start3A_162 = tpu.memref_slice %arg3[%add3A_155, %dma_start3A_160, %dma_start3A_161] : memref<2528x2x128xi32, #tpu.memory_space<hbm>> -> memref<1x2x128xi32, #tpu.memory_space<hbm>>
        %dma_start3A_163 = tpu.memref_squeeze %dma_start3A_162 : memref<1x2x128xi32, #tpu.memory_space<hbm>> -> memref<2x128xi32, #tpu.memory_space<hbm>>
        tpu.enqueue_dma source(%dma_start3A_163 : memref<2x128xi32, #tpu.memory_space<hbm>>) target(%arg5 : memref<2x128xi32, #tpu.memory_space<vmem>>) target_semaphore(%arg10 : memref<!tpu.dma_semaphore, #tpu.memory_space<semaphore_mem>>)
      } else {
      }
      %dma_wait3A_132 = arith.constant 0 : i32
      %dma_wait3A_133 = arith.constant 0 : i32
      %dma_wait3A_134 = tpu.memref_slice %arg6[%dma_wait3A_132, %dma_wait3A_133] : memref<2x128xi32, #tpu.memory_space<vmem>> -> memref<1x128xi32, #tpu.memory_space<vmem>>
      %dma_wait3A_135 = tpu.memref_squeeze %dma_wait3A_134 : memref<1x128xi32, #tpu.memory_space<vmem>> -> memref<128xi32, #tpu.memory_space<vmem>>
      %dma_wait3A_136 = arith.constant 0 : i32
      %dma_wait3A_137 = arith.constant 0 : i32
      %dma_wait3A_138 = tpu.memref_slice %arg2[%dma_wait3A_136, %dma_wait3A_137] : memref<10000x128xf32, #tpu.memory_space<hbm>> -> memref<10000x128xf32, #tpu.memory_space<hbm>>
      tpu.wait_indirect_dma semaphore(%arg12 : memref<!tpu.dma_semaphore, #tpu.memory_space<semaphore_mem>>) src(%dma_wait3A_138 : memref<10000x128xf32, #tpu.memory_space<hbm>>) dst(%arg8 : memref<128x128xf32, #tpu.memory_space<vmem>>)
      %add3A_139 = arith.constant 2 : i32
      %add3A_140 = arith.addi %mul3A_103, %add3A_139 : i32
      %lt3A_141 = arith.cmpi slt, %add3A_140, %select_n3A : i32
      %convert_element_type3A_142 = arith.extui %lt3A_141 : i1 to i32
      %cond3A_143 = arith.constant 0 : i32
      %cond3A_144 = arith.cmpi ne, %convert_element_type3A_142, %cond3A_143 : i32
      scf.if %cond3A_144 {
        %add3A_153 = arith.addi %select_n3A_34, %mul3A_103 : i32
        %add3A_154 = arith.constant 2 : i32
        %add3A_155 = arith.addi %add3A_153, %add3A_154 : i32
        %dma_wait3A_156 = arith.constant 0 : i32
        %dma_wait3A_157 = arith.constant 0 : i32
        %dma_wait3A_158 = tpu.memref_slice %arg3[%add3A_155, %dma_wait3A_156, %dma_wait3A_157] : memref<2528x2x128xi32, #tpu.memory_space<hbm>> -> memref<1x2x128xi32, #tpu.memory_space<hbm>>
        %dma_wait3A_159 = tpu.memref_squeeze %dma_wait3A_158 : memref<1x2x128xi32, #tpu.memory_space<hbm>> -> memref<2x128xi32, #tpu.memory_space<hbm>>
        %dma_wait3A_160 = arith.constant 0 : i32
        %dma_wait3A_161 = arith.constant 0 : i32
        %dma_wait3A_162 = tpu.memref_slice %arg3[%add3A_155, %dma_wait3A_160, %dma_wait3A_161] : memref<2528x2x128xi32, #tpu.memory_space<hbm>> -> memref<1x2x128xi32, #tpu.memory_space<hbm>>
        %dma_wait3A_163 = tpu.memref_squeeze %dma_wait3A_162 : memref<1x2x128xi32, #tpu.memory_space<hbm>> -> memref<2x128xi32, #tpu.memory_space<hbm>>
        tpu.wait_dma2 semaphore(%arg10 : memref<!tpu.dma_semaphore, #tpu.memory_space<semaphore_mem>>) src(%dma_wait3A_163 : memref<2x128xi32, #tpu.memory_space<hbm>>) dst(%arg5 : memref<2x128xi32, #tpu.memory_space<vmem>>)
        %dma_start3A_164 = arith.constant 0 : i32
        %dma_start3A_165 = arith.constant 0 : i32
        %dma_start3A_166 = tpu.memref_slice %arg5[%dma_start3A_164, %dma_start3A_165] : memref<2x128xi32, #tpu.memory_space<vmem>> -> memref<1x128xi32, #tpu.memory_space<vmem>>
        %dma_start3A_167 = tpu.memref_squeeze %dma_start3A_166 : memref<1x128xi32, #tpu.memory_space<vmem>> -> memref<128xi32, #tpu.memory_space<vmem>>
        %dma_start3A_168 = arith.constant 0 : i32
        %dma_start3A_169 = arith.constant 0 : i32
        %dma_start3A_170 = tpu.memref_slice %arg2[%dma_start3A_168, %dma_start3A_169] : memref<10000x128xf32, #tpu.memory_space<hbm>> -> memref<10000x128xf32, #tpu.memory_space<hbm>>
        tpu.enqueue_indirect_dma source(%dma_start3A_170 : memref<10000x128xf32, #tpu.memory_space<hbm>>) target(%arg7 : memref<128x128xf32, #tpu.memory_space<vmem>>) offsets(%dma_start3A_167 : memref<128xi32, #tpu.memory_space<vmem>>) semaphore(%arg11 : memref<!tpu.dma_semaphore, #tpu.memory_space<semaphore_mem>>)
      } else {
      }
      %run_scoped3A_145 = arith.constant 1 : i32
      "tpu.region"() ({
        %run_scoped3A_153 = tpu.sem_alloc : memref<!tpu.dma_semaphore, #tpu.memory_space<semaphore_mem>>
        %dma_start3A_154 = arith.constant 0 : i32
        %dma_start3A_155 = tpu.memref_slice %arg6[%run_scoped3A_145, %dma_start3A_154] : memref<2x128xi32, #tpu.memory_space<vmem>> -> memref<1x128xi32, #tpu.memory_space<vmem>>
        %dma_start3A_156 = tpu.memref_squeeze %dma_start3A_155 : memref<1x128xi32, #tpu.memory_space<vmem>> -> memref<128xi32, #tpu.memory_space<vmem>>
        %dma_start3A_157 = arith.constant 0 : i32
        %dma_start3A_158 = arith.constant 0 : i32
        %dma_start3A_159 = tpu.memref_slice %arg9[%dma_start3A_157, %dma_start3A_158] : memref<10240x128xf32, #tpu.memory_space<vmem_shared>> -> memref<10240x128xf32, #tpu.memory_space<vmem_shared>>
        tpu.enqueue_indirect_dma source(%arg8 : memref<128x128xf32, #tpu.memory_space<vmem>>) target(%dma_start3A_159 : memref<10240x128xf32, #tpu.memory_space<vmem_shared>>) offsets(%dma_start3A_156 : memref<128xi32, #tpu.memory_space<vmem>>) semaphore(%run_scoped3A_153 : memref<!tpu.dma_semaphore, #tpu.memory_space<semaphore_mem>>) {add = true}
        %dma_wait3A_160 = arith.constant 0 : i32
        %dma_wait3A_161 = tpu.memref_slice %arg6[%run_scoped3A_145, %dma_wait3A_160] : memref<2x128xi32, #tpu.memory_space<vmem>> -> memref<1x128xi32, #tpu.memory_space<vmem>>
        %dma_wait3A_162 = tpu.memref_squeeze %dma_wait3A_161 : memref<1x128xi32, #tpu.memory_space<vmem>> -> memref<128xi32, #tpu.memory_space<vmem>>
        %dma_wait3A_163 = arith.constant 0 : i32
        %dma_wait3A_164 = arith.constant 0 : i32
        %dma_wait3A_165 = tpu.memref_slice %arg9[%dma_wait3A_163, %dma_wait3A_164] : memref<10240x128xf32, #tpu.memory_space<vmem_shared>> -> memref<10240x128xf32, #tpu.memory_space<vmem_shared>>
        tpu.wait_indirect_dma semaphore(%run_scoped3A_153 : memref<!tpu.dma_semaphore, #tpu.memory_space<semaphore_mem>>) src(%arg8 : memref<128x128xf32, #tpu.memory_space<vmem>>) dst(%dma_wait3A_165 : memref<10240x128xf32, #tpu.memory_space<vmem_shared>>)
        tpu.yield
      }) : () -> ()
      %add3A_146 = arith.constant 3 : i32
      %add3A_147 = arith.addi %mul3A_103, %add3A_146 : i32
      %lt3A_148 = arith.cmpi slt, %add3A_147, %select_n3A : i32
      %convert_element_type3A_149 = arith.extui %lt3A_148 : i1 to i32
      %cond3A_150 = arith.constant 0 : i32
      %cond3A_151 = arith.cmpi ne, %convert_element_type3A_149, %cond3A_150 : i32
      scf.if %cond3A_151 {
        %add3A_153 = arith.addi %select_n3A_34, %mul3A_103 : i32
        %add3A_154 = arith.constant 3 : i32
        %add3A_155 = arith.addi %add3A_153, %add3A_154 : i32
        %dma_start3A_156 = arith.constant 0 : i32
        %dma_start3A_157 = arith.constant 0 : i32
        %dma_start3A_158 = tpu.memref_slice %arg3[%add3A_155, %dma_start3A_156, %dma_start3A_157] : memref<2528x2x128xi32, #tpu.memory_space<hbm>> -> memref<1x2x128xi32, #tpu.memory_space<hbm>>
        %dma_start3A_159 = tpu.memref_squeeze %dma_start3A_158 : memref<1x2x128xi32, #tpu.memory_space<hbm>> -> memref<2x128xi32, #tpu.memory_space<hbm>>
        %dma_start3A_160 = arith.constant 0 : i32
        %dma_start3A_161 = arith.constant 0 : i32
        %dma_start3A_162 = tpu.memref_slice %arg3[%add3A_155, %dma_start3A_160, %dma_start3A_161] : memref<2528x2x128xi32, #tpu.memory_space<hbm>> -> memref<1x2x128xi32, #tpu.memory_space<hbm>>
        %dma_start3A_163 = tpu.memref_squeeze %dma_start3A_162 : memref<1x2x128xi32, #tpu.memory_space<hbm>> -> memref<2x128xi32, #tpu.memory_space<hbm>>
        tpu.enqueue_dma source(%dma_start3A_163 : memref<2x128xi32, #tpu.memory_space<hbm>>) target(%arg6 : memref<2x128xi32, #tpu.memory_space<vmem>>) target_semaphore(%arg10 : memref<!tpu.dma_semaphore, #tpu.memory_space<semaphore_mem>>)
      } else {
      }
      %while3A_152 = arith.constant 0 : i32
      scf.yield %while3A_152 : i32
    }
    %while3A_93 = arith.constant 1 : i32
    %while3A_94 = scf.for %while3A_100 = %while3A_90 to %while3A_86 step %while3A_93 iter_args(%while3A_101 = %while3A_92) -> (i32)  : i32 {
      %mul3A_102 = arith.constant 2 : i32
      %mul3A_103 = arith.muli %mul3A_102, %while3A_100 : i32
      %add3A_104 = arith.addi %select_n3A_34, %mul3A_103 : i32
      %add3A_105 = arith.constant 1 : i32
      %add3A_106 = arith.addi %add3A_104, %add3A_105 : i32
      %dma_wait3A_107 = arith.constant 0 : i32
      %dma_wait3A_108 = arith.constant 0 : i32
      %dma_wait3A_109 = tpu.memref_slice %arg3[%add3A_106, %dma_wait3A_107, %dma_wait3A_108] : memref<2528x2x128xi32, #tpu.memory_space<hbm>> -> memref<1x2x128xi32, #tpu.memory_space<hbm>>
      %dma_wait3A_110 = tpu.memref_squeeze %dma_wait3A_109 : memref<1x2x128xi32, #tpu.memory_space<hbm>> -> memref<2x128xi32, #tpu.memory_space<hbm>>
      %dma_wait3A_111 = arith.constant 0 : i32
      %dma_wait3A_112 = arith.constant 0 : i32
      %dma_wait3A_113 = tpu.memref_slice %arg3[%add3A_106, %dma_wait3A_111, %dma_wait3A_112] : memref<2528x2x128xi32, #tpu.memory_space<hbm>> -> memref<1x2x128xi32, #tpu.memory_space<hbm>>
      %dma_wait3A_114 = tpu.memref_squeeze %dma_wait3A_113 : memref<1x2x128xi32, #tpu.memory_space<hbm>> -> memref<2x128xi32, #tpu.memory_space<hbm>>
      tpu.wait_dma2 semaphore(%arg10 : memref<!tpu.dma_semaphore, #tpu.memory_space<semaphore_mem>>) src(%dma_wait3A_114 : memref<2x128xi32, #tpu.memory_space<hbm>>) dst(%arg6 : memref<2x128xi32, #tpu.memory_space<vmem>>)
      %dma_wait3A_115 = arith.constant 0 : i32
      %dma_wait3A_116 = arith.constant 0 : i32
      %dma_wait3A_117 = tpu.memref_slice %arg5[%dma_wait3A_115, %dma_wait3A_116] : memref<2x128xi32, #tpu.memory_space<vmem>> -> memref<1x128xi32, #tpu.memory_space<vmem>>
      %dma_wait3A_118 = tpu.memref_squeeze %dma_wait3A_117 : memref<1x128xi32, #tpu.memory_space<vmem>> -> memref<128xi32, #tpu.memory_space<vmem>>
      %dma_wait3A_119 = arith.constant 0 : i32
      %dma_wait3A_120 = arith.constant 0 : i32
      %dma_wait3A_121 = tpu.memref_slice %arg2[%dma_wait3A_119, %dma_wait3A_120] : memref<10000x128xf32, #tpu.memory_space<hbm>> -> memref<10000x128xf32, #tpu.memory_space<hbm>>
      tpu.wait_indirect_dma semaphore(%arg11 : memref<!tpu.dma_semaphore, #tpu.memory_space<semaphore_mem>>) src(%dma_wait3A_121 : memref<10000x128xf32, #tpu.memory_space<hbm>>) dst(%arg7 : memref<128x128xf32, #tpu.memory_space<vmem>>)
      %dma_start3A_122 = arith.constant 0 : i32
      %dma_start3A_123 = arith.constant 0 : i32
      %dma_start3A_124 = tpu.memref_slice %arg6[%dma_start3A_122, %dma_start3A_123] : memref<2x128xi32, #tpu.memory_space<vmem>> -> memref<1x128xi32, #tpu.memory_space<vmem>>
      %dma_start3A_125 = tpu.memref_squeeze %dma_start3A_124 : memref<1x128xi32, #tpu.memory_space<vmem>> -> memref<128xi32, #tpu.memory_space<vmem>>
      %dma_start3A_126 = arith.constant 0 : i32
      %dma_start3A_127 = arith.constant 0 : i32
      %dma_start3A_128 = tpu.memref_slice %arg2[%dma_start3A_126, %dma_start3A_127] : memref<10000x128xf32, #tpu.memory_space<hbm>> -> memref<10000x128xf32, #tpu.memory_space<hbm>>
      tpu.enqueue_indirect_dma source(%dma_start3A_128 : memref<10000x128xf32, #tpu.memory_space<hbm>>) target(%arg8 : memref<128x128xf32, #tpu.memory_space<vmem>>) offsets(%dma_start3A_125 : memref<128xi32, #tpu.memory_space<vmem>>) semaphore(%arg12 : memref<!tpu.dma_semaphore, #tpu.memory_space<semaphore_mem>>)
      %run_scoped3A = arith.constant 1 : i32
      "tpu.region"() ({
        %run_scoped3A_153 = tpu.sem_alloc : memref<!tpu.dma_semaphore, #tpu.memory_space<semaphore_mem>>
        %dma_start3A_154 = arith.constant 0 : i32
        %dma_start3A_155 = tpu.memref_slice %arg5[%run_scoped3A, %dma_start3A_154] : memref<2x128xi32, #tpu.memory_space<vmem>> -> memref<1x128xi32, #tpu.memory_space<vmem>>
        %dma_start3A_156 = tpu.memref_squeeze %dma_start3A_155 : memref<1x128xi32, #tpu.memory_space<vmem>> -> memref<128xi32, #tpu.memory_space<vmem>>
        %dma_start3A_157 = arith.constant 0 : i32
        %dma_start3A_158 = arith.constant 0 : i32
        %dma_start3A_159 = tpu.memref_slice %arg9[%dma_start3A_157, %dma_start3A_158] : memref<10240x128xf32, #tpu.memory_space<vmem_shared>> -> memref<10240x128xf32, #tpu.memory_space<vmem_shared>>
        tpu.enqueue_indirect_dma source(%arg7 : memref<128x128xf32, #tpu.memory_space<vmem>>) target(%dma_start3A_159 : memref<10240x128xf32, #tpu.memory_space<vmem_shared>>) offsets(%dma_start3A_156 : memref<128xi32, #tpu.memory_space<vmem>>) semaphore(%run_scoped3A_153 : memref<!tpu.dma_semaphore, #tpu.memory_space<semaphore_mem>>) {add = true}
        %dma_wait3A_160 = arith.constant 0 : i32
        %dma_wait3A_161 = tpu.memref_slice %arg5[%run_scoped3A, %dma_wait3A_160] : memref<2x128xi32, #tpu.memory_space<vmem>> -> memref<1x128xi32, #tpu.memory_space<vmem>>
        %dma_wait3A_162 = tpu.memref_squeeze %dma_wait3A_161 : memref<1x128xi32, #tpu.memory_space<vmem>> -> memref<128xi32, #tpu.memory_space<vmem>>
        %dma_wait3A_163 = arith.constant 0 : i32
        %dma_wait3A_164 = arith.constant 0 : i32
        %dma_wait3A_165 = tpu.memref_slice %arg9[%dma_wait3A_163, %dma_wait3A_164] : memref<10240x128xf32, #tpu.memory_space<vmem_shared>> -> memref<10240x128xf32, #tpu.memory_space<vmem_shared>>
        tpu.wait_indirect_dma semaphore(%run_scoped3A_153 : memref<!tpu.dma_semaphore, #tpu.memory_space<semaphore_mem>>) src(%arg7 : memref<128x128xf32, #tpu.memory_space<vmem>>) dst(%dma_wait3A_165 : memref<10240x128xf32, #tpu.memory_space<vmem_shared>>)
        tpu.yield
      }) : () -> ()
      %add3A_129 = arith.constant 2 : i32
      %add3A_130 = arith.addi %mul3A_103, %add3A_129 : i32
      %lt3A = arith.cmpi slt, %add3A_130, %select_n3A : i32
      %convert_element_type3A = arith.extui %lt3A : i1 to i32
      %cond3A = arith.constant 0 : i32
      %cond3A_131 = arith.cmpi ne, %convert_element_type3A, %cond3A : i32
      scf.if %cond3A_131 {
        %add3A_153 = arith.addi %select_n3A_34, %mul3A_103 : i32
        %add3A_154 = arith.constant 2 : i32
        %add3A_155 = arith.addi %add3A_153, %add3A_154 : i32
        %dma_start3A_156 = arith.constant 0 : i32
        %dma_start3A_157 = arith.constant 0 : i32
        %dma_start3A_158 = tpu.memref_slice %arg3[%add3A_155, %dma_start3A_156, %dma_start3A_157] : memref<2528x2x128xi32, #tpu.memory_space<hbm>> -> memref<1x2x128xi32, #tpu.memory_space<hbm>>
        %dma_start3A_159 = tpu.memref_squeeze %dma_start3A_158 : memref<1x2x128xi32, #tpu.memory_space<hbm>> -> memref<2x128xi32, #tpu.memory_space<hbm>>
        %dma_start3A_160 = arith.constant 0 : i32
        %dma_start3A_161 = arith.constant 0 : i32
        %dma_start3A_162 = tpu.memref_slice %arg3[%add3A_155, %dma_start3A_160, %dma_start3A_161] : memref<2528x2x128xi32, #tpu.memory_space<hbm>> -> memref<1x2x128xi32, #tpu.memory_space<hbm>>
        %dma_start3A_163 = tpu.memref_squeeze %dma_start3A_162 : memref<1x2x128xi32, #tpu.memory_space<hbm>> -> memref<2x128xi32, #tpu.memory_space<hbm>>
        tpu.enqueue_dma source(%dma_start3A_163 : memref<2x128xi32, #tpu.memory_space<hbm>>) target(%arg5 : memref<2x128xi32, #tpu.memory_space<vmem>>) target_semaphore(%arg10 : memref<!tpu.dma_semaphore, #tpu.memory_space<semaphore_mem>>)
      } else {
      }
      %dma_wait3A_132 = arith.constant 0 : i32
      %dma_wait3A_133 = arith.constant 0 : i32
      %dma_wait3A_134 = tpu.memref_slice %arg6[%dma_wait3A_132, %dma_wait3A_133] : memref<2x128xi32, #tpu.memory_space<vmem>> -> memref<1x128xi32, #tpu.memory_space<vmem>>
      %dma_wait3A_135 = tpu.memref_squeeze %dma_wait3A_134 : memref<1x128xi32, #tpu.memory_space<vmem>> -> memref<128xi32, #tpu.memory_space<vmem>>
      %dma_wait3A_136 = arith.constant 0 : i32
      %dma_wait3A_137 = arith.constant 0 : i32
      %dma_wait3A_138 = tpu.memref_slice %arg2[%dma_wait3A_136, %dma_wait3A_137] : memref<10000x128xf32, #tpu.memory_space<hbm>> -> memref<10000x128xf32, #tpu.memory_space<hbm>>
      tpu.wait_indirect_dma semaphore(%arg12 : memref<!tpu.dma_semaphore, #tpu.memory_space<semaphore_mem>>) src(%dma_wait3A_138 : memref<10000x128xf32, #tpu.memory_space<hbm>>) dst(%arg8 : memref<128x128xf32, #tpu.memory_space<vmem>>)
      %add3A_139 = arith.constant 2 : i32
      %add3A_140 = arith.addi %mul3A_103, %add3A_139 : i32
      %lt3A_141 = arith.cmpi slt, %add3A_140, %select_n3A : i32
      %convert_element_type3A_142 = arith.extui %lt3A_141 : i1 to i32
      %cond3A_143 = arith.constant 0 : i32
      %cond3A_144 = arith.cmpi ne, %convert_element_type3A_142, %cond3A_143 : i32
      scf.if %cond3A_144 {
        %add3A_153 = arith.addi %select_n3A_34, %mul3A_103 : i32
        %add3A_154 = arith.constant 2 : i32
        %add3A_155 = arith.addi %add3A_153, %add3A_154 : i32
        %dma_wait3A_156 = arith.constant 0 : i32
        %dma_wait3A_157 = arith.constant 0 : i32
        %dma_wait3A_158 = tpu.memref_slice %arg3[%add3A_155, %dma_wait3A_156, %dma_wait3A_157] : memref<2528x2x128xi32, #tpu.memory_space<hbm>> -> memref<1x2x128xi32, #tpu.memory_space<hbm>>
        %dma_wait3A_159 = tpu.memref_squeeze %dma_wait3A_158 : memref<1x2x128xi32, #tpu.memory_space<hbm>> -> memref<2x128xi32, #tpu.memory_space<hbm>>
        %dma_wait3A_160 = arith.constant 0 : i32
        %dma_wait3A_161 = arith.constant 0 : i32
        %dma_wait3A_162 = tpu.memref_slice %arg3[%add3A_155, %dma_wait3A_160, %dma_wait3A_161] : memref<2528x2x128xi32, #tpu.memory_space<hbm>> -> memref<1x2x128xi32, #tpu.memory_space<hbm>>
        %dma_wait3A_163 = tpu.memref_squeeze %dma_wait3A_162 : memref<1x2x128xi32, #tpu.memory_space<hbm>> -> memref<2x128xi32, #tpu.memory_space<hbm>>
        tpu.wait_dma2 semaphore(%arg10 : memref<!tpu.dma_semaphore, #tpu.memory_space<semaphore_mem>>) src(%dma_wait3A_163 : memref<2x128xi32, #tpu.memory_space<hbm>>) dst(%arg5 : memref<2x128xi32, #tpu.memory_space<vmem>>)
        %dma_start3A_164 = arith.constant 0 : i32
        %dma_start3A_165 = arith.constant 0 : i32
        %dma_start3A_166 = tpu.memref_slice %arg5[%dma_start3A_164, %dma_start3A_165] : memref<2x128xi32, #tpu.memory_space<vmem>> -> memref<1x128xi32, #tpu.memory_space<vmem>>
        %dma_start3A_167 = tpu.memref_squeeze %dma_start3A_166 : memref<1x128xi32, #tpu.memory_space<vmem>> -> memref<128xi32, #tpu.memory_space<vmem>>
        %dma_start3A_168 = arith.constant 0 : i32
        %dma_start3A_169 = arith.constant 0 : i32
        %dma_start3A_170 = tpu.memref_slice %arg2[%dma_start3A_168, %dma_start3A_169] : memref<10000x128xf32, #tpu.memory_space<hbm>> -> memref<10000x128xf32, #tpu.memory_space<hbm>>
        tpu.enqueue_indirect_dma source(%dma_start3A_170 : memref<10000x128xf32, #tpu.memory_space<hbm>>) target(%arg7 : memref<128x128xf32, #tpu.memory_space<vmem>>) offsets(%dma_start3A_167 : memref<128xi32, #tpu.memory_space<vmem>>) semaphore(%arg11 : memref<!tpu.dma_semaphore, #tpu.memory_space<semaphore_mem>>)
      } else {
      }
      %run_scoped3A_145 = arith.constant 1 : i32
      "tpu.region"() ({
        %run_scoped3A_153 = tpu.sem_alloc : memref<!tpu.dma_semaphore, #tpu.memory_space<semaphore_mem>>
        %dma_start3A_154 = arith.constant 0 : i32
        %dma_start3A_155 = tpu.memref_slice %arg6[%run_scoped3A_145, %dma_start3A_154] : memref<2x128xi32, #tpu.memory_space<vmem>> -> memref<1x128xi32, #tpu.memory_space<vmem>>
        %dma_start3A_156 = tpu.memref_squeeze %dma_start3A_155 : memref<1x128xi32, #tpu.memory_space<vmem>> -> memref<128xi32, #tpu.memory_space<vmem>>
        %dma_start3A_157 = arith.constant 0 : i32
        %dma_start3A_158 = arith.constant 0 : i32
        %dma_start3A_159 = tpu.memref_slice %arg9[%dma_start3A_157, %dma_start3A_158] : memref<10240x128xf32, #tpu.memory_space<vmem_shared>> -> memref<10240x128xf32, #tpu.memory_space<vmem_shared>>
        tpu.enqueue_indirect_dma source(%arg8 : memref<128x128xf32, #tpu.memory_space<vmem>>) target(%dma_start3A_159 : memref<10240x128xf32, #tpu.memory_space<vmem_shared>>) offsets(%dma_start3A_156 : memref<128xi32, #tpu.memory_space<vmem>>) semaphore(%run_scoped3A_153 : memref<!tpu.dma_semaphore, #tpu.memory_space<semaphore_mem>>) {add = true}
        %dma_wait3A_160 = arith.constant 0 : i32
        %dma_wait3A_161 = tpu.memref_slice %arg6[%run_scoped3A_145, %dma_wait3A_160] : memref<2x128xi32, #tpu.memory_space<vmem>> -> memref<1x128xi32, #tpu.memory_space<vmem>>
        %dma_wait3A_162 = tpu.memref_squeeze %dma_wait3A_161 : memref<1x128xi32, #tpu.memory_space<vmem>> -> memref<128xi32, #tpu.memory_space<vmem>>
        %dma_wait3A_163 = arith.constant 0 : i32
        %dma_wait3A_164 = arith.constant 0 : i32
        %dma_wait3A_165 = tpu.memref_slice %arg9[%dma_wait3A_163, %dma_wait3A_164] : memref<10240x128xf32, #tpu.memory_space<vmem_shared>> -> memref<10240x128xf32, #tpu.memory_space<vmem_shared>>
        tpu.wait_indirect_dma semaphore(%run_scoped3A_153 : memref<!tpu.dma_semaphore, #tpu.memory_space<semaphore_mem>>) src(%arg8 : memref<128x128xf32, #tpu.memory_space<vmem>>) dst(%dma_wait3A_165 : memref<10240x128xf32, #tpu.memory_space<vmem_shared>>)
        tpu.yield
      }) : () -> ()
      %add3A_146 = arith.constant 3 : i32
      %add3A_147 = arith.addi %mul3A_103, %add3A_146 : i32
      %lt3A_148 = arith.cmpi slt, %add3A_147, %select_n3A : i32
      %convert_element_type3A_149 = arith.extui %lt3A_148 : i1 to i32
      %cond3A_150 = arith.constant 0 : i32
      %cond3A_151 = arith.cmpi ne, %convert_element_type3A_149, %cond3A_150 : i32
      scf.if %cond3A_151 {
        %add3A_153 = arith.addi %select_n3A_34, %mul3A_103 : i32
        %add3A_154 = arith.constant 3 : i32
        %add3A_155 = arith.addi %add3A_153, %add3A_154 : i32
        %dma_start3A_156 = arith.constant 0 : i32
        %dma_start3A_157 = arith.constant 0 : i32
        %dma_start3A_158 = tpu.memref_slice %arg3[%add3A_155, %dma_start3A_156, %dma_start3A_157] : memref<2528x2x128xi32, #tpu.memory_space<hbm>> -> memref<1x2x128xi32, #tpu.memory_space<hbm>>
        %dma_start3A_159 = tpu.memref_squeeze %dma_start3A_158 : memref<1x2x128xi32, #tpu.memory_space<hbm>> -> memref<2x128xi32, #tpu.memory_space<hbm>>
        %dma_start3A_160 = arith.constant 0 : i32
        %dma_start3A_161 = arith.constant 0 : i32
        %dma_start3A_162 = tpu.memref_slice %arg3[%add3A_155, %dma_start3A_160, %dma_start3A_161] : memref<2528x2x128xi32, #tpu.memory_space<hbm>> -> memref<1x2x128xi32, #tpu.memory_space<hbm>>
        %dma_start3A_163 = tpu.memref_squeeze %dma_start3A_162 : memref<1x2x128xi32, #tpu.memory_space<hbm>> -> memref<2x128xi32, #tpu.memory_space<hbm>>
        tpu.enqueue_dma source(%dma_start3A_163 : memref<2x128xi32, #tpu.memory_space<hbm>>) target(%arg6 : memref<2x128xi32, #tpu.memory_space<vmem>>) target_semaphore(%arg10 : memref<!tpu.dma_semaphore, #tpu.memory_space<semaphore_mem>>)
      } else {
      }
      %while3A_152 = arith.constant 0 : i32
      scf.yield %while3A_152 : i32
    }
    %barrier3A_95 = arith.constant 0 : index
    tpu.barrier barrier_id(%barrier3A_95)
    %mul3A_96 = arith.constant 640 : i32
    %mul3A_97 = arith.muli %arg1, %mul3A_96 : i32
    %mul3A_98 = arith.constant 640 : i32
    %mul3A_99 = arith.muli %arg1, %mul3A_98 : i32
    "tpu.region"() ({
      %run_scoped3A = tpu.sem_alloc : memref<!tpu.dma_semaphore, #tpu.memory_space<semaphore_mem>>
      %dma_start3A_100 = arith.constant 0 : i32
      %dma_start3A_101 = tpu.memref_slice %arg4[%arg0, %mul3A_99, %dma_start3A_100] : memref<2x10240x128xf32, #tpu.memory_space<hbm>> -> memref<1x640x128xf32, #tpu.memory_space<hbm>>
      %dma_start3A_102 = tpu.memref_squeeze %dma_start3A_101 : memref<1x640x128xf32, #tpu.memory_space<hbm>> -> memref<640x128xf32, #tpu.memory_space<hbm>>
      %dma_start3A_103 = arith.constant 0 : i32
      %dma_start3A_104 = tpu.memref_slice %arg9[%mul3A_97, %dma_start3A_103] : memref<10240x128xf32, #tpu.memory_space<vmem_shared>> -> memref<640x128xf32, #tpu.memory_space<vmem_shared>>
      tpu.enqueue_dma source(%dma_start3A_104 : memref<640x128xf32, #tpu.memory_space<vmem_shared>>) target(%dma_start3A_102 : memref<640x128xf32, #tpu.memory_space<hbm>>) target_semaphore(%run_scoped3A : memref<!tpu.dma_semaphore, #tpu.memory_space<semaphore_mem>>)
      %dma_wait3A_105 = arith.constant 0 : i32
      %dma_wait3A_106 = tpu.memref_slice %arg4[%arg0, %mul3A_99, %dma_wait3A_105] : memref<2x10240x128xf32, #tpu.memory_space<hbm>> -> memref<1x640x128xf32, #tpu.memory_space<hbm>>
      %dma_wait3A_107 = tpu.memref_squeeze %dma_wait3A_106 : memref<1x640x128xf32, #tpu.memory_space<hbm>> -> memref<640x128xf32, #tpu.memory_space<hbm>>
      %dma_wait3A_108 = arith.constant 0 : i32
      %dma_wait3A_109 = tpu.memref_slice %arg9[%mul3A_97, %dma_wait3A_108] : memref<10240x128xf32, #tpu.memory_space<vmem_shared>> -> memref<640x128xf32, #tpu.memory_space<vmem_shared>>
      tpu.wait_dma2 semaphore(%run_scoped3A : memref<!tpu.dma_semaphore, #tpu.memory_space<semaphore_mem>>) src(%dma_wait3A_109 : memref<640x128xf32, #tpu.memory_space<vmem_shared>>) dst(%dma_wait3A_107 : memref<640x128xf32, #tpu.memory_space<hbm>>)
      tpu.yield
    }) : () -> ()
    return
  }
}

#map = affine_map<(d0, d1) -> (0, 0)>
#map1 = affine_map<(d0, d1) -> (0, 0, 0)>
module attributes {stable_mosaic.version = 14 : i64} {
  func.func @_sc_scatter_body(%arg0: i32, %arg1: i32, %arg2: memref<10000x128xf32, #tpu.memory_space<hbm>>, %arg3: memref<2528x2x128xi32, #tpu.memory_space<hbm>>, %arg4: memref<2x10240x128xf32, #tpu.memory_space<hbm>>, %arg5: memref<2x128xi32, #tpu.memory_space<vmem>>, %arg6: memref<2x128xi32, #tpu.memory_space<vmem>>, %arg7: memref<128x128xf32, #tpu.memory_space<vmem>>, %arg8: memref<128x128xf32, #tpu.memory_space<vmem>>, %arg9: memref<10240x128xf32, #tpu.memory_space<vmem_shared>>, %arg10: memref<!tpu.dma_semaphore, #tpu.memory_space<semaphore_mem>>, %arg11: memref<!tpu.dma_semaphore, #tpu.memory_space<semaphore_mem>>, %arg12: memref<!tpu.dma_semaphore, #tpu.memory_space<semaphore_mem>>) attributes {dimension_semantics = [#tpu.dimension_semantics<core_parallel>, #tpu.dimension_semantics<subcore_parallel>], iteration_bounds = array<i64: 2, 16>, scalar_prefetch = 0 : i64, scratch_operands = 8 : i64, tpu.core_type = #tpu.core_type<sc_vector_subcore>, window_params = [{transform_indices = #map}, {transform_indices = #map1}, {transform_indices = #map1}]} {
    %scan3A = arith.constant 0 : i32
    %scan3A_0 = arith.constant 0 : i32
    %scan3A_1 = arith.constant 128 : i32
    %scan3A_2 = arith.addi %scan3A_0, %scan3A_1 : i32
    %scan3A_3 = arith.constant 1 : i32
    %scan3A_4 = scf.for %scan3A_100 = %scan3A_0 to %scan3A_2 step %scan3A_3 iter_args(%scan3A_101 = %scan3A) -> (i32)  : i32 {
      %broadcast_in_dim3A = arith.constant 0.000000e+00 : f32
      %broadcast_in_dim3A_102 = vector.broadcast %broadcast_in_dim3A : f32 to vector<16xf32>
      %swap3A = arith.index_cast %scan3A_100 : i32 to index
      %swap3A_103 = arith.constant 0 : index
      %swap3A_104 = tpu.vector_load %arg7[%swap3A, %swap3A_103] {strides = array<i32>} : memref<128x128xf32, #tpu.memory_space<vmem>>, vector<1x16xf32>,
      %swap3A_105 = vector.shape_cast %swap3A_104 : vector<1x16xf32> to vector<16xf32>
      %swap3A_106 = vector.shape_cast %broadcast_in_dim3A_102 : vector<16xf32> to vector<1x16xf32>
      tpu.vector_store %arg7[%swap3A, %swap3A_103], %swap3A_106 {strides = array<i32>} : memref<128x128xf32, #tpu.memory_space<vmem>>, vector<1x16xf32>,
      %broadcast_in_dim3A_107 = arith.constant 0.000000e+00 : f32
      %broadcast_in_dim3A_108 = vector.broadcast %broadcast_in_dim3A_107 : f32 to vector<16xf32>
      %swap3A_109 = arith.index_cast %scan3A_100 : i32 to index
      %swap3A_110 = arith.constant 16 : index
      %swap3A_111 = tpu.vector_load %arg7[%swap3A_109, %swap3A_110] {strides = array<i32>} : memref<128x128xf32, #tpu.memory_space<vmem>>, vector<1x16xf32>,
      %swap3A_112 = vector.shape_cast %swap3A_111 : vector<1x16xf32> to vector<16xf32>
      %swap3A_113 = vector.shape_cast %broadcast_in_dim3A_108 : vector<16xf32> to vector<1x16xf32>
      tpu.vector_store %arg7[%swap3A_109, %swap3A_110], %swap3A_113 {strides = array<i32>} : memref<128x128xf32, #tpu.memory_space<vmem>>, vector<1x16xf32>,
      %broadcast_in_dim3A_114 = arith.constant 0.000000e+00 : f32
      %broadcast_in_dim3A_115 = vector.broadcast %broadcast_in_dim3A_114 : f32 to vector<16xf32>
      %swap3A_116 = arith.index_cast %scan3A_100 : i32 to index
      %swap3A_117 = arith.constant 32 : index
      %swap3A_118 = tpu.vector_load %arg7[%swap3A_116, %swap3A_117] {strides = array<i32>} : memref<128x128xf32, #tpu.memory_space<vmem>>, vector<1x16xf32>,
      %swap3A_119 = vector.shape_cast %swap3A_118 : vector<1x16xf32> to vector<16xf32>
      %swap3A_120 = vector.shape_cast %broadcast_in_dim3A_115 : vector<16xf32> to vector<1x16xf32>
      tpu.vector_store %arg7[%swap3A_116, %swap3A_117], %swap3A_120 {strides = array<i32>} : memref<128x128xf32, #tpu.memory_space<vmem>>, vector<1x16xf32>,
      %broadcast_in_dim3A_121 = arith.constant 0.000000e+00 : f32
      %broadcast_in_dim3A_122 = vector.broadcast %broadcast_in_dim3A_121 : f32 to vector<16xf32>
      %swap3A_123 = arith.index_cast %scan3A_100 : i32 to index
      %swap3A_124 = arith.constant 48 : index
      %swap3A_125 = tpu.vector_load %arg7[%swap3A_123, %swap3A_124] {strides = array<i32>} : memref<128x128xf32, #tpu.memory_space<vmem>>, vector<1x16xf32>,
      %swap3A_126 = vector.shape_cast %swap3A_125 : vector<1x16xf32> to vector<16xf32>
      %swap3A_127 = vector.shape_cast %broadcast_in_dim3A_122 : vector<16xf32> to vector<1x16xf32>
      tpu.vector_store %arg7[%swap3A_123, %swap3A_124], %swap3A_127 {strides = array<i32>} : memref<128x128xf32, #tpu.memory_space<vmem>>, vector<1x16xf32>,
      %broadcast_in_dim3A_128 = arith.constant 0.000000e+00 : f32
      %broadcast_in_dim3A_129 = vector.broadcast %broadcast_in_dim3A_128 : f32 to vector<16xf32>
      %swap3A_130 = arith.index_cast %scan3A_100 : i32 to index
      %swap3A_131 = arith.constant 64 : index
      %swap3A_132 = tpu.vector_load %arg7[%swap3A_130, %swap3A_131] {strides = array<i32>} : memref<128x128xf32, #tpu.memory_space<vmem>>, vector<1x16xf32>,
      %swap3A_133 = vector.shape_cast %swap3A_132 : vector<1x16xf32> to vector<16xf32>
      %swap3A_134 = vector.shape_cast %broadcast_in_dim3A_129 : vector<16xf32> to vector<1x16xf32>
      tpu.vector_store %arg7[%swap3A_130, %swap3A_131], %swap3A_134 {strides = array<i32>} : memref<128x128xf32, #tpu.memory_space<vmem>>, vector<1x16xf32>,
      %broadcast_in_dim3A_135 = arith.constant 0.000000e+00 : f32
      %broadcast_in_dim3A_136 = vector.broadcast %broadcast_in_dim3A_135 : f32 to vector<16xf32>
      %swap3A_137 = arith.index_cast %scan3A_100 : i32 to index
      %swap3A_138 = arith.constant 80 : index
      %swap3A_139 = tpu.vector_load %arg7[%swap3A_137, %swap3A_138] {strides = array<i32>} : memref<128x128xf32, #tpu.memory_space<vmem>>, vector<1x16xf32>,
      %swap3A_140 = vector.shape_cast %swap3A_139 : vector<1x16xf32> to vector<16xf32>
      %swap3A_141 = vector.shape_cast %broadcast_in_dim3A_136 : vector<16xf32> to vector<1x16xf32>
      tpu.vector_store %arg7[%swap3A_137, %swap3A_138], %swap3A_141 {strides = array<i32>} : memref<128x128xf32, #tpu.memory_space<vmem>>, vector<1x16xf32>,
      %broadcast_in_dim3A_142 = arith.constant 0.000000e+00 : f32
      %broadcast_in_dim3A_143 = vector.broadcast %broadcast_in_dim3A_142 : f32 to vector<16xf32>
      %swap3A_144 = arith.index_cast %scan3A_100 : i32 to index
      %swap3A_145 = arith.constant 96 : index
      %swap3A_146 = tpu.vector_load %arg7[%swap3A_144, %swap3A_145] {strides = array<i32>} : memref<128x128xf32, #tpu.memory_space<vmem>>, vector<1x16xf32>,
      %swap3A_147 = vector.shape_cast %swap3A_146 : vector<1x16xf32> to vector<16xf32>
      %swap3A_148 = vector.shape_cast %broadcast_in_dim3A_143 : vector<16xf32> to vector<1x16xf32>
      tpu.vector_store %arg7[%swap3A_144, %swap3A_145], %swap3A_148 {strides = array<i32>} : memref<128x128xf32, #tpu.memory_space<vmem>>, vector<1x16xf32>,
      %broadcast_in_dim3A_149 = arith.constant 0.000000e+00 : f32
      %broadcast_in_dim3A_150 = vector.broadcast %broadcast_in_dim3A_149 : f32 to vector<16xf32>
      %swap3A_151 = arith.index_cast %scan3A_100 : i32 to index
      %swap3A_152 = arith.constant 112 : index
      %swap3A_153 = tpu.vector_load %arg7[%swap3A_151, %swap3A_152] {strides = array<i32>} : memref<128x128xf32, #tpu.memory_space<vmem>>, vector<1x16xf32>,
      %swap3A_154 = vector.shape_cast %swap3A_153 : vector<1x16xf32> to vector<16xf32>
      %swap3A_155 = vector.shape_cast %broadcast_in_dim3A_150 : vector<16xf32> to vector<1x16xf32>
      tpu.vector_store %arg7[%swap3A_151, %swap3A_152], %swap3A_155 {strides = array<i32>} : memref<128x128xf32, #tpu.memory_space<vmem>>, vector<1x16xf32>,
      %scan3A_156 = arith.constant 0 : i32
      scf.yield %scan3A_156 : i32
    }
    %scan3A_5 = arith.constant 128 : i32
    %mul3A = arith.constant 640 : i32
    %mul3A_6 = arith.muli %arg1, %mul3A : i32
    %add3A = arith.constant 0 : i32
    %add3A_7 = arith.addi %mul3A_6, %add3A : i32
    "tpu.region"() ({
      %run_scoped3A = tpu.sem_alloc : memref<!tpu.dma_semaphore, #tpu.memory_space<semaphore_mem>>
      %dma_start3A_100 = arith.constant 0 : i32
      %dma_start3A_101 = tpu.memref_slice %arg9[%add3A_7, %dma_start3A_100] : memref<10240x128xf32, #tpu.memory_space<vmem_shared>> -> memref<128x128xf32, #tpu.memory_space<vmem_shared>>
      %dma_start3A_102 = arith.constant 0 : i32
      %dma_start3A_103 = tpu.memref_slice %arg9[%add3A_7, %dma_start3A_102] : memref<10240x128xf32, #tpu.memory_space<vmem_shared>> -> memref<128x128xf32, #tpu.memory_space<vmem_shared>>
      tpu.enqueue_dma source(%arg7 : memref<128x128xf32, #tpu.memory_space<vmem>>) target(%dma_start3A_103 : memref<128x128xf32, #tpu.memory_space<vmem_shared>>) target_semaphore(%run_scoped3A : memref<!tpu.dma_semaphore, #tpu.memory_space<semaphore_mem>>)
      %dma_wait3A_104 = arith.constant 0 : i32
      %dma_wait3A_105 = tpu.memref_slice %arg9[%add3A_7, %dma_wait3A_104] : memref<10240x128xf32, #tpu.memory_space<vmem_shared>> -> memref<128x128xf32, #tpu.memory_space<vmem_shared>>
      %dma_wait3A_106 = arith.constant 0 : i32
      %dma_wait3A_107 = tpu.memref_slice %arg9[%add3A_7, %dma_wait3A_106] : memref<10240x128xf32, #tpu.memory_space<vmem_shared>> -> memref<128x128xf32, #tpu.memory_space<vmem_shared>>
      tpu.wait_dma2 semaphore(%run_scoped3A : memref<!tpu.dma_semaphore, #tpu.memory_space<semaphore_mem>>) src(%arg7 : memref<128x128xf32, #tpu.memory_space<vmem>>) dst(%dma_wait3A_107 : memref<128x128xf32, #tpu.memory_space<vmem_shared>>)
      tpu.yield
    }) : () -> ()
    %mul3A_8 = arith.constant 640 : i32
    %mul3A_9 = arith.muli %arg1, %mul3A_8 : i32
    %add3A_10 = arith.constant 128 : i32
    %add3A_11 = arith.addi %mul3A_9, %add3A_10 : i32
    "tpu.region"() ({
      %run_scoped3A = tpu.sem_alloc : memref<!tpu.dma_semaphore, #tpu.memory_space<semaphore_mem>>
      %dma_start3A_100 = arith.constant 0 : i32
      %dma_start3A_101 = tpu.memref_slice %arg9[%add3A_11, %dma_start3A_100] : memref<10240x128xf32, #tpu.memory_space<vmem_shared>> -> memref<128x128xf32, #tpu.memory_space<vmem_shared>>
      %dma_start3A_102 = arith.constant 0 : i32
      %dma_start3A_103 = tpu.memref_slice %arg9[%add3A_11, %dma_start3A_102] : memref<10240x128xf32, #tpu.memory_space<vmem_shared>> -> memref<128x128xf32, #tpu.memory_space<vmem_shared>>
      tpu.enqueue_dma source(%arg7 : memref<128x128xf32, #tpu.memory_space<vmem>>) target(%dma_start3A_103 : memref<128x128xf32, #tpu.memory_space<vmem_shared>>) target_semaphore(%run_scoped3A : memref<!tpu.dma_semaphore, #tpu.memory_space<semaphore_mem>>)
      %dma_wait3A_104 = arith.constant 0 : i32
      %dma_wait3A_105 = tpu.memref_slice %arg9[%add3A_11, %dma_wait3A_104] : memref<10240x128xf32, #tpu.memory_space<vmem_shared>> -> memref<128x128xf32, #tpu.memory_space<vmem_shared>>
      %dma_wait3A_106 = arith.constant 0 : i32
      %dma_wait3A_107 = tpu.memref_slice %arg9[%add3A_11, %dma_wait3A_106] : memref<10240x128xf32, #tpu.memory_space<vmem_shared>> -> memref<128x128xf32, #tpu.memory_space<vmem_shared>>
      tpu.wait_dma2 semaphore(%run_scoped3A : memref<!tpu.dma_semaphore, #tpu.memory_space<semaphore_mem>>) src(%arg7 : memref<128x128xf32, #tpu.memory_space<vmem>>) dst(%dma_wait3A_107 : memref<128x128xf32, #tpu.memory_space<vmem_shared>>)
      tpu.yield
    }) : () -> ()
    %mul3A_12 = arith.constant 640 : i32
    %mul3A_13 = arith.muli %arg1, %mul3A_12 : i32
    %add3A_14 = arith.constant 256 : i32
    %add3A_15 = arith.addi %mul3A_13, %add3A_14 : i32
    "tpu.region"() ({
      %run_scoped3A = tpu.sem_alloc : memref<!tpu.dma_semaphore, #tpu.memory_space<semaphore_mem>>
      %dma_start3A_100 = arith.constant 0 : i32
      %dma_start3A_101 = tpu.memref_slice %arg9[%add3A_15, %dma_start3A_100] : memref<10240x128xf32, #tpu.memory_space<vmem_shared>> -> memref<128x128xf32, #tpu.memory_space<vmem_shared>>
      %dma_start3A_102 = arith.constant 0 : i32
      %dma_start3A_103 = tpu.memref_slice %arg9[%add3A_15, %dma_start3A_102] : memref<10240x128xf32, #tpu.memory_space<vmem_shared>> -> memref<128x128xf32, #tpu.memory_space<vmem_shared>>
      tpu.enqueue_dma source(%arg7 : memref<128x128xf32, #tpu.memory_space<vmem>>) target(%dma_start3A_103 : memref<128x128xf32, #tpu.memory_space<vmem_shared>>) target_semaphore(%run_scoped3A : memref<!tpu.dma_semaphore, #tpu.memory_space<semaphore_mem>>)
      %dma_wait3A_104 = arith.constant 0 : i32
      %dma_wait3A_105 = tpu.memref_slice %arg9[%add3A_15, %dma_wait3A_104] : memref<10240x128xf32, #tpu.memory_space<vmem_shared>> -> memref<128x128xf32, #tpu.memory_space<vmem_shared>>
      %dma_wait3A_106 = arith.constant 0 : i32
      %dma_wait3A_107 = tpu.memref_slice %arg9[%add3A_15, %dma_wait3A_106] : memref<10240x128xf32, #tpu.memory_space<vmem_shared>> -> memref<128x128xf32, #tpu.memory_space<vmem_shared>>
      tpu.wait_dma2 semaphore(%run_scoped3A : memref<!tpu.dma_semaphore, #tpu.memory_space<semaphore_mem>>) src(%arg7 : memref<128x128xf32, #tpu.memory_space<vmem>>) dst(%dma_wait3A_107 : memref<128x128xf32, #tpu.memory_space<vmem_shared>>)
      tpu.yield
    }) : () -> ()
    %mul3A_16 = arith.constant 640 : i32
    %mul3A_17 = arith.muli %arg1, %mul3A_16 : i32
    %add3A_18 = arith.constant 384 : i32
    %add3A_19 = arith.addi %mul3A_17, %add3A_18 : i32
    "tpu.region"() ({
      %run_scoped3A = tpu.sem_alloc : memref<!tpu.dma_semaphore, #tpu.memory_space<semaphore_mem>>
      %dma_start3A_100 = arith.constant 0 : i32
      %dma_start3A_101 = tpu.memref_slice %arg9[%add3A_19, %dma_start3A_100] : memref<10240x128xf32, #tpu.memory_space<vmem_shared>> -> memref<128x128xf32, #tpu.memory_space<vmem_shared>>
      %dma_start3A_102 = arith.constant 0 : i32
      %dma_start3A_103 = tpu.memref_slice %arg9[%add3A_19, %dma_start3A_102] : memref<10240x128xf32, #tpu.memory_space<vmem_shared>> -> memref<128x128xf32, #tpu.memory_space<vmem_shared>>
      tpu.enqueue_dma source(%arg7 : memref<128x128xf32, #tpu.memory_space<vmem>>) target(%dma_start3A_103 : memref<128x128xf32, #tpu.memory_space<vmem_shared>>) target_semaphore(%run_scoped3A : memref<!tpu.dma_semaphore, #tpu.memory_space<semaphore_mem>>)
      %dma_wait3A_104 = arith.constant 0 : i32
      %dma_wait3A_105 = tpu.memref_slice %arg9[%add3A_19, %dma_wait3A_104] : memref<10240x128xf32, #tpu.memory_space<vmem_shared>> -> memref<128x128xf32, #tpu.memory_space<vmem_shared>>
      %dma_wait3A_106 = arith.constant 0 : i32
      %dma_wait3A_107 = tpu.memref_slice %arg9[%add3A_19, %dma_wait3A_106] : memref<10240x128xf32, #tpu.memory_space<vmem_shared>> -> memref<128x128xf32, #tpu.memory_space<vmem_shared>>
      tpu.wait_dma2 semaphore(%run_scoped3A : memref<!tpu.dma_semaphore, #tpu.memory_space<semaphore_mem>>) src(%arg7 : memref<128x128xf32, #tpu.memory_space<vmem>>) dst(%dma_wait3A_107 : memref<128x128xf32, #tpu.memory_space<vmem_shared>>)
      tpu.yield
    }) : () -> ()
    %mul3A_20 = arith.constant 640 : i32
    %mul3A_21 = arith.muli %arg1, %mul3A_20 : i32
    %add3A_22 = arith.constant 512 : i32
    %add3A_23 = arith.addi %mul3A_21, %add3A_22 : i32
    "tpu.region"() ({
      %run_scoped3A = tpu.sem_alloc : memref<!tpu.dma_semaphore, #tpu.memory_space<semaphore_mem>>
      %dma_start3A_100 = arith.constant 0 : i32
      %dma_start3A_101 = tpu.memref_slice %arg9[%add3A_23, %dma_start3A_100] : memref<10240x128xf32, #tpu.memory_space<vmem_shared>> -> memref<128x128xf32, #tpu.memory_space<vmem_shared>>
      %dma_start3A_102 = arith.constant 0 : i32
      %dma_start3A_103 = tpu.memref_slice %arg9[%add3A_23, %dma_start3A_102] : memref<10240x128xf32, #tpu.memory_space<vmem_shared>> -> memref<128x128xf32, #tpu.memory_space<vmem_shared>>
      tpu.enqueue_dma source(%arg7 : memref<128x128xf32, #tpu.memory_space<vmem>>) target(%dma_start3A_103 : memref<128x128xf32, #tpu.memory_space<vmem_shared>>) target_semaphore(%run_scoped3A : memref<!tpu.dma_semaphore, #tpu.memory_space<semaphore_mem>>)
      %dma_wait3A_104 = arith.constant 0 : i32
      %dma_wait3A_105 = tpu.memref_slice %arg9[%add3A_23, %dma_wait3A_104] : memref<10240x128xf32, #tpu.memory_space<vmem_shared>> -> memref<128x128xf32, #tpu.memory_space<vmem_shared>>
      %dma_wait3A_106 = arith.constant 0 : i32
      %dma_wait3A_107 = tpu.memref_slice %arg9[%add3A_23, %dma_wait3A_106] : memref<10240x128xf32, #tpu.memory_space<vmem_shared>> -> memref<128x128xf32, #tpu.memory_space<vmem_shared>>
      tpu.wait_dma2 semaphore(%run_scoped3A : memref<!tpu.dma_semaphore, #tpu.memory_space<semaphore_mem>>) src(%arg7 : memref<128x128xf32, #tpu.memory_space<vmem>>) dst(%dma_wait3A_107 : memref<128x128xf32, #tpu.memory_space<vmem_shared>>)
      tpu.yield
    }) : () -> ()
    %barrier3A = arith.constant 0 : index
    tpu.barrier barrier_id(%barrier3A)
    %eq3A = arith.constant 0 : i32
    %eq3A_24 = arith.cmpi eq, %arg0, %eq3A : i32
    %jit3A = arith.constant 116 : i32
    %jit3A_25 = arith.constant 42 : i32
    %select_n3A = arith.select %eq3A_24, %jit3A, %jit3A_25 : i32
    %eq3A_26 = arith.constant 0 : i32
    %eq3A_27 = arith.cmpi eq, %arg0, %eq3A_26 : i32
    %mul3A_28 = arith.constant 116 : i32
    %mul3A_29 = arith.muli %arg1, %mul3A_28 : i32
    %mul3A_30 = arith.constant 42 : i32
    %mul3A_31 = arith.muli %arg1, %mul3A_30 : i32
    %add3A_32 = arith.constant 1856 : i32
    %add3A_33 = arith.addi %add3A_32, %mul3A_31 : i32
    %select_n3A_34 = arith.select %eq3A_27, %mul3A_29, %add3A_33 : i32
    %dma_start3A = arith.constant 0 : i32
    %dma_start3A_35 = arith.constant 0 : i32
    %dma_start3A_36 = tpu.memref_slice %arg3[%select_n3A_34, %dma_start3A, %dma_start3A_35] : memref<2528x2x128xi32, #tpu.memory_space<hbm>> -> memref<1x2x128xi32, #tpu.memory_space<hbm>>
    %dma_start3A_37 = tpu.memref_squeeze %dma_start3A_36 : memref<1x2x128xi32, #tpu.memory_space<hbm>> -> memref<2x128xi32, #tpu.memory_space<hbm>>
    %dma_start3A_38 = arith.constant 0 : i32
    %dma_start3A_39 = arith.constant 0 : i32
    %dma_start3A_40 = tpu.memref_slice %arg3[%select_n3A_34, %dma_start3A_38, %dma_start3A_39] : memref<2528x2x128xi32, #tpu.memory_space<hbm>> -> memref<1x2x128xi32, #tpu.memory_space<hbm>>
    %dma_start3A_41 = tpu.memref_squeeze %dma_start3A_40 : memref<1x2x128xi32, #tpu.memory_space<hbm>> -> memref<2x128xi32, #tpu.memory_space<hbm>>
    tpu.enqueue_dma source(%dma_start3A_41 : memref<2x128xi32, #tpu.memory_space<hbm>>) target(%arg5 : memref<2x128xi32, #tpu.memory_space<vmem>>) target_semaphore(%arg10 : memref<!tpu.dma_semaphore, #tpu.memory_space<semaphore_mem>>)
    %dma_wait3A = arith.constant 0 : i32
    %dma_wait3A_42 = arith.constant 0 : i32
    %dma_wait3A_43 = tpu.memref_slice %arg3[%select_n3A_34, %dma_wait3A, %dma_wait3A_42] : memref<2528x2x128xi32, #tpu.memory_space<hbm>> -> memref<1x2x128xi32, #tpu.memory_space<hbm>>
    %dma_wait3A_44 = tpu.memref_squeeze %dma_wait3A_43 : memref<1x2x128xi32, #tpu.memory_space<hbm>> -> memref<2x128xi32, #tpu.memory_space<hbm>>
    %dma_wait3A_45 = arith.constant 0 : i32
    %dma_wait3A_46 = arith.constant 0 : i32
    %dma_wait3A_47 = tpu.memref_slice %arg3[%select_n3A_34, %dma_wait3A_45, %dma_wait3A_46] : memref<2528x2x128xi32, #tpu.memory_space<hbm>> -> memref<1x2x128xi32, #tpu.memory_space<hbm>>
    %dma_wait3A_48 = tpu.memref_squeeze %dma_wait3A_47 : memref<1x2x128xi32, #tpu.memory_space<hbm>> -> memref<2x128xi32, #tpu.memory_space<hbm>>
    tpu.wait_dma2 semaphore(%arg10 : memref<!tpu.dma_semaphore, #tpu.memory_space<semaphore_mem>>) src(%dma_wait3A_48 : memref<2x128xi32, #tpu.memory_space<hbm>>) dst(%arg5 : memref<2x128xi32, #tpu.memory_space<vmem>>)
    %dma_start3A_49 = arith.constant 0 : i32
    %dma_start3A_50 = arith.constant 0 : i32
    %dma_start3A_51 = tpu.memref_slice %arg5[%dma_start3A_49, %dma_start3A_50] : memref<2x128xi32, #tpu.memory_space<vmem>> -> memref<1x128xi32, #tpu.memory_space<vmem>>
    %dma_start3A_52 = tpu.memref_squeeze %dma_start3A_51 : memref<1x128xi32, #tpu.memory_space<vmem>> -> memref<128xi32, #tpu.memory_space<vmem>>
    %dma_start3A_53 = arith.constant 0 : i32
    %dma_start3A_54 = arith.constant 0 : i32
    %dma_start3A_55 = tpu.memref_slice %arg2[%dma_start3A_53, %dma_start3A_54] : memref<10000x128xf32, #tpu.memory_space<hbm>> -> memref<10000x128xf32, #tpu.memory_space<hbm>>
    tpu.enqueue_indirect_dma source(%dma_start3A_55 : memref<10000x128xf32, #tpu.memory_space<hbm>>) target(%arg7 : memref<128x128xf32, #tpu.memory_space<vmem>>) offsets(%dma_start3A_52 : memref<128xi32, #tpu.memory_space<vmem>>) semaphore(%arg11 : memref<!tpu.dma_semaphore, #tpu.memory_space<semaphore_mem>>)
    %add3A_56 = arith.constant 1 : i32
    %add3A_57 = arith.addi %select_n3A_34, %add3A_56 : i32
    %dma_start3A_58 = arith.constant 0 : i32
    %dma_start3A_59 = arith.constant 0 : i32
    %dma_start3A_60 = tpu.memref_slice %arg3[%add3A_57, %dma_start3A_58, %dma_start3A_59] : memref<2528x2x128xi32, #tpu.memory_space<hbm>> -> memref<1x2x128xi32, #tpu.memory_space<hbm>>
    %dma_start3A_61 = tpu.memref_squeeze %dma_start3A_60 : memref<1x2x128xi32, #tpu.memory_space<hbm>> -> memref<2x128xi32, #tpu.memory_space<hbm>>
    %dma_start3A_62 = arith.constant 0 : i32
    %dma_start3A_63 = arith.constant 0 : i32
    %dma_start3A_64 = tpu.memref_slice %arg3[%add3A_57, %dma_start3A_62, %dma_start3A_63] : memref<2528x2x128xi32, #tpu.memory_space<hbm>> -> memref<1x2x128xi32, #tpu.memory_space<hbm>>
    %dma_start3A_65 = tpu.memref_squeeze %dma_start3A_64 : memref<1x2x128xi32, #tpu.memory_space<hbm>> -> memref<2x128xi32, #tpu.memory_space<hbm>>
    tpu.enqueue_dma source(%dma_start3A_65 : memref<2x128xi32, #tpu.memory_space<hbm>>) target(%arg6 : memref<2x128xi32, #tpu.memory_space<vmem>>) target_semaphore(%arg10 : memref<!tpu.dma_semaphore, #tpu.memory_space<semaphore_mem>>)
    %jit3A_66 = arith.constant 2 : i32
    %div3A = arith.divsi %select_n3A, %jit3A_66 : i32
    %sign3A = arith.constant 0 : i32
    %sign3A_67 = arith.cmpi sgt, %select_n3A, %sign3A : i32
    %sign3A_68 = arith.extui %sign3A_67 : i1 to i32
    %sign3A_69 = arith.constant 0 : i32
    %sign3A_70 = arith.cmpi slt, %select_n3A, %sign3A_69 : i32
    %sign3A_71 = arith.extui %sign3A_70 : i1 to i32
    %sign3A_72 = arith.subi %sign3A_68, %sign3A_71 : i32
    %sign3A_73 = arith.constant 0 : i32
    %sign3A_74 = arith.cmpi sgt, %jit3A_66, %sign3A_73 : i32
    %sign3A_75 = arith.extui %sign3A_74 : i1 to i32
    %sign3A_76 = arith.constant 0 : i32
    %sign3A_77 = arith.cmpi slt, %jit3A_66, %sign3A_76 : i32
    %sign3A_78 = arith.extui %sign3A_77 : i1 to i32
    %sign3A_79 = arith.subi %sign3A_75, %sign3A_78 : i32
    %ne3A = arith.cmpi ne, %sign3A_72, %sign3A_79 : i32
    %rem3A = arith.remsi %select_n3A, %jit3A_66 : i32
    %ne3A_80 = arith.constant 0 : i32
    %ne3A_81 = arith.cmpi ne, %rem3A, %ne3A_80 : i32
    %and3A = arith.andi %ne3A, %ne3A_81 : i1
    %sub3A = arith.constant 1 : i32
    %sub3A_82 = arith.subi %div3A, %sub3A : i32
    %select_n3A_83 = arith.select %and3A, %sub3A_82, %div3A : i32
    %while3A = arith.constant 0 : i32
    %while3A_84 = arith.constant 0 : i32
    %while3A_85 = arith.subi %select_n3A_83, %while3A : i32
    %while3A_86 = arith.addi %while3A, %while3A_85 : i32
    %while3A_87 = arith.constant 1 : i32
    %while3A_88 = arith.divsi %while3A_85, %while3A_87 : i32
    %while3A_89 = arith.muli %while3A_88, %while3A_87 : i32
    %while3A_90 = arith.addi %while3A, %while3A_89 : i32
    %while3A_91 = arith.constant 1 : i32
    %while3A_92 = scf.for %while3A_100 = %while3A to %while3A_90 step %while3A_91 iter_args(%while3A_101 = %while3A_84) -> (i32)  : i32 {
      %mul3A_102 = arith.constant 2 : i32
      %mul3A_103 = arith.muli %mul3A_102, %while3A_100 : i32
      %add3A_104 = arith.addi %select_n3A_34, %mul3A_103 : i32
      %add3A_105 = arith.constant 1 : i32
      %add3A_106 = arith.addi %add3A_104, %add3A_105 : i32
      %dma_wait3A_107 = arith.constant 0 : i32
      %dma_wait3A_108 = arith.constant 0 : i32
      %dma_wait3A_109 = tpu.memref_slice %arg3[%add3A_106, %dma_wait3A_107, %dma_wait3A_108] : memref<2528x2x128xi32, #tpu.memory_space<hbm>> -> memref<1x2x128xi32, #tpu.memory_space<hbm>>
      %dma_wait3A_110 = tpu.memref_squeeze %dma_wait3A_109 : memref<1x2x128xi32, #tpu.memory_space<hbm>> -> memref<2x128xi32, #tpu.memory_space<hbm>>
      %dma_wait3A_111 = arith.constant 0 : i32
      %dma_wait3A_112 = arith.constant 0 : i32
      %dma_wait3A_113 = tpu.memref_slice %arg3[%add3A_106, %dma_wait3A_111, %dma_wait3A_112] : memref<2528x2x128xi32, #tpu.memory_space<hbm>> -> memref<1x2x128xi32, #tpu.memory_space<hbm>>
      %dma_wait3A_114 = tpu.memref_squeeze %dma_wait3A_113 : memref<1x2x128xi32, #tpu.memory_space<hbm>> -> memref<2x128xi32, #tpu.memory_space<hbm>>
      tpu.wait_dma2 semaphore(%arg10 : memref<!tpu.dma_semaphore, #tpu.memory_space<semaphore_mem>>) src(%dma_wait3A_114 : memref<2x128xi32, #tpu.memory_space<hbm>>) dst(%arg6 : memref<2x128xi32, #tpu.memory_space<vmem>>)
      %dma_wait3A_115 = arith.constant 0 : i32
      %dma_wait3A_116 = arith.constant 0 : i32
      %dma_wait3A_117 = tpu.memref_slice %arg5[%dma_wait3A_115, %dma_wait3A_116] : memref<2x128xi32, #tpu.memory_space<vmem>> -> memref<1x128xi32, #tpu.memory_space<vmem>>
      %dma_wait3A_118 = tpu.memref_squeeze %dma_wait3A_117 : memref<1x128xi32, #tpu.memory_space<vmem>> -> memref<128xi32, #tpu.memory_space<vmem>>
      %dma_wait3A_119 = arith.constant 0 : i32
      %dma_wait3A_120 = arith.constant 0 : i32
      %dma_wait3A_121 = tpu.memref_slice %arg2[%dma_wait3A_119, %dma_wait3A_120] : memref<10000x128xf32, #tpu.memory_space<hbm>> -> memref<10000x128xf32, #tpu.memory_space<hbm>>
      tpu.wait_indirect_dma semaphore(%arg11 : memref<!tpu.dma_semaphore, #tpu.memory_space<semaphore_mem>>) src(%dma_wait3A_121 : memref<10000x128xf32, #tpu.memory_space<hbm>>) dst(%arg7 : memref<128x128xf32, #tpu.memory_space<vmem>>)
      %dma_start3A_122 = arith.constant 0 : i32
      %dma_start3A_123 = arith.constant 0 : i32
      %dma_start3A_124 = tpu.memref_slice %arg6[%dma_start3A_122, %dma_start3A_123] : memref<2x128xi32, #tpu.memory_space<vmem>> -> memref<1x128xi32, #tpu.memory_space<vmem>>
      %dma_start3A_125 = tpu.memref_squeeze %dma_start3A_124 : memref<1x128xi32, #tpu.memory_space<vmem>> -> memref<128xi32, #tpu.memory_space<vmem>>
      %dma_start3A_126 = arith.constant 0 : i32
      %dma_start3A_127 = arith.constant 0 : i32
      %dma_start3A_128 = tpu.memref_slice %arg2[%dma_start3A_126, %dma_start3A_127] : memref<10000x128xf32, #tpu.memory_space<hbm>> -> memref<10000x128xf32, #tpu.memory_space<hbm>>
      tpu.enqueue_indirect_dma source(%dma_start3A_128 : memref<10000x128xf32, #tpu.memory_space<hbm>>) target(%arg8 : memref<128x128xf32, #tpu.memory_space<vmem>>) offsets(%dma_start3A_125 : memref<128xi32, #tpu.memory_space<vmem>>) semaphore(%arg12 : memref<!tpu.dma_semaphore, #tpu.memory_space<semaphore_mem>>)
      %run_scoped3A = arith.constant 1 : i32
      "tpu.region"() ({
        %run_scoped3A_153 = tpu.sem_alloc : memref<!tpu.dma_semaphore, #tpu.memory_space<semaphore_mem>>
        %dma_start3A_154 = arith.constant 0 : i32
        %dma_start3A_155 = tpu.memref_slice %arg5[%run_scoped3A, %dma_start3A_154] : memref<2x128xi32, #tpu.memory_space<vmem>> -> memref<1x128xi32, #tpu.memory_space<vmem>>
        %dma_start3A_156 = tpu.memref_squeeze %dma_start3A_155 : memref<1x128xi32, #tpu.memory_space<vmem>> -> memref<128xi32, #tpu.memory_space<vmem>>
        %dma_start3A_157 = arith.constant 0 : i32
        %dma_start3A_158 = arith.constant 0 : i32
        %dma_start3A_159 = tpu.memref_slice %arg9[%dma_start3A_157, %dma_start3A_158] : memref<10240x128xf32, #tpu.memory_space<vmem_shared>> -> memref<10240x128xf32, #tpu.memory_space<vmem_shared>>
        tpu.enqueue_indirect_dma source(%arg7 : memref<128x128xf32, #tpu.memory_space<vmem>>) target(%dma_start3A_159 : memref<10240x128xf32, #tpu.memory_space<vmem_shared>>) offsets(%dma_start3A_156 : memref<128xi32, #tpu.memory_space<vmem>>) semaphore(%run_scoped3A_153 : memref<!tpu.dma_semaphore, #tpu.memory_space<semaphore_mem>>) {add = true}
        %dma_wait3A_160 = arith.constant 0 : i32
        %dma_wait3A_161 = tpu.memref_slice %arg5[%run_scoped3A, %dma_wait3A_160] : memref<2x128xi32, #tpu.memory_space<vmem>> -> memref<1x128xi32, #tpu.memory_space<vmem>>
        %dma_wait3A_162 = tpu.memref_squeeze %dma_wait3A_161 : memref<1x128xi32, #tpu.memory_space<vmem>> -> memref<128xi32, #tpu.memory_space<vmem>>
        %dma_wait3A_163 = arith.constant 0 : i32
        %dma_wait3A_164 = arith.constant 0 : i32
        %dma_wait3A_165 = tpu.memref_slice %arg9[%dma_wait3A_163, %dma_wait3A_164] : memref<10240x128xf32, #tpu.memory_space<vmem_shared>> -> memref<10240x128xf32, #tpu.memory_space<vmem_shared>>
        tpu.wait_indirect_dma semaphore(%run_scoped3A_153 : memref<!tpu.dma_semaphore, #tpu.memory_space<semaphore_mem>>) src(%arg7 : memref<128x128xf32, #tpu.memory_space<vmem>>) dst(%dma_wait3A_165 : memref<10240x128xf32, #tpu.memory_space<vmem_shared>>)
        tpu.yield
      }) : () -> ()
      %add3A_129 = arith.constant 2 : i32
      %add3A_130 = arith.addi %mul3A_103, %add3A_129 : i32
      %lt3A = arith.cmpi slt, %add3A_130, %select_n3A : i32
      %convert_element_type3A = arith.extui %lt3A : i1 to i32
      %cond3A = arith.constant 0 : i32
      %cond3A_131 = arith.cmpi ne, %convert_element_type3A, %cond3A : i32
      scf.if %cond3A_131 {
        %add3A_153 = arith.addi %select_n3A_34, %mul3A_103 : i32
        %add3A_154 = arith.constant 2 : i32
        %add3A_155 = arith.addi %add3A_153, %add3A_154 : i32
        %dma_start3A_156 = arith.constant 0 : i32
        %dma_start3A_157 = arith.constant 0 : i32
        %dma_start3A_158 = tpu.memref_slice %arg3[%add3A_155, %dma_start3A_156, %dma_start3A_157] : memref<2528x2x128xi32, #tpu.memory_space<hbm>> -> memref<1x2x128xi32, #tpu.memory_space<hbm>>
        %dma_start3A_159 = tpu.memref_squeeze %dma_start3A_158 : memref<1x2x128xi32, #tpu.memory_space<hbm>> -> memref<2x128xi32, #tpu.memory_space<hbm>>
        %dma_start3A_160 = arith.constant 0 : i32
        %dma_start3A_161 = arith.constant 0 : i32
        %dma_start3A_162 = tpu.memref_slice %arg3[%add3A_155, %dma_start3A_160, %dma_start3A_161] : memref<2528x2x128xi32, #tpu.memory_space<hbm>> -> memref<1x2x128xi32, #tpu.memory_space<hbm>>
        %dma_start3A_163 = tpu.memref_squeeze %dma_start3A_162 : memref<1x2x128xi32, #tpu.memory_space<hbm>> -> memref<2x128xi32, #tpu.memory_space<hbm>>
        tpu.enqueue_dma source(%dma_start3A_163 : memref<2x128xi32, #tpu.memory_space<hbm>>) target(%arg5 : memref<2x128xi32, #tpu.memory_space<vmem>>) target_semaphore(%arg10 : memref<!tpu.dma_semaphore, #tpu.memory_space<semaphore_mem>>)
      } else {
      }
      %dma_wait3A_132 = arith.constant 0 : i32
      %dma_wait3A_133 = arith.constant 0 : i32
      %dma_wait3A_134 = tpu.memref_slice %arg6[%dma_wait3A_132, %dma_wait3A_133] : memref<2x128xi32, #tpu.memory_space<vmem>> -> memref<1x128xi32, #tpu.memory_space<vmem>>
      %dma_wait3A_135 = tpu.memref_squeeze %dma_wait3A_134 : memref<1x128xi32, #tpu.memory_space<vmem>> -> memref<128xi32, #tpu.memory_space<vmem>>
      %dma_wait3A_136 = arith.constant 0 : i32
      %dma_wait3A_137 = arith.constant 0 : i32
      %dma_wait3A_138 = tpu.memref_slice %arg2[%dma_wait3A_136, %dma_wait3A_137] : memref<10000x128xf32, #tpu.memory_space<hbm>> -> memref<10000x128xf32, #tpu.memory_space<hbm>>
      tpu.wait_indirect_dma semaphore(%arg12 : memref<!tpu.dma_semaphore, #tpu.memory_space<semaphore_mem>>) src(%dma_wait3A_138 : memref<10000x128xf32, #tpu.memory_space<hbm>>) dst(%arg8 : memref<128x128xf32, #tpu.memory_space<vmem>>)
      %add3A_139 = arith.constant 2 : i32
      %add3A_140 = arith.addi %mul3A_103, %add3A_139 : i32
      %lt3A_141 = arith.cmpi slt, %add3A_140, %select_n3A : i32
      %convert_element_type3A_142 = arith.extui %lt3A_141 : i1 to i32
      %cond3A_143 = arith.constant 0 : i32
      %cond3A_144 = arith.cmpi ne, %convert_element_type3A_142, %cond3A_143 : i32
      scf.if %cond3A_144 {
        %add3A_153 = arith.addi %select_n3A_34, %mul3A_103 : i32
        %add3A_154 = arith.constant 2 : i32
        %add3A_155 = arith.addi %add3A_153, %add3A_154 : i32
        %dma_wait3A_156 = arith.constant 0 : i32
        %dma_wait3A_157 = arith.constant 0 : i32
        %dma_wait3A_158 = tpu.memref_slice %arg3[%add3A_155, %dma_wait3A_156, %dma_wait3A_157] : memref<2528x2x128xi32, #tpu.memory_space<hbm>> -> memref<1x2x128xi32, #tpu.memory_space<hbm>>
        %dma_wait3A_159 = tpu.memref_squeeze %dma_wait3A_158 : memref<1x2x128xi32, #tpu.memory_space<hbm>> -> memref<2x128xi32, #tpu.memory_space<hbm>>
        %dma_wait3A_160 = arith.constant 0 : i32
        %dma_wait3A_161 = arith.constant 0 : i32
        %dma_wait3A_162 = tpu.memref_slice %arg3[%add3A_155, %dma_wait3A_160, %dma_wait3A_161] : memref<2528x2x128xi32, #tpu.memory_space<hbm>> -> memref<1x2x128xi32, #tpu.memory_space<hbm>>
        %dma_wait3A_163 = tpu.memref_squeeze %dma_wait3A_162 : memref<1x2x128xi32, #tpu.memory_space<hbm>> -> memref<2x128xi32, #tpu.memory_space<hbm>>
        tpu.wait_dma2 semaphore(%arg10 : memref<!tpu.dma_semaphore, #tpu.memory_space<semaphore_mem>>) src(%dma_wait3A_163 : memref<2x128xi32, #tpu.memory_space<hbm>>) dst(%arg5 : memref<2x128xi32, #tpu.memory_space<vmem>>)
        %dma_start3A_164 = arith.constant 0 : i32
        %dma_start3A_165 = arith.constant 0 : i32
        %dma_start3A_166 = tpu.memref_slice %arg5[%dma_start3A_164, %dma_start3A_165] : memref<2x128xi32, #tpu.memory_space<vmem>> -> memref<1x128xi32, #tpu.memory_space<vmem>>
        %dma_start3A_167 = tpu.memref_squeeze %dma_start3A_166 : memref<1x128xi32, #tpu.memory_space<vmem>> -> memref<128xi32, #tpu.memory_space<vmem>>
        %dma_start3A_168 = arith.constant 0 : i32
        %dma_start3A_169 = arith.constant 0 : i32
        %dma_start3A_170 = tpu.memref_slice %arg2[%dma_start3A_168, %dma_start3A_169] : memref<10000x128xf32, #tpu.memory_space<hbm>> -> memref<10000x128xf32, #tpu.memory_space<hbm>>
        tpu.enqueue_indirect_dma source(%dma_start3A_170 : memref<10000x128xf32, #tpu.memory_space<hbm>>) target(%arg7 : memref<128x128xf32, #tpu.memory_space<vmem>>) offsets(%dma_start3A_167 : memref<128xi32, #tpu.memory_space<vmem>>) semaphore(%arg11 : memref<!tpu.dma_semaphore, #tpu.memory_space<semaphore_mem>>)
      } else {
      }
      %run_scoped3A_145 = arith.constant 1 : i32
      "tpu.region"() ({
        %run_scoped3A_153 = tpu.sem_alloc : memref<!tpu.dma_semaphore, #tpu.memory_space<semaphore_mem>>
        %dma_start3A_154 = arith.constant 0 : i32
        %dma_start3A_155 = tpu.memref_slice %arg6[%run_scoped3A_145, %dma_start3A_154] : memref<2x128xi32, #tpu.memory_space<vmem>> -> memref<1x128xi32, #tpu.memory_space<vmem>>
        %dma_start3A_156 = tpu.memref_squeeze %dma_start3A_155 : memref<1x128xi32, #tpu.memory_space<vmem>> -> memref<128xi32, #tpu.memory_space<vmem>>
        %dma_start3A_157 = arith.constant 0 : i32
        %dma_start3A_158 = arith.constant 0 : i32
        %dma_start3A_159 = tpu.memref_slice %arg9[%dma_start3A_157, %dma_start3A_158] : memref<10240x128xf32, #tpu.memory_space<vmem_shared>> -> memref<10240x128xf32, #tpu.memory_space<vmem_shared>>
        tpu.enqueue_indirect_dma source(%arg8 : memref<128x128xf32, #tpu.memory_space<vmem>>) target(%dma_start3A_159 : memref<10240x128xf32, #tpu.memory_space<vmem_shared>>) offsets(%dma_start3A_156 : memref<128xi32, #tpu.memory_space<vmem>>) semaphore(%run_scoped3A_153 : memref<!tpu.dma_semaphore, #tpu.memory_space<semaphore_mem>>) {add = true}
        %dma_wait3A_160 = arith.constant 0 : i32
        %dma_wait3A_161 = tpu.memref_slice %arg6[%run_scoped3A_145, %dma_wait3A_160] : memref<2x128xi32, #tpu.memory_space<vmem>> -> memref<1x128xi32, #tpu.memory_space<vmem>>
        %dma_wait3A_162 = tpu.memref_squeeze %dma_wait3A_161 : memref<1x128xi32, #tpu.memory_space<vmem>> -> memref<128xi32, #tpu.memory_space<vmem>>
        %dma_wait3A_163 = arith.constant 0 : i32
        %dma_wait3A_164 = arith.constant 0 : i32
        %dma_wait3A_165 = tpu.memref_slice %arg9[%dma_wait3A_163, %dma_wait3A_164] : memref<10240x128xf32, #tpu.memory_space<vmem_shared>> -> memref<10240x128xf32, #tpu.memory_space<vmem_shared>>
        tpu.wait_indirect_dma semaphore(%run_scoped3A_153 : memref<!tpu.dma_semaphore, #tpu.memory_space<semaphore_mem>>) src(%arg8 : memref<128x128xf32, #tpu.memory_space<vmem>>) dst(%dma_wait3A_165 : memref<10240x128xf32, #tpu.memory_space<vmem_shared>>)
        tpu.yield
      }) : () -> ()
      %add3A_146 = arith.constant 3 : i32
      %add3A_147 = arith.addi %mul3A_103, %add3A_146 : i32
      %lt3A_148 = arith.cmpi slt, %add3A_147, %select_n3A : i32
      %convert_element_type3A_149 = arith.extui %lt3A_148 : i1 to i32
      %cond3A_150 = arith.constant 0 : i32
      %cond3A_151 = arith.cmpi ne, %convert_element_type3A_149, %cond3A_150 : i32
      scf.if %cond3A_151 {
        %add3A_153 = arith.addi %select_n3A_34, %mul3A_103 : i32
        %add3A_154 = arith.constant 3 : i32
        %add3A_155 = arith.addi %add3A_153, %add3A_154 : i32
        %dma_start3A_156 = arith.constant 0 : i32
        %dma_start3A_157 = arith.constant 0 : i32
        %dma_start3A_158 = tpu.memref_slice %arg3[%add3A_155, %dma_start3A_156, %dma_start3A_157] : memref<2528x2x128xi32, #tpu.memory_space<hbm>> -> memref<1x2x128xi32, #tpu.memory_space<hbm>>
        %dma_start3A_159 = tpu.memref_squeeze %dma_start3A_158 : memref<1x2x128xi32, #tpu.memory_space<hbm>> -> memref<2x128xi32, #tpu.memory_space<hbm>>
        %dma_start3A_160 = arith.constant 0 : i32
        %dma_start3A_161 = arith.constant 0 : i32
        %dma_start3A_162 = tpu.memref_slice %arg3[%add3A_155, %dma_start3A_160, %dma_start3A_161] : memref<2528x2x128xi32, #tpu.memory_space<hbm>> -> memref<1x2x128xi32, #tpu.memory_space<hbm>>
        %dma_start3A_163 = tpu.memref_squeeze %dma_start3A_162 : memref<1x2x128xi32, #tpu.memory_space<hbm>> -> memref<2x128xi32, #tpu.memory_space<hbm>>
        tpu.enqueue_dma source(%dma_start3A_163 : memref<2x128xi32, #tpu.memory_space<hbm>>) target(%arg6 : memref<2x128xi32, #tpu.memory_space<vmem>>) target_semaphore(%arg10 : memref<!tpu.dma_semaphore, #tpu.memory_space<semaphore_mem>>)
      } else {
      }
      %while3A_152 = arith.constant 0 : i32
      scf.yield %while3A_152 : i32
    }
    %while3A_93 = arith.constant 1 : i32
    %while3A_94 = scf.for %while3A_100 = %while3A_90 to %while3A_86 step %while3A_93 iter_args(%while3A_101 = %while3A_92) -> (i32)  : i32 {
      %mul3A_102 = arith.constant 2 : i32
      %mul3A_103 = arith.muli %mul3A_102, %while3A_100 : i32
      %add3A_104 = arith.addi %select_n3A_34, %mul3A_103 : i32
      %add3A_105 = arith.constant 1 : i32
      %add3A_106 = arith.addi %add3A_104, %add3A_105 : i32
      %dma_wait3A_107 = arith.constant 0 : i32
      %dma_wait3A_108 = arith.constant 0 : i32
      %dma_wait3A_109 = tpu.memref_slice %arg3[%add3A_106, %dma_wait3A_107, %dma_wait3A_108] : memref<2528x2x128xi32, #tpu.memory_space<hbm>> -> memref<1x2x128xi32, #tpu.memory_space<hbm>>
      %dma_wait3A_110 = tpu.memref_squeeze %dma_wait3A_109 : memref<1x2x128xi32, #tpu.memory_space<hbm>> -> memref<2x128xi32, #tpu.memory_space<hbm>>
      %dma_wait3A_111 = arith.constant 0 : i32
      %dma_wait3A_112 = arith.constant 0 : i32
      %dma_wait3A_113 = tpu.memref_slice %arg3[%add3A_106, %dma_wait3A_111, %dma_wait3A_112] : memref<2528x2x128xi32, #tpu.memory_space<hbm>> -> memref<1x2x128xi32, #tpu.memory_space<hbm>>
      %dma_wait3A_114 = tpu.memref_squeeze %dma_wait3A_113 : memref<1x2x128xi32, #tpu.memory_space<hbm>> -> memref<2x128xi32, #tpu.memory_space<hbm>>
      tpu.wait_dma2 semaphore(%arg10 : memref<!tpu.dma_semaphore, #tpu.memory_space<semaphore_mem>>) src(%dma_wait3A_114 : memref<2x128xi32, #tpu.memory_space<hbm>>) dst(%arg6 : memref<2x128xi32, #tpu.memory_space<vmem>>)
      %dma_wait3A_115 = arith.constant 0 : i32
      %dma_wait3A_116 = arith.constant 0 : i32
      %dma_wait3A_117 = tpu.memref_slice %arg5[%dma_wait3A_115, %dma_wait3A_116] : memref<2x128xi32, #tpu.memory_space<vmem>> -> memref<1x128xi32, #tpu.memory_space<vmem>>
      %dma_wait3A_118 = tpu.memref_squeeze %dma_wait3A_117 : memref<1x128xi32, #tpu.memory_space<vmem>> -> memref<128xi32, #tpu.memory_space<vmem>>
      %dma_wait3A_119 = arith.constant 0 : i32
      %dma_wait3A_120 = arith.constant 0 : i32
      %dma_wait3A_121 = tpu.memref_slice %arg2[%dma_wait3A_119, %dma_wait3A_120] : memref<10000x128xf32, #tpu.memory_space<hbm>> -> memref<10000x128xf32, #tpu.memory_space<hbm>>
      tpu.wait_indirect_dma semaphore(%arg11 : memref<!tpu.dma_semaphore, #tpu.memory_space<semaphore_mem>>) src(%dma_wait3A_121 : memref<10000x128xf32, #tpu.memory_space<hbm>>) dst(%arg7 : memref<128x128xf32, #tpu.memory_space<vmem>>)
      %dma_start3A_122 = arith.constant 0 : i32
      %dma_start3A_123 = arith.constant 0 : i32
      %dma_start3A_124 = tpu.memref_slice %arg6[%dma_start3A_122, %dma_start3A_123] : memref<2x128xi32, #tpu.memory_space<vmem>> -> memref<1x128xi32, #tpu.memory_space<vmem>>
      %dma_start3A_125 = tpu.memref_squeeze %dma_start3A_124 : memref<1x128xi32, #tpu.memory_space<vmem>> -> memref<128xi32, #tpu.memory_space<vmem>>
      %dma_start3A_126 = arith.constant 0 : i32
      %dma_start3A_127 = arith.constant 0 : i32
      %dma_start3A_128 = tpu.memref_slice %arg2[%dma_start3A_126, %dma_start3A_127] : memref<10000x128xf32, #tpu.memory_space<hbm>> -> memref<10000x128xf32, #tpu.memory_space<hbm>>
      tpu.enqueue_indirect_dma source(%dma_start3A_128 : memref<10000x128xf32, #tpu.memory_space<hbm>>) target(%arg8 : memref<128x128xf32, #tpu.memory_space<vmem>>) offsets(%dma_start3A_125 : memref<128xi32, #tpu.memory_space<vmem>>) semaphore(%arg12 : memref<!tpu.dma_semaphore, #tpu.memory_space<semaphore_mem>>)
      %run_scoped3A = arith.constant 1 : i32
      "tpu.region"() ({
        %run_scoped3A_153 = tpu.sem_alloc : memref<!tpu.dma_semaphore, #tpu.memory_space<semaphore_mem>>
        %dma_start3A_154 = arith.constant 0 : i32
        %dma_start3A_155 = tpu.memref_slice %arg5[%run_scoped3A, %dma_start3A_154] : memref<2x128xi32, #tpu.memory_space<vmem>> -> memref<1x128xi32, #tpu.memory_space<vmem>>
        %dma_start3A_156 = tpu.memref_squeeze %dma_start3A_155 : memref<1x128xi32, #tpu.memory_space<vmem>> -> memref<128xi32, #tpu.memory_space<vmem>>
        %dma_start3A_157 = arith.constant 0 : i32
        %dma_start3A_158 = arith.constant 0 : i32
        %dma_start3A_159 = tpu.memref_slice %arg9[%dma_start3A_157, %dma_start3A_158] : memref<10240x128xf32, #tpu.memory_space<vmem_shared>> -> memref<10240x128xf32, #tpu.memory_space<vmem_shared>>
        tpu.enqueue_indirect_dma source(%arg7 : memref<128x128xf32, #tpu.memory_space<vmem>>) target(%dma_start3A_159 : memref<10240x128xf32, #tpu.memory_space<vmem_shared>>) offsets(%dma_start3A_156 : memref<128xi32, #tpu.memory_space<vmem>>) semaphore(%run_scoped3A_153 : memref<!tpu.dma_semaphore, #tpu.memory_space<semaphore_mem>>) {add = true}
        %dma_wait3A_160 = arith.constant 0 : i32
        %dma_wait3A_161 = tpu.memref_slice %arg5[%run_scoped3A, %dma_wait3A_160] : memref<2x128xi32, #tpu.memory_space<vmem>> -> memref<1x128xi32, #tpu.memory_space<vmem>>
        %dma_wait3A_162 = tpu.memref_squeeze %dma_wait3A_161 : memref<1x128xi32, #tpu.memory_space<vmem>> -> memref<128xi32, #tpu.memory_space<vmem>>
        %dma_wait3A_163 = arith.constant 0 : i32
        %dma_wait3A_164 = arith.constant 0 : i32
        %dma_wait3A_165 = tpu.memref_slice %arg9[%dma_wait3A_163, %dma_wait3A_164] : memref<10240x128xf32, #tpu.memory_space<vmem_shared>> -> memref<10240x128xf32, #tpu.memory_space<vmem_shared>>
        tpu.wait_indirect_dma semaphore(%run_scoped3A_153 : memref<!tpu.dma_semaphore, #tpu.memory_space<semaphore_mem>>) src(%arg7 : memref<128x128xf32, #tpu.memory_space<vmem>>) dst(%dma_wait3A_165 : memref<10240x128xf32, #tpu.memory_space<vmem_shared>>)
        tpu.yield
      }) : () -> ()
      %add3A_129 = arith.constant 2 : i32
      %add3A_130 = arith.addi %mul3A_103, %add3A_129 : i32
      %lt3A = arith.cmpi slt, %add3A_130, %select_n3A : i32
      %convert_element_type3A = arith.extui %lt3A : i1 to i32
      %cond3A = arith.constant 0 : i32
      %cond3A_131 = arith.cmpi ne, %convert_element_type3A, %cond3A : i32
      scf.if %cond3A_131 {
        %add3A_153 = arith.addi %select_n3A_34, %mul3A_103 : i32
        %add3A_154 = arith.constant 2 : i32
        %add3A_155 = arith.addi %add3A_153, %add3A_154 : i32
        %dma_start3A_156 = arith.constant 0 : i32
        %dma_start3A_157 = arith.constant 0 : i32
        %dma_start3A_158 = tpu.memref_slice %arg3[%add3A_155, %dma_start3A_156, %dma_start3A_157] : memref<2528x2x128xi32, #tpu.memory_space<hbm>> -> memref<1x2x128xi32, #tpu.memory_space<hbm>>
        %dma_start3A_159 = tpu.memref_squeeze %dma_start3A_158 : memref<1x2x128xi32, #tpu.memory_space<hbm>> -> memref<2x128xi32, #tpu.memory_space<hbm>>
        %dma_start3A_160 = arith.constant 0 : i32
        %dma_start3A_161 = arith.constant 0 : i32
        %dma_start3A_162 = tpu.memref_slice %arg3[%add3A_155, %dma_start3A_160, %dma_start3A_161] : memref<2528x2x128xi32, #tpu.memory_space<hbm>> -> memref<1x2x128xi32, #tpu.memory_space<hbm>>
        %dma_start3A_163 = tpu.memref_squeeze %dma_start3A_162 : memref<1x2x128xi32, #tpu.memory_space<hbm>> -> memref<2x128xi32, #tpu.memory_space<hbm>>
        tpu.enqueue_dma source(%dma_start3A_163 : memref<2x128xi32, #tpu.memory_space<hbm>>) target(%arg5 : memref<2x128xi32, #tpu.memory_space<vmem>>) target_semaphore(%arg10 : memref<!tpu.dma_semaphore, #tpu.memory_space<semaphore_mem>>)
      } else {
      }
      %dma_wait3A_132 = arith.constant 0 : i32
      %dma_wait3A_133 = arith.constant 0 : i32
      %dma_wait3A_134 = tpu.memref_slice %arg6[%dma_wait3A_132, %dma_wait3A_133] : memref<2x128xi32, #tpu.memory_space<vmem>> -> memref<1x128xi32, #tpu.memory_space<vmem>>
      %dma_wait3A_135 = tpu.memref_squeeze %dma_wait3A_134 : memref<1x128xi32, #tpu.memory_space<vmem>> -> memref<128xi32, #tpu.memory_space<vmem>>
      %dma_wait3A_136 = arith.constant 0 : i32
      %dma_wait3A_137 = arith.constant 0 : i32
      %dma_wait3A_138 = tpu.memref_slice %arg2[%dma_wait3A_136, %dma_wait3A_137] : memref<10000x128xf32, #tpu.memory_space<hbm>> -> memref<10000x128xf32, #tpu.memory_space<hbm>>
      tpu.wait_indirect_dma semaphore(%arg12 : memref<!tpu.dma_semaphore, #tpu.memory_space<semaphore_mem>>) src(%dma_wait3A_138 : memref<10000x128xf32, #tpu.memory_space<hbm>>) dst(%arg8 : memref<128x128xf32, #tpu.memory_space<vmem>>)
      %add3A_139 = arith.constant 2 : i32
      %add3A_140 = arith.addi %mul3A_103, %add3A_139 : i32
      %lt3A_141 = arith.cmpi slt, %add3A_140, %select_n3A : i32
      %convert_element_type3A_142 = arith.extui %lt3A_141 : i1 to i32
      %cond3A_143 = arith.constant 0 : i32
      %cond3A_144 = arith.cmpi ne, %convert_element_type3A_142, %cond3A_143 : i32
      scf.if %cond3A_144 {
        %add3A_153 = arith.addi %select_n3A_34, %mul3A_103 : i32
        %add3A_154 = arith.constant 2 : i32
        %add3A_155 = arith.addi %add3A_153, %add3A_154 : i32
        %dma_wait3A_156 = arith.constant 0 : i32
        %dma_wait3A_157 = arith.constant 0 : i32
        %dma_wait3A_158 = tpu.memref_slice %arg3[%add3A_155, %dma_wait3A_156, %dma_wait3A_157] : memref<2528x2x128xi32, #tpu.memory_space<hbm>> -> memref<1x2x128xi32, #tpu.memory_space<hbm>>
        %dma_wait3A_159 = tpu.memref_squeeze %dma_wait3A_158 : memref<1x2x128xi32, #tpu.memory_space<hbm>> -> memref<2x128xi32, #tpu.memory_space<hbm>>
        %dma_wait3A_160 = arith.constant 0 : i32
        %dma_wait3A_161 = arith.constant 0 : i32
        %dma_wait3A_162 = tpu.memref_slice %arg3[%add3A_155, %dma_wait3A_160, %dma_wait3A_161] : memref<2528x2x128xi32, #tpu.memory_space<hbm>> -> memref<1x2x128xi32, #tpu.memory_space<hbm>>
        %dma_wait3A_163 = tpu.memref_squeeze %dma_wait3A_162 : memref<1x2x128xi32, #tpu.memory_space<hbm>> -> memref<2x128xi32, #tpu.memory_space<hbm>>
        tpu.wait_dma2 semaphore(%arg10 : memref<!tpu.dma_semaphore, #tpu.memory_space<semaphore_mem>>) src(%dma_wait3A_163 : memref<2x128xi32, #tpu.memory_space<hbm>>) dst(%arg5 : memref<2x128xi32, #tpu.memory_space<vmem>>)
        %dma_start3A_164 = arith.constant 0 : i32
        %dma_start3A_165 = arith.constant 0 : i32
        %dma_start3A_166 = tpu.memref_slice %arg5[%dma_start3A_164, %dma_start3A_165] : memref<2x128xi32, #tpu.memory_space<vmem>> -> memref<1x128xi32, #tpu.memory_space<vmem>>
        %dma_start3A_167 = tpu.memref_squeeze %dma_start3A_166 : memref<1x128xi32, #tpu.memory_space<vmem>> -> memref<128xi32, #tpu.memory_space<vmem>>
        %dma_start3A_168 = arith.constant 0 : i32
        %dma_start3A_169 = arith.constant 0 : i32
        %dma_start3A_170 = tpu.memref_slice %arg2[%dma_start3A_168, %dma_start3A_169] : memref<10000x128xf32, #tpu.memory_space<hbm>> -> memref<10000x128xf32, #tpu.memory_space<hbm>>
        tpu.enqueue_indirect_dma source(%dma_start3A_170 : memref<10000x128xf32, #tpu.memory_space<hbm>>) target(%arg7 : memref<128x128xf32, #tpu.memory_space<vmem>>) offsets(%dma_start3A_167 : memref<128xi32, #tpu.memory_space<vmem>>) semaphore(%arg11 : memref<!tpu.dma_semaphore, #tpu.memory_space<semaphore_mem>>)
      } else {
      }
      %run_scoped3A_145 = arith.constant 1 : i32
      "tpu.region"() ({
        %run_scoped3A_153 = tpu.sem_alloc : memref<!tpu.dma_semaphore, #tpu.memory_space<semaphore_mem>>
        %dma_start3A_154 = arith.constant 0 : i32
        %dma_start3A_155 = tpu.memref_slice %arg6[%run_scoped3A_145, %dma_start3A_154] : memref<2x128xi32, #tpu.memory_space<vmem>> -> memref<1x128xi32, #tpu.memory_space<vmem>>
        %dma_start3A_156 = tpu.memref_squeeze %dma_start3A_155 : memref<1x128xi32, #tpu.memory_space<vmem>> -> memref<128xi32, #tpu.memory_space<vmem>>
        %dma_start3A_157 = arith.constant 0 : i32
        %dma_start3A_158 = arith.constant 0 : i32
        %dma_start3A_159 = tpu.memref_slice %arg9[%dma_start3A_157, %dma_start3A_158] : memref<10240x128xf32, #tpu.memory_space<vmem_shared>> -> memref<10240x128xf32, #tpu.memory_space<vmem_shared>>
        tpu.enqueue_indirect_dma source(%arg8 : memref<128x128xf32, #tpu.memory_space<vmem>>) target(%dma_start3A_159 : memref<10240x128xf32, #tpu.memory_space<vmem_shared>>) offsets(%dma_start3A_156 : memref<128xi32, #tpu.memory_space<vmem>>) semaphore(%run_scoped3A_153 : memref<!tpu.dma_semaphore, #tpu.memory_space<semaphore_mem>>) {add = true}
        %dma_wait3A_160 = arith.constant 0 : i32
        %dma_wait3A_161 = tpu.memref_slice %arg6[%run_scoped3A_145, %dma_wait3A_160] : memref<2x128xi32, #tpu.memory_space<vmem>> -> memref<1x128xi32, #tpu.memory_space<vmem>>
        %dma_wait3A_162 = tpu.memref_squeeze %dma_wait3A_161 : memref<1x128xi32, #tpu.memory_space<vmem>> -> memref<128xi32, #tpu.memory_space<vmem>>
        %dma_wait3A_163 = arith.constant 0 : i32
        %dma_wait3A_164 = arith.constant 0 : i32
        %dma_wait3A_165 = tpu.memref_slice %arg9[%dma_wait3A_163, %dma_wait3A_164] : memref<10240x128xf32, #tpu.memory_space<vmem_shared>> -> memref<10240x128xf32, #tpu.memory_space<vmem_shared>>
        tpu.wait_indirect_dma semaphore(%run_scoped3A_153 : memref<!tpu.dma_semaphore, #tpu.memory_space<semaphore_mem>>) src(%arg8 : memref<128x128xf32, #tpu.memory_space<vmem>>) dst(%dma_wait3A_165 : memref<10240x128xf32, #tpu.memory_space<vmem_shared>>)
        tpu.yield
      }) : () -> ()
      %add3A_146 = arith.constant 3 : i32
      %add3A_147 = arith.addi %mul3A_103, %add3A_146 : i32
      %lt3A_148 = arith.cmpi slt, %add3A_147, %select_n3A : i32
      %convert_element_type3A_149 = arith.extui %lt3A_148 : i1 to i32
      %cond3A_150 = arith.constant 0 : i32
      %cond3A_151 = arith.cmpi ne, %convert_element_type3A_149, %cond3A_150 : i32
      scf.if %cond3A_151 {
        %add3A_153 = arith.addi %select_n3A_34, %mul3A_103 : i32
        %add3A_154 = arith.constant 3 : i32
        %add3A_155 = arith.addi %add3A_153, %add3A_154 : i32
        %dma_start3A_156 = arith.constant 0 : i32
        %dma_start3A_157 = arith.constant 0 : i32
        %dma_start3A_158 = tpu.memref_slice %arg3[%add3A_155, %dma_start3A_156, %dma_start3A_157] : memref<2528x2x128xi32, #tpu.memory_space<hbm>> -> memref<1x2x128xi32, #tpu.memory_space<hbm>>
        %dma_start3A_159 = tpu.memref_squeeze %dma_start3A_158 : memref<1x2x128xi32, #tpu.memory_space<hbm>> -> memref<2x128xi32, #tpu.memory_space<hbm>>
        %dma_start3A_160 = arith.constant 0 : i32
        %dma_start3A_161 = arith.constant 0 : i32
        %dma_start3A_162 = tpu.memref_slice %arg3[%add3A_155, %dma_start3A_160, %dma_start3A_161] : memref<2528x2x128xi32, #tpu.memory_space<hbm>> -> memref<1x2x128xi32, #tpu.memory_space<hbm>>
        %dma_start3A_163 = tpu.memref_squeeze %dma_start3A_162 : memref<1x2x128xi32, #tpu.memory_space<hbm>> -> memref<2x128xi32, #tpu.memory_space<hbm>>
        tpu.enqueue_dma source(%dma_start3A_163 : memref<2x128xi32, #tpu.memory_space<hbm>>) target(%arg6 : memref<2x128xi32, #tpu.memory_space<vmem>>) target_semaphore(%arg10 : memref<!tpu.dma_semaphore, #tpu.memory_space<semaphore_mem>>)
      } else {
      }
      %while3A_152 = arith.constant 0 : i32
      scf.yield %while3A_152 : i32
    }
    %barrier3A_95 = arith.constant 0 : index
    tpu.barrier barrier_id(%barrier3A_95)
    %mul3A_96 = arith.constant 640 : i32
    %mul3A_97 = arith.muli %arg1, %mul3A_96 : i32
    %mul3A_98 = arith.constant 640 : i32
    %mul3A_99 = arith.muli %arg1, %mul3A_98 : i32
    "tpu.region"() ({
      %run_scoped3A = tpu.sem_alloc : memref<!tpu.dma_semaphore, #tpu.memory_space<semaphore_mem>>
      %dma_start3A_100 = arith.constant 0 : i32
      %dma_start3A_101 = tpu.memref_slice %arg4[%arg0, %mul3A_99, %dma_start3A_100] : memref<2x10240x128xf32, #tpu.memory_space<hbm>> -> memref<1x640x128xf32, #tpu.memory_space<hbm>>
      %dma_start3A_102 = tpu.memref_squeeze %dma_start3A_101 : memref<1x640x128xf32, #tpu.memory_space<hbm>> -> memref<640x128xf32, #tpu.memory_space<hbm>>
      %dma_start3A_103 = arith.constant 0 : i32
      %dma_start3A_104 = tpu.memref_slice %arg9[%mul3A_97, %dma_start3A_103] : memref<10240x128xf32, #tpu.memory_space<vmem_shared>> -> memref<640x128xf32, #tpu.memory_space<vmem_shared>>
      tpu.enqueue_dma source(%dma_start3A_104 : memref<640x128xf32, #tpu.memory_space<vmem_shared>>) target(%dma_start3A_102 : memref<640x128xf32, #tpu.memory_space<hbm>>) target_semaphore(%run_scoped3A : memref<!tpu.dma_semaphore, #tpu.memory_space<semaphore_mem>>)
      %dma_wait3A_105 = arith.constant 0 : i32
      %dma_wait3A_106 = tpu.memref_slice %arg4[%arg0, %mul3A_99, %dma_wait3A_105] : memref<2x10240x128xf32, #tpu.memory_space<hbm>> -> memref<1x640x128xf32, #tpu.memory_space<hbm>>
      %dma_wait3A_107 = tpu.memref_squeeze %dma_wait3A_106 : memref<1x640x128xf32, #tpu.memory_space<hbm>> -> memref<640x128xf32, #tpu.memory_space<hbm>>
      %dma_wait3A_108 = arith.constant 0 : i32
      %dma_wait3A_109 = tpu.memref_slice %arg9[%mul3A_97, %dma_wait3A_108] : memref<10240x128xf32, #tpu.memory_space<vmem_shared>> -> memref<640x128xf32, #tpu.memory_space<vmem_shared>>
      tpu.wait_dma2 semaphore(%run_scoped3A : memref<!tpu.dma_semaphore, #tpu.memory_space<semaphore_mem>>) src(%dma_wait3A_109 : memref<640x128xf32, #tpu.memory_space<vmem_shared>>) dst(%dma_wait3A_107 : memref<640x128xf32, #tpu.memory_space<hbm>>)
      tpu.yield
    }) : () -> ()
    return
  }
}

module attributes {stable_mosaic.version = 14 : i64} {
  func.func @_pre_body(%arg0: i32, %arg1: memref<1000x128xf32, #tpu.memory_space<vmem>>, %arg2: memref<128x128xf32, #tpu.memory_space<vmem>>, %arg3: memref<1x128xf32, #tpu.memory_space<vmem>>, %arg4: memref<128x128xf32, #tpu.memory_space<vmem>>, %arg5: memref<1x128xf32, #tpu.memory_space<vmem>>, %arg6: memref<1000x128xf32, #tpu.memory_space<vmem>>, %arg7: memref<1000x128xf32, #tpu.memory_space<vmem>>) attributes {dimension_semantics = [#tpu.dimension_semantics<arbitrary>], iteration_bounds = array<i64: 10>, scalar_prefetch = 0 : i64, scratch_operands = 0 : i64, tpu.core_type = #tpu.core_type<tc>, window_params = [{transform_indices = @transform_0, window_bounds = array<i64: 1000, 128>}, {pipeline_mode = #tpu.pipeline_mode<synchronous>, transform_indices = @transform_1, window_bounds = array<i64: 128, 128>}, {pipeline_mode = #tpu.pipeline_mode<synchronous>, transform_indices = @transform_2, window_bounds = array<i64: 1, 128>}, {pipeline_mode = #tpu.pipeline_mode<synchronous>, transform_indices = @transform_3, window_bounds = array<i64: 128, 128>}, {pipeline_mode = #tpu.pipeline_mode<synchronous>, transform_indices = @transform_4, window_bounds = array<i64: 1, 128>}, {transform_indices = @transform_5, window_bounds = array<i64: 1000, 128>}, {transform_indices = @transform_6, window_bounds = array<i64: 1000, 128>}]} {
    %get3A = arith.constant 0 : index
    %get3A_0 = arith.constant 0 : index
    %get3A_1 = vector.load %arg1[%get3A, %get3A_0] : memref<1000x128xf32, #tpu.memory_space<vmem>>, vector<1000x128xf32>
    %get3A_2 = arith.constant 0 : index
    %get3A_3 = arith.constant 0 : index
    %get3A_4 = vector.load %arg2[%get3A_2, %get3A_3] : memref<128x128xf32, #tpu.memory_space<vmem>>, vector<128x128xf32>
    %dot_general3A = arith.constant dense<0.000000e+00> : vector<1000x128xf32>
    %dot_general3A_5 = tpu.matmul %get3A_1, %get3A_4, %dot_general3A {dimension_numbers = #tpu.dot_dimension_numbers<[1], [1], [0], [0], [0, 0, 1, 0], [], []>, transpose_lhs_hint = false} : vector<1000x128xf32>, vector<128x128xf32>, vector<1000x128xf32> -> vector<1000x128xf32>
    %get3A_6 = arith.constant 0 : index
    %get3A_7 = arith.constant 0 : index
    %get3A_8 = vector.load %arg3[%get3A_6, %get3A_7] : memref<1x128xf32, #tpu.memory_space<vmem>>, vector<1x128xf32>
    %add3A = vector.broadcast %get3A_8 : vector<1x128xf32> to vector<1000x128xf32>
    %add3A_9 = arith.addf %dot_general3A_5, %add3A : vector<1000x128xf32>
    %max3A = arith.constant 0.000000e+00 : f32
    %max3A_10 = vector.broadcast %max3A : f32 to vector<1000x128xf32>
    %max3A_11 = arith.maximumf %add3A_9, %max3A_10 : vector<1000x128xf32>
    %swap3A = arith.constant 0 : index
    %swap3A_12 = arith.constant 0 : index
    %swap3A_13 = vector.load %arg6[%swap3A, %swap3A_12] : memref<1000x128xf32, #tpu.memory_space<vmem>>, vector<1000x128xf32>
    tpu.vector_store %arg6[%swap3A, %swap3A_12], %max3A_11 {strides = array<i32>} : memref<1000x128xf32, #tpu.memory_space<vmem>>, vector<1000x128xf32>,
    %get3A_14 = arith.constant 0 : index
    %get3A_15 = arith.constant 0 : index
    %get3A_16 = vector.load %arg4[%get3A_14, %get3A_15] : memref<128x128xf32, #tpu.memory_space<vmem>>, vector<128x128xf32>
    %dot_general3A_17 = arith.constant dense<0.000000e+00> : vector<1000x128xf32>
    %dot_general3A_18 = tpu.matmul %max3A_11, %get3A_16, %dot_general3A_17 {dimension_numbers = #tpu.dot_dimension_numbers<[1], [1], [0], [0], [0, 0, 1, 0], [], []>, transpose_lhs_hint = false} : vector<1000x128xf32>, vector<128x128xf32>, vector<1000x128xf32> -> vector<1000x128xf32>
    %get3A_19 = arith.constant 0 : index
    %get3A_20 = arith.constant 0 : index
    %get3A_21 = vector.load %arg5[%get3A_19, %get3A_20] : memref<1x128xf32, #tpu.memory_space<vmem>>, vector<1x128xf32>
    %add3A_22 = vector.broadcast %get3A_21 : vector<1x128xf32> to vector<1000x128xf32>
    %add3A_23 = arith.addf %dot_general3A_18, %add3A_22 : vector<1000x128xf32>
    %swap3A_24 = arith.constant 0 : index
    %swap3A_25 = arith.constant 0 : index
    %swap3A_26 = vector.load %arg7[%swap3A_24, %swap3A_25] : memref<1000x128xf32, #tpu.memory_space<vmem>>, vector<1000x128xf32>
    tpu.vector_store %arg7[%swap3A_24, %swap3A_25], %add3A_23 {strides = array<i32>} : memref<1000x128xf32, #tpu.memory_space<vmem>>, vector<1000x128xf32>,
    return
  }
  func.func @transform_0(%arg0: i32) -> (i32, i32) {
    %c0_i32 = arith.constant 0 : i32
    %c0_i32_0 = arith.constant 0 : i32
    return %arg0, %c0_i32 : i32, i32
  }
  func.func @transform_1(%arg0: i32) -> (i32, i32) {
    %c0_i32 = arith.constant 0 : i32
    %c0_i32_0 = arith.constant 0 : i32
    %c0_i32_1 = arith.constant 0 : i32
    return %c0_i32, %c0_i32_0 : i32, i32
  }
  func.func @transform_2(%arg0: i32) -> (i32, i32) {
    %c0_i32 = arith.constant 0 : i32
    %c0_i32_0 = arith.constant 0 : i32
    %c0_i32_1 = arith.constant 0 : i32
    return %c0_i32, %c0_i32_0 : i32, i32
  }
  func.func @transform_3(%arg0: i32) -> (i32, i32) {
    %c0_i32 = arith.constant 0 : i32
    %c0_i32_0 = arith.constant 0 : i32
    %c0_i32_1 = arith.constant 0 : i32
    return %c0_i32, %c0_i32_0 : i32, i32
  }
  func.func @transform_4(%arg0: i32) -> (i32, i32) {
    %c0_i32 = arith.constant 0 : i32
    %c0_i32_0 = arith.constant 0 : i32
    %c0_i32_1 = arith.constant 0 : i32
    return %c0_i32, %c0_i32_0 : i32, i32
  }
  func.func @transform_5(%arg0: i32) -> (i32, i32) {
    %c0_i32 = arith.constant 0 : i32
    %c0_i32_0 = arith.constant 0 : i32
    return %arg0, %c0_i32 : i32, i32
  }
  func.func @transform_6(%arg0: i32) -> (i32, i32) {
    %c0_i32 = arith.constant 0 : i32
    %c0_i32_0 = arith.constant 0 : i32
    return %arg0, %c0_i32 : i32, i32
  }
}

module attributes {stable_mosaic.version = 14 : i64} {
  func.func @_step_body(%arg0: i32, %arg1: memref<2x1000x128xf32, #tpu.memory_space<vmem>>, %arg2: memref<1000x128xf32, #tpu.memory_space<vmem>>, %arg3: memref<1000x128xf32, #tpu.memory_space<vmem>>, %arg4: memref<384x128xf32, #tpu.memory_space<vmem>>, %arg5: memref<1x384xf32, #tpu.memory_space<vmem>>, %arg6: memref<384x128xf32, #tpu.memory_space<vmem>>, %arg7: memref<1x384xf32, #tpu.memory_space<vmem>>, %arg8: memref<128x128xf32, #tpu.memory_space<vmem>>, %arg9: memref<1x128xf32, #tpu.memory_space<vmem>>, %arg10: memref<1000x128xf32, #tpu.memory_space<vmem>>, %arg11: memref<1000x128xf32, #tpu.memory_space<vmem>>) attributes {dimension_semantics = [#tpu.dimension_semantics<arbitrary>], iteration_bounds = array<i64: 10>, scalar_prefetch = 0 : i64, scratch_operands = 0 : i64, tpu.core_type = #tpu.core_type<tc>, window_params = [{transform_indices = @transform_0, window_bounds = array<i64: 2, 1000, 128>}, {transform_indices = @transform_1, window_bounds = array<i64: 1000, 128>}, {transform_indices = @transform_2, window_bounds = array<i64: 1000, 128>}, {pipeline_mode = #tpu.pipeline_mode<synchronous>, transform_indices = @transform_3, window_bounds = array<i64: 384, 128>}, {pipeline_mode = #tpu.pipeline_mode<synchronous>, transform_indices = @transform_4, window_bounds = array<i64: 1, 384>}, {pipeline_mode = #tpu.pipeline_mode<synchronous>, transform_indices = @transform_5, window_bounds = array<i64: 384, 128>}, {pipeline_mode = #tpu.pipeline_mode<synchronous>, transform_indices = @transform_6, window_bounds = array<i64: 1, 384>}, {pipeline_mode = #tpu.pipeline_mode<synchronous>, transform_indices = @transform_7, window_bounds = array<i64: 128, 128>}, {pipeline_mode = #tpu.pipeline_mode<synchronous>, transform_indices = @transform_8, window_bounds = array<i64: 1, 128>}, {transform_indices = @transform_9, window_bounds = array<i64: 1000, 128>}, {transform_indices = @transform_10, window_bounds = array<i64: 1000, 128>}]} {
    %get3A = arith.constant 0 : index
    %get3A_0 = arith.constant 0 : index
    %get3A_1 = arith.constant 0 : index
    %get3A_2 = vector.load %arg1[%get3A, %get3A_0, %get3A_1] : memref<2x1000x128xf32, #tpu.memory_space<vmem>>, vector<2x1000x128xf32>
    %get3A_3 = arith.constant 0 : index
    %get3A_4 = arith.constant 0 : index
    %get3A_5 = vector.load %arg2[%get3A_3, %get3A_4] : memref<1000x128xf32, #tpu.memory_space<vmem>>, vector<1000x128xf32>
    %slice3A = vector.extract_strided_slice %get3A_2 {offsets = [0, 0, 0], sizes = [1, 1000, 128], strides = [1, 1, 1]} : vector<2x1000x128xf32> to vector<1x1000x128xf32>
    %squeeze3A = vector.shape_cast %slice3A : vector<1x1000x128xf32> to vector<1000x128xf32>
    %slice3A_6 = vector.extract_strided_slice %get3A_2 {offsets = [1, 0, 0], sizes = [1, 1000, 128], strides = [1, 1, 1]} : vector<2x1000x128xf32> to vector<1x1000x128xf32>
    %squeeze3A_7 = vector.shape_cast %slice3A_6 : vector<1x1000x128xf32> to vector<1000x128xf32>
    %add3A = arith.addf %squeeze3A, %squeeze3A_7 : vector<1000x128xf32>
    %get3A_8 = arith.constant 0 : index
    %get3A_9 = arith.constant 0 : index
    %get3A_10 = vector.load %arg3[%get3A_8, %get3A_9] : memref<1000x128xf32, #tpu.memory_space<vmem>>, vector<1000x128xf32>
    %add3A_11 = arith.addf %add3A, %get3A_10 : vector<1000x128xf32>
    %get3A_12 = arith.constant 0 : index
    %get3A_13 = arith.constant 0 : index
    %get3A_14 = vector.load %arg4[%get3A_12, %get3A_13] : memref<384x128xf32, #tpu.memory_space<vmem>>, vector<384x128xf32>
    %dot_general3A = arith.constant dense<0.000000e+00> : vector<1000x384xf32>
    %dot_general3A_15 = tpu.matmul %add3A_11, %get3A_14, %dot_general3A {dimension_numbers = #tpu.dot_dimension_numbers<[1], [1], [0], [0], [0, 0, 1, 0], [], []>, transpose_lhs_hint = false} : vector<1000x128xf32>, vector<384x128xf32>, vector<1000x384xf32> -> vector<1000x384xf32>
    %get3A_16 = arith.constant 0 : index
    %get3A_17 = arith.constant 0 : index
    %get3A_18 = vector.load %arg5[%get3A_16, %get3A_17] : memref<1x384xf32, #tpu.memory_space<vmem>>, vector<1x384xf32>
    %add3A_19 = vector.broadcast %get3A_18 : vector<1x384xf32> to vector<1000x384xf32>
    %add3A_20 = arith.addf %dot_general3A_15, %add3A_19 : vector<1000x384xf32>
    %get3A_21 = arith.constant 0 : index
    %get3A_22 = arith.constant 0 : index
    %get3A_23 = vector.load %arg6[%get3A_21, %get3A_22] : memref<384x128xf32, #tpu.memory_space<vmem>>, vector<384x128xf32>
    %dot_general3A_24 = arith.constant dense<0.000000e+00> : vector<1000x384xf32>
    %dot_general3A_25 = tpu.matmul %get3A_5, %get3A_23, %dot_general3A_24 {dimension_numbers = #tpu.dot_dimension_numbers<[1], [1], [0], [0], [0, 0, 1, 0], [], []>, transpose_lhs_hint = false} : vector<1000x128xf32>, vector<384x128xf32>, vector<1000x384xf32> -> vector<1000x384xf32>
    %get3A_26 = arith.constant 0 : index
    %get3A_27 = arith.constant 0 : index
    %get3A_28 = vector.load %arg7[%get3A_26, %get3A_27] : memref<1x384xf32, #tpu.memory_space<vmem>>, vector<1x384xf32>
    %add3A_29 = vector.broadcast %get3A_28 : vector<1x384xf32> to vector<1000x384xf32>
    %add3A_30 = arith.addf %dot_general3A_25, %add3A_29 : vector<1000x384xf32>
    %slice3A_31 = vector.extract_strided_slice %add3A_20 {offsets = [0, 0], sizes = [1000, 128], strides = [1, 1]} : vector<1000x384xf32> to vector<1000x128xf32>
    %slice3A_32 = vector.extract_strided_slice %add3A_30 {offsets = [0, 0], sizes = [1000, 128], strides = [1, 1]} : vector<1000x384xf32> to vector<1000x128xf32>
    %add3A_33 = arith.addf %slice3A_31, %slice3A_32 : vector<1000x128xf32>
    %logistic3A = arith.negf %add3A_33 : vector<1000x128xf32>
    %logistic3A_34 = math.exp %logistic3A : vector<1000x128xf32>
    %logistic3A_35 = arith.constant 1.000000e+00 : f32
    %logistic3A_36 = vector.broadcast %logistic3A_35 : f32 to vector<1000x128xf32>
    %logistic3A_37 = arith.addf %logistic3A_36, %logistic3A_34 : vector<1000x128xf32>
    %logistic3A_38 = arith.divf %logistic3A_36, %logistic3A_37 : vector<1000x128xf32>
    %slice3A_39 = vector.extract_strided_slice %add3A_20 {offsets = [0, 128], sizes = [1000, 128], strides = [1, 1]} : vector<1000x384xf32> to vector<1000x128xf32>
    %slice3A_40 = vector.extract_strided_slice %add3A_30 {offsets = [0, 128], sizes = [1000, 128], strides = [1, 1]} : vector<1000x384xf32> to vector<1000x128xf32>
    %add3A_41 = arith.addf %slice3A_39, %slice3A_40 : vector<1000x128xf32>
    %logistic3A_42 = arith.negf %add3A_41 : vector<1000x128xf32>
    %logistic3A_43 = math.exp %logistic3A_42 : vector<1000x128xf32>
    %logistic3A_44 = arith.constant 1.000000e+00 : f32
    %logistic3A_45 = vector.broadcast %logistic3A_44 : f32 to vector<1000x128xf32>
    %logistic3A_46 = arith.addf %logistic3A_45, %logistic3A_43 : vector<1000x128xf32>
    %logistic3A_47 = arith.divf %logistic3A_45, %logistic3A_46 : vector<1000x128xf32>
    %slice3A_48 = vector.extract_strided_slice %add3A_20 {offsets = [0, 256], sizes = [1000, 128], strides = [1, 1]} : vector<1000x384xf32> to vector<1000x128xf32>
    %slice3A_49 = vector.extract_strided_slice %add3A_30 {offsets = [0, 256], sizes = [1000, 128], strides = [1, 1]} : vector<1000x384xf32> to vector<1000x128xf32>
    %mul3A = arith.mulf %logistic3A_38, %slice3A_49 : vector<1000x128xf32>
    %add3A_50 = arith.addf %slice3A_48, %mul3A : vector<1000x128xf32>
    %tanh3A = math.tanh %add3A_50 : vector<1000x128xf32>
    %sub3A = arith.constant 1.000000e+00 : f32
    %sub3A_51 = vector.broadcast %sub3A : f32 to vector<1000x128xf32>
    %sub3A_52 = arith.subf %sub3A_51, %logistic3A_47 : vector<1000x128xf32>
    %mul3A_53 = arith.mulf %sub3A_52, %tanh3A : vector<1000x128xf32>
    %mul3A_54 = arith.mulf %logistic3A_47, %get3A_5 : vector<1000x128xf32>
    %add3A_55 = arith.addf %mul3A_53, %mul3A_54 : vector<1000x128xf32>
    %swap3A = arith.constant 0 : index
    %swap3A_56 = arith.constant 0 : index
    %swap3A_57 = vector.load %arg10[%swap3A, %swap3A_56] : memref<1000x128xf32, #tpu.memory_space<vmem>>, vector<1000x128xf32>
    tpu.vector_store %arg10[%swap3A, %swap3A_56], %add3A_55 {strides = array<i32>} : memref<1000x128xf32, #tpu.memory_space<vmem>>, vector<1000x128xf32>,
    %get3A_58 = arith.constant 0 : index
    %get3A_59 = arith.constant 0 : index
    %get3A_60 = vector.load %arg8[%get3A_58, %get3A_59] : memref<128x128xf32, #tpu.memory_space<vmem>>, vector<128x128xf32>
    %dot_general3A_61 = arith.constant dense<0.000000e+00> : vector<1000x128xf32>
    %dot_general3A_62 = tpu.matmul %add3A_55, %get3A_60, %dot_general3A_61 {dimension_numbers = #tpu.dot_dimension_numbers<[1], [1], [0], [0], [0, 0, 1, 0], [], []>, transpose_lhs_hint = false} : vector<1000x128xf32>, vector<128x128xf32>, vector<1000x128xf32> -> vector<1000x128xf32>
    %get3A_63 = arith.constant 0 : index
    %get3A_64 = arith.constant 0 : index
    %get3A_65 = vector.load %arg9[%get3A_63, %get3A_64] : memref<1x128xf32, #tpu.memory_space<vmem>>, vector<1x128xf32>
    %add3A_66 = vector.broadcast %get3A_65 : vector<1x128xf32> to vector<1000x128xf32>
    %add3A_67 = arith.addf %dot_general3A_62, %add3A_66 : vector<1000x128xf32>
    %swap3A_68 = arith.constant 0 : index
    %swap3A_69 = arith.constant 0 : index
    %swap3A_70 = vector.load %arg11[%swap3A_68, %swap3A_69] : memref<1000x128xf32, #tpu.memory_space<vmem>>, vector<1000x128xf32>
    tpu.vector_store %arg11[%swap3A_68, %swap3A_69], %add3A_67 {strides = array<i32>} : memref<1000x128xf32, #tpu.memory_space<vmem>>, vector<1000x128xf32>,
    return
  }
  func.func @transform_0(%arg0: i32) -> (i32, i32, i32) {
    %c0_i32 = arith.constant 0 : i32
    %c0_i32_0 = arith.constant 0 : i32
    %c0_i32_1 = arith.constant 0 : i32
    return %c0_i32, %arg0, %c0_i32_0 : i32, i32, i32
  }
  func.func @transform_1(%arg0: i32) -> (i32, i32) {
    %c0_i32 = arith.constant 0 : i32
    %c0_i32_0 = arith.constant 0 : i32
    return %arg0, %c0_i32 : i32, i32
  }
  func.func @transform_2(%arg0: i32) -> (i32, i32) {
    %c0_i32 = arith.constant 0 : i32
    %c0_i32_0 = arith.constant 0 : i32
    return %arg0, %c0_i32 : i32, i32
  }
  func.func @transform_3(%arg0: i32) -> (i32, i32) {
    %c0_i32 = arith.constant 0 : i32
    %c0_i32_0 = arith.constant 0 : i32
    %c0_i32_1 = arith.constant 0 : i32
    return %c0_i32, %c0_i32_0 : i32, i32
  }
  func.func @transform_4(%arg0: i32) -> (i32, i32) {
    %c0_i32 = arith.constant 0 : i32
    %c0_i32_0 = arith.constant 0 : i32
    %c0_i32_1 = arith.constant 0 : i32
    return %c0_i32, %c0_i32_0 : i32, i32
  }
  func.func @transform_5(%arg0: i32) -> (i32, i32) {
    %c0_i32 = arith.constant 0 : i32
    %c0_i32_0 = arith.constant 0 : i32
    %c0_i32_1 = arith.constant 0 : i32
    return %c0_i32, %c0_i32_0 : i32, i32
  }
  func.func @transform_6(%arg0: i32) -> (i32, i32) {
    %c0_i32 = arith.constant 0 : i32
    %c0_i32_0 = arith.constant 0 : i32
    %c0_i32_1 = arith.constant 0 : i32
    return %c0_i32, %c0_i32_0 : i32, i32
  }
  func.func @transform_7(%arg0: i32) -> (i32, i32) {
    %c0_i32 = arith.constant 0 : i32
    %c0_i32_0 = arith.constant 0 : i32
    %c0_i32_1 = arith.constant 0 : i32
    return %c0_i32, %c0_i32_0 : i32, i32
  }
  func.func @transform_8(%arg0: i32) -> (i32, i32) {
    %c0_i32 = arith.constant 0 : i32
    %c0_i32_0 = arith.constant 0 : i32
    %c0_i32_1 = arith.constant 0 : i32
    return %c0_i32, %c0_i32_0 : i32, i32
  }
  func.func @transform_9(%arg0: i32) -> (i32, i32) {
    %c0_i32 = arith.constant 0 : i32
    %c0_i32_0 = arith.constant 0 : i32
    return %arg0, %c0_i32 : i32, i32
  }
  func.func @transform_10(%arg0: i32) -> (i32, i32) {
    %c0_i32 = arith.constant 0 : i32
    %c0_i32_0 = arith.constant 0 : i32
    return %arg0, %c0_i32 : i32, i32
  }
}

module attributes {stable_mosaic.version = 14 : i64} {
  func.func @_step_body(%arg0: i32, %arg1: memref<2x1000x128xf32, #tpu.memory_space<vmem>>, %arg2: memref<1000x128xf32, #tpu.memory_space<vmem>>, %arg3: memref<1000x128xf32, #tpu.memory_space<vmem>>, %arg4: memref<384x128xf32, #tpu.memory_space<vmem>>, %arg5: memref<1x384xf32, #tpu.memory_space<vmem>>, %arg6: memref<384x128xf32, #tpu.memory_space<vmem>>, %arg7: memref<1x384xf32, #tpu.memory_space<vmem>>, %arg8: memref<128x128xf32, #tpu.memory_space<vmem>>, %arg9: memref<1x128xf32, #tpu.memory_space<vmem>>, %arg10: memref<1000x128xf32, #tpu.memory_space<vmem>>, %arg11: memref<1000x128xf32, #tpu.memory_space<vmem>>) attributes {dimension_semantics = [#tpu.dimension_semantics<arbitrary>], iteration_bounds = array<i64: 10>, scalar_prefetch = 0 : i64, scratch_operands = 0 : i64, tpu.core_type = #tpu.core_type<tc>, window_params = [{transform_indices = @transform_0, window_bounds = array<i64: 2, 1000, 128>}, {transform_indices = @transform_1, window_bounds = array<i64: 1000, 128>}, {transform_indices = @transform_2, window_bounds = array<i64: 1000, 128>}, {pipeline_mode = #tpu.pipeline_mode<synchronous>, transform_indices = @transform_3, window_bounds = array<i64: 384, 128>}, {pipeline_mode = #tpu.pipeline_mode<synchronous>, transform_indices = @transform_4, window_bounds = array<i64: 1, 384>}, {pipeline_mode = #tpu.pipeline_mode<synchronous>, transform_indices = @transform_5, window_bounds = array<i64: 384, 128>}, {pipeline_mode = #tpu.pipeline_mode<synchronous>, transform_indices = @transform_6, window_bounds = array<i64: 1, 384>}, {pipeline_mode = #tpu.pipeline_mode<synchronous>, transform_indices = @transform_7, window_bounds = array<i64: 128, 128>}, {pipeline_mode = #tpu.pipeline_mode<synchronous>, transform_indices = @transform_8, window_bounds = array<i64: 1, 128>}, {transform_indices = @transform_9, window_bounds = array<i64: 1000, 128>}, {transform_indices = @transform_10, window_bounds = array<i64: 1000, 128>}]} {
    %get3A = arith.constant 0 : index
    %get3A_0 = arith.constant 0 : index
    %get3A_1 = arith.constant 0 : index
    %get3A_2 = vector.load %arg1[%get3A, %get3A_0, %get3A_1] : memref<2x1000x128xf32, #tpu.memory_space<vmem>>, vector<2x1000x128xf32>
    %get3A_3 = arith.constant 0 : index
    %get3A_4 = arith.constant 0 : index
    %get3A_5 = vector.load %arg2[%get3A_3, %get3A_4] : memref<1000x128xf32, #tpu.memory_space<vmem>>, vector<1000x128xf32>
    %slice3A = vector.extract_strided_slice %get3A_2 {offsets = [0, 0, 0], sizes = [1, 1000, 128], strides = [1, 1, 1]} : vector<2x1000x128xf32> to vector<1x1000x128xf32>
    %squeeze3A = vector.shape_cast %slice3A : vector<1x1000x128xf32> to vector<1000x128xf32>
    %slice3A_6 = vector.extract_strided_slice %get3A_2 {offsets = [1, 0, 0], sizes = [1, 1000, 128], strides = [1, 1, 1]} : vector<2x1000x128xf32> to vector<1x1000x128xf32>
    %squeeze3A_7 = vector.shape_cast %slice3A_6 : vector<1x1000x128xf32> to vector<1000x128xf32>
    %add3A = arith.addf %squeeze3A, %squeeze3A_7 : vector<1000x128xf32>
    %get3A_8 = arith.constant 0 : index
    %get3A_9 = arith.constant 0 : index
    %get3A_10 = vector.load %arg3[%get3A_8, %get3A_9] : memref<1000x128xf32, #tpu.memory_space<vmem>>, vector<1000x128xf32>
    %add3A_11 = arith.addf %add3A, %get3A_10 : vector<1000x128xf32>
    %get3A_12 = arith.constant 0 : index
    %get3A_13 = arith.constant 0 : index
    %get3A_14 = vector.load %arg4[%get3A_12, %get3A_13] : memref<384x128xf32, #tpu.memory_space<vmem>>, vector<384x128xf32>
    %dot_general3A = arith.constant dense<0.000000e+00> : vector<1000x384xf32>
    %dot_general3A_15 = tpu.matmul %add3A_11, %get3A_14, %dot_general3A {dimension_numbers = #tpu.dot_dimension_numbers<[1], [1], [0], [0], [0, 0, 1, 0], [], []>, transpose_lhs_hint = false} : vector<1000x128xf32>, vector<384x128xf32>, vector<1000x384xf32> -> vector<1000x384xf32>
    %get3A_16 = arith.constant 0 : index
    %get3A_17 = arith.constant 0 : index
    %get3A_18 = vector.load %arg5[%get3A_16, %get3A_17] : memref<1x384xf32, #tpu.memory_space<vmem>>, vector<1x384xf32>
    %add3A_19 = vector.broadcast %get3A_18 : vector<1x384xf32> to vector<1000x384xf32>
    %add3A_20 = arith.addf %dot_general3A_15, %add3A_19 : vector<1000x384xf32>
    %get3A_21 = arith.constant 0 : index
    %get3A_22 = arith.constant 0 : index
    %get3A_23 = vector.load %arg6[%get3A_21, %get3A_22] : memref<384x128xf32, #tpu.memory_space<vmem>>, vector<384x128xf32>
    %dot_general3A_24 = arith.constant dense<0.000000e+00> : vector<1000x384xf32>
    %dot_general3A_25 = tpu.matmul %get3A_5, %get3A_23, %dot_general3A_24 {dimension_numbers = #tpu.dot_dimension_numbers<[1], [1], [0], [0], [0, 0, 1, 0], [], []>, transpose_lhs_hint = false} : vector<1000x128xf32>, vector<384x128xf32>, vector<1000x384xf32> -> vector<1000x384xf32>
    %get3A_26 = arith.constant 0 : index
    %get3A_27 = arith.constant 0 : index
    %get3A_28 = vector.load %arg7[%get3A_26, %get3A_27] : memref<1x384xf32, #tpu.memory_space<vmem>>, vector<1x384xf32>
    %add3A_29 = vector.broadcast %get3A_28 : vector<1x384xf32> to vector<1000x384xf32>
    %add3A_30 = arith.addf %dot_general3A_25, %add3A_29 : vector<1000x384xf32>
    %slice3A_31 = vector.extract_strided_slice %add3A_20 {offsets = [0, 0], sizes = [1000, 128], strides = [1, 1]} : vector<1000x384xf32> to vector<1000x128xf32>
    %slice3A_32 = vector.extract_strided_slice %add3A_30 {offsets = [0, 0], sizes = [1000, 128], strides = [1, 1]} : vector<1000x384xf32> to vector<1000x128xf32>
    %add3A_33 = arith.addf %slice3A_31, %slice3A_32 : vector<1000x128xf32>
    %logistic3A = arith.negf %add3A_33 : vector<1000x128xf32>
    %logistic3A_34 = math.exp %logistic3A : vector<1000x128xf32>
    %logistic3A_35 = arith.constant 1.000000e+00 : f32
    %logistic3A_36 = vector.broadcast %logistic3A_35 : f32 to vector<1000x128xf32>
    %logistic3A_37 = arith.addf %logistic3A_36, %logistic3A_34 : vector<1000x128xf32>
    %logistic3A_38 = arith.divf %logistic3A_36, %logistic3A_37 : vector<1000x128xf32>
    %slice3A_39 = vector.extract_strided_slice %add3A_20 {offsets = [0, 128], sizes = [1000, 128], strides = [1, 1]} : vector<1000x384xf32> to vector<1000x128xf32>
    %slice3A_40 = vector.extract_strided_slice %add3A_30 {offsets = [0, 128], sizes = [1000, 128], strides = [1, 1]} : vector<1000x384xf32> to vector<1000x128xf32>
    %add3A_41 = arith.addf %slice3A_39, %slice3A_40 : vector<1000x128xf32>
    %logistic3A_42 = arith.negf %add3A_41 : vector<1000x128xf32>
    %logistic3A_43 = math.exp %logistic3A_42 : vector<1000x128xf32>
    %logistic3A_44 = arith.constant 1.000000e+00 : f32
    %logistic3A_45 = vector.broadcast %logistic3A_44 : f32 to vector<1000x128xf32>
    %logistic3A_46 = arith.addf %logistic3A_45, %logistic3A_43 : vector<1000x128xf32>
    %logistic3A_47 = arith.divf %logistic3A_45, %logistic3A_46 : vector<1000x128xf32>
    %slice3A_48 = vector.extract_strided_slice %add3A_20 {offsets = [0, 256], sizes = [1000, 128], strides = [1, 1]} : vector<1000x384xf32> to vector<1000x128xf32>
    %slice3A_49 = vector.extract_strided_slice %add3A_30 {offsets = [0, 256], sizes = [1000, 128], strides = [1, 1]} : vector<1000x384xf32> to vector<1000x128xf32>
    %mul3A = arith.mulf %logistic3A_38, %slice3A_49 : vector<1000x128xf32>
    %add3A_50 = arith.addf %slice3A_48, %mul3A : vector<1000x128xf32>
    %tanh3A = math.tanh %add3A_50 : vector<1000x128xf32>
    %sub3A = arith.constant 1.000000e+00 : f32
    %sub3A_51 = vector.broadcast %sub3A : f32 to vector<1000x128xf32>
    %sub3A_52 = arith.subf %sub3A_51, %logistic3A_47 : vector<1000x128xf32>
    %mul3A_53 = arith.mulf %sub3A_52, %tanh3A : vector<1000x128xf32>
    %mul3A_54 = arith.mulf %logistic3A_47, %get3A_5 : vector<1000x128xf32>
    %add3A_55 = arith.addf %mul3A_53, %mul3A_54 : vector<1000x128xf32>
    %swap3A = arith.constant 0 : index
    %swap3A_56 = arith.constant 0 : index
    %swap3A_57 = vector.load %arg10[%swap3A, %swap3A_56] : memref<1000x128xf32, #tpu.memory_space<vmem>>, vector<1000x128xf32>
    tpu.vector_store %arg10[%swap3A, %swap3A_56], %add3A_55 {strides = array<i32>} : memref<1000x128xf32, #tpu.memory_space<vmem>>, vector<1000x128xf32>,
    %get3A_58 = arith.constant 0 : index
    %get3A_59 = arith.constant 0 : index
    %get3A_60 = vector.load %arg8[%get3A_58, %get3A_59] : memref<128x128xf32, #tpu.memory_space<vmem>>, vector<128x128xf32>
    %dot_general3A_61 = arith.constant dense<0.000000e+00> : vector<1000x128xf32>
    %dot_general3A_62 = tpu.matmul %add3A_55, %get3A_60, %dot_general3A_61 {dimension_numbers = #tpu.dot_dimension_numbers<[1], [1], [0], [0], [0, 0, 1, 0], [], []>, transpose_lhs_hint = false} : vector<1000x128xf32>, vector<128x128xf32>, vector<1000x128xf32> -> vector<1000x128xf32>
    %get3A_63 = arith.constant 0 : index
    %get3A_64 = arith.constant 0 : index
    %get3A_65 = vector.load %arg9[%get3A_63, %get3A_64] : memref<1x128xf32, #tpu.memory_space<vmem>>, vector<1x128xf32>
    %add3A_66 = vector.broadcast %get3A_65 : vector<1x128xf32> to vector<1000x128xf32>
    %add3A_67 = arith.addf %dot_general3A_62, %add3A_66 : vector<1000x128xf32>
    %swap3A_68 = arith.constant 0 : index
    %swap3A_69 = arith.constant 0 : index
    %swap3A_70 = vector.load %arg11[%swap3A_68, %swap3A_69] : memref<1000x128xf32, #tpu.memory_space<vmem>>, vector<1000x128xf32>
    tpu.vector_store %arg11[%swap3A_68, %swap3A_69], %add3A_67 {strides = array<i32>} : memref<1000x128xf32, #tpu.memory_space<vmem>>, vector<1000x128xf32>,
    return
  }
  func.func @transform_0(%arg0: i32) -> (i32, i32, i32) {
    %c0_i32 = arith.constant 0 : i32
    %c0_i32_0 = arith.constant 0 : i32
    %c0_i32_1 = arith.constant 0 : i32
    return %c0_i32, %arg0, %c0_i32_0 : i32, i32, i32
  }
  func.func @transform_1(%arg0: i32) -> (i32, i32) {
    %c0_i32 = arith.constant 0 : i32
    %c0_i32_0 = arith.constant 0 : i32
    return %arg0, %c0_i32 : i32, i32
  }
  func.func @transform_2(%arg0: i32) -> (i32, i32) {
    %c0_i32 = arith.constant 0 : i32
    %c0_i32_0 = arith.constant 0 : i32
    return %arg0, %c0_i32 : i32, i32
  }
  func.func @transform_3(%arg0: i32) -> (i32, i32) {
    %c0_i32 = arith.constant 0 : i32
    %c0_i32_0 = arith.constant 0 : i32
    %c0_i32_1 = arith.constant 0 : i32
    return %c0_i32, %c0_i32_0 : i32, i32
  }
  func.func @transform_4(%arg0: i32) -> (i32, i32) {
    %c0_i32 = arith.constant 0 : i32
    %c0_i32_0 = arith.constant 0 : i32
    %c0_i32_1 = arith.constant 0 : i32
    return %c0_i32, %c0_i32_0 : i32, i32
  }
  func.func @transform_5(%arg0: i32) -> (i32, i32) {
    %c0_i32 = arith.constant 0 : i32
    %c0_i32_0 = arith.constant 0 : i32
    %c0_i32_1 = arith.constant 0 : i32
    return %c0_i32, %c0_i32_0 : i32, i32
  }
  func.func @transform_6(%arg0: i32) -> (i32, i32) {
    %c0_i32 = arith.constant 0 : i32
    %c0_i32_0 = arith.constant 0 : i32
    %c0_i32_1 = arith.constant 0 : i32
    return %c0_i32, %c0_i32_0 : i32, i32
  }
  func.func @transform_7(%arg0: i32) -> (i32, i32) {
    %c0_i32 = arith.constant 0 : i32
    %c0_i32_0 = arith.constant 0 : i32
    %c0_i32_1 = arith.constant 0 : i32
    return %c0_i32, %c0_i32_0 : i32, i32
  }
  func.func @transform_8(%arg0: i32) -> (i32, i32) {
    %c0_i32 = arith.constant 0 : i32
    %c0_i32_0 = arith.constant 0 : i32
    %c0_i32_1 = arith.constant 0 : i32
    return %c0_i32, %c0_i32_0 : i32, i32
  }
  func.func @transform_9(%arg0: i32) -> (i32, i32) {
    %c0_i32 = arith.constant 0 : i32
    %c0_i32_0 = arith.constant 0 : i32
    return %arg0, %c0_i32 : i32, i32
  }
  func.func @transform_10(%arg0: i32) -> (i32, i32) {
    %c0_i32 = arith.constant 0 : i32
    %c0_i32_0 = arith.constant 0 : i32
    return %arg0, %c0_i32 : i32, i32
  }
}

module attributes {stable_mosaic.version = 14 : i64} {
  func.func @_post_body(%arg0: i32, %arg1: memref<1000x128xf32, #tpu.memory_space<vmem>>, %arg2: memref<1000x128xf32, #tpu.memory_space<vmem>>, %arg3: memref<1000x128xf32, #tpu.memory_space<vmem>>, %arg4: memref<128x128xf32, #tpu.memory_space<vmem>>, %arg5: memref<128x128xf32, #tpu.memory_space<vmem>>, %arg6: memref<1x128xf32, #tpu.memory_space<vmem>>, %arg7: memref<1000x128xf32, #tpu.memory_space<vmem>>) attributes {dimension_semantics = [#tpu.dimension_semantics<arbitrary>], iteration_bounds = array<i64: 10>, scalar_prefetch = 0 : i64, scratch_operands = 0 : i64, tpu.core_type = #tpu.core_type<tc>, window_params = [{transform_indices = @transform_0, window_bounds = array<i64: 1000, 128>}, {transform_indices = @transform_1, window_bounds = array<i64: 1000, 128>}, {transform_indices = @transform_2, window_bounds = array<i64: 1000, 128>}, {pipeline_mode = #tpu.pipeline_mode<synchronous>, transform_indices = @transform_3, window_bounds = array<i64: 128, 128>}, {pipeline_mode = #tpu.pipeline_mode<synchronous>, transform_indices = @transform_4, window_bounds = array<i64: 128, 128>}, {pipeline_mode = #tpu.pipeline_mode<synchronous>, transform_indices = @transform_5, window_bounds = array<i64: 1, 128>}, {transform_indices = @transform_6, window_bounds = array<i64: 1000, 128>}]} {
    %get3A = arith.constant 0 : index
    %get3A_0 = arith.constant 0 : index
    %get3A_1 = vector.load %arg1[%get3A, %get3A_0] : memref<1000x128xf32, #tpu.memory_space<vmem>>, vector<1000x128xf32>
    %get3A_2 = arith.constant 0 : index
    %get3A_3 = arith.constant 0 : index
    %get3A_4 = vector.load %arg4[%get3A_2, %get3A_3] : memref<128x128xf32, #tpu.memory_space<vmem>>, vector<128x128xf32>
    %dot_general3A = arith.constant dense<0.000000e+00> : vector<1000x128xf32>
    %dot_general3A_5 = tpu.matmul %get3A_1, %get3A_4, %dot_general3A {dimension_numbers = #tpu.dot_dimension_numbers<[1], [1], [0], [0], [0, 0, 1, 0], [], []>, transpose_lhs_hint = false} : vector<1000x128xf32>, vector<128x128xf32>, vector<1000x128xf32> -> vector<1000x128xf32>
    %get3A_6 = arith.constant 0 : index
    %get3A_7 = arith.constant 0 : index
    %get3A_8 = vector.load %arg2[%get3A_6, %get3A_7] : memref<1000x128xf32, #tpu.memory_space<vmem>>, vector<1000x128xf32>
    %get3A_9 = arith.constant 0 : index
    %get3A_10 = arith.constant 0 : index
    %get3A_11 = vector.load %arg5[%get3A_9, %get3A_10] : memref<128x128xf32, #tpu.memory_space<vmem>>, vector<128x128xf32>
    %dot_general3A_12 = arith.constant dense<0.000000e+00> : vector<1000x128xf32>
    %dot_general3A_13 = tpu.matmul %get3A_8, %get3A_11, %dot_general3A_12 {dimension_numbers = #tpu.dot_dimension_numbers<[1], [1], [0], [0], [0, 0, 1, 0], [], []>, transpose_lhs_hint = false} : vector<1000x128xf32>, vector<128x128xf32>, vector<1000x128xf32> -> vector<1000x128xf32>
    %add3A = arith.addf %dot_general3A_5, %dot_general3A_13 : vector<1000x128xf32>
    %get3A_14 = arith.constant 0 : index
    %get3A_15 = arith.constant 0 : index
    %get3A_16 = vector.load %arg6[%get3A_14, %get3A_15] : memref<1x128xf32, #tpu.memory_space<vmem>>, vector<1x128xf32>
    %add3A_17 = vector.broadcast %get3A_16 : vector<1x128xf32> to vector<1000x128xf32>
    %add3A_18 = arith.addf %add3A, %add3A_17 : vector<1000x128xf32>
    %get3A_19 = arith.constant 0 : index
    %get3A_20 = arith.constant 0 : index
    %get3A_21 = vector.load %arg3[%get3A_19, %get3A_20] : memref<1000x128xf32, #tpu.memory_space<vmem>>, vector<1000x128xf32>
    %add3A_22 = arith.addf %add3A_18, %get3A_21 : vector<1000x128xf32>
    %swap3A = arith.constant 0 : index
    %swap3A_23 = arith.constant 0 : index
    %swap3A_24 = vector.load %arg7[%swap3A, %swap3A_23] : memref<1000x128xf32, #tpu.memory_space<vmem>>, vector<1000x128xf32>
    tpu.vector_store %arg7[%swap3A, %swap3A_23], %add3A_22 {strides = array<i32>} : memref<1000x128xf32, #tpu.memory_space<vmem>>, vector<1000x128xf32>,
    return
  }
  func.func @transform_0(%arg0: i32) -> (i32, i32) {
    %c0_i32 = arith.constant 0 : i32
    %c0_i32_0 = arith.constant 0 : i32
    return %arg0, %c0_i32 : i32, i32
  }
  func.func @transform_1(%arg0: i32) -> (i32, i32) {
    %c0_i32 = arith.constant 0 : i32
    %c0_i32_0 = arith.constant 0 : i32
    return %arg0, %c0_i32 : i32, i32
  }
  func.func @transform_2(%arg0: i32) -> (i32, i32) {
    %c0_i32 = arith.constant 0 : i32
    %c0_i32_0 = arith.constant 0 : i32
    return %arg0, %c0_i32 : i32, i32
  }
  func.func @transform_3(%arg0: i32) -> (i32, i32) {
    %c0_i32 = arith.constant 0 : i32
    %c0_i32_0 = arith.constant 0 : i32
    %c0_i32_1 = arith.constant 0 : i32
    return %c0_i32, %c0_i32_0 : i32, i32
  }
  func.func @transform_4(%arg0: i32) -> (i32, i32) {
    %c0_i32 = arith.constant 0 : i32
    %c0_i32_0 = arith.constant 0 : i32
    %c0_i32_1 = arith.constant 0 : i32
    return %c0_i32, %c0_i32_0 : i32, i32
  }
  func.func @transform_5(%arg0: i32) -> (i32, i32) {
    %c0_i32 = arith.constant 0 : i32
    %c0_i32_0 = arith.constant 0 : i32
    %c0_i32_1 = arith.constant 0 : i32
    return %c0_i32, %c0_i32_0 : i32, i32
  }
  func.func @transform_6(%arg0: i32) -> (i32, i32) {
    %c0_i32 = arith.constant 0 : i32
    %c0_i32_0 = arith.constant 0 : i32
    return %arg0, %c0_i32 : i32, i32
  }
}

</mosaic_0001>

<sc_bundles>
// kernel: kernel.16.cloned.1.call-start
scs
__scs_entry_jumppad:
0x0: {  	(pc) =	sbr.rel $0x88, $3  }
0x1: {  	(tag) =	ssettag $0x0;
	lr =	simm.s32 $0x1  }
0x2: {  	[smem:$0x3F95] =	sst lr;
	_ =	strace $0xD0000000  }
0x3: {  	_ = 	snop  }
0x4: {  	_ = 	snop  }
0x5: {  	_ = 	snop  }
0x6: {  	_ = 	snop  }
0x7: {  	_ = 	snop  }
__scs_overlays_trampoline_lowered:
0x8: {  	[smem:$0x3FA4] =	sst s0  }
0x9: {  	[smem:$0x3FA5] =	sst s1  }
0xa: {  	[smem:$0x3FA6] =	sst s2  }
0xb: {  	[smem:$0x3FA7] =	sst s3  }
0xc: {  	[smem:$0x3FA8] =	sst s4  }
0xd: {  	[smem:$0x3FA9] =	sst s5  }
0xe: {  	[smem:$0x3FAA] =	sst s6  }
0xf: {  	[smem:$0x3FAB] =	sst s7  }
0x10: {  	[smem:$0x3FAC] =	sst s8  }
0x11: {  	[smem:$0x3FAD] =	sst s9;
	s0 =	simm.s32 @!p0 $0x0  }
0x12: {  	s1 =	sld [smem:$0x3F93];
	s0 =	simm.s32 @p0 $0x1  }
0x13: {  	[smem:$0x3FAE] =	sst s0;
	s0 =	simm.s32 @!p1 $0x0  }
0x14: {  	s2 =	sld [smem:$0x3F92];
	s0 =	simm.s32 @p1 $0x1  }
0x15: {  	[smem:$0x3FAF] =	sst s0;
	s0 =	simm.s32 @!p2 $0x0  }
0x16: {  	s3 =	sld [smem:$0x3FDB];
	s0 =	simm.s32 @p2 $0x1  }
0x17: {  	s4 =	simm.s32 $0x1BF5;
	[smem:$0x3FB1] =	sst s0  }
0x18: {  	s0 =	sld [smem:$0x3F94];
	_ =	swait.ge [sflag:s4], $0x0  }
0x19: {  	s7 =	sld [smem:$0x3F95]  }
0x1a: {  	s8 =	sadd.s32 $0xFFFFE003, lr  }
0x1b: {  	s9 =	sadd.s32 $0xFFFFFEF7, lr;
	s5 =	simm.s32 $0xFFFFFFFF;
	p2 =	slt.u32 s8, $0xFFFFF086  }
0x1c: {  	p1 =	slt.u32 s9, $0xF7A;
	s5 =	simm.s32 @!p2 $0x0  }
0x1d: {  	s5 =	simm.s32 @p1 $0x1;
	p0 =	seq.s32 s7, s2  }
0x1e: {  	s7 =	smul.u32 @!p0 $0xF7A, s2;
	p2 =	seq.s32 @!p0 s5, $0x0  }
0x1f: {  	s9 =	smul.u32 $0xF7A, s1;
	s8 =	simm.s32 @!p0 $0x1BF5;
	p2 =	por !p2, p0  }
0x20: {  	[sflag:s8] =	ssyncset.s32 @!p0 $0xFFFFF086;
	s6 =	sadd.s32 @!p0 s3, s7;
	s7 =	simm.s32 @!p0 $0x108  }
0x21: {  	s3 =	sadd.s32 s3, s9;
	s6 =	sadd.s32 @!p0 $0x88, s6;
	s7 =	simm.s32 @p2 $0x1082  }
0x22: {  	[simem:s7], [sflag:s8] =	dma.local @!p0 [hbm:s6], $0xF7A  }
0x23: {  	s9 =	sor.u32 $0xD0000000, s2;
	s6 =	simm.s32 $0x108;
	_ =	swait.ge @!p0 [sflag:s8], $0x0  }
0x24: {  	s3 =	sadd.s32 $0x88, s3;
	s6 =	simm.s32 @!p1 $0x1082;
	[sflag:s4] =	ssyncset.s32 $0xFFFFF086  }
0x25: {  	[simem:s6], [sflag:s4] =	dma.local [hbm:s3], $0xF7A  }
0x26: {  	[smem:$0x3F95] =	sst s1;
	(tag) =	ssettag s2;
	_ =	strace s9  }
0x27: {  	s1 =	sld [smem:$0x3FA5]  }
0x28: {  	s2 =	sld [smem:$0x3FA6]  }
0x29: {  	s4 =	sld [smem:$0x3FA8]  }
0x2a: {  	p0 =	seq.s32 s5, $0x0;
	s5 =	sld [smem:$0x3FA9]  }
0x2b: {  	s6 =	sld [smem:$0x3FAA]  }
0x2c: {  	s7 =	sld [smem:$0x3FAB]  }
0x2d: {  	s3 =	simm.s32 $0x108;
	s8 =	sld [smem:$0x3FAC]  }
0x2e: {  	s3 =	simm.s32 @!p0 $0x1082;
	s9 =	sld [smem:$0x3FAD]  }
0x2f: {  	lr =	sadd.s32 s0, s3;
	s0 =	sld [smem:$0x3FA4]  }
0x30: {  	s3 =	sld [smem:$0x3FA7]  }
0x31: {  	[smem:$0x3FB0] =	sst s10  }
0x32: {  	s10 =	sld [smem:$0x3FAE];
	_ =	sdelay $0x3  }
0x33: {  	p0 =	seq.s32 s10, $0x1;
	s10 =	sld [smem:$0x3FB0];
	_ =	sdelay $0x3  }
0x34: {  	[smem:$0x3FB0] =	sst s10  }
0x35: {  	s10 =	sld [smem:$0x3FAF];
	_ =	sdelay $0x3  }
0x36: {  	p1 =	seq.s32 s10, $0x1;
	s10 =	sld [smem:$0x3FB0];
	_ =	sdelay $0x3  }
0x37: {  	[smem:$0x3FB0] =	sst s10  }
0x38: {  	s10 =	sld [smem:$0x3FB1]  }
0x39: {  	_ = 	snop;
	(pc) =	sbr.ind lr, $3  }
0x3a: {  	_ = 	snop  }
0x3b: {  	_ = 	snop  }
0x3c: {  	p2 =	seq.s32 s10, $0x1;
	s10 =	sld [smem:$0x3FB0]  }
0x3d: {  	_ =	shalt  }
0x3e: {  	_ =	shalt  }
0x3f: {  	_ =	shalt  }
0x40: {  	_ =	shalt  }
0x41: {  	_ =	shalt  }
0x42: {  	_ =	shalt  }
0x43: {  	_ =	shalt  }
0x44: {  	_ =	shalt  }
0x45: {  	_ =	shalt  }
0x46: {  	_ =	shalt  }
0x47: {  	_ =	shalt  }
0x48: {  	_ =	shalt  }
0x49: {  	_ =	shalt  }
0x4a: {  	_ =	shalt  }
0x4b: {  	_ =	shalt  }
0x4c: {  	_ =	shalt  }
0x4d: {  	_ =	shalt  }
0x4e: {  	_ =	shalt  }
0x4f: {  	_ =	shalt  }
0x50: {  	_ =	shalt  }
0x51: {  	_ =	shalt  }
0x52: {  	_ =	shalt  }
0x53: {  	_ =	shalt  }
0x54: {  	_ =	shalt  }
0x55: {  	_ =	shalt  }
0x56: {  	_ =	shalt  }
0x57: {  	_ =	shalt  }
0x58: {  	_ =	shalt  }
0x59: {  	_ =	shalt  }
0x5a: {  	_ =	shalt  }
0x5b: {  	_ =	shalt  }
0x5c: {  	_ =	shalt  }
0x5d: {  	_ =	shalt  }
0x5e: {  	_ =	shalt  }
0x5f: {  	_ =	shalt  }
0x60: {  	_ =	shalt  }
0x61: {  	_ =	shalt  }
0x62: {  	_ =	shalt  }
0x63: {  	_ =	shalt  }
0x64: {  	_ =	shalt  }
0x65: {  	_ =	shalt  }
0x66: {  	_ =	shalt  }
0x67: {  	_ =	shalt  }
0x68: {  	_ =	shalt  }
0x69: {  	_ =	shalt  }
0x6a: {  	_ =	shalt  }
0x6b: {  	_ =	shalt  }
0x6c: {  	_ =	shalt  }
0x6d: {  	_ =	shalt  }
0x6e: {  	_ =	shalt  }
0x6f: {  	_ =	shalt  }
0x70: {  	_ =	shalt  }
0x71: {  	_ =	shalt  }
0x72: {  	_ =	shalt  }
0x73: {  	_ =	shalt  }
0x74: {  	_ =	shalt  }
0x75: {  	_ =	shalt  }
0x76: {  	_ =	shalt  }
0x77: {  	_ =	shalt  }
0x78: {  	_ =	shalt  }
0x79: {  	_ =	shalt  }
0x7a: {  	_ =	shalt  }
0x7b: {  	_ =	shalt  }
0x7c: {  	_ =	shalt  }
0x7d: {  	_ =	shalt  }
0x7e: {  	_ =	shalt  }
0x7f: {  	_ =	shalt  }
0x80: {  	_ =	shalt  }
0x81: {  	_ =	shalt  }
0x82: {  	_ =	shalt  }
0x83: {  	_ =	shalt  }
0x84: {  	_ =	shalt  }
0x85: {  	_ =	shalt  }
0x86: {  	_ =	shalt  }
0x87: {  	_ =	shalt  }
.Lfunc_end0:
.L_simem_size_0:
called_computation_lowered:
.L_overlay_start_0:
0x88: {  	s2 =	sld [smem:$0x3FD9]  }
0x89: {  	s3 =	sld [smem:$0x3FFE];
	_ =	sdelay $0x1  }
0x8a: {  	s1 =	srdreg.scid  }
0x8b: {  	s0 =	sand.u32 $0x1, s1  }
0x8c: {  	s17 =	sshll.u32 s0, $0xA;
	s2 =	sadd.s32 s3, s2  }
0x8d: {  	s2 =	sadd.s32 s2, s17  }
0x8e: {  	[smem:$0x3FBC] =	sst s2  }
0x8f: {  	_ = 	snop  }
0x90: {  	s2 =	sld [smem:$0x3FD0];
	(tm) =	ssettm $0x1  }
0x91: {  	s18 =	sld [smem:$0x3FFB];
	_ =	sdelay $0x3  }
0x92: {  	_ =	strace s18  }
0x93: {  	s3 =	sld [smem:$0x3FFC];
	_ =	sdelay $0x3  }
0x94: {  	_ =	strace s3  }
0x95: {  	s3 =	sld [smem:$0x3FFD];
	_ =	sdelay $0x3  }
0x96: {  	_ =	strace s3  }
0x97: {  	_ =	strace $0x8FFFFFFF  }
0x98: {  	s19 =	sld [smem:$0x3FDB];
	_ =	sdelay $0x1  }
0x99: {  	s4 =	simm.s32 $_scs_section_size  }
0x9a: {  	s5 =	simm.s32 $_size__tile_overlayer_lowered;
	s6 =	simm.s32 $_tile_overlayer_lowered  }
0x9b: {  	s22 =	simm.s32 $0x1BFF;
	s21 =	sshll.u32 s6, $0x1;
	s3 =	sadd.s32 s4, s19  }
0x9c: {  	s7 =	simm.s32 $0x0;
	s20 =	sshll.u32 s5, $0x1;
	s5 =	sadd.s32 s21, s3  }
0x9d: {  	[timem:s7], [sflag:s22] =	dma.local [hbm:s5], s20  }
0x9e: {  	_ =	swait.ge [sflag:s22], s20  }
0x9f: {  	s4 =	ssub.s32 $0x0, s20;
	[sflag:s22] =	ssyncset.done $0x0  }
0xa0: {  	[sflag:s22] =	ssyncadd.s32 s4;
	_ =	sdelay $0x1  }
0xa1: {  	s23 =	simm.s32 $0x1B8B  }
0xa2: {  	_ =	swait.ge [sflag:s23], $0x1  }
0xa3: {  	[sflag:s23] =	ssyncset.done $0x0  }
0xa4: {  	s25 =	simm.s32 $0x1B8E;
	s24 =	sld [smem:$0x3FFE];
	[sflag:s23] =	ssyncadd.s32 $0xFFFFFFFF  }
0xa5: {  	s26 =	simm.s32 $execute0_lowered;
	[smem:$0x3FD2] =	sst s25  }
0xa6: {  	s5 =	sshll.u32 s26, $0x1;
	_ =	strace $0x80000046;
	[dreg:$0x1] =	wrdreg $0xFFFFFFFF  }
0xa7: {  	s28 =	simm.s32 $_size_execute0_lowered;
	s3 =	sadd.s32 s3, s5;
	[dreg:$0x0] =	wrdreg $0x0  }
0xa8: {  	s5 =	sshll.u32 s28, $0x1;
	[dreg:$0x2] =	wrdreg s3  }
0xa9: {  	[dreg:$0x3] =	wrdreg s5  }
0xaa: {  	[dreg:$0x4] =	wrdreg $0xC0  }
0xab: {  	_ =	task [dreg:s7], $0x5FFFF  }
0xac: {  	[dreg:$0x1] =	wrdreg $0xFFFFFFFF  }
0xad: {  	[dreg:$0x0] =	wrdreg $0x60  }
0xae: {  	[dreg:$0x2] =	wrdreg s2  }
0xaf: {  	[dreg:$0x3] =	wrdreg s24  }
0xb0: {  	[dreg:$0x4] =	wrdreg $0x82000  }
0xb1: {  	[dreg:$0x5] =	wrdreg $0x9  }
0xb2: {  	_ =	task.clear_ibuf [dreg:s7], $0x6FFFF;
	_ =	strace $0x90000046  }
0xb3: {  	s29 =	simm.s32 $0x9;
	_ =	strace $0x80000048  }
0xb4: {  	_ =	swait.ge [sflag:s29], $0x1  }
0xb5: {  	[sflag:s29] =	ssyncadd.s32 $0xFFFFFFFF  }
0xb6: {  	_ =	strace $0x90000048  }
0xb7: {  	_ =	sfence  }
0xb8: {  	s30 =	sld [smem:$0x0];
	_ =	sdelay $0x2  }
0xb9: {  	s31 =	sshll.u32 s1, $0xD;
	s1 =	sshrl.u32 s1, $0x2  }
0xba: {  	s3 =	sand.u32 $0x4000, s31;
	s1 =	sadd.s32 s1, s30  }
0xbb: {  	s0 =	sor.u32 s3, s0;
	s1 =	sshll.u32 s1, $0x11  }
0xbc: {  	s0 =	sor.u32 s1, s0  }
0xbd: {  	s0 =	sadd.s32 $0x8F2B, s0  }
0xbe: {  	[sflag:s0] =	ssyncadd.remote.s32 $0x1  }
0xbf: {  	_ =	sfence.sel $0xFFFF  }
0xc0: {  	[dreg:$0x0] =	wrdreg $0xFFFFFFFF;
	(pc) =	sbr.abs _section_cstart, $3  }
0xc1: {  	[dreg:$0x1] =	wrdreg $0xFFFFFFFF  }
0xc2: {  	_ =	task.clear_ibuf [dreg:s7], $0x2FFFF;
	_ =	strace $0x9FFFFFFF  }
0xc3: {  	(tm) =	ssettm $0x7FFFFFFF  }
tec
execute0_lowered:
.L_overlay_start_1:
0x0: {  	(tag) =	ssettag $0x1  }
0x1: {  	s2 =	rddreg [dreg:$0x0]  }
0x2: {  	s1 =	rddreg [dreg:$0x1]  }
0x3: {  	s3 =	rddreg [dreg:$0x2]  }
0x4: {  	s0 =	stileid.u32;
	s4 =	srdreg.scid  }
0x5: {  	s15 =	simm.s32 $0x74;
	s18 =	simm.s32 $0x200;
	s19 =	simm.s32 $0x4  }
0x6: {  	s20 =	simm.s32 $0x1;
	s21 =	simm.s32 $0x80;
	s5 =	smul.u32 $0x2A, s0  }
0x7: {  	s22 =	simm.s32 $0x100;
	s23 =	simm.s32 $0x2;
	s7 =	smul.u32 $0x74, s0  }
0x8: {  	s24 =	simm.s32 $0x4200;
	s25 =	simm.s32 $0x180;
	s28 =	smul.u32 $0x14000, s0  }
0x9: {  	s6 =	sand.u32 $0x1, s4;
	s4 =	simm.s32 $0x0;
	s9 =	smul.u32 $0x50000, s0  }
0xa: {  	p0 =	seq.s32 s6, $0x0;
	s8 =	smul.u32 $0x140000, s6;
	[smem:$0x7FF] =	sst s4  }
0xb: {  	s6 =	ssub.s32 $0x2, s6;
	s5 =	sadd.s32 $0x740, s5;
	_ =	strace $0x80000047  }
0xc: {  	s30 =	sshrl.u32 s9, $0x2;
	s31 =	sshrl.u32 s6, $0x1;
	s15 =	simm.s32 @!p0 $0x2A  }
0xd: {  	s5 =	smov.u32 @p0 s7;
	s29 =	sadd.s32 s28, s8;
	s13 =	ssub.s32 s6, s31  }
0xe: {  	s16 =	sshrl.u32 s15, $0x1;
	s14 =	sadd.s32 $0xFFFFFFFE, s15;
	s5 =	sshll.u32 s5, $0x5  }
0xf: {  	s15 =	sadd.s32 $0xFFFFFFFD, s15;
	s17 =	sadd.s32 s5, s1;
	s5 =	sshrl.u32 s29, $0x3  }
0x10: {  	s13 =	smax.u32 s13, $0x1;
	s16 =	sadd.s32 $0xFFFFFFFF, s16;
	s1 =	sadd.s32 s5, s1  }
0x11: {  	s5 =	sadd.s32 s30, s3;
	s10 =	sadd.s32 $0x6C00, s17;
	s11 =	sadd.s32 $0x6C20, s17  }
0x12: {  	s17 =	sadd.s32 $0x6C60, s17;
	s6 =	sadd.s32 $0x4000, s5;
	s7 =	sadd.s32 $0x8000, s5  }
0x13: {  	v0 =	vimm.f32 $0.0e+00;
	s8 =	sadd.s32 $0xC000, s5;
	s9 =	sadd.s32 $0x10000, s5;
	s12 =	sadd.s32 $0x1A800, s1  }
.LBB2_1:
0x14: {  	s26 =	simm.s32 $0x0;
	s28 =	simm.s32 $0x200  }
.LBB2_2:
0x15: {  	p0 =	sne.s32 s28, $0xFE00;
	[tilespmem:s26+$0x270] =	vst v0  }
0x16: {  	[tilespmem:s26+$0x200] =	vst v0  }
0x17: {  	[tilespmem:s26+$0x210] =	vst v0  }
.Ltmp0:
0x18: {  	[tilespmem:s26+$0x220] =	vst v0;
	(pc) =	sbr.rel @p0 .LBB2_2-.Ltmp0, $4  }
0x19: {  	[tilespmem:s26+$0x230] =	vst v0  }
0x1a: {  	[tilespmem:s26+$0x240] =	vst v0  }
0x1b: {  	[tilespmem:s26+$0x250] =	vst v0  }
0x1c: {  	[tilespmem:s26+$0x260] =	vst v0;
	s26 =	sshra.s32 s28, $0x2;
	s28 =	sadd.s32 $0x200, s28  }
0x1d: {  	[tilespmem:s26+$0x270] =	vst v0  }
0x1e: {  	[tilespmem:s26+$0x200] =	vst v0  }
0x1f: {  	[tilespmem:s26+$0x210] =	vst v0  }
0x20: {  	[tilespmem:s26+$0x220] =	vst v0  }
0x21: {  	[tilespmem:s26+$0x230] =	vst v0  }
0x22: {  	[tilespmem:s26+$0x240] =	vst v0  }
0x23: {  	[tilespmem:s26+$0x250] =	vst v0  }
0x24: {  	[tilespmem:s26+$0x260] =	vst v0  }
0x25: {  	[spmem:s5] =	stream.linear.scatter [tilespmem:s18], [sflag:$0x4], $0x4000, $0x38;
	[tilespmem:$0x1C200] =	vst v63  }
0x26: {  	_ =	swait.ge [sflag:s19], $0x4000  }
0x27: {  	[sflag:s19] =	ssyncset.done $0x0  }
0x28: {  	[sflag:s19] =	ssyncadd.s32 $0xFFFFC000  }
0x29: {  	[spmem:s6] =	stream.linear.scatter [tilespmem:s18], [sflag:$0x4], $0x4000, $0x38;
	[tilespmem:$0x1C200] =	vst v63  }
0x2a: {  	_ =	swait.ge [sflag:s19], $0x4000  }
0x2b: {  	[sflag:s19] =	ssyncset.done $0x0  }
0x2c: {  	[sflag:s19] =	ssyncadd.s32 $0xFFFFC000  }
0x2d: {  	[spmem:s7] =	stream.linear.scatter [tilespmem:s18], [sflag:$0x4], $0x4000, $0x38;
	[tilespmem:$0x1C200] =	vst v63  }
0x2e: {  	_ =	swait.ge [sflag:s19], $0x4000  }
0x2f: {  	[sflag:s19] =	ssyncset.done $0x0  }
0x30: {  	[sflag:s19] =	ssyncadd.s32 $0xFFFFC000  }
0x31: {  	[spmem:s8] =	stream.linear.scatter [tilespmem:s18], [sflag:$0x4], $0x4000, $0x38;
	[tilespmem:$0x1C200] =	vst v63  }
0x32: {  	_ =	swait.ge [sflag:s19], $0x4000  }
0x33: {  	[sflag:s19] =	ssyncset.done $0x0  }
0x34: {  	[sflag:s19] =	ssyncadd.s32 $0xFFFFC000  }
0x35: {  	[spmem:s9] =	stream.linear.scatter [tilespmem:s18], [sflag:$0x4], $0x4000, $0x38;
	[tilespmem:$0x1C200] =	vst v63  }
0x36: {  	_ =	swait.ge [sflag:s19], $0x4000  }
0x37: {  	[sflag:s19] =	ssyncset.done $0x0  }
0x38: {  	[sflag:s19] =	ssyncadd.s32 $0xFFFFC000  }
0x39: {  	s1 =	simm.s32 $0x0;
	[bflag:$0x0] =	sbarrier.arrive $0xFFFF  }
0x3a: {  	[tilespmem:s1], [sflag:$0x1] =	stream.linear.gather [hbm4b:s10+s1], $0x100, $0x38;
	[tilespmem:$0x1C200] =	vst v63  }
0x3b: {  	_ =	swait.ge [sflag:s20], $0x100  }
0x3c: {  	[sflag:s20] =	ssyncset.done $0x0  }
0x3d: {  	[sflag:s20] =	ssyncadd.s32 $0xFFFFFF00  }
0x3e: {  	[tilespmem:s18], [sflag:$0x2] =	stream.indirect.gather [hbm4b:s2+s21], $0x80, s1, s21, $0xb8;
	[tilespmem:$0x1C200] =	vst v63  }
0x3f: {  	_ = 	snop  }
0x40: {  	[tilespmem:s22], [sflag:$0x1] =	stream.linear.gather [hbm4b:s11+s1], $0x100, $0x38;
	[tilespmem:$0x1C200] =	vst v63  }
0x41: {  	_ =	swait.ge [sflag:s20], $0x100  }
0x42: {  	[sflag:s20] =	ssyncset.done $0x0  }
0x43: {  	[sflag:s20] =	ssyncadd.s32 $0xFFFFFF00  }
0x44: {  	_ =	swait.ge [sflag:s23], $0x4000  }
0x45: {  	[sflag:s23] =	ssyncset.done $0x0  }
0x46: {  	[sflag:s23] =	ssyncadd.s32 $0xFFFFC000  }
0x47: {  	[tilespmem:s24], [sflag:$0x3] =	stream.indirect.gather [hbm4b:s2+s21], $0x80, s22, s21, $0xb8;
	[tilespmem:$0x1C200] =	vst v63  }
0x48: {  	_ = 	snop  }
0x49: {  	[spmem:s3] =	stream.indirect.scatter.add.f32 [tilespmem:s18], [sflag:$0x4], $0x80, s21, s21, $0xb8;
	[tilespmem:$0x1C200] =	vst v63  }
0x4a: {  	_ =	swait.ge [sflag:s19], $0x4000  }
0x4b: {  	p0 =	sle.u32 s14, $0x0;
	[sflag:s19] =	ssyncset.done $0x0  }
0x4c: {  	s1 =	simm.s32 @p0 $0x3;
	[sflag:s19] =	ssyncadd.s32 $0xFFFFC000  }
0x4d: {  	_ =	swait.ge @p0 [sflag:s1], $0x4000  }
0x4e: {  	s26 =	simm.s32 @!p0 $0x3;
	[sflag:s1] =	ssyncset.done @p0 $0x0  }
0x4f: {  	s28 =	simm.s32 @!p0 $0x0;
	[sflag:s1] =	ssyncadd.s32 @p0 $0xFFFFC000;
	s1 =	sadd.s32 @!p0 $0xFFFFFFE0, s17  }
0x50: {  	[tilespmem:s28], [sflag:$0x1] =	stream.linear.gather @!p0 [hbm4b:s1+s28], $0x100, $0x38;
	[tilespmem:$0x1C200] =	vst v63  }
0x51: {  	_ =	swait.ge @!p0 [sflag:s26], $0x4000  }
0x52: {  	[sflag:s26] =	ssyncset.done @!p0 $0x0  }
0x53: {  	s1 =	simm.s32 @!p0 $0x1;
	[sflag:s26] =	ssyncadd.s32 @!p0 $0xFFFFC000  }
0x54: {  	_ =	swait.ge @!p0 [sflag:s1], $0x100  }
0x55: {  	s29 =	sadd.s32 $0xFFFFFFFF, s16;
	[sflag:s1] =	ssyncset.done @!p0 $0x0  }
0x56: {  	s26 =	simm.s32 @!p0 $0x200;
	[sflag:s1] =	ssyncadd.s32 @!p0 $0xFFFFFF00;
	s1 =	simm.s32 @!p0 $0x80  }
0x57: {  	[tilespmem:s26], [sflag:$0x2] =	stream.indirect.gather @!p0 [hbm4b:s2+s1], $0x80, s28, s1, $0xb8;
	[tilespmem:$0x1C200] =	vst v63  }
0x58: {  	p0 =	sne.s32 s29, $0x0  }
.Ltmp1:
0x59: {  	_ = 	snop;
	(pc) =	sbr.rel @!p0 .LBB2_5-.Ltmp1, $4  }
0x5a: {  	[spmem:s3] =	stream.indirect.scatter.add.f32 [tilespmem:s24], [sflag:$0x4], $0x80, s25, s21, $0xb8;
	[tilespmem:$0x1C200] =	vst v63  }
0x5b: {  	p1 =	sle.u32 s15, $0x0;
	s30 =	smov.u32 s17;
	_ =	swait.ge [sflag:s19], $0x4000  }
0x5c: {  	s31 =	simm.s32 @!p1 $0x0;
	s26 =	sadd.s32 $0x40, s17;
	[sflag:s19] =	ssyncset.done $0x0  }
0x5d: {  	s28 =	simm.s32 $0x2;
	s1 =	simm.s32 @!p1 $0x100;
	[sflag:s19] =	ssyncadd.s32 $0xFFFFC000  }
.LBB2_4:
0x5e: {  	[tilespmem:s1], [sflag:$0x1] =	stream.linear.gather @!p1 [hbm4b:s30+s31], $0x100, $0x38;
	[tilespmem:$0x1C200] =	vst v63  }
0x5f: {  	s29 =	sadd.s32 $0xFFFFFFFF, s29;
	s30 =	smov.u32 s26;
	_ =	swait.ge [sflag:s20], $0x100  }
0x60: {  	p0 =	sne.s32 s29, $0x0;
	[sflag:s20] =	ssyncset.done $0x0  }
0x61: {  	[sflag:s20] =	ssyncadd.s32 $0xFFFFFF00  }
0x62: {  	_ =	swait.ge [sflag:s23], $0x4000  }
0x63: {  	[sflag:s23] =	ssyncset.done $0x0  }
0x64: {  	[sflag:s23] =	ssyncadd.s32 $0xFFFFC000  }
0x65: {  	[tilespmem:s24], [sflag:$0x3] =	stream.indirect.gather [hbm4b:s2+s21], $0x80, s22, s21, $0xb8;
	[tilespmem:$0x1C200] =	vst v63  }
0x66: {  	_ = 	snop  }
0x67: {  	[spmem:s3] =	stream.indirect.scatter.add.f32 [tilespmem:s18], [sflag:$0x4], $0x80, s21, s21, $0xb8;
	[tilespmem:$0x1C200] =	vst v63  }
0x68: {  	_ =	swait.ge [sflag:s19], $0x4000  }
0x69: {  	p1 =	sge.u32 s28, s14;
	[sflag:s19] =	ssyncset.done $0x0  }
0x6a: {  	s1 =	simm.s32 @p1 $0x3;
	[sflag:s19] =	ssyncadd.s32 $0xFFFFC000  }
0x6b: {  	_ =	swait.ge @p1 [sflag:s1], $0x4000  }
0x6c: {  	s31 =	simm.s32 @!p1 $0x3;
	[sflag:s1] =	ssyncset.done @p1 $0x0  }
0x6d: {  	s0 =	simm.s32 @!p1 $0x0;
	[sflag:s1] =	ssyncadd.s32 @p1 $0xFFFFC000;
	s1 =	sadd.s32 @!p1 $0xFFFFFFE0, s26  }
0x6e: {  	[tilespmem:s0], [sflag:$0x1] =	stream.linear.gather @!p1 [hbm4b:s1+s0], $0x100, $0x38;
	[tilespmem:$0x1C200] =	vst v63  }
0x6f: {  	_ =	swait.ge @!p1 [sflag:s31], $0x4000  }
0x70: {  	[sflag:s31] =	ssyncset.done @!p1 $0x0  }
0x71: {  	s1 =	simm.s32 @!p1 $0x1;
	[sflag:s31] =	ssyncadd.s32 @!p1 $0xFFFFC000  }
0x72: {  	_ =	swait.ge @!p1 [sflag:s1], $0x100  }
0x73: {  	[sflag:s1] =	ssyncset.done @!p1 $0x0  }
0x74: {  	s31 =	simm.s32 @!p1 $0x200;
	[sflag:s1] =	ssyncadd.s32 @!p1 $0xFFFFFF00;
	s1 =	simm.s32 @!p1 $0x80  }
0x75: {  	[tilespmem:s31], [sflag:$0x2] =	stream.indirect.gather @!p1 [hbm4b:s2+s1], $0x80, s0, s1, $0xb8;
	[tilespmem:$0x1C200] =	vst v63  }
.Ltmp2:
0x76: {  	(pc) =	sbr.rel @p0 .LBB2_4-.Ltmp2, $4  }
0x77: {  	[spmem:s3] =	stream.indirect.scatter.add.f32 [tilespmem:s24], [sflag:$0x4], $0x80, s25, s21, $0xb8;
	[tilespmem:$0x1C200] =	vst v63  }
0x78: {  	s26 =	sadd.s32 $0x40, s26;
	_ =	swait.ge [sflag:s19], $0x4000  }
0x79: {  	p1 =	sge.u32 s28, s15;
	s28 =	sadd.s32 $0x2, s28;
	[sflag:s19] =	ssyncset.done $0x0  }
0x7a: {  	s31 =	simm.s32 @!p1 $0x0;
	s1 =	simm.s32 @!p1 $0x100;
	[sflag:s19] =	ssyncadd.s32 $0xFFFFC000  }
.LBB2_5:
0x7b: {  	[tilespmem:s1], [sflag:$0x1] =	stream.linear.gather @!p1 [hbm4b:s30+s31], $0x100, $0x38;
	[tilespmem:$0x1C200] =	vst v63  }
0x7c: {  	_ =	swait.ge [sflag:s20], $0x100  }
0x7d: {  	[sflag:s20] =	ssyncset.done $0x0  }
0x7e: {  	[sflag:s20] =	ssyncadd.s32 $0xFFFFFF00  }
0x7f: {  	_ =	swait.ge [sflag:s23], $0x4000  }
0x80: {  	[sflag:s23] =	ssyncset.done $0x0  }
0x81: {  	[sflag:s23] =	ssyncadd.s32 $0xFFFFC000  }
0x82: {  	[tilespmem:s24], [sflag:$0x3] =	stream.indirect.gather [hbm4b:s2+s21], $0x80, s22, s21, $0xb8;
	[tilespmem:$0x1C200] =	vst v63  }
0x83: {  	_ = 	snop  }
0x84: {  	[spmem:s3] =	stream.indirect.scatter.add.f32 [tilespmem:s18], [sflag:$0x4], $0x80, s21, s21, $0xb8;
	[tilespmem:$0x1C200] =	vst v63  }
0x85: {  	_ =	swait.ge [sflag:s19], $0x4000  }
0x86: {  	p0 =	slt.u32 s28, s14;
	[sflag:s19] =	ssyncset.done $0x0  }
0x87: {  	s0 =	sadd.s32 @p0 $0xFFFFFFE0, s26;
	s1 =	simm.s32 @p0 $0x0;
	[sflag:s19] =	ssyncadd.s32 $0xFFFFC000  }
0x88: {  	[tilespmem:s1], [sflag:$0x1] =	stream.linear.gather @p0 [hbm4b:s0+s1], $0x100, $0x38;
	[tilespmem:$0x1C200] =	vst v63  }
0x89: {  	s0 =	simm.s32 @p0 $0x3  }
0x8a: {  	_ =	swait.ge @p0 [sflag:s0], $0x4000  }
0x8b: {  	[sflag:s0] =	ssyncset.done @p0 $0x0  }
0x8c: {  	[sflag:s0] =	ssyncadd.s32 @p0 $0xFFFFC000;
	s0 =	simm.s32 @p0 $0x1  }
0x8d: {  	_ =	swait.ge @p0 [sflag:s0], $0x100  }
0x8e: {  	[sflag:s0] =	ssyncset.done @p0 $0x0  }
0x8f: {  	s29 =	simm.s32 @p0 $0x200;
	[sflag:s0] =	ssyncadd.s32 @p0 $0xFFFFFF00;
	s0 =	simm.s32 @p0 $0x80  }
0x90: {  	[tilespmem:s29], [sflag:$0x2] =	stream.indirect.gather @p0 [hbm4b:s2+s0], $0x80, s1, s0, $0xb8;
	[tilespmem:$0x1C200] =	vst v63  }
0x91: {  	s0 =	simm.s32 @!p0 $0x3  }
0x92: {  	_ =	swait.ge @!p0 [sflag:s0], $0x4000  }
0x93: {  	[sflag:s0] =	ssyncset.done @!p0 $0x0  }
0x94: {  	[sflag:s0] =	ssyncadd.s32 @!p0 $0xFFFFC000  }
0x95: {  	[spmem:s3] =	stream.indirect.scatter.add.f32 [tilespmem:s24], [sflag:$0x4], $0x80, s25, s21, $0xb8;
	[tilespmem:$0x1C200] =	vst v63  }
0x96: {  	s30 =	stileid.u32;
	_ =	swait.ge [sflag:s19], $0x4000  }
0x97: {  	s4 =	sadd.s32 $0x1, s4;
	p0 =	sge.u32 s28, s15;
	[sflag:s19] =	ssyncset.done $0x0  }
0x98: {  	s0 =	simm.s32 @!p0 $0x0;
	s1 =	simm.s32 @!p0 $0x100;
	[sflag:s19] =	ssyncadd.s32 $0xFFFFC000  }
0x99: {  	[tilespmem:s1], [sflag:$0x1] =	stream.linear.gather @!p0 [hbm4b:s26+s0], $0x100, $0x38;
	[tilespmem:$0x1C200] =	vst v63  }
0x9a: {  	s31 =	sshrl.u32 s5, $0x3;
	s0 =	sshll.u32 s30, $0x6;
	p0 =	sne.s32 s4, s13  }
.Ltmp3:
0x9b: {  	[bflag:$0x0] =	sbarrier.arrive $0xFFFF;
	s0 =	sor.u32 $0x1C04, s0;
	(pc) =	sbr.rel @p0 .LBB2_1-.Ltmp3, $4  }
0x9c: {  	[hbm:s12], [sflag:s0] =	dma.local [spmem:s31], $0x2800  }
0x9d: {  	_ =	swait.ge [sflag:s19], $0x2800  }
0x9e: {  	[sflag:s19] =	ssyncset.done $0x0  }
0x9f: {  	[sflag:s19] =	ssyncadd.s32 $0xFFFFD800  }
0xa0: {  	_ =	sfence.sel $0x180000  }
0xa1: {  	[bflag:$0x0] =	sbarrier.arrive $0xFFFF  }
0xa2: {  	_ =	strace $0x90000047  }
0xa3: {  	s0 =	stileid.u32;
	[bflag:$0x2] =	sbarrier.arrive $0xFFFF  }
0xa4: {  	p0 =	sne.s32 s0, $0x0;
	s0 =	rddreg [dreg:$0x3]  }
0xa5: {  	s0 =	sadd.s32 @!p0 $0x100000, s0  }
0xa6: {  	[sflag:s0] =	ssyncadd.tile.s32 @!p0 $0x1;
	_ =	shalt  }
.Lfunc_end2:
_tile_overlayer_lowered:
.L_overlay_start_2:
0xa7: {  	(tag) =	ssettag $0x2  }
0xa8: {  	s0 =	rddreg [dreg:$0x0];
	s2 =	stileid.u32  }
0xa9: {  	s1 =	rddreg [dreg:$0x1];
	p0 =	sne.s32 s2, $0x0  }
0xaa: {  	s3 =	rddreg [dreg:$0x2];
	[bflag:$0x3] =	sbarrier.arrive $0xFFFF;
	s2 =	simm.s32 @!p0 $0x1C04  }
0xab: {  	[timem:s3], [sflag:s2] =	dma.local @!p0 [hbm:s0], s1  }
0xac: {  	s0 =	simm.s32 @!p0 $0x4  }
0xad: {  	_ =	swait.ge @!p0 [sflag:s0], s1  }
0xae: {  	s1 =	ssub.s32 @!p0 $0x0, s1;
	[sflag:s0] =	ssyncset.done @!p0 $0x0  }
0xaf: {  	[sflag:s0] =	ssyncadd.s32 @!p0 s1  }
0xb0: {  	[bflag:$0x3] =	sbarrier.arrive $0xFFFF  }
0xb1: {  	_ =	shalt  }

// kernel: kernel.19.cloned.1.call-start
scs
__scs_entry_jumppad:
0x0: {  	(pc) =	sbr.rel $0x88, $3  }
0x1: {  	(tag) =	ssettag $0x0;
	lr =	simm.s32 $0x1  }
0x2: {  	[smem:$0x3F95] =	sst lr;
	_ =	strace $0xD0000000  }
0x3: {  	_ = 	snop  }
0x4: {  	_ = 	snop  }
0x5: {  	_ = 	snop  }
0x6: {  	_ = 	snop  }
0x7: {  	_ = 	snop  }
__scs_overlays_trampoline_lowered:
0x8: {  	[smem:$0x3FA4] =	sst s0  }
0x9: {  	[smem:$0x3FA5] =	sst s1  }
0xa: {  	[smem:$0x3FA6] =	sst s2  }
0xb: {  	[smem:$0x3FA7] =	sst s3  }
0xc: {  	[smem:$0x3FA8] =	sst s4  }
0xd: {  	[smem:$0x3FA9] =	sst s5  }
0xe: {  	[smem:$0x3FAA] =	sst s6  }
0xf: {  	[smem:$0x3FAB] =	sst s7  }
0x10: {  	[smem:$0x3FAC] =	sst s8  }
0x11: {  	[smem:$0x3FAD] =	sst s9;
	s0 =	simm.s32 @!p0 $0x0  }
0x12: {  	s1 =	sld [smem:$0x3F93];
	s0 =	simm.s32 @p0 $0x1  }
0x13: {  	[smem:$0x3FAE] =	sst s0;
	s0 =	simm.s32 @!p1 $0x0  }
0x14: {  	s2 =	sld [smem:$0x3F92];
	s0 =	simm.s32 @p1 $0x1  }
0x15: {  	[smem:$0x3FAF] =	sst s0;
	s0 =	simm.s32 @!p2 $0x0  }
0x16: {  	s3 =	sld [smem:$0x3FDB];
	s0 =	simm.s32 @p2 $0x1  }
0x17: {  	s4 =	simm.s32 $0x1BF5;
	[smem:$0x3FB1] =	sst s0  }
0x18: {  	s0 =	sld [smem:$0x3F94];
	_ =	swait.ge [sflag:s4], $0x0  }
0x19: {  	s7 =	sld [smem:$0x3F95]  }
0x1a: {  	s8 =	sadd.s32 $0xFFFFE003, lr  }
0x1b: {  	s9 =	sadd.s32 $0xFFFFFEF7, lr;
	s5 =	simm.s32 $0xFFFFFFFF;
	p2 =	slt.u32 s8, $0xFFFFF086  }
0x1c: {  	p1 =	slt.u32 s9, $0xF7A;
	s5 =	simm.s32 @!p2 $0x0  }
0x1d: {  	s5 =	simm.s32 @p1 $0x1;
	p0 =	seq.s32 s7, s2  }
0x1e: {  	s7 =	smul.u32 @!p0 $0xF7A, s2;
	p2 =	seq.s32 @!p0 s5, $0x0  }
0x1f: {  	s9 =	smul.u32 $0xF7A, s1;
	s8 =	simm.s32 @!p0 $0x1BF5;
	p2 =	por !p2, p0  }
0x20: {  	[sflag:s8] =	ssyncset.s32 @!p0 $0xFFFFF086;
	s6 =	sadd.s32 @!p0 s3, s7;
	s7 =	simm.s32 @!p0 $0x108  }
0x21: {  	s3 =	sadd.s32 s3, s9;
	s6 =	sadd.s32 @!p0 $0x88, s6;
	s7 =	simm.s32 @p2 $0x1082  }
0x22: {  	[simem:s7], [sflag:s8] =	dma.local @!p0 [hbm:s6], $0xF7A  }
0x23: {  	s9 =	sor.u32 $0xD0000000, s2;
	s6 =	simm.s32 $0x108;
	_ =	swait.ge @!p0 [sflag:s8], $0x0  }
0x24: {  	s3 =	sadd.s32 $0x88, s3;
	s6 =	simm.s32 @!p1 $0x1082;
	[sflag:s4] =	ssyncset.s32 $0xFFFFF086  }
0x25: {  	[simem:s6], [sflag:s4] =	dma.local [hbm:s3], $0xF7A  }
0x26: {  	[smem:$0x3F95] =	sst s1;
	(tag) =	ssettag s2;
	_ =	strace s9  }
0x27: {  	s1 =	sld [smem:$0x3FA5]  }
0x28: {  	s2 =	sld [smem:$0x3FA6]  }
0x29: {  	s4 =	sld [smem:$0x3FA8]  }
0x2a: {  	p0 =	seq.s32 s5, $0x0;
	s5 =	sld [smem:$0x3FA9]  }
0x2b: {  	s6 =	sld [smem:$0x3FAA]  }
0x2c: {  	s7 =	sld [smem:$0x3FAB]  }
0x2d: {  	s3 =	simm.s32 $0x108;
	s8 =	sld [smem:$0x3FAC]  }
0x2e: {  	s3 =	simm.s32 @!p0 $0x1082;
	s9 =	sld [smem:$0x3FAD]  }
0x2f: {  	lr =	sadd.s32 s0, s3;
	s0 =	sld [smem:$0x3FA4]  }
0x30: {  	s3 =	sld [smem:$0x3FA7]  }
0x31: {  	[smem:$0x3FB0] =	sst s10  }
0x32: {  	s10 =	sld [smem:$0x3FAE];
	_ =	sdelay $0x3  }
0x33: {  	p0 =	seq.s32 s10, $0x1;
	s10 =	sld [smem:$0x3FB0];
	_ =	sdelay $0x3  }
0x34: {  	[smem:$0x3FB0] =	sst s10  }
0x35: {  	s10 =	sld [smem:$0x3FAF];
	_ =	sdelay $0x3  }
0x36: {  	p1 =	seq.s32 s10, $0x1;
	s10 =	sld [smem:$0x3FB0];
	_ =	sdelay $0x3  }
0x37: {  	[smem:$0x3FB0] =	sst s10  }
0x38: {  	s10 =	sld [smem:$0x3FB1]  }
0x39: {  	_ = 	snop;
	(pc) =	sbr.ind lr, $3  }
0x3a: {  	_ = 	snop  }
0x3b: {  	_ = 	snop  }
0x3c: {  	p2 =	seq.s32 s10, $0x1;
	s10 =	sld [smem:$0x3FB0]  }
0x3d: {  	_ =	shalt  }
0x3e: {  	_ =	shalt  }
0x3f: {  	_ =	shalt  }
0x40: {  	_ =	shalt  }
0x41: {  	_ =	shalt  }
0x42: {  	_ =	shalt  }
0x43: {  	_ =	shalt  }
0x44: {  	_ =	shalt  }
0x45: {  	_ =	shalt  }
0x46: {  	_ =	shalt  }
0x47: {  	_ =	shalt  }
0x48: {  	_ =	shalt  }
0x49: {  	_ =	shalt  }
0x4a: {  	_ =	shalt  }
0x4b: {  	_ =	shalt  }
0x4c: {  	_ =	shalt  }
0x4d: {  	_ =	shalt  }
0x4e: {  	_ =	shalt  }
0x4f: {  	_ =	shalt  }
0x50: {  	_ =	shalt  }
0x51: {  	_ =	shalt  }
0x52: {  	_ =	shalt  }
0x53: {  	_ =	shalt  }
0x54: {  	_ =	shalt  }
0x55: {  	_ =	shalt  }
0x56: {  	_ =	shalt  }
0x57: {  	_ =	shalt  }
0x58: {  	_ =	shalt  }
0x59: {  	_ =	shalt  }
0x5a: {  	_ =	shalt  }
0x5b: {  	_ =	shalt  }
0x5c: {  	_ =	shalt  }
0x5d: {  	_ =	shalt  }
0x5e: {  	_ =	shalt  }
0x5f: {  	_ =	shalt  }
0x60: {  	_ =	shalt  }
0x61: {  	_ =	shalt  }
0x62: {  	_ =	shalt  }
0x63: {  	_ =	shalt  }
0x64: {  	_ =	shalt  }
0x65: {  	_ =	shalt  }
0x66: {  	_ =	shalt  }
0x67: {  	_ =	shalt  }
0x68: {  	_ =	shalt  }
0x69: {  	_ =	shalt  }
0x6a: {  	_ =	shalt  }
0x6b: {  	_ =	shalt  }
0x6c: {  	_ =	shalt  }
0x6d: {  	_ =	shalt  }
0x6e: {  	_ =	shalt  }
0x6f: {  	_ =	shalt  }
0x70: {  	_ =	shalt  }
0x71: {  	_ =	shalt  }
0x72: {  	_ =	shalt  }
0x73: {  	_ =	shalt  }
0x74: {  	_ =	shalt  }
0x75: {  	_ =	shalt  }
0x76: {  	_ =	shalt  }
0x77: {  	_ =	shalt  }
0x78: {  	_ =	shalt  }
0x79: {  	_ =	shalt  }
0x7a: {  	_ =	shalt  }
0x7b: {  	_ =	shalt  }
0x7c: {  	_ =	shalt  }
0x7d: {  	_ =	shalt  }
0x7e: {  	_ =	shalt  }
0x7f: {  	_ =	shalt  }
0x80: {  	_ =	shalt  }
0x81: {  	_ =	shalt  }
0x82: {  	_ =	shalt  }
0x83: {  	_ =	shalt  }
0x84: {  	_ =	shalt  }
0x85: {  	_ =	shalt  }
0x86: {  	_ =	shalt  }
0x87: {  	_ =	shalt  }
.Lfunc_end0:
.L_simem_size_0:
called_computation.1_lowered:
.L_overlay_start_0:
0x88: {  	s2 =	sld [smem:$0x3FD9]  }
0x89: {  	s3 =	sld [smem:$0x3FFE];
	_ =	sdelay $0x1  }
0x8a: {  	s1 =	srdreg.scid  }
0x8b: {  	s0 =	sand.u32 $0x1, s1  }
0x8c: {  	s17 =	sshll.u32 s0, $0xA;
	s2 =	sadd.s32 s3, s2  }
0x8d: {  	s2 =	sadd.s32 s2, s17  }
0x8e: {  	[smem:$0x3FBC] =	sst s2  }
0x8f: {  	_ = 	snop  }
0x90: {  	s2 =	sld [smem:$0x3FD0];
	(tm) =	ssettm $0x1  }
0x91: {  	s18 =	sld [smem:$0x3FFB];
	_ =	sdelay $0x3  }
0x92: {  	_ =	strace s18  }
0x93: {  	s3 =	sld [smem:$0x3FFC];
	_ =	sdelay $0x3  }
0x94: {  	_ =	strace s3  }
0x95: {  	s3 =	sld [smem:$0x3FFD];
	_ =	sdelay $0x3  }
0x96: {  	_ =	strace s3  }
0x97: {  	_ =	strace $0x8FFFFFFF  }
0x98: {  	s19 =	sld [smem:$0x3FDB];
	_ =	sdelay $0x1  }
0x99: {  	s4 =	simm.s32 $_scs_section_size  }
0x9a: {  	s5 =	simm.s32 $_size__tile_overlayer_lowered;
	s6 =	simm.s32 $_tile_overlayer_lowered  }
0x9b: {  	s22 =	simm.s32 $0x1BFF;
	s21 =	sshll.u32 s6, $0x1;
	s3 =	sadd.s32 s4, s19  }
0x9c: {  	s7 =	simm.s32 $0x0;
	s20 =	sshll.u32 s5, $0x1;
	s5 =	sadd.s32 s21, s3  }
0x9d: {  	[timem:s7], [sflag:s22] =	dma.local [hbm:s5], s20  }
0x9e: {  	_ =	swait.ge [sflag:s22], s20  }
0x9f: {  	s4 =	ssub.s32 $0x0, s20;
	[sflag:s22] =	ssyncset.done $0x0  }
0xa0: {  	[sflag:s22] =	ssyncadd.s32 s4;
	_ =	sdelay $0x1  }
0xa1: {  	s23 =	simm.s32 $0x1B8B  }
0xa2: {  	_ =	swait.ge [sflag:s23], $0x1  }
0xa3: {  	[sflag:s23] =	ssyncset.done $0x0  }
0xa4: {  	s25 =	simm.s32 $0x1B8E;
	s24 =	sld [smem:$0x3FFE];
	[sflag:s23] =	ssyncadd.s32 $0xFFFFFFFF  }
0xa5: {  	s26 =	simm.s32 $execute0_lowered;
	[smem:$0x3FD2] =	sst s25  }
0xa6: {  	s5 =	sshll.u32 s26, $0x1;
	_ =	strace $0x80000049;
	[dreg:$0x1] =	wrdreg $0xFFFFFFFF  }
0xa7: {  	s28 =	simm.s32 $_size_execute0_lowered;
	s3 =	sadd.s32 s3, s5;
	[dreg:$0x0] =	wrdreg $0x0  }
0xa8: {  	s5 =	sshll.u32 s28, $0x1;
	[dreg:$0x2] =	wrdreg s3  }
0xa9: {  	[dreg:$0x3] =	wrdreg s5  }
0xaa: {  	[dreg:$0x4] =	wrdreg $0xC0  }
0xab: {  	_ =	task [dreg:s7], $0x5FFFF  }
0xac: {  	[dreg:$0x1] =	wrdreg $0xFFFFFFFF  }
0xad: {  	[dreg:$0x0] =	wrdreg $0x60  }
0xae: {  	[dreg:$0x2] =	wrdreg s2  }
0xaf: {  	[dreg:$0x3] =	wrdreg s24  }
0xb0: {  	[dreg:$0x4] =	wrdreg $0x82000  }
0xb1: {  	[dreg:$0x5] =	wrdreg $0x9  }
0xb2: {  	_ =	task.clear_ibuf [dreg:s7], $0x6FFFF;
	_ =	strace $0x90000049  }
0xb3: {  	s29 =	simm.s32 $0x9;
	_ =	strace $0x8000004B  }
0xb4: {  	_ =	swait.ge [sflag:s29], $0x1  }
0xb5: {  	[sflag:s29] =	ssyncadd.s32 $0xFFFFFFFF  }
0xb6: {  	_ =	strace $0x9000004B  }
0xb7: {  	_ =	sfence  }
0xb8: {  	s30 =	sld [smem:$0x0];
	_ =	sdelay $0x2  }
0xb9: {  	s31 =	sshll.u32 s1, $0xD;
	s1 =	sshrl.u32 s1, $0x2  }
0xba: {  	s3 =	sand.u32 $0x4000, s31;
	s1 =	sadd.s32 s1, s30  }
0xbb: {  	s0 =	sor.u32 s3, s0;
	s1 =	sshll.u32 s1, $0x11  }
0xbc: {  	s0 =	sor.u32 s1, s0  }
0xbd: {  	s0 =	sadd.s32 $0x8F2B, s0  }
0xbe: {  	[sflag:s0] =	ssyncadd.remote.s32 $0x1  }
0xbf: {  	_ =	sfence.sel $0xFFFF  }
0xc0: {  	[dreg:$0x0] =	wrdreg $0xFFFFFFFF;
	(pc) =	sbr.abs _section_cstart, $3  }
0xc1: {  	[dreg:$0x1] =	wrdreg $0xFFFFFFFF  }
0xc2: {  	_ =	task.clear_ibuf [dreg:s7], $0x2FFFF;
	_ =	strace $0x9FFFFFFF  }
0xc3: {  	(tm) =	ssettm $0x7FFFFFFF  }
tec
execute0_lowered:
.L_overlay_start_1:
0x0: {  	(tag) =	ssettag $0x1  }
0x1: {  	s2 =	rddreg [dreg:$0x0]  }
0x2: {  	s1 =	rddreg [dreg:$0x1]  }
0x3: {  	s3 =	rddreg [dreg:$0x2]  }
0x4: {  	s0 =	stileid.u32;
	s4 =	srdreg.scid  }
0x5: {  	s15 =	simm.s32 $0x74;
	s18 =	simm.s32 $0x200;
	s19 =	simm.s32 $0x4  }
0x6: {  	s20 =	simm.s32 $0x1;
	s21 =	simm.s32 $0x80;
	s5 =	smul.u32 $0x2A, s0  }
0x7: {  	s22 =	simm.s32 $0x100;
	s23 =	simm.s32 $0x2;
	s7 =	smul.u32 $0x74, s0  }
0x8: {  	s24 =	simm.s32 $0x4200;
	s25 =	simm.s32 $0x180;
	s28 =	smul.u32 $0x14000, s0  }
0x9: {  	s6 =	sand.u32 $0x1, s4;
	s4 =	simm.s32 $0x0;
	s9 =	smul.u32 $0x50000, s0  }
0xa: {  	p0 =	seq.s32 s6, $0x0;
	s8 =	smul.u32 $0x140000, s6;
	[smem:$0x7FF] =	sst s4  }
0xb: {  	s6 =	ssub.s32 $0x2, s6;
	s5 =	sadd.s32 $0x740, s5;
	_ =	strace $0x8000004A  }
0xc: {  	s30 =	sshrl.u32 s9, $0x2;
	s31 =	sshrl.u32 s6, $0x1;
	s15 =	simm.s32 @!p0 $0x2A  }
0xd: {  	s5 =	smov.u32 @p0 s7;
	s29 =	sadd.s32 s28, s8;
	s13 =	ssub.s32 s6, s31  }
0xe: {  	s16 =	sshrl.u32 s15, $0x1;
	s14 =	sadd.s32 $0xFFFFFFFE, s15;
	s5 =	sshll.u32 s5, $0x5  }
0xf: {  	s15 =	sadd.s32 $0xFFFFFFFD, s15;
	s17 =	sadd.s32 s5, s1;
	s5 =	sshrl.u32 s29, $0x3  }
0x10: {  	s13 =	smax.u32 s13, $0x1;
	s16 =	sadd.s32 $0xFFFFFFFF, s16;
	s1 =	sadd.s32 s5, s1  }
0x11: {  	s5 =	sadd.s32 s30, s3;
	s10 =	sadd.s32 $0x6C00, s17;
	s11 =	sadd.s32 $0x6C20, s17  }
0x12: {  	s17 =	sadd.s32 $0x6C60, s17;
	s6 =	sadd.s32 $0x4000, s5;
	s7 =	sadd.s32 $0x8000, s5  }
0x13: {  	v0 =	vimm.f32 $0.0e+00;
	s8 =	sadd.s32 $0xC000, s5;
	s9 =	sadd.s32 $0x10000, s5;
	s12 =	sadd.s32 $0x41A00, s1  }
.LBB2_1:
0x14: {  	s26 =	simm.s32 $0x0;
	s28 =	simm.s32 $0x200  }
.LBB2_2:
0x15: {  	p0 =	sne.s32 s28, $0xFE00;
	[tilespmem:s26+$0x270] =	vst v0  }
0x16: {  	[tilespmem:s26+$0x200] =	vst v0  }
0x17: {  	[tilespmem:s26+$0x210] =	vst v0  }
.Ltmp0:
0x18: {  	[tilespmem:s26+$0x220] =	vst v0;
	(pc) =	sbr.rel @p0 .LBB2_2-.Ltmp0, $4  }
0x19: {  	[tilespmem:s26+$0x230] =	vst v0  }
0x1a: {  	[tilespmem:s26+$0x240] =	vst v0  }
0x1b: {  	[tilespmem:s26+$0x250] =	vst v0  }
0x1c: {  	[tilespmem:s26+$0x260] =	vst v0;
	s26 =	sshra.s32 s28, $0x2;
	s28 =	sadd.s32 $0x200, s28  }
0x1d: {  	[tilespmem:s26+$0x270] =	vst v0  }
0x1e: {  	[tilespmem:s26+$0x200] =	vst v0  }
0x1f: {  	[tilespmem:s26+$0x210] =	vst v0  }
0x20: {  	[tilespmem:s26+$0x220] =	vst v0  }
0x21: {  	[tilespmem:s26+$0x230] =	vst v0  }
0x22: {  	[tilespmem:s26+$0x240] =	vst v0  }
0x23: {  	[tilespmem:s26+$0x250] =	vst v0  }
0x24: {  	[tilespmem:s26+$0x260] =	vst v0  }
0x25: {  	[spmem:s5] =	stream.linear.scatter [tilespmem:s18], [sflag:$0x4], $0x4000, $0x38;
	[tilespmem:$0x1C200] =	vst v63  }
0x26: {  	_ =	swait.ge [sflag:s19], $0x4000  }
0x27: {  	[sflag:s19] =	ssyncset.done $0x0  }
0x28: {  	[sflag:s19] =	ssyncadd.s32 $0xFFFFC000  }
0x29: {  	[spmem:s6] =	stream.linear.scatter [tilespmem:s18], [sflag:$0x4], $0x4000, $0x38;
	[tilespmem:$0x1C200] =	vst v63  }
0x2a: {  	_ =	swait.ge [sflag:s19], $0x4000  }
0x2b: {  	[sflag:s19] =	ssyncset.done $0x0  }
0x2c: {  	[sflag:s19] =	ssyncadd.s32 $0xFFFFC000  }
0x2d: {  	[spmem:s7] =	stream.linear.scatter [tilespmem:s18], [sflag:$0x4], $0x4000, $0x38;
	[tilespmem:$0x1C200] =	vst v63  }
0x2e: {  	_ =	swait.ge [sflag:s19], $0x4000  }
0x2f: {  	[sflag:s19] =	ssyncset.done $0x0  }
0x30: {  	[sflag:s19] =	ssyncadd.s32 $0xFFFFC000  }
0x31: {  	[spmem:s8] =	stream.linear.scatter [tilespmem:s18], [sflag:$0x4], $0x4000, $0x38;
	[tilespmem:$0x1C200] =	vst v63  }
0x32: {  	_ =	swait.ge [sflag:s19], $0x4000  }
0x33: {  	[sflag:s19] =	ssyncset.done $0x0  }
0x34: {  	[sflag:s19] =	ssyncadd.s32 $0xFFFFC000  }
0x35: {  	[spmem:s9] =	stream.linear.scatter [tilespmem:s18], [sflag:$0x4], $0x4000, $0x38;
	[tilespmem:$0x1C200] =	vst v63  }
0x36: {  	_ =	swait.ge [sflag:s19], $0x4000  }
0x37: {  	[sflag:s19] =	ssyncset.done $0x0  }
0x38: {  	[sflag:s19] =	ssyncadd.s32 $0xFFFFC000  }
0x39: {  	s1 =	simm.s32 $0x0;
	[bflag:$0x0] =	sbarrier.arrive $0xFFFF  }
0x3a: {  	[tilespmem:s1], [sflag:$0x1] =	stream.linear.gather [hbm4b:s10+s1], $0x100, $0x38;
	[tilespmem:$0x1C200] =	vst v63  }
0x3b: {  	_ =	swait.ge [sflag:s20], $0x100  }
0x3c: {  	[sflag:s20] =	ssyncset.done $0x0  }
0x3d: {  	[sflag:s20] =	ssyncadd.s32 $0xFFFFFF00  }
0x3e: {  	[tilespmem:s18], [sflag:$0x2] =	stream.indirect.gather [hbm4b:s2+s21], $0x80, s1, s21, $0xb8;
	[tilespmem:$0x1C200] =	vst v63  }
0x3f: {  	_ = 	snop  }
0x40: {  	[tilespmem:s22], [sflag:$0x1] =	stream.linear.gather [hbm4b:s11+s1], $0x100, $0x38;
	[tilespmem:$0x1C200] =	vst v63  }
0x41: {  	_ =	swait.ge [sflag:s20], $0x100  }
0x42: {  	[sflag:s20] =	ssyncset.done $0x0  }
0x43: {  	[sflag:s20] =	ssyncadd.s32 $0xFFFFFF00  }
0x44: {  	_ =	swait.ge [sflag:s23], $0x4000  }
0x45: {  	[sflag:s23] =	ssyncset.done $0x0  }
0x46: {  	[sflag:s23] =	ssyncadd.s32 $0xFFFFC000  }
0x47: {  	[tilespmem:s24], [sflag:$0x3] =	stream.indirect.gather [hbm4b:s2+s21], $0x80, s22, s21, $0xb8;
	[tilespmem:$0x1C200] =	vst v63  }
0x48: {  	_ = 	snop  }
0x49: {  	[spmem:s3] =	stream.indirect.scatter.add.f32 [tilespmem:s18], [sflag:$0x4], $0x80, s21, s21, $0xb8;
	[tilespmem:$0x1C200] =	vst v63  }
0x4a: {  	_ =	swait.ge [sflag:s19], $0x4000  }
0x4b: {  	p0 =	sle.u32 s14, $0x0;
	[sflag:s19] =	ssyncset.done $0x0  }
0x4c: {  	s1 =	simm.s32 @p0 $0x3;
	[sflag:s19] =	ssyncadd.s32 $0xFFFFC000  }
0x4d: {  	_ =	swait.ge @p0 [sflag:s1], $0x4000  }
0x4e: {  	s26 =	simm.s32 @!p0 $0x3;
	[sflag:s1] =	ssyncset.done @p0 $0x0  }
0x4f: {  	s28 =	simm.s32 @!p0 $0x0;
	[sflag:s1] =	ssyncadd.s32 @p0 $0xFFFFC000;
	s1 =	sadd.s32 @!p0 $0xFFFFFFE0, s17  }
0x50: {  	[tilespmem:s28], [sflag:$0x1] =	stream.linear.gather @!p0 [hbm4b:s1+s28], $0x100, $0x38;
	[tilespmem:$0x1C200] =	vst v63  }
0x51: {  	_ =	swait.ge @!p0 [sflag:s26], $0x4000  }
0x52: {  	[sflag:s26] =	ssyncset.done @!p0 $0x0  }
0x53: {  	s1 =	simm.s32 @!p0 $0x1;
	[sflag:s26] =	ssyncadd.s32 @!p0 $0xFFFFC000  }
0x54: {  	_ =	swait.ge @!p0 [sflag:s1], $0x100  }
0x55: {  	s29 =	sadd.s32 $0xFFFFFFFF, s16;
	[sflag:s1] =	ssyncset.done @!p0 $0x0  }
0x56: {  	s26 =	simm.s32 @!p0 $0x200;
	[sflag:s1] =	ssyncadd.s32 @!p0 $0xFFFFFF00;
	s1 =	simm.s32 @!p0 $0x80  }
0x57: {  	[tilespmem:s26], [sflag:$0x2] =	stream.indirect.gather @!p0 [hbm4b:s2+s1], $0x80, s28, s1, $0xb8;
	[tilespmem:$0x1C200] =	vst v63  }
0x58: {  	p0 =	sne.s32 s29, $0x0  }
.Ltmp1:
0x59: {  	_ = 	snop;
	(pc) =	sbr.rel @!p0 .LBB2_5-.Ltmp1, $4  }
0x5a: {  	[spmem:s3] =	stream.indirect.scatter.add.f32 [tilespmem:s24], [sflag:$0x4], $0x80, s25, s21, $0xb8;
	[tilespmem:$0x1C200] =	vst v63  }
0x5b: {  	p1 =	sle.u32 s15, $0x0;
	s30 =	smov.u32 s17;
	_ =	swait.ge [sflag:s19], $0x4000  }
0x5c: {  	s31 =	simm.s32 @!p1 $0x0;
	s26 =	sadd.s32 $0x40, s17;
	[sflag:s19] =	ssyncset.done $0x0  }
0x5d: {  	s28 =	simm.s32 $0x2;
	s1 =	simm.s32 @!p1 $0x100;
	[sflag:s19] =	ssyncadd.s32 $0xFFFFC000  }
.LBB2_4:
0x5e: {  	[tilespmem:s1], [sflag:$0x1] =	stream.linear.gather @!p1 [hbm4b:s30+s31], $0x100, $0x38;
	[tilespmem:$0x1C200] =	vst v63  }
0x5f: {  	s29 =	sadd.s32 $0xFFFFFFFF, s29;
	s30 =	smov.u32 s26;
	_ =	swait.ge [sflag:s20], $0x100  }
0x60: {  	p0 =	sne.s32 s29, $0x0;
	[sflag:s20] =	ssyncset.done $0x0  }
0x61: {  	[sflag:s20] =	ssyncadd.s32 $0xFFFFFF00  }
0x62: {  	_ =	swait.ge [sflag:s23], $0x4000  }
0x63: {  	[sflag:s23] =	ssyncset.done $0x0  }
0x64: {  	[sflag:s23] =	ssyncadd.s32 $0xFFFFC000  }
0x65: {  	[tilespmem:s24], [sflag:$0x3] =	stream.indirect.gather [hbm4b:s2+s21], $0x80, s22, s21, $0xb8;
	[tilespmem:$0x1C200] =	vst v63  }
0x66: {  	_ = 	snop  }
0x67: {  	[spmem:s3] =	stream.indirect.scatter.add.f32 [tilespmem:s18], [sflag:$0x4], $0x80, s21, s21, $0xb8;
	[tilespmem:$0x1C200] =	vst v63  }
0x68: {  	_ =	swait.ge [sflag:s19], $0x4000  }
0x69: {  	p1 =	sge.u32 s28, s14;
	[sflag:s19] =	ssyncset.done $0x0  }
0x6a: {  	s1 =	simm.s32 @p1 $0x3;
	[sflag:s19] =	ssyncadd.s32 $0xFFFFC000  }
0x6b: {  	_ =	swait.ge @p1 [sflag:s1], $0x4000  }
0x6c: {  	s31 =	simm.s32 @!p1 $0x3;
	[sflag:s1] =	ssyncset.done @p1 $0x0  }
0x6d: {  	s0 =	simm.s32 @!p1 $0x0;
	[sflag:s1] =	ssyncadd.s32 @p1 $0xFFFFC000;
	s1 =	sadd.s32 @!p1 $0xFFFFFFE0, s26  }
0x6e: {  	[tilespmem:s0], [sflag:$0x1] =	stream.linear.gather @!p1 [hbm4b:s1+s0], $0x100, $0x38;
	[tilespmem:$0x1C200] =	vst v63  }
0x6f: {  	_ =	swait.ge @!p1 [sflag:s31], $0x4000  }
0x70: {  	[sflag:s31] =	ssyncset.done @!p1 $0x0  }
0x71: {  	s1 =	simm.s32 @!p1 $0x1;
	[sflag:s31] =	ssyncadd.s32 @!p1 $0xFFFFC000  }
0x72: {  	_ =	swait.ge @!p1 [sflag:s1], $0x100  }
0x73: {  	[sflag:s1] =	ssyncset.done @!p1 $0x0  }
0x74: {  	s31 =	simm.s32 @!p1 $0x200;
	[sflag:s1] =	ssyncadd.s32 @!p1 $0xFFFFFF00;
	s1 =	simm.s32 @!p1 $0x80  }
0x75: {  	[tilespmem:s31], [sflag:$0x2] =	stream.indirect.gather @!p1 [hbm4b:s2+s1], $0x80, s0, s1, $0xb8;
	[tilespmem:$0x1C200] =	vst v63  }
.Ltmp2:
0x76: {  	(pc) =	sbr.rel @p0 .LBB2_4-.Ltmp2, $4  }
0x77: {  	[spmem:s3] =	stream.indirect.scatter.add.f32 [tilespmem:s24], [sflag:$0x4], $0x80, s25, s21, $0xb8;
	[tilespmem:$0x1C200] =	vst v63  }
0x78: {  	s26 =	sadd.s32 $0x40, s26;
	_ =	swait.ge [sflag:s19], $0x4000  }
0x79: {  	p1 =	sge.u32 s28, s15;
	s28 =	sadd.s32 $0x2, s28;
	[sflag:s19] =	ssyncset.done $0x0  }
0x7a: {  	s31 =	simm.s32 @!p1 $0x0;
	s1 =	simm.s32 @!p1 $0x100;
	[sflag:s19] =	ssyncadd.s32 $0xFFFFC000  }
.LBB2_5:
0x7b: {  	[tilespmem:s1], [sflag:$0x1] =	stream.linear.gather @!p1 [hbm4b:s30+s31], $0x100, $0x38;
	[tilespmem:$0x1C200] =	vst v63  }
0x7c: {  	_ =	swait.ge [sflag:s20], $0x100  }
0x7d: {  	[sflag:s20] =	ssyncset.done $0x0  }
0x7e: {  	[sflag:s20] =	ssyncadd.s32 $0xFFFFFF00  }
0x7f: {  	_ =	swait.ge [sflag:s23], $0x4000  }
0x80: {  	[sflag:s23] =	ssyncset.done $0x0  }
0x81: {  	[sflag:s23] =	ssyncadd.s32 $0xFFFFC000  }
0x82: {  	[tilespmem:s24], [sflag:$0x3] =	stream.indirect.gather [hbm4b:s2+s21], $0x80, s22, s21, $0xb8;
	[tilespmem:$0x1C200] =	vst v63  }
0x83: {  	_ = 	snop  }
0x84: {  	[spmem:s3] =	stream.indirect.scatter.add.f32 [tilespmem:s18], [sflag:$0x4], $0x80, s21, s21, $0xb8;
	[tilespmem:$0x1C200] =	vst v63  }
0x85: {  	_ =	swait.ge [sflag:s19], $0x4000  }
0x86: {  	p0 =	slt.u32 s28, s14;
	[sflag:s19] =	ssyncset.done $0x0  }
0x87: {  	s0 =	sadd.s32 @p0 $0xFFFFFFE0, s26;
	s1 =	simm.s32 @p0 $0x0;
	[sflag:s19] =	ssyncadd.s32 $0xFFFFC000  }
0x88: {  	[tilespmem:s1], [sflag:$0x1] =	stream.linear.gather @p0 [hbm4b:s0+s1], $0x100, $0x38;
	[tilespmem:$0x1C200] =	vst v63  }
0x89: {  	s0 =	simm.s32 @p0 $0x3  }
0x8a: {  	_ =	swait.ge @p0 [sflag:s0], $0x4000  }
0x8b: {  	[sflag:s0] =	ssyncset.done @p0 $0x0  }
0x8c: {  	[sflag:s0] =	ssyncadd.s32 @p0 $0xFFFFC000;
	s0 =	simm.s32 @p0 $0x1  }
0x8d: {  	_ =	swait.ge @p0 [sflag:s0], $0x100  }
0x8e: {  	[sflag:s0] =	ssyncset.done @p0 $0x0  }
0x8f: {  	s29 =	simm.s32 @p0 $0x200;
	[sflag:s0] =	ssyncadd.s32 @p0 $0xFFFFFF00;
	s0 =	simm.s32 @p0 $0x80  }
0x90: {  	[tilespmem:s29], [sflag:$0x2] =	stream.indirect.gather @p0 [hbm4b:s2+s0], $0x80, s1, s0, $0xb8;
	[tilespmem:$0x1C200] =	vst v63  }
0x91: {  	s0 =	simm.s32 @!p0 $0x3  }
0x92: {  	_ =	swait.ge @!p0 [sflag:s0], $0x4000  }
0x93: {  	[sflag:s0] =	ssyncset.done @!p0 $0x0  }
0x94: {  	[sflag:s0] =	ssyncadd.s32 @!p0 $0xFFFFC000  }
0x95: {  	[spmem:s3] =	stream.indirect.scatter.add.f32 [tilespmem:s24], [sflag:$0x4], $0x80, s25, s21, $0xb8;
	[tilespmem:$0x1C200] =	vst v63  }
0x96: {  	s30 =	stileid.u32;
	_ =	swait.ge [sflag:s19], $0x4000  }
0x97: {  	s4 =	sadd.s32 $0x1, s4;
	p0 =	sge.u32 s28, s15;
	[sflag:s19] =	ssyncset.done $0x0  }
0x98: {  	s0 =	simm.s32 @!p0 $0x0;
	s1 =	simm.s32 @!p0 $0x100;
	[sflag:s19] =	ssyncadd.s32 $0xFFFFC000  }
0x99: {  	[tilespmem:s1], [sflag:$0x1] =	stream.linear.gather @!p0 [hbm4b:s26+s0], $0x100, $0x38;
	[tilespmem:$0x1C200] =	vst v63  }
0x9a: {  	s31 =	sshrl.u32 s5, $0x3;
	s0 =	sshll.u32 s30, $0x6;
	p0 =	sne.s32 s4, s13  }
.Ltmp3:
0x9b: {  	[bflag:$0x0] =	sbarrier.arrive $0xFFFF;
	s0 =	sor.u32 $0x1C04, s0;
	(pc) =	sbr.rel @p0 .LBB2_1-.Ltmp3, $4  }
0x9c: {  	[hbm:s12], [sflag:s0] =	dma.local [spmem:s31], $0x2800  }
0x9d: {  	_ =	swait.ge [sflag:s19], $0x2800  }
0x9e: {  	[sflag:s19] =	ssyncset.done $0x0  }
0x9f: {  	[sflag:s19] =	ssyncadd.s32 $0xFFFFD800  }
0xa0: {  	_ =	sfence.sel $0x180000  }
0xa1: {  	[bflag:$0x0] =	sbarrier.arrive $0xFFFF  }
0xa2: {  	_ =	strace $0x9000004A  }
0xa3: {  	s0 =	stileid.u32;
	[bflag:$0x2] =	sbarrier.arrive $0xFFFF  }
0xa4: {  	p0 =	sne.s32 s0, $0x0;
	s0 =	rddreg [dreg:$0x3]  }
0xa5: {  	s0 =	sadd.s32 @!p0 $0x100000, s0  }
0xa6: {  	[sflag:s0] =	ssyncadd.tile.s32 @!p0 $0x1;
	_ =	shalt  }
.Lfunc_end2:
_tile_overlayer_lowered:
.L_overlay_start_2:
0xa7: {  	(tag) =	ssettag $0x2  }
0xa8: {  	s0 =	rddreg [dreg:$0x0];
	s2 =	stileid.u32  }
0xa9: {  	s1 =	rddreg [dreg:$0x1];
	p0 =	sne.s32 s2, $0x0  }
0xaa: {  	s3 =	rddreg [dreg:$0x2];
	[bflag:$0x3] =	sbarrier.arrive $0xFFFF;
	s2 =	simm.s32 @!p0 $0x1C04  }
0xab: {  	[timem:s3], [sflag:s2] =	dma.local @!p0 [hbm:s0], s1  }
0xac: {  	s0 =	simm.s32 @!p0 $0x4  }
0xad: {  	_ =	swait.ge @!p0 [sflag:s0], s1  }
0xae: {  	s1 =	ssub.s32 @!p0 $0x0, s1;
	[sflag:s0] =	ssyncset.done @!p0 $0x0  }
0xaf: {  	[sflag:s0] =	ssyncadd.s32 @!p0 s1  }
0xb0: {  	[bflag:$0x3] =	sbarrier.arrive $0xFFFF  }
0xb1: {  	_ =	shalt  }

// kernel: kernel.22.cloned.1.call-start
scs
__scs_entry_jumppad:
0x0: {  	(pc) =	sbr.rel $0x88, $3  }
0x1: {  	(tag) =	ssettag $0x0;
	lr =	simm.s32 $0x1  }
0x2: {  	[smem:$0x3F95] =	sst lr;
	_ =	strace $0xD0000000  }
0x3: {  	_ = 	snop  }
0x4: {  	_ = 	snop  }
0x5: {  	_ = 	snop  }
0x6: {  	_ = 	snop  }
0x7: {  	_ = 	snop  }
__scs_overlays_trampoline_lowered:
0x8: {  	[smem:$0x3FA4] =	sst s0  }
0x9: {  	[smem:$0x3FA5] =	sst s1  }
0xa: {  	[smem:$0x3FA6] =	sst s2  }
0xb: {  	[smem:$0x3FA7] =	sst s3  }
0xc: {  	[smem:$0x3FA8] =	sst s4  }
0xd: {  	[smem:$0x3FA9] =	sst s5  }
0xe: {  	[smem:$0x3FAA] =	sst s6  }
0xf: {  	[smem:$0x3FAB] =	sst s7  }
0x10: {  	[smem:$0x3FAC] =	sst s8  }
0x11: {  	[smem:$0x3FAD] =	sst s9;
	s0 =	simm.s32 @!p0 $0x0  }
0x12: {  	s1 =	sld [smem:$0x3F93];
	s0 =	simm.s32 @p0 $0x1  }
0x13: {  	[smem:$0x3FAE] =	sst s0;
	s0 =	simm.s32 @!p1 $0x0  }
0x14: {  	s2 =	sld [smem:$0x3F92];
	s0 =	simm.s32 @p1 $0x1  }
0x15: {  	[smem:$0x3FAF] =	sst s0;
	s0 =	simm.s32 @!p2 $0x0  }
0x16: {  	s3 =	sld [smem:$0x3FDB];
	s0 =	simm.s32 @p2 $0x1  }
0x17: {  	s4 =	simm.s32 $0x1BF5;
	[smem:$0x3FB1] =	sst s0  }
0x18: {  	s0 =	sld [smem:$0x3F94];
	_ =	swait.ge [sflag:s4], $0x0  }
0x19: {  	s7 =	sld [smem:$0x3F95]  }
0x1a: {  	s8 =	sadd.s32 $0xFFFFE003, lr  }
0x1b: {  	s9 =	sadd.s32 $0xFFFFFEF7, lr;
	s5 =	simm.s32 $0xFFFFFFFF;
	p2 =	slt.u32 s8, $0xFFFFF086  }
0x1c: {  	p1 =	slt.u32 s9, $0xF7A;
	s5 =	simm.s32 @!p2 $0x0  }
0x1d: {  	s5 =	simm.s32 @p1 $0x1;
	p0 =	seq.s32 s7, s2  }
0x1e: {  	s7 =	smul.u32 @!p0 $0xF7A, s2;
	p2 =	seq.s32 @!p0 s5, $0x0  }
0x1f: {  	s9 =	smul.u32 $0xF7A, s1;
	s8 =	simm.s32 @!p0 $0x1BF5;
	p2 =	por !p2, p0  }
0x20: {  	[sflag:s8] =	ssyncset.s32 @!p0 $0xFFFFF086;
	s6 =	sadd.s32 @!p0 s3, s7;
	s7 =	simm.s32 @!p0 $0x108  }
0x21: {  	s3 =	sadd.s32 s3, s9;
	s6 =	sadd.s32 @!p0 $0x88, s6;
	s7 =	simm.s32 @p2 $0x1082  }
0x22: {  	[simem:s7], [sflag:s8] =	dma.local @!p0 [hbm:s6], $0xF7A  }
0x23: {  	s9 =	sor.u32 $0xD0000000, s2;
	s6 =	simm.s32 $0x108;
	_ =	swait.ge @!p0 [sflag:s8], $0x0  }
0x24: {  	s3 =	sadd.s32 $0x88, s3;
	s6 =	simm.s32 @!p1 $0x1082;
	[sflag:s4] =	ssyncset.s32 $0xFFFFF086  }
0x25: {  	[simem:s6], [sflag:s4] =	dma.local [hbm:s3], $0xF7A  }
0x26: {  	[smem:$0x3F95] =	sst s1;
	(tag) =	ssettag s2;
	_ =	strace s9  }
0x27: {  	s1 =	sld [smem:$0x3FA5]  }
0x28: {  	s2 =	sld [smem:$0x3FA6]  }
0x29: {  	s4 =	sld [smem:$0x3FA8]  }
0x2a: {  	p0 =	seq.s32 s5, $0x0;
	s5 =	sld [smem:$0x3FA9]  }
0x2b: {  	s6 =	sld [smem:$0x3FAA]  }
0x2c: {  	s7 =	sld [smem:$0x3FAB]  }
0x2d: {  	s3 =	simm.s32 $0x108;
	s8 =	sld [smem:$0x3FAC]  }
0x2e: {  	s3 =	simm.s32 @!p0 $0x1082;
	s9 =	sld [smem:$0x3FAD]  }
0x2f: {  	lr =	sadd.s32 s0, s3;
	s0 =	sld [smem:$0x3FA4]  }
0x30: {  	s3 =	sld [smem:$0x3FA7]  }
0x31: {  	[smem:$0x3FB0] =	sst s10  }
0x32: {  	s10 =	sld [smem:$0x3FAE];
	_ =	sdelay $0x3  }
0x33: {  	p0 =	seq.s32 s10, $0x1;
	s10 =	sld [smem:$0x3FB0];
	_ =	sdelay $0x3  }
0x34: {  	[smem:$0x3FB0] =	sst s10  }
0x35: {  	s10 =	sld [smem:$0x3FAF];
	_ =	sdelay $0x3  }
0x36: {  	p1 =	seq.s32 s10, $0x1;
	s10 =	sld [smem:$0x3FB0];
	_ =	sdelay $0x3  }
0x37: {  	[smem:$0x3FB0] =	sst s10  }
0x38: {  	s10 =	sld [smem:$0x3FB1]  }
0x39: {  	_ = 	snop;
	(pc) =	sbr.ind lr, $3  }
0x3a: {  	_ = 	snop  }
0x3b: {  	_ = 	snop  }
0x3c: {  	p2 =	seq.s32 s10, $0x1;
	s10 =	sld [smem:$0x3FB0]  }
0x3d: {  	_ =	shalt  }
0x3e: {  	_ =	shalt  }
0x3f: {  	_ =	shalt  }
0x40: {  	_ =	shalt  }
0x41: {  	_ =	shalt  }
0x42: {  	_ =	shalt  }
0x43: {  	_ =	shalt  }
0x44: {  	_ =	shalt  }
0x45: {  	_ =	shalt  }
0x46: {  	_ =	shalt  }
0x47: {  	_ =	shalt  }
0x48: {  	_ =	shalt  }
0x49: {  	_ =	shalt  }
0x4a: {  	_ =	shalt  }
0x4b: {  	_ =	shalt  }
0x4c: {  	_ =	shalt  }
0x4d: {  	_ =	shalt  }
0x4e: {  	_ =	shalt  }
0x4f: {  	_ =	shalt  }
0x50: {  	_ =	shalt  }
0x51: {  	_ =	shalt  }
0x52: {  	_ =	shalt  }
0x53: {  	_ =	shalt  }
0x54: {  	_ =	shalt  }
0x55: {  	_ =	shalt  }
0x56: {  	_ =	shalt  }
0x57: {  	_ =	shalt  }
0x58: {  	_ =	shalt  }
0x59: {  	_ =	shalt  }
0x5a: {  	_ =	shalt  }
0x5b: {  	_ =	shalt  }
0x5c: {  	_ =	shalt  }
0x5d: {  	_ =	shalt  }
0x5e: {  	_ =	shalt  }
0x5f: {  	_ =	shalt  }
0x60: {  	_ =	shalt  }
0x61: {  	_ =	shalt  }
0x62: {  	_ =	shalt  }
0x63: {  	_ =	shalt  }
0x64: {  	_ =	shalt  }
0x65: {  	_ =	shalt  }
0x66: {  	_ =	shalt  }
0x67: {  	_ =	shalt  }
0x68: {  	_ =	shalt  }
0x69: {  	_ =	shalt  }
0x6a: {  	_ =	shalt  }
0x6b: {  	_ =	shalt  }
0x6c: {  	_ =	shalt  }
0x6d: {  	_ =	shalt  }
0x6e: {  	_ =	shalt  }
0x6f: {  	_ =	shalt  }
0x70: {  	_ =	shalt  }
0x71: {  	_ =	shalt  }
0x72: {  	_ =	shalt  }
0x73: {  	_ =	shalt  }
0x74: {  	_ =	shalt  }
0x75: {  	_ =	shalt  }
0x76: {  	_ =	shalt  }
0x77: {  	_ =	shalt  }
0x78: {  	_ =	shalt  }
0x79: {  	_ =	shalt  }
0x7a: {  	_ =	shalt  }
0x7b: {  	_ =	shalt  }
0x7c: {  	_ =	shalt  }
0x7d: {  	_ =	shalt  }
0x7e: {  	_ =	shalt  }
0x7f: {  	_ =	shalt  }
0x80: {  	_ =	shalt  }
0x81: {  	_ =	shalt  }
0x82: {  	_ =	shalt  }
0x83: {  	_ =	shalt  }
0x84: {  	_ =	shalt  }
0x85: {  	_ =	shalt  }
0x86: {  	_ =	shalt  }
0x87: {  	_ =	shalt  }
.Lfunc_end0:
.L_simem_size_0:
called_computation.2_lowered:
.L_overlay_start_0:
0x88: {  	s2 =	sld [smem:$0x3FD9]  }
0x89: {  	s3 =	sld [smem:$0x3FFE];
	_ =	sdelay $0x1  }
0x8a: {  	s1 =	srdreg.scid  }
0x8b: {  	s0 =	sand.u32 $0x1, s1  }
0x8c: {  	s17 =	sshll.u32 s0, $0xA;
	s2 =	sadd.s32 s3, s2  }
0x8d: {  	s2 =	sadd.s32 s2, s17  }
0x8e: {  	[smem:$0x3FBC] =	sst s2  }
0x8f: {  	_ = 	snop  }
0x90: {  	s2 =	sld [smem:$0x3FD0];
	(tm) =	ssettm $0x1  }
0x91: {  	s18 =	sld [smem:$0x3FFB];
	_ =	sdelay $0x3  }
0x92: {  	_ =	strace s18  }
0x93: {  	s3 =	sld [smem:$0x3FFC];
	_ =	sdelay $0x3  }
0x94: {  	_ =	strace s3  }
0x95: {  	s3 =	sld [smem:$0x3FFD];
	_ =	sdelay $0x3  }
0x96: {  	_ =	strace s3  }
0x97: {  	_ =	strace $0x8FFFFFFF  }
0x98: {  	s19 =	sld [smem:$0x3FDB];
	_ =	sdelay $0x1  }
0x99: {  	s4 =	simm.s32 $_scs_section_size  }
0x9a: {  	s5 =	simm.s32 $_size__tile_overlayer_lowered;
	s6 =	simm.s32 $_tile_overlayer_lowered  }
0x9b: {  	s22 =	simm.s32 $0x1BFF;
	s21 =	sshll.u32 s6, $0x1;
	s3 =	sadd.s32 s4, s19  }
0x9c: {  	s7 =	simm.s32 $0x0;
	s20 =	sshll.u32 s5, $0x1;
	s5 =	sadd.s32 s21, s3  }
0x9d: {  	[timem:s7], [sflag:s22] =	dma.local [hbm:s5], s20  }
0x9e: {  	_ =	swait.ge [sflag:s22], s20  }
0x9f: {  	s4 =	ssub.s32 $0x0, s20;
	[sflag:s22] =	ssyncset.done $0x0  }
0xa0: {  	[sflag:s22] =	ssyncadd.s32 s4;
	_ =	sdelay $0x1  }
0xa1: {  	s23 =	simm.s32 $0x1B8B  }
0xa2: {  	_ =	swait.ge [sflag:s23], $0x1  }
0xa3: {  	[sflag:s23] =	ssyncset.done $0x0  }
0xa4: {  	s25 =	simm.s32 $0x1B8E;
	s24 =	sld [smem:$0x3FFE];
	[sflag:s23] =	ssyncadd.s32 $0xFFFFFFFF  }
0xa5: {  	s26 =	simm.s32 $execute0_lowered;
	[smem:$0x3FD2] =	sst s25  }
0xa6: {  	s5 =	sshll.u32 s26, $0x1;
	_ =	strace $0x8000004C;
	[dreg:$0x1] =	wrdreg $0xFFFFFFFF  }
0xa7: {  	s28 =	simm.s32 $_size_execute0_lowered;
	s3 =	sadd.s32 s3, s5;
	[dreg:$0x0] =	wrdreg $0x0  }
0xa8: {  	s5 =	sshll.u32 s28, $0x1;
	[dreg:$0x2] =	wrdreg s3  }
0xa9: {  	[dreg:$0x3] =	wrdreg s5  }
0xaa: {  	[dreg:$0x4] =	wrdreg $0xC0  }
0xab: {  	_ =	task [dreg:s7], $0x5FFFF  }
0xac: {  	[dreg:$0x1] =	wrdreg $0xFFFFFFFF  }
0xad: {  	[dreg:$0x0] =	wrdreg $0x60  }
0xae: {  	[dreg:$0x2] =	wrdreg s2  }
0xaf: {  	[dreg:$0x3] =	wrdreg s24  }
0xb0: {  	[dreg:$0x4] =	wrdreg $0x82000  }
0xb1: {  	[dreg:$0x5] =	wrdreg $0x9  }
0xb2: {  	_ =	task.clear_ibuf [dreg:s7], $0x6FFFF;
	_ =	strace $0x9000004C  }
0xb3: {  	s29 =	simm.s32 $0x9;
	_ =	strace $0x8000004E  }
0xb4: {  	_ =	swait.ge [sflag:s29], $0x1  }
0xb5: {  	[sflag:s29] =	ssyncadd.s32 $0xFFFFFFFF  }
0xb6: {  	_ =	strace $0x9000004E  }
0xb7: {  	_ =	sfence  }
0xb8: {  	s30 =	sld [smem:$0x0];
	_ =	sdelay $0x2  }
0xb9: {  	s31 =	sshll.u32 s1, $0xD;
	s1 =	sshrl.u32 s1, $0x2  }
0xba: {  	s3 =	sand.u32 $0x4000, s31;
	s1 =	sadd.s32 s1, s30  }
0xbb: {  	s0 =	sor.u32 s3, s0;
	s1 =	sshll.u32 s1, $0x11  }
0xbc: {  	s0 =	sor.u32 s1, s0  }
0xbd: {  	s0 =	sadd.s32 $0x8F2B, s0  }
0xbe: {  	[sflag:s0] =	ssyncadd.remote.s32 $0x1  }
0xbf: {  	_ =	sfence.sel $0xFFFF  }
0xc0: {  	[dreg:$0x0] =	wrdreg $0xFFFFFFFF;
	(pc) =	sbr.abs _section_cstart, $3  }
0xc1: {  	[dreg:$0x1] =	wrdreg $0xFFFFFFFF  }
0xc2: {  	_ =	task.clear_ibuf [dreg:s7], $0x2FFFF;
	_ =	strace $0x9FFFFFFF  }
0xc3: {  	(tm) =	ssettm $0x7FFFFFFF  }
tec
execute0_lowered:
.L_overlay_start_1:
0x0: {  	(tag) =	ssettag $0x1  }
0x1: {  	s2 =	rddreg [dreg:$0x0]  }
0x2: {  	s1 =	rddreg [dreg:$0x1]  }
0x3: {  	s3 =	rddreg [dreg:$0x2]  }
0x4: {  	s0 =	stileid.u32;
	s4 =	srdreg.scid  }
0x5: {  	s15 =	simm.s32 $0x74;
	s18 =	simm.s32 $0x200;
	s19 =	simm.s32 $0x4  }
0x6: {  	s20 =	simm.s32 $0x1;
	s21 =	simm.s32 $0x80;
	s5 =	smul.u32 $0x2A, s0  }
0x7: {  	s22 =	simm.s32 $0x100;
	s23 =	simm.s32 $0x2;
	s7 =	smul.u32 $0x74, s0  }
0x8: {  	s24 =	simm.s32 $0x4200;
	s25 =	simm.s32 $0x180;
	s28 =	smul.u32 $0x14000, s0  }
0x9: {  	s6 =	sand.u32 $0x1, s4;
	s4 =	simm.s32 $0x0;
	s9 =	smul.u32 $0x50000, s0  }
0xa: {  	p0 =	seq.s32 s6, $0x0;
	s8 =	smul.u32 $0x140000, s6;
	[smem:$0x7FF] =	sst s4  }
0xb: {  	s6 =	ssub.s32 $0x2, s6;
	s5 =	sadd.s32 $0x740, s5;
	_ =	strace $0x8000004D  }
0xc: {  	s30 =	sshrl.u32 s9, $0x2;
	s31 =	sshrl.u32 s6, $0x1;
	s15 =	simm.s32 @!p0 $0x2A  }
0xd: {  	s5 =	smov.u32 @p0 s7;
	s29 =	sadd.s32 s28, s8;
	s13 =	ssub.s32 s6, s31  }
0xe: {  	s16 =	sshrl.u32 s15, $0x1;
	s14 =	sadd.s32 $0xFFFFFFFE, s15;
	s5 =	sshll.u32 s5, $0x5  }
0xf: {  	s15 =	sadd.s32 $0xFFFFFFFD, s15;
	s17 =	sadd.s32 s5, s1;
	s5 =	sshrl.u32 s29, $0x3  }
0x10: {  	s13 =	smax.u32 s13, $0x1;
	s16 =	sadd.s32 $0xFFFFFFFF, s16;
	s1 =	sadd.s32 s5, s1  }
0x11: {  	s5 =	sadd.s32 s30, s3;
	s10 =	sadd.s32 $0x6C00, s17;
	s11 =	sadd.s32 $0x6C20, s17  }
0x12: {  	s17 =	sadd.s32 $0x6C60, s17;
	s6 =	sadd.s32 $0x4000, s5;
	s7 =	sadd.s32 $0x8000, s5  }
0x13: {  	v0 =	vimm.f32 $0.0e+00;
	s8 =	sadd.s32 $0xC000, s5;
	s9 =	sadd.s32 $0x10000, s5;
	s12 =	sadd.s32 $0x41A00, s1  }
.LBB2_1:
0x14: {  	s26 =	simm.s32 $0x0;
	s28 =	simm.s32 $0x200  }
.LBB2_2:
0x15: {  	p0 =	sne.s32 s28, $0xFE00;
	[tilespmem:s26+$0x270] =	vst v0  }
0x16: {  	[tilespmem:s26+$0x200] =	vst v0  }
0x17: {  	[tilespmem:s26+$0x210] =	vst v0  }
.Ltmp0:
0x18: {  	[tilespmem:s26+$0x220] =	vst v0;
	(pc) =	sbr.rel @p0 .LBB2_2-.Ltmp0, $4  }
0x19: {  	[tilespmem:s26+$0x230] =	vst v0  }
0x1a: {  	[tilespmem:s26+$0x240] =	vst v0  }
0x1b: {  	[tilespmem:s26+$0x250] =	vst v0  }
0x1c: {  	[tilespmem:s26+$0x260] =	vst v0;
	s26 =	sshra.s32 s28, $0x2;
	s28 =	sadd.s32 $0x200, s28  }
0x1d: {  	[tilespmem:s26+$0x270] =	vst v0  }
0x1e: {  	[tilespmem:s26+$0x200] =	vst v0  }
0x1f: {  	[tilespmem:s26+$0x210] =	vst v0  }
0x20: {  	[tilespmem:s26+$0x220] =	vst v0  }
0x21: {  	[tilespmem:s26+$0x230] =	vst v0  }
0x22: {  	[tilespmem:s26+$0x240] =	vst v0  }
0x23: {  	[tilespmem:s26+$0x250] =	vst v0  }
0x24: {  	[tilespmem:s26+$0x260] =	vst v0  }
0x25: {  	[spmem:s5] =	stream.linear.scatter [tilespmem:s18], [sflag:$0x4], $0x4000, $0x38;
	[tilespmem:$0x1C200] =	vst v63  }
0x26: {  	_ =	swait.ge [sflag:s19], $0x4000  }
0x27: {  	[sflag:s19] =	ssyncset.done $0x0  }
0x28: {  	[sflag:s19] =	ssyncadd.s32 $0xFFFFC000  }
0x29: {  	[spmem:s6] =	stream.linear.scatter [tilespmem:s18], [sflag:$0x4], $0x4000, $0x38;
	[tilespmem:$0x1C200] =	vst v63  }
0x2a: {  	_ =	swait.ge [sflag:s19], $0x4000  }
0x2b: {  	[sflag:s19] =	ssyncset.done $0x0  }
0x2c: {  	[sflag:s19] =	ssyncadd.s32 $0xFFFFC000  }
0x2d: {  	[spmem:s7] =	stream.linear.scatter [tilespmem:s18], [sflag:$0x4], $0x4000, $0x38;
	[tilespmem:$0x1C200] =	vst v63  }
0x2e: {  	_ =	swait.ge [sflag:s19], $0x4000  }
0x2f: {  	[sflag:s19] =	ssyncset.done $0x0  }
0x30: {  	[sflag:s19] =	ssyncadd.s32 $0xFFFFC000  }
0x31: {  	[spmem:s8] =	stream.linear.scatter [tilespmem:s18], [sflag:$0x4], $0x4000, $0x38;
	[tilespmem:$0x1C200] =	vst v63  }
0x32: {  	_ =	swait.ge [sflag:s19], $0x4000  }
0x33: {  	[sflag:s19] =	ssyncset.done $0x0  }
0x34: {  	[sflag:s19] =	ssyncadd.s32 $0xFFFFC000  }
0x35: {  	[spmem:s9] =	stream.linear.scatter [tilespmem:s18], [sflag:$0x4], $0x4000, $0x38;
	[tilespmem:$0x1C200] =	vst v63  }
0x36: {  	_ =	swait.ge [sflag:s19], $0x4000  }
0x37: {  	[sflag:s19] =	ssyncset.done $0x0  }
0x38: {  	[sflag:s19] =	ssyncadd.s32 $0xFFFFC000  }
0x39: {  	s1 =	simm.s32 $0x0;
	[bflag:$0x0] =	sbarrier.arrive $0xFFFF  }
0x3a: {  	[tilespmem:s1], [sflag:$0x1] =	stream.linear.gather [hbm4b:s10+s1], $0x100, $0x38;
	[tilespmem:$0x1C200] =	vst v63  }
0x3b: {  	_ =	swait.ge [sflag:s20], $0x100  }
0x3c: {  	[sflag:s20] =	ssyncset.done $0x0  }
0x3d: {  	[sflag:s20] =	ssyncadd.s32 $0xFFFFFF00  }
0x3e: {  	[tilespmem:s18], [sflag:$0x2] =	stream.indirect.gather [hbm4b:s2+s21], $0x80, s1, s21, $0xb8;
	[tilespmem:$0x1C200] =	vst v63  }
0x3f: {  	_ = 	snop  }
0x40: {  	[tilespmem:s22], [sflag:$0x1] =	stream.linear.gather [hbm4b:s11+s1], $0x100, $0x38;
	[tilespmem:$0x1C200] =	vst v63  }
0x41: {  	_ =	swait.ge [sflag:s20], $0x100  }
0x42: {  	[sflag:s20] =	ssyncset.done $0x0  }
0x43: {  	[sflag:s20] =	ssyncadd.s32 $0xFFFFFF00  }
0x44: {  	_ =	swait.ge [sflag:s23], $0x4000  }
0x45: {  	[sflag:s23] =	ssyncset.done $0x0  }
0x46: {  	[sflag:s23] =	ssyncadd.s32 $0xFFFFC000  }
0x47: {  	[tilespmem:s24], [sflag:$0x3] =	stream.indirect.gather [hbm4b:s2+s21], $0x80, s22, s21, $0xb8;
	[tilespmem:$0x1C200] =	vst v63  }
0x48: {  	_ = 	snop  }
0x49: {  	[spmem:s3] =	stream.indirect.scatter.add.f32 [tilespmem:s18], [sflag:$0x4], $0x80, s21, s21, $0xb8;
	[tilespmem:$0x1C200] =	vst v63  }
0x4a: {  	_ =	swait.ge [sflag:s19], $0x4000  }
0x4b: {  	p0 =	sle.u32 s14, $0x0;
	[sflag:s19] =	ssyncset.done $0x0  }
0x4c: {  	s1 =	simm.s32 @p0 $0x3;
	[sflag:s19] =	ssyncadd.s32 $0xFFFFC000  }
0x4d: {  	_ =	swait.ge @p0 [sflag:s1], $0x4000  }
0x4e: {  	s26 =	simm.s32 @!p0 $0x3;
	[sflag:s1] =	ssyncset.done @p0 $0x0  }
0x4f: {  	s28 =	simm.s32 @!p0 $0x0;
	[sflag:s1] =	ssyncadd.s32 @p0 $0xFFFFC000;
	s1 =	sadd.s32 @!p0 $0xFFFFFFE0, s17  }
0x50: {  	[tilespmem:s28], [sflag:$0x1] =	stream.linear.gather @!p0 [hbm4b:s1+s28], $0x100, $0x38;
	[tilespmem:$0x1C200] =	vst v63  }
0x51: {  	_ =	swait.ge @!p0 [sflag:s26], $0x4000  }
0x52: {  	[sflag:s26] =	ssyncset.done @!p0 $0x0  }
0x53: {  	s1 =	simm.s32 @!p0 $0x1;
	[sflag:s26] =	ssyncadd.s32 @!p0 $0xFFFFC000  }
0x54: {  	_ =	swait.ge @!p0 [sflag:s1], $0x100  }
0x55: {  	s29 =	sadd.s32 $0xFFFFFFFF, s16;
	[sflag:s1] =	ssyncset.done @!p0 $0x0  }
0x56: {  	s26 =	simm.s32 @!p0 $0x200;
	[sflag:s1] =	ssyncadd.s32 @!p0 $0xFFFFFF00;
	s1 =	simm.s32 @!p0 $0x80  }
0x57: {  	[tilespmem:s26], [sflag:$0x2] =	stream.indirect.gather @!p0 [hbm4b:s2+s1], $0x80, s28, s1, $0xb8;
	[tilespmem:$0x1C200] =	vst v63  }
0x58: {  	p0 =	sne.s32 s29, $0x0  }
.Ltmp1:
0x59: {  	_ = 	snop;
	(pc) =	sbr.rel @!p0 .LBB2_5-.Ltmp1, $4  }
0x5a: {  	[spmem:s3] =	stream.indirect.scatter.add.f32 [tilespmem:s24], [sflag:$0x4], $0x80, s25, s21, $0xb8;
	[tilespmem:$0x1C200] =	vst v63  }
0x5b: {  	p1 =	sle.u32 s15, $0x0;
	s30 =	smov.u32 s17;
	_ =	swait.ge [sflag:s19], $0x4000  }
0x5c: {  	s31 =	simm.s32 @!p1 $0x0;
	s26 =	sadd.s32 $0x40, s17;
	[sflag:s19] =	ssyncset.done $0x0  }
0x5d: {  	s28 =	simm.s32 $0x2;
	s1 =	simm.s32 @!p1 $0x100;
	[sflag:s19] =	ssyncadd.s32 $0xFFFFC000  }
.LBB2_4:
0x5e: {  	[tilespmem:s1], [sflag:$0x1] =	stream.linear.gather @!p1 [hbm4b:s30+s31], $0x100, $0x38;
	[tilespmem:$0x1C200] =	vst v63  }
0x5f: {  	s29 =	sadd.s32 $0xFFFFFFFF, s29;
	s30 =	smov.u32 s26;
	_ =	swait.ge [sflag:s20], $0x100  }
0x60: {  	p0 =	sne.s32 s29, $0x0;
	[sflag:s20] =	ssyncset.done $0x0  }
0x61: {  	[sflag:s20] =	ssyncadd.s32 $0xFFFFFF00  }
0x62: {  	_ =	swait.ge [sflag:s23], $0x4000  }
0x63: {  	[sflag:s23] =	ssyncset.done $0x0  }
0x64: {  	[sflag:s23] =	ssyncadd.s32 $0xFFFFC000  }
0x65: {  	[tilespmem:s24], [sflag:$0x3] =	stream.indirect.gather [hbm4b:s2+s21], $0x80, s22, s21, $0xb8;
	[tilespmem:$0x1C200] =	vst v63  }
0x66: {  	_ = 	snop  }
0x67: {  	[spmem:s3] =	stream.indirect.scatter.add.f32 [tilespmem:s18], [sflag:$0x4], $0x80, s21, s21, $0xb8;
	[tilespmem:$0x1C200] =	vst v63  }
0x68: {  	_ =	swait.ge [sflag:s19], $0x4000  }
0x69: {  	p1 =	sge.u32 s28, s14;
	[sflag:s19] =	ssyncset.done $0x0  }
0x6a: {  	s1 =	simm.s32 @p1 $0x3;
	[sflag:s19] =	ssyncadd.s32 $0xFFFFC000  }
0x6b: {  	_ =	swait.ge @p1 [sflag:s1], $0x4000  }
0x6c: {  	s31 =	simm.s32 @!p1 $0x3;
	[sflag:s1] =	ssyncset.done @p1 $0x0  }
0x6d: {  	s0 =	simm.s32 @!p1 $0x0;
	[sflag:s1] =	ssyncadd.s32 @p1 $0xFFFFC000;
	s1 =	sadd.s32 @!p1 $0xFFFFFFE0, s26  }
0x6e: {  	[tilespmem:s0], [sflag:$0x1] =	stream.linear.gather @!p1 [hbm4b:s1+s0], $0x100, $0x38;
	[tilespmem:$0x1C200] =	vst v63  }
0x6f: {  	_ =	swait.ge @!p1 [sflag:s31], $0x4000  }
0x70: {  	[sflag:s31] =	ssyncset.done @!p1 $0x0  }
0x71: {  	s1 =	simm.s32 @!p1 $0x1;
	[sflag:s31] =	ssyncadd.s32 @!p1 $0xFFFFC000  }
0x72: {  	_ =	swait.ge @!p1 [sflag:s1], $0x100  }
0x73: {  	[sflag:s1] =	ssyncset.done @!p1 $0x0  }
0x74: {  	s31 =	simm.s32 @!p1 $0x200;
	[sflag:s1] =	ssyncadd.s32 @!p1 $0xFFFFFF00;
	s1 =	simm.s32 @!p1 $0x80  }
0x75: {  	[tilespmem:s31], [sflag:$0x2] =	stream.indirect.gather @!p1 [hbm4b:s2+s1], $0x80, s0, s1, $0xb8;
	[tilespmem:$0x1C200] =	vst v63  }
.Ltmp2:
0x76: {  	(pc) =	sbr.rel @p0 .LBB2_4-.Ltmp2, $4  }
0x77: {  	[spmem:s3] =	stream.indirect.scatter.add.f32 [tilespmem:s24], [sflag:$0x4], $0x80, s25, s21, $0xb8;
	[tilespmem:$0x1C200] =	vst v63  }
0x78: {  	s26 =	sadd.s32 $0x40, s26;
	_ =	swait.ge [sflag:s19], $0x4000  }
0x79: {  	p1 =	sge.u32 s28, s15;
	s28 =	sadd.s32 $0x2, s28;
	[sflag:s19] =	ssyncset.done $0x0  }
0x7a: {  	s31 =	simm.s32 @!p1 $0x0;
	s1 =	simm.s32 @!p1 $0x100;
	[sflag:s19] =	ssyncadd.s32 $0xFFFFC000  }
.LBB2_5:
0x7b: {  	[tilespmem:s1], [sflag:$0x1] =	stream.linear.gather @!p1 [hbm4b:s30+s31], $0x100, $0x38;
	[tilespmem:$0x1C200] =	vst v63  }
0x7c: {  	_ =	swait.ge [sflag:s20], $0x100  }
0x7d: {  	[sflag:s20] =	ssyncset.done $0x0  }
0x7e: {  	[sflag:s20] =	ssyncadd.s32 $0xFFFFFF00  }
0x7f: {  	_ =	swait.ge [sflag:s23], $0x4000  }
0x80: {  	[sflag:s23] =	ssyncset.done $0x0  }
0x81: {  	[sflag:s23] =	ssyncadd.s32 $0xFFFFC000  }
0x82: {  	[tilespmem:s24], [sflag:$0x3] =	stream.indirect.gather [hbm4b:s2+s21], $0x80, s22, s21, $0xb8;
	[tilespmem:$0x1C200] =	vst v63  }
0x83: {  	_ = 	snop  }
0x84: {  	[spmem:s3] =	stream.indirect.scatter.add.f32 [tilespmem:s18], [sflag:$0x4], $0x80, s21, s21, $0xb8;
	[tilespmem:$0x1C200] =	vst v63  }
0x85: {  	_ =	swait.ge [sflag:s19], $0x4000  }
0x86: {  	p0 =	slt.u32 s28, s14;
	[sflag:s19] =	ssyncset.done $0x0  }
0x87: {  	s0 =	sadd.s32 @p0 $0xFFFFFFE0, s26;
	s1 =	simm.s32 @p0 $0x0;
	[sflag:s19] =	ssyncadd.s32 $0xFFFFC000  }
0x88: {  	[tilespmem:s1], [sflag:$0x1] =	stream.linear.gather @p0 [hbm4b:s0+s1], $0x100, $0x38;
	[tilespmem:$0x1C200] =	vst v63  }
0x89: {  	s0 =	simm.s32 @p0 $0x3  }
0x8a: {  	_ =	swait.ge @p0 [sflag:s0], $0x4000  }
0x8b: {  	[sflag:s0] =	ssyncset.done @p0 $0x0  }
0x8c: {  	[sflag:s0] =	ssyncadd.s32 @p0 $0xFFFFC000;
	s0 =	simm.s32 @p0 $0x1  }
0x8d: {  	_ =	swait.ge @p0 [sflag:s0], $0x100  }
0x8e: {  	[sflag:s0] =	ssyncset.done @p0 $0x0  }
0x8f: {  	s29 =	simm.s32 @p0 $0x200;
	[sflag:s0] =	ssyncadd.s32 @p0 $0xFFFFFF00;
	s0 =	simm.s32 @p0 $0x80  }
0x90: {  	[tilespmem:s29], [sflag:$0x2] =	stream.indirect.gather @p0 [hbm4b:s2+s0], $0x80, s1, s0, $0xb8;
	[tilespmem:$0x1C200] =	vst v63  }
0x91: {  	s0 =	simm.s32 @!p0 $0x3  }
0x92: {  	_ =	swait.ge @!p0 [sflag:s0], $0x4000  }
0x93: {  	[sflag:s0] =	ssyncset.done @!p0 $0x0  }
0x94: {  	[sflag:s0] =	ssyncadd.s32 @!p0 $0xFFFFC000  }
0x95: {  	[spmem:s3] =	stream.indirect.scatter.add.f32 [tilespmem:s24], [sflag:$0x4], $0x80, s25, s21, $0xb8;
	[tilespmem:$0x1C200] =	vst v63  }
0x96: {  	s30 =	stileid.u32;
	_ =	swait.ge [sflag:s19], $0x4000  }
0x97: {  	s4 =	sadd.s32 $0x1, s4;
	p0 =	sge.u32 s28, s15;
	[sflag:s19] =	ssyncset.done $0x0  }
0x98: {  	s0 =	simm.s32 @!p0 $0x0;
	s1 =	simm.s32 @!p0 $0x100;
	[sflag:s19] =	ssyncadd.s32 $0xFFFFC000  }
0x99: {  	[tilespmem:s1], [sflag:$0x1] =	stream.linear.gather @!p0 [hbm4b:s26+s0], $0x100, $0x38;
	[tilespmem:$0x1C200] =	vst v63  }
0x9a: {  	s31 =	sshrl.u32 s5, $0x3;
	s0 =	sshll.u32 s30, $0x6;
	p0 =	sne.s32 s4, s13  }
.Ltmp3:
0x9b: {  	[bflag:$0x0] =	sbarrier.arrive $0xFFFF;
	s0 =	sor.u32 $0x1C04, s0;
	(pc) =	sbr.rel @p0 .LBB2_1-.Ltmp3, $4  }
0x9c: {  	[hbm:s12], [sflag:s0] =	dma.local [spmem:s31], $0x2800  }
0x9d: {  	_ =	swait.ge [sflag:s19], $0x2800  }
0x9e: {  	[sflag:s19] =	ssyncset.done $0x0  }
0x9f: {  	[sflag:s19] =	ssyncadd.s32 $0xFFFFD800  }
0xa0: {  	_ =	sfence.sel $0x180000  }
0xa1: {  	[bflag:$0x0] =	sbarrier.arrive $0xFFFF  }
0xa2: {  	_ =	strace $0x9000004D  }
0xa3: {  	s0 =	stileid.u32;
	[bflag:$0x2] =	sbarrier.arrive $0xFFFF  }
0xa4: {  	p0 =	sne.s32 s0, $0x0;
	s0 =	rddreg [dreg:$0x3]  }
0xa5: {  	s0 =	sadd.s32 @!p0 $0x100000, s0  }
0xa6: {  	[sflag:s0] =	ssyncadd.tile.s32 @!p0 $0x1;
	_ =	shalt  }
.Lfunc_end2:
_tile_overlayer_lowered:
.L_overlay_start_2:
0xa7: {  	(tag) =	ssettag $0x2  }
0xa8: {  	s0 =	rddreg [dreg:$0x0];
	s2 =	stileid.u32  }
0xa9: {  	s1 =	rddreg [dreg:$0x1];
	p0 =	sne.s32 s2, $0x0  }
0xaa: {  	s3 =	rddreg [dreg:$0x2];
	[bflag:$0x3] =	sbarrier.arrive $0xFFFF;
	s2 =	simm.s32 @!p0 $0x1C04  }
0xab: {  	[timem:s3], [sflag:s2] =	dma.local @!p0 [hbm:s0], s1  }
0xac: {  	s0 =	simm.s32 @!p0 $0x4  }
0xad: {  	_ =	swait.ge @!p0 [sflag:s0], s1  }
0xae: {  	s1 =	ssub.s32 @!p0 $0x0, s1;
	[sflag:s0] =	ssyncset.done @!p0 $0x0  }
0xaf: {  	[sflag:s0] =	ssyncadd.s32 @!p0 s1  }
0xb0: {  	[bflag:$0x3] =	sbarrier.arrive $0xFFFF  }
0xb1: {  	_ =	shalt  }

// kernel: kernel.25.cloned.1.call-start
scs
__scs_entry_jumppad:
0x0: {  	(pc) =	sbr.rel $0x88, $3  }
0x1: {  	(tag) =	ssettag $0x0;
	lr =	simm.s32 $0x1  }
0x2: {  	[smem:$0x3F95] =	sst lr;
	_ =	strace $0xD0000000  }
0x3: {  	_ = 	snop  }
0x4: {  	_ = 	snop  }
0x5: {  	_ = 	snop  }
0x6: {  	_ = 	snop  }
0x7: {  	_ = 	snop  }
__scs_overlays_trampoline_lowered:
0x8: {  	[smem:$0x3FA4] =	sst s0  }
0x9: {  	[smem:$0x3FA5] =	sst s1  }
0xa: {  	[smem:$0x3FA6] =	sst s2  }
0xb: {  	[smem:$0x3FA7] =	sst s3  }
0xc: {  	[smem:$0x3FA8] =	sst s4  }
0xd: {  	[smem:$0x3FA9] =	sst s5  }
0xe: {  	[smem:$0x3FAA] =	sst s6  }
0xf: {  	[smem:$0x3FAB] =	sst s7  }
0x10: {  	[smem:$0x3FAC] =	sst s8  }
0x11: {  	[smem:$0x3FAD] =	sst s9;
	s0 =	simm.s32 @!p0 $0x0  }
0x12: {  	s1 =	sld [smem:$0x3F93];
	s0 =	simm.s32 @p0 $0x1  }
0x13: {  	[smem:$0x3FAE] =	sst s0;
	s0 =	simm.s32 @!p1 $0x0  }
0x14: {  	s2 =	sld [smem:$0x3F92];
	s0 =	simm.s32 @p1 $0x1  }
0x15: {  	[smem:$0x3FAF] =	sst s0;
	s0 =	simm.s32 @!p2 $0x0  }
0x16: {  	s3 =	sld [smem:$0x3FDB];
	s0 =	simm.s32 @p2 $0x1  }
0x17: {  	s4 =	simm.s32 $0x1BF5;
	[smem:$0x3FB1] =	sst s0  }
0x18: {  	s0 =	sld [smem:$0x3F94];
	_ =	swait.ge [sflag:s4], $0x0  }
0x19: {  	s7 =	sld [smem:$0x3F95]  }
0x1a: {  	s8 =	sadd.s32 $0xFFFFE003, lr  }
0x1b: {  	s9 =	sadd.s32 $0xFFFFFEF7, lr;
	s5 =	simm.s32 $0xFFFFFFFF;
	p2 =	slt.u32 s8, $0xFFFFF086  }
0x1c: {  	p1 =	slt.u32 s9, $0xF7A;
	s5 =	simm.s32 @!p2 $0x0  }
0x1d: {  	s5 =	simm.s32 @p1 $0x1;
	p0 =	seq.s32 s7, s2  }
0x1e: {  	s7 =	smul.u32 @!p0 $0xF7A, s2;
	p2 =	seq.s32 @!p0 s5, $0x0  }
0x1f: {  	s9 =	smul.u32 $0xF7A, s1;
	s8 =	simm.s32 @!p0 $0x1BF5;
	p2 =	por !p2, p0  }
0x20: {  	[sflag:s8] =	ssyncset.s32 @!p0 $0xFFFFF086;
	s6 =	sadd.s32 @!p0 s3, s7;
	s7 =	simm.s32 @!p0 $0x108  }
0x21: {  	s3 =	sadd.s32 s3, s9;
	s6 =	sadd.s32 @!p0 $0x88, s6;
	s7 =	simm.s32 @p2 $0x1082  }
0x22: {  	[simem:s7], [sflag:s8] =	dma.local @!p0 [hbm:s6], $0xF7A  }
0x23: {  	s9 =	sor.u32 $0xD0000000, s2;
	s6 =	simm.s32 $0x108;
	_ =	swait.ge @!p0 [sflag:s8], $0x0  }
0x24: {  	s3 =	sadd.s32 $0x88, s3;
	s6 =	simm.s32 @!p1 $0x1082;
	[sflag:s4] =	ssyncset.s32 $0xFFFFF086  }
0x25: {  	[simem:s6], [sflag:s4] =	dma.local [hbm:s3], $0xF7A  }
0x26: {  	[smem:$0x3F95] =	sst s1;
	(tag) =	ssettag s2;
	_ =	strace s9  }
0x27: {  	s1 =	sld [smem:$0x3FA5]  }
0x28: {  	s2 =	sld [smem:$0x3FA6]  }
0x29: {  	s4 =	sld [smem:$0x3FA8]  }
0x2a: {  	p0 =	seq.s32 s5, $0x0;
	s5 =	sld [smem:$0x3FA9]  }
0x2b: {  	s6 =	sld [smem:$0x3FAA]  }
0x2c: {  	s7 =	sld [smem:$0x3FAB]  }
0x2d: {  	s3 =	simm.s32 $0x108;
	s8 =	sld [smem:$0x3FAC]  }
0x2e: {  	s3 =	simm.s32 @!p0 $0x1082;
	s9 =	sld [smem:$0x3FAD]  }
0x2f: {  	lr =	sadd.s32 s0, s3;
	s0 =	sld [smem:$0x3FA4]  }
0x30: {  	s3 =	sld [smem:$0x3FA7]  }
0x31: {  	[smem:$0x3FB0] =	sst s10  }
0x32: {  	s10 =	sld [smem:$0x3FAE];
	_ =	sdelay $0x3  }
0x33: {  	p0 =	seq.s32 s10, $0x1;
	s10 =	sld [smem:$0x3FB0];
	_ =	sdelay $0x3  }
0x34: {  	[smem:$0x3FB0] =	sst s10  }
0x35: {  	s10 =	sld [smem:$0x3FAF];
	_ =	sdelay $0x3  }
0x36: {  	p1 =	seq.s32 s10, $0x1;
	s10 =	sld [smem:$0x3FB0];
	_ =	sdelay $0x3  }
0x37: {  	[smem:$0x3FB0] =	sst s10  }
0x38: {  	s10 =	sld [smem:$0x3FB1]  }
0x39: {  	_ = 	snop;
	(pc) =	sbr.ind lr, $3  }
0x3a: {  	_ = 	snop  }
0x3b: {  	_ = 	snop  }
0x3c: {  	p2 =	seq.s32 s10, $0x1;
	s10 =	sld [smem:$0x3FB0]  }
0x3d: {  	_ =	shalt  }
0x3e: {  	_ =	shalt  }
0x3f: {  	_ =	shalt  }
0x40: {  	_ =	shalt  }
0x41: {  	_ =	shalt  }
0x42: {  	_ =	shalt  }
0x43: {  	_ =	shalt  }
0x44: {  	_ =	shalt  }
0x45: {  	_ =	shalt  }
0x46: {  	_ =	shalt  }
0x47: {  	_ =	shalt  }
0x48: {  	_ =	shalt  }
0x49: {  	_ =	shalt  }
0x4a: {  	_ =	shalt  }
0x4b: {  	_ =	shalt  }
0x4c: {  	_ =	shalt  }
0x4d: {  	_ =	shalt  }
0x4e: {  	_ =	shalt  }
0x4f: {  	_ =	shalt  }
0x50: {  	_ =	shalt  }
0x51: {  	_ =	shalt  }
0x52: {  	_ =	shalt  }
0x53: {  	_ =	shalt  }
0x54: {  	_ =	shalt  }
0x55: {  	_ =	shalt  }
0x56: {  	_ =	shalt  }
0x57: {  	_ =	shalt  }
0x58: {  	_ =	shalt  }
0x59: {  	_ =	shalt  }
0x5a: {  	_ =	shalt  }
0x5b: {  	_ =	shalt  }
0x5c: {  	_ =	shalt  }
0x5d: {  	_ =	shalt  }
0x5e: {  	_ =	shalt  }
0x5f: {  	_ =	shalt  }
0x60: {  	_ =	shalt  }
0x61: {  	_ =	shalt  }
0x62: {  	_ =	shalt  }
0x63: {  	_ =	shalt  }
0x64: {  	_ =	shalt  }
0x65: {  	_ =	shalt  }
0x66: {  	_ =	shalt  }
0x67: {  	_ =	shalt  }
0x68: {  	_ =	shalt  }
0x69: {  	_ =	shalt  }
0x6a: {  	_ =	shalt  }
0x6b: {  	_ =	shalt  }
0x6c: {  	_ =	shalt  }
0x6d: {  	_ =	shalt  }
0x6e: {  	_ =	shalt  }
0x6f: {  	_ =	shalt  }
0x70: {  	_ =	shalt  }
0x71: {  	_ =	shalt  }
0x72: {  	_ =	shalt  }
0x73: {  	_ =	shalt  }
0x74: {  	_ =	shalt  }
0x75: {  	_ =	shalt  }
0x76: {  	_ =	shalt  }
0x77: {  	_ =	shalt  }
0x78: {  	_ =	shalt  }
0x79: {  	_ =	shalt  }
0x7a: {  	_ =	shalt  }
0x7b: {  	_ =	shalt  }
0x7c: {  	_ =	shalt  }
0x7d: {  	_ =	shalt  }
0x7e: {  	_ =	shalt  }
0x7f: {  	_ =	shalt  }
0x80: {  	_ =	shalt  }
0x81: {  	_ =	shalt  }
0x82: {  	_ =	shalt  }
0x83: {  	_ =	shalt  }
0x84: {  	_ =	shalt  }
0x85: {  	_ =	shalt  }
0x86: {  	_ =	shalt  }
0x87: {  	_ =	shalt  }
.Lfunc_end0:
.L_simem_size_0:
called_computation.3_lowered:
.L_overlay_start_0:
0x88: {  	s2 =	sld [smem:$0x3FD9]  }
0x89: {  	s3 =	sld [smem:$0x3FFE];
	_ =	sdelay $0x1  }
0x8a: {  	s1 =	srdreg.scid  }
0x8b: {  	s0 =	sand.u32 $0x1, s1  }
0x8c: {  	s17 =	sshll.u32 s0, $0xA;
	s2 =	sadd.s32 s3, s2  }
0x8d: {  	s2 =	sadd.s32 s2, s17  }
0x8e: {  	[smem:$0x3FBC] =	sst s2  }
0x8f: {  	_ = 	snop  }
0x90: {  	s2 =	sld [smem:$0x3FD0];
	(tm) =	ssettm $0x1  }
0x91: {  	s18 =	sld [smem:$0x3FFB];
	_ =	sdelay $0x3  }
0x92: {  	_ =	strace s18  }
0x93: {  	s3 =	sld [smem:$0x3FFC];
	_ =	sdelay $0x3  }
0x94: {  	_ =	strace s3  }
0x95: {  	s3 =	sld [smem:$0x3FFD];
	_ =	sdelay $0x3  }
0x96: {  	_ =	strace s3  }
0x97: {  	_ =	strace $0x8FFFFFFF  }
0x98: {  	s19 =	sld [smem:$0x3FDB];
	_ =	sdelay $0x1  }
0x99: {  	s4 =	simm.s32 $_scs_section_size  }
0x9a: {  	s5 =	simm.s32 $_size__tile_overlayer_lowered;
	s6 =	simm.s32 $_tile_overlayer_lowered  }
0x9b: {  	s22 =	simm.s32 $0x1BFF;
	s21 =	sshll.u32 s6, $0x1;
	s3 =	sadd.s32 s4, s19  }
0x9c: {  	s7 =	simm.s32 $0x0;
	s20 =	sshll.u32 s5, $0x1;
	s5 =	sadd.s32 s21, s3  }
0x9d: {  	[timem:s7], [sflag:s22] =	dma.local [hbm:s5], s20  }
0x9e: {  	_ =	swait.ge [sflag:s22], s20  }
0x9f: {  	s4 =	ssub.s32 $0x0, s20;
	[sflag:s22] =	ssyncset.done $0x0  }
0xa0: {  	[sflag:s22] =	ssyncadd.s32 s4;
	_ =	sdelay $0x1  }
0xa1: {  	s23 =	simm.s32 $0x1B8B  }
0xa2: {  	_ =	swait.ge [sflag:s23], $0x1  }
0xa3: {  	[sflag:s23] =	ssyncset.done $0x0  }
0xa4: {  	s25 =	simm.s32 $0x1B8E;
	s24 =	sld [smem:$0x3FFE];
	[sflag:s23] =	ssyncadd.s32 $0xFFFFFFFF  }
0xa5: {  	s26 =	simm.s32 $execute0_lowered;
	[smem:$0x3FD2] =	sst s25  }
0xa6: {  	s5 =	sshll.u32 s26, $0x1;
	_ =	strace $0x8000004F;
	[dreg:$0x1] =	wrdreg $0xFFFFFFFF  }
0xa7: {  	s28 =	simm.s32 $_size_execute0_lowered;
	s3 =	sadd.s32 s3, s5;
	[dreg:$0x0] =	wrdreg $0x0  }
0xa8: {  	s5 =	sshll.u32 s28, $0x1;
	[dreg:$0x2] =	wrdreg s3  }
0xa9: {  	[dreg:$0x3] =	wrdreg s5  }
0xaa: {  	[dreg:$0x4] =	wrdreg $0xC0  }
0xab: {  	_ =	task [dreg:s7], $0x5FFFF  }
0xac: {  	[dreg:$0x1] =	wrdreg $0xFFFFFFFF  }
0xad: {  	[dreg:$0x0] =	wrdreg $0x60  }
0xae: {  	[dreg:$0x2] =	wrdreg s2  }
0xaf: {  	[dreg:$0x3] =	wrdreg s24  }
0xb0: {  	[dreg:$0x4] =	wrdreg $0x82000  }
0xb1: {  	[dreg:$0x5] =	wrdreg $0x9  }
0xb2: {  	_ =	task.clear_ibuf [dreg:s7], $0x6FFFF;
	_ =	strace $0x9000004F  }
0xb3: {  	s29 =	simm.s32 $0x9;
	_ =	strace $0x80000051  }
0xb4: {  	_ =	swait.ge [sflag:s29], $0x1  }
0xb5: {  	[sflag:s29] =	ssyncadd.s32 $0xFFFFFFFF  }
0xb6: {  	_ =	strace $0x90000051  }
0xb7: {  	_ =	sfence  }
0xb8: {  	s30 =	sld [smem:$0x0];
	_ =	sdelay $0x2  }
0xb9: {  	s31 =	sshll.u32 s1, $0xD;
	s1 =	sshrl.u32 s1, $0x2  }
0xba: {  	s3 =	sand.u32 $0x4000, s31;
	s1 =	sadd.s32 s1, s30  }
0xbb: {  	s0 =	sor.u32 s3, s0;
	s1 =	sshll.u32 s1, $0x11  }
0xbc: {  	s0 =	sor.u32 s1, s0  }
0xbd: {  	s0 =	sadd.s32 $0x8F2B, s0  }
0xbe: {  	[sflag:s0] =	ssyncadd.remote.s32 $0x1  }
0xbf: {  	_ =	sfence.sel $0xFFFF  }
0xc0: {  	[dreg:$0x0] =	wrdreg $0xFFFFFFFF;
	(pc) =	sbr.abs _section_cstart, $3  }
0xc1: {  	[dreg:$0x1] =	wrdreg $0xFFFFFFFF  }
0xc2: {  	_ =	task.clear_ibuf [dreg:s7], $0x2FFFF;
	_ =	strace $0x9FFFFFFF  }
0xc3: {  	(tm) =	ssettm $0x7FFFFFFF  }
tec
execute0_lowered:
.L_overlay_start_1:
0x0: {  	(tag) =	ssettag $0x1  }
0x1: {  	s2 =	rddreg [dreg:$0x0]  }
0x2: {  	s1 =	rddreg [dreg:$0x1]  }
0x3: {  	s3 =	rddreg [dreg:$0x2]  }
0x4: {  	s0 =	stileid.u32;
	s4 =	srdreg.scid  }
0x5: {  	s15 =	simm.s32 $0x74;
	s18 =	simm.s32 $0x200;
	s19 =	simm.s32 $0x4  }
0x6: {  	s20 =	simm.s32 $0x1;
	s21 =	simm.s32 $0x80;
	s5 =	smul.u32 $0x2A, s0  }
0x7: {  	s22 =	simm.s32 $0x100;
	s23 =	simm.s32 $0x2;
	s7 =	smul.u32 $0x74, s0  }
0x8: {  	s24 =	simm.s32 $0x4200;
	s25 =	simm.s32 $0x180;
	s28 =	smul.u32 $0x14000, s0  }
0x9: {  	s6 =	sand.u32 $0x1, s4;
	s4 =	simm.s32 $0x0;
	s9 =	smul.u32 $0x50000, s0  }
0xa: {  	p0 =	seq.s32 s6, $0x0;
	s8 =	smul.u32 $0x140000, s6;
	[smem:$0x7FF] =	sst s4  }
0xb: {  	s6 =	ssub.s32 $0x2, s6;
	s5 =	sadd.s32 $0x740, s5;
	_ =	strace $0x80000050  }
0xc: {  	s30 =	sshrl.u32 s9, $0x2;
	s31 =	sshrl.u32 s6, $0x1;
	s15 =	simm.s32 @!p0 $0x2A  }
0xd: {  	s5 =	smov.u32 @p0 s7;
	s29 =	sadd.s32 s28, s8;
	s13 =	ssub.s32 s6, s31  }
0xe: {  	s16 =	sshrl.u32 s15, $0x1;
	s14 =	sadd.s32 $0xFFFFFFFE, s15;
	s5 =	sshll.u32 s5, $0x5  }
0xf: {  	s15 =	sadd.s32 $0xFFFFFFFD, s15;
	s17 =	sadd.s32 s5, s1;
	s5 =	sshrl.u32 s29, $0x3  }
0x10: {  	s13 =	smax.u32 s13, $0x1;
	s16 =	sadd.s32 $0xFFFFFFFF, s16;
	s1 =	sadd.s32 s5, s1  }
0x11: {  	s5 =	sadd.s32 s30, s3;
	s10 =	sadd.s32 $0x6C00, s17;
	s11 =	sadd.s32 $0x6C20, s17  }
0x12: {  	s17 =	sadd.s32 $0x6C60, s17;
	s6 =	sadd.s32 $0x4000, s5;
	s7 =	sadd.s32 $0x8000, s5  }
0x13: {  	v0 =	vimm.f32 $0.0e+00;
	s8 =	sadd.s32 $0xC000, s5;
	s9 =	sadd.s32 $0x10000, s5;
	s12 =	sadd.s32 $0x41A00, s1  }
.LBB2_1:
0x14: {  	s26 =	simm.s32 $0x0;
	s28 =	simm.s32 $0x200  }
.LBB2_2:
0x15: {  	p0 =	sne.s32 s28, $0xFE00;
	[tilespmem:s26+$0x270] =	vst v0  }
0x16: {  	[tilespmem:s26+$0x200] =	vst v0  }
0x17: {  	[tilespmem:s26+$0x210] =	vst v0  }
.Ltmp0:
0x18: {  	[tilespmem:s26+$0x220] =	vst v0;
	(pc) =	sbr.rel @p0 .LBB2_2-.Ltmp0, $4  }
0x19: {  	[tilespmem:s26+$0x230] =	vst v0  }
0x1a: {  	[tilespmem:s26+$0x240] =	vst v0  }
0x1b: {  	[tilespmem:s26+$0x250] =	vst v0  }
0x1c: {  	[tilespmem:s26+$0x260] =	vst v0;
	s26 =	sshra.s32 s28, $0x2;
	s28 =	sadd.s32 $0x200, s28  }
0x1d: {  	[tilespmem:s26+$0x270] =	vst v0  }
0x1e: {  	[tilespmem:s26+$0x200] =	vst v0  }
0x1f: {  	[tilespmem:s26+$0x210] =	vst v0  }
0x20: {  	[tilespmem:s26+$0x220] =	vst v0  }
0x21: {  	[tilespmem:s26+$0x230] =	vst v0  }
0x22: {  	[tilespmem:s26+$0x240] =	vst v0  }
0x23: {  	[tilespmem:s26+$0x250] =	vst v0  }
0x24: {  	[tilespmem:s26+$0x260] =	vst v0  }
0x25: {  	[spmem:s5] =	stream.linear.scatter [tilespmem:s18], [sflag:$0x4], $0x4000, $0x38;
	[tilespmem:$0x1C200] =	vst v63  }
0x26: {  	_ =	swait.ge [sflag:s19], $0x4000  }
0x27: {  	[sflag:s19] =	ssyncset.done $0x0  }
0x28: {  	[sflag:s19] =	ssyncadd.s32 $0xFFFFC000  }
0x29: {  	[spmem:s6] =	stream.linear.scatter [tilespmem:s18], [sflag:$0x4], $0x4000, $0x38;
	[tilespmem:$0x1C200] =	vst v63  }
0x2a: {  	_ =	swait.ge [sflag:s19], $0x4000  }
0x2b: {  	[sflag:s19] =	ssyncset.done $0x0  }
0x2c: {  	[sflag:s19] =	ssyncadd.s32 $0xFFFFC000  }
0x2d: {  	[spmem:s7] =	stream.linear.scatter [tilespmem:s18], [sflag:$0x4], $0x4000, $0x38;
	[tilespmem:$0x1C200] =	vst v63  }
0x2e: {  	_ =	swait.ge [sflag:s19], $0x4000  }
0x2f: {  	[sflag:s19] =	ssyncset.done $0x0  }
0x30: {  	[sflag:s19] =	ssyncadd.s32 $0xFFFFC000  }
0x31: {  	[spmem:s8] =	stream.linear.scatter [tilespmem:s18], [sflag:$0x4], $0x4000, $0x38;
	[tilespmem:$0x1C200] =	vst v63  }
0x32: {  	_ =	swait.ge [sflag:s19], $0x4000  }
0x33: {  	[sflag:s19] =	ssyncset.done $0x0  }
0x34: {  	[sflag:s19] =	ssyncadd.s32 $0xFFFFC000  }
0x35: {  	[spmem:s9] =	stream.linear.scatter [tilespmem:s18], [sflag:$0x4], $0x4000, $0x38;
	[tilespmem:$0x1C200] =	vst v63  }
0x36: {  	_ =	swait.ge [sflag:s19], $0x4000  }
0x37: {  	[sflag:s19] =	ssyncset.done $0x0  }
0x38: {  	[sflag:s19] =	ssyncadd.s32 $0xFFFFC000  }
0x39: {  	s1 =	simm.s32 $0x0;
	[bflag:$0x0] =	sbarrier.arrive $0xFFFF  }
0x3a: {  	[tilespmem:s1], [sflag:$0x1] =	stream.linear.gather [hbm4b:s10+s1], $0x100, $0x38;
	[tilespmem:$0x1C200] =	vst v63  }
0x3b: {  	_ =	swait.ge [sflag:s20], $0x100  }
0x3c: {  	[sflag:s20] =	ssyncset.done $0x0  }
0x3d: {  	[sflag:s20] =	ssyncadd.s32 $0xFFFFFF00  }
0x3e: {  	[tilespmem:s18], [sflag:$0x2] =	stream.indirect.gather [hbm4b:s2+s21], $0x80, s1, s21, $0xb8;
	[tilespmem:$0x1C200] =	vst v63  }
0x3f: {  	_ = 	snop  }
0x40: {  	[tilespmem:s22], [sflag:$0x1] =	stream.linear.gather [hbm4b:s11+s1], $0x100, $0x38;
	[tilespmem:$0x1C200] =	vst v63  }
0x41: {  	_ =	swait.ge [sflag:s20], $0x100  }
0x42: {  	[sflag:s20] =	ssyncset.done $0x0  }
0x43: {  	[sflag:s20] =	ssyncadd.s32 $0xFFFFFF00  }
0x44: {  	_ =	swait.ge [sflag:s23], $0x4000  }
0x45: {  	[sflag:s23] =	ssyncset.done $0x0  }
0x46: {  	[sflag:s23] =	ssyncadd.s32 $0xFFFFC000  }
0x47: {  	[tilespmem:s24], [sflag:$0x3] =	stream.indirect.gather [hbm4b:s2+s21], $0x80, s22, s21, $0xb8;
	[tilespmem:$0x1C200] =	vst v63  }
0x48: {  	_ = 	snop  }
0x49: {  	[spmem:s3] =	stream.indirect.scatter.add.f32 [tilespmem:s18], [sflag:$0x4], $0x80, s21, s21, $0xb8;
	[tilespmem:$0x1C200] =	vst v63  }
0x4a: {  	_ =	swait.ge [sflag:s19], $0x4000  }
0x4b: {  	p0 =	sle.u32 s14, $0x0;
	[sflag:s19] =	ssyncset.done $0x0  }
0x4c: {  	s1 =	simm.s32 @p0 $0x3;
	[sflag:s19] =	ssyncadd.s32 $0xFFFFC000  }
0x4d: {  	_ =	swait.ge @p0 [sflag:s1], $0x4000  }
0x4e: {  	s26 =	simm.s32 @!p0 $0x3;
	[sflag:s1] =	ssyncset.done @p0 $0x0  }
0x4f: {  	s28 =	simm.s32 @!p0 $0x0;
	[sflag:s1] =	ssyncadd.s32 @p0 $0xFFFFC000;
	s1 =	sadd.s32 @!p0 $0xFFFFFFE0, s17  }
0x50: {  	[tilespmem:s28], [sflag:$0x1] =	stream.linear.gather @!p0 [hbm4b:s1+s28], $0x100, $0x38;
	[tilespmem:$0x1C200] =	vst v63  }
0x51: {  	_ =	swait.ge @!p0 [sflag:s26], $0x4000  }
0x52: {  	[sflag:s26] =	ssyncset.done @!p0 $0x0  }
0x53: {  	s1 =	simm.s32 @!p0 $0x1;
	[sflag:s26] =	ssyncadd.s32 @!p0 $0xFFFFC000  }
0x54: {  	_ =	swait.ge @!p0 [sflag:s1], $0x100  }
0x55: {  	s29 =	sadd.s32 $0xFFFFFFFF, s16;
	[sflag:s1] =	ssyncset.done @!p0 $0x0  }
0x56: {  	s26 =	simm.s32 @!p0 $0x200;
	[sflag:s1] =	ssyncadd.s32 @!p0 $0xFFFFFF00;
	s1 =	simm.s32 @!p0 $0x80  }
0x57: {  	[tilespmem:s26], [sflag:$0x2] =	stream.indirect.gather @!p0 [hbm4b:s2+s1], $0x80, s28, s1, $0xb8;
	[tilespmem:$0x1C200] =	vst v63  }
0x58: {  	p0 =	sne.s32 s29, $0x0  }
.Ltmp1:
0x59: {  	_ = 	snop;
	(pc) =	sbr.rel @!p0 .LBB2_5-.Ltmp1, $4  }
0x5a: {  	[spmem:s3] =	stream.indirect.scatter.add.f32 [tilespmem:s24], [sflag:$0x4], $0x80, s25, s21, $0xb8;
	[tilespmem:$0x1C200] =	vst v63  }
0x5b: {  	p1 =	sle.u32 s15, $0x0;
	s30 =	smov.u32 s17;
	_ =	swait.ge [sflag:s19], $0x4000  }
0x5c: {  	s31 =	simm.s32 @!p1 $0x0;
	s26 =	sadd.s32 $0x40, s17;
	[sflag:s19] =	ssyncset.done $0x0  }
0x5d: {  	s28 =	simm.s32 $0x2;
	s1 =	simm.s32 @!p1 $0x100;
	[sflag:s19] =	ssyncadd.s32 $0xFFFFC000  }
.LBB2_4:
0x5e: {  	[tilespmem:s1], [sflag:$0x1] =	stream.linear.gather @!p1 [hbm4b:s30+s31], $0x100, $0x38;
	[tilespmem:$0x1C200] =	vst v63  }
0x5f: {  	s29 =	sadd.s32 $0xFFFFFFFF, s29;
	s30 =	smov.u32 s26;
	_ =	swait.ge [sflag:s20], $0x100  }
0x60: {  	p0 =	sne.s32 s29, $0x0;
	[sflag:s20] =	ssyncset.done $0x0  }
0x61: {  	[sflag:s20] =	ssyncadd.s32 $0xFFFFFF00  }
0x62: {  	_ =	swait.ge [sflag:s23], $0x4000  }
0x63: {  	[sflag:s23] =	ssyncset.done $0x0  }
0x64: {  	[sflag:s23] =	ssyncadd.s32 $0xFFFFC000  }
0x65: {  	[tilespmem:s24], [sflag:$0x3] =	stream.indirect.gather [hbm4b:s2+s21], $0x80, s22, s21, $0xb8;
	[tilespmem:$0x1C200] =	vst v63  }
0x66: {  	_ = 	snop  }
0x67: {  	[spmem:s3] =	stream.indirect.scatter.add.f32 [tilespmem:s18], [sflag:$0x4], $0x80, s21, s21, $0xb8;
	[tilespmem:$0x1C200] =	vst v63  }
0x68: {  	_ =	swait.ge [sflag:s19], $0x4000  }
0x69: {  	p1 =	sge.u32 s28, s14;
	[sflag:s19] =	ssyncset.done $0x0  }
0x6a: {  	s1 =	simm.s32 @p1 $0x3;
	[sflag:s19] =	ssyncadd.s32 $0xFFFFC000  }
0x6b: {  	_ =	swait.ge @p1 [sflag:s1], $0x4000  }
0x6c: {  	s31 =	simm.s32 @!p1 $0x3;
	[sflag:s1] =	ssyncset.done @p1 $0x0  }
0x6d: {  	s0 =	simm.s32 @!p1 $0x0;
	[sflag:s1] =	ssyncadd.s32 @p1 $0xFFFFC000;
	s1 =	sadd.s32 @!p1 $0xFFFFFFE0, s26  }
0x6e: {  	[tilespmem:s0], [sflag:$0x1] =	stream.linear.gather @!p1 [hbm4b:s1+s0], $0x100, $0x38;
	[tilespmem:$0x1C200] =	vst v63  }
0x6f: {  	_ =	swait.ge @!p1 [sflag:s31], $0x4000  }
0x70: {  	[sflag:s31] =	ssyncset.done @!p1 $0x0  }
0x71: {  	s1 =	simm.s32 @!p1 $0x1;
	[sflag:s31] =	ssyncadd.s32 @!p1 $0xFFFFC000  }
0x72: {  	_ =	swait.ge @!p1 [sflag:s1], $0x100  }
0x73: {  	[sflag:s1] =	ssyncset.done @!p1 $0x0  }
0x74: {  	s31 =	simm.s32 @!p1 $0x200;
	[sflag:s1] =	ssyncadd.s32 @!p1 $0xFFFFFF00;
	s1 =	simm.s32 @!p1 $0x80  }
0x75: {  	[tilespmem:s31], [sflag:$0x2] =	stream.indirect.gather @!p1 [hbm4b:s2+s1], $0x80, s0, s1, $0xb8;
	[tilespmem:$0x1C200] =	vst v63  }
.Ltmp2:
0x76: {  	(pc) =	sbr.rel @p0 .LBB2_4-.Ltmp2, $4  }
0x77: {  	[spmem:s3] =	stream.indirect.scatter.add.f32 [tilespmem:s24], [sflag:$0x4], $0x80, s25, s21, $0xb8;
	[tilespmem:$0x1C200] =	vst v63  }
0x78: {  	s26 =	sadd.s32 $0x40, s26;
	_ =	swait.ge [sflag:s19], $0x4000  }
0x79: {  	p1 =	sge.u32 s28, s15;
	s28 =	sadd.s32 $0x2, s28;
	[sflag:s19] =	ssyncset.done $0x0  }
0x7a: {  	s31 =	simm.s32 @!p1 $0x0;
	s1 =	simm.s32 @!p1 $0x100;
	[sflag:s19] =	ssyncadd.s32 $0xFFFFC000  }
.LBB2_5:
0x7b: {  	[tilespmem:s1], [sflag:$0x1] =	stream.linear.gather @!p1 [hbm4b:s30+s31], $0x100, $0x38;
	[tilespmem:$0x1C200] =	vst v63  }
0x7c: {  	_ =	swait.ge [sflag:s20], $0x100  }
0x7d: {  	[sflag:s20] =	ssyncset.done $0x0  }
0x7e: {  	[sflag:s20] =	ssyncadd.s32 $0xFFFFFF00  }
0x7f: {  	_ =	swait.ge [sflag:s23], $0x4000  }
0x80: {  	[sflag:s23] =	ssyncset.done $0x0  }
0x81: {  	[sflag:s23] =	ssyncadd.s32 $0xFFFFC000  }
0x82: {  	[tilespmem:s24], [sflag:$0x3] =	stream.indirect.gather [hbm4b:s2+s21], $0x80, s22, s21, $0xb8;
	[tilespmem:$0x1C200] =	vst v63  }
0x83: {  	_ = 	snop  }
0x84: {  	[spmem:s3] =	stream.indirect.scatter.add.f32 [tilespmem:s18], [sflag:$0x4], $0x80, s21, s21, $0xb8;
	[tilespmem:$0x1C200] =	vst v63  }
0x85: {  	_ =	swait.ge [sflag:s19], $0x4000  }
0x86: {  	p0 =	slt.u32 s28, s14;
	[sflag:s19] =	ssyncset.done $0x0  }
0x87: {  	s0 =	sadd.s32 @p0 $0xFFFFFFE0, s26;
	s1 =	simm.s32 @p0 $0x0;
	[sflag:s19] =	ssyncadd.s32 $0xFFFFC000  }
0x88: {  	[tilespmem:s1], [sflag:$0x1] =	stream.linear.gather @p0 [hbm4b:s0+s1], $0x100, $0x38;
	[tilespmem:$0x1C200] =	vst v63  }
0x89: {  	s0 =	simm.s32 @p0 $0x3  }
0x8a: {  	_ =	swait.ge @p0 [sflag:s0], $0x4000  }
0x8b: {  	[sflag:s0] =	ssyncset.done @p0 $0x0  }
0x8c: {  	[sflag:s0] =	ssyncadd.s32 @p0 $0xFFFFC000;
	s0 =	simm.s32 @p0 $0x1  }
0x8d: {  	_ =	swait.ge @p0 [sflag:s0], $0x100  }
0x8e: {  	[sflag:s0] =	ssyncset.done @p0 $0x0  }
0x8f: {  	s29 =	simm.s32 @p0 $0x200;
	[sflag:s0] =	ssyncadd.s32 @p0 $0xFFFFFF00;
	s0 =	simm.s32 @p0 $0x80  }
0x90: {  	[tilespmem:s29], [sflag:$0x2] =	stream.indirect.gather @p0 [hbm4b:s2+s0], $0x80, s1, s0, $0xb8;
	[tilespmem:$0x1C200] =	vst v63  }
0x91: {  	s0 =	simm.s32 @!p0 $0x3  }
0x92: {  	_ =	swait.ge @!p0 [sflag:s0], $0x4000  }
0x93: {  	[sflag:s0] =	ssyncset.done @!p0 $0x0  }
0x94: {  	[sflag:s0] =	ssyncadd.s32 @!p0 $0xFFFFC000  }
0x95: {  	[spmem:s3] =	stream.indirect.scatter.add.f32 [tilespmem:s24], [sflag:$0x4], $0x80, s25, s21, $0xb8;
	[tilespmem:$0x1C200] =	vst v63  }
0x96: {  	s30 =	stileid.u32;
	_ =	swait.ge [sflag:s19], $0x4000  }
0x97: {  	s4 =	sadd.s32 $0x1, s4;
	p0 =	sge.u32 s28, s15;
	[sflag:s19] =	ssyncset.done $0x0  }
0x98: {  	s0 =	simm.s32 @!p0 $0x0;
	s1 =	simm.s32 @!p0 $0x100;
	[sflag:s19] =	ssyncadd.s32 $0xFFFFC000  }
0x99: {  	[tilespmem:s1], [sflag:$0x1] =	stream.linear.gather @!p0 [hbm4b:s26+s0], $0x100, $0x38;
	[tilespmem:$0x1C200] =	vst v63  }
0x9a: {  	s31 =	sshrl.u32 s5, $0x3;
	s0 =	sshll.u32 s30, $0x6;
	p0 =	sne.s32 s4, s13  }
.Ltmp3:
0x9b: {  	[bflag:$0x0] =	sbarrier.arrive $0xFFFF;
	s0 =	sor.u32 $0x1C04, s0;
	(pc) =	sbr.rel @p0 .LBB2_1-.Ltmp3, $4  }
0x9c: {  	[hbm:s12], [sflag:s0] =	dma.local [spmem:s31], $0x2800  }
0x9d: {  	_ =	swait.ge [sflag:s19], $0x2800  }
0x9e: {  	[sflag:s19] =	ssyncset.done $0x0  }
0x9f: {  	[sflag:s19] =	ssyncadd.s32 $0xFFFFD800  }
0xa0: {  	_ =	sfence.sel $0x180000  }
0xa1: {  	[bflag:$0x0] =	sbarrier.arrive $0xFFFF  }
0xa2: {  	_ =	strace $0x90000050  }
0xa3: {  	s0 =	stileid.u32;
	[bflag:$0x2] =	sbarrier.arrive $0xFFFF  }
0xa4: {  	p0 =	sne.s32 s0, $0x0;
	s0 =	rddreg [dreg:$0x3]  }
0xa5: {  	s0 =	sadd.s32 @!p0 $0x100000, s0  }
0xa6: {  	[sflag:s0] =	ssyncadd.tile.s32 @!p0 $0x1;
	_ =	shalt  }
.Lfunc_end2:
_tile_overlayer_lowered:
.L_overlay_start_2:
0xa7: {  	(tag) =	ssettag $0x2  }
0xa8: {  	s0 =	rddreg [dreg:$0x0];
	s2 =	stileid.u32  }
0xa9: {  	s1 =	rddreg [dreg:$0x1];
	p0 =	sne.s32 s2, $0x0  }
0xaa: {  	s3 =	rddreg [dreg:$0x2];
	[bflag:$0x3] =	sbarrier.arrive $0xFFFF;
	s2 =	simm.s32 @!p0 $0x1C04  }
0xab: {  	[timem:s3], [sflag:s2] =	dma.local @!p0 [hbm:s0], s1  }
0xac: {  	s0 =	simm.s32 @!p0 $0x4  }
0xad: {  	_ =	swait.ge @!p0 [sflag:s0], s1  }
0xae: {  	s1 =	ssub.s32 @!p0 $0x0, s1;
	[sflag:s0] =	ssyncset.done @!p0 $0x0  }
0xaf: {  	[sflag:s0] =	ssyncadd.s32 @!p0 s1  }
0xb0: {  	[bflag:$0x3] =	sbarrier.arrive $0xFFFF  }
0xb1: {  	_ =	shalt  }

// kernel: kernel.28.cloned.1.call-start
scs
__scs_entry_jumppad:
0x0: {  	(pc) =	sbr.rel $0x88, $3  }
0x1: {  	(tag) =	ssettag $0x0;
	lr =	simm.s32 $0x1  }
0x2: {  	[smem:$0x3F95] =	sst lr;
	_ =	strace $0xD0000000  }
0x3: {  	_ = 	snop  }
0x4: {  	_ = 	snop  }
0x5: {  	_ = 	snop  }
0x6: {  	_ = 	snop  }
0x7: {  	_ = 	snop  }
__scs_overlays_trampoline_lowered:
0x8: {  	[smem:$0x3FA4] =	sst s0  }
0x9: {  	[smem:$0x3FA5] =	sst s1  }
0xa: {  	[smem:$0x3FA6] =	sst s2  }
0xb: {  	[smem:$0x3FA7] =	sst s3  }
0xc: {  	[smem:$0x3FA8] =	sst s4  }
0xd: {  	[smem:$0x3FA9] =	sst s5  }
0xe: {  	[smem:$0x3FAA] =	sst s6  }
0xf: {  	[smem:$0x3FAB] =	sst s7  }
0x10: {  	[smem:$0x3FAC] =	sst s8  }
0x11: {  	[smem:$0x3FAD] =	sst s9;
	s0 =	simm.s32 @!p0 $0x0  }
0x12: {  	s1 =	sld [smem:$0x3F93];
	s0 =	simm.s32 @p0 $0x1  }
0x13: {  	[smem:$0x3FAE] =	sst s0;
	s0 =	simm.s32 @!p1 $0x0  }
0x14: {  	s2 =	sld [smem:$0x3F92];
	s0 =	simm.s32 @p1 $0x1  }
0x15: {  	[smem:$0x3FAF] =	sst s0;
	s0 =	simm.s32 @!p2 $0x0  }
0x16: {  	s3 =	sld [smem:$0x3FDB];
	s0 =	simm.s32 @p2 $0x1  }
0x17: {  	s4 =	simm.s32 $0x1BF5;
	[smem:$0x3FB1] =	sst s0  }
0x18: {  	s0 =	sld [smem:$0x3F94];
	_ =	swait.ge [sflag:s4], $0x0  }
0x19: {  	s7 =	sld [smem:$0x3F95]  }
0x1a: {  	s8 =	sadd.s32 $0xFFFFE003, lr  }
0x1b: {  	s9 =	sadd.s32 $0xFFFFFEF7, lr;
	s5 =	simm.s32 $0xFFFFFFFF;
	p2 =	slt.u32 s8, $0xFFFFF086  }
0x1c: {  	p1 =	slt.u32 s9, $0xF7A;
	s5 =	simm.s32 @!p2 $0x0  }
0x1d: {  	s5 =	simm.s32 @p1 $0x1;
	p0 =	seq.s32 s7, s2  }
0x1e: {  	s7 =	smul.u32 @!p0 $0xF7A, s2;
	p2 =	seq.s32 @!p0 s5, $0x0  }
0x1f: {  	s9 =	smul.u32 $0xF7A, s1;
	s8 =	simm.s32 @!p0 $0x1BF5;
	p2 =	por !p2, p0  }
0x20: {  	[sflag:s8] =	ssyncset.s32 @!p0 $0xFFFFF086;
	s6 =	sadd.s32 @!p0 s3, s7;
	s7 =	simm.s32 @!p0 $0x108  }
0x21: {  	s3 =	sadd.s32 s3, s9;
	s6 =	sadd.s32 @!p0 $0x88, s6;
	s7 =	simm.s32 @p2 $0x1082  }
0x22: {  	[simem:s7], [sflag:s8] =	dma.local @!p0 [hbm:s6], $0xF7A  }
0x23: {  	s9 =	sor.u32 $0xD0000000, s2;
	s6 =	simm.s32 $0x108;
	_ =	swait.ge @!p0 [sflag:s8], $0x0  }
0x24: {  	s3 =	sadd.s32 $0x88, s3;
	s6 =	simm.s32 @!p1 $0x1082;
	[sflag:s4] =	ssyncset.s32 $0xFFFFF086  }
0x25: {  	[simem:s6], [sflag:s4] =	dma.local [hbm:s3], $0xF7A  }
0x26: {  	[smem:$0x3F95] =	sst s1;
	(tag) =	ssettag s2;
	_ =	strace s9  }
0x27: {  	s1 =	sld [smem:$0x3FA5]  }
0x28: {  	s2 =	sld [smem:$0x3FA6]  }
0x29: {  	s4 =	sld [smem:$0x3FA8]  }
0x2a: {  	p0 =	seq.s32 s5, $0x0;
	s5 =	sld [smem:$0x3FA9]  }
0x2b: {  	s6 =	sld [smem:$0x3FAA]  }
0x2c: {  	s7 =	sld [smem:$0x3FAB]  }
0x2d: {  	s3 =	simm.s32 $0x108;
	s8 =	sld [smem:$0x3FAC]  }
0x2e: {  	s3 =	simm.s32 @!p0 $0x1082;
	s9 =	sld [smem:$0x3FAD]  }
0x2f: {  	lr =	sadd.s32 s0, s3;
	s0 =	sld [smem:$0x3FA4]  }
0x30: {  	s3 =	sld [smem:$0x3FA7]  }
0x31: {  	[smem:$0x3FB0] =	sst s10  }
0x32: {  	s10 =	sld [smem:$0x3FAE];
	_ =	sdelay $0x3  }
0x33: {  	p0 =	seq.s32 s10, $0x1;
	s10 =	sld [smem:$0x3FB0];
	_ =	sdelay $0x3  }
0x34: {  	[smem:$0x3FB0] =	sst s10  }
0x35: {  	s10 =	sld [smem:$0x3FAF];
	_ =	sdelay $0x3  }
0x36: {  	p1 =	seq.s32 s10, $0x1;
	s10 =	sld [smem:$0x3FB0];
	_ =	sdelay $0x3  }
0x37: {  	[smem:$0x3FB0] =	sst s10  }
0x38: {  	s10 =	sld [smem:$0x3FB1]  }
0x39: {  	_ = 	snop;
	(pc) =	sbr.ind lr, $3  }
0x3a: {  	_ = 	snop  }
0x3b: {  	_ = 	snop  }
0x3c: {  	p2 =	seq.s32 s10, $0x1;
	s10 =	sld [smem:$0x3FB0]  }
0x3d: {  	_ =	shalt  }
0x3e: {  	_ =	shalt  }
0x3f: {  	_ =	shalt  }
0x40: {  	_ =	shalt  }
0x41: {  	_ =	shalt  }
0x42: {  	_ =	shalt  }
0x43: {  	_ =	shalt  }
0x44: {  	_ =	shalt  }
0x45: {  	_ =	shalt  }
0x46: {  	_ =	shalt  }
0x47: {  	_ =	shalt  }
0x48: {  	_ =	shalt  }
0x49: {  	_ =	shalt  }
0x4a: {  	_ =	shalt  }
0x4b: {  	_ =	shalt  }
0x4c: {  	_ =	shalt  }
0x4d: {  	_ =	shalt  }
0x4e: {  	_ =	shalt  }
0x4f: {  	_ =	shalt  }
0x50: {  	_ =	shalt  }
0x51: {  	_ =	shalt  }
0x52: {  	_ =	shalt  }
0x53: {  	_ =	shalt  }
0x54: {  	_ =	shalt  }
0x55: {  	_ =	shalt  }
0x56: {  	_ =	shalt  }
0x57: {  	_ =	shalt  }
0x58: {  	_ =	shalt  }
0x59: {  	_ =	shalt  }
0x5a: {  	_ =	shalt  }
0x5b: {  	_ =	shalt  }
0x5c: {  	_ =	shalt  }
0x5d: {  	_ =	shalt  }
0x5e: {  	_ =	shalt  }
0x5f: {  	_ =	shalt  }
0x60: {  	_ =	shalt  }
0x61: {  	_ =	shalt  }
0x62: {  	_ =	shalt  }
0x63: {  	_ =	shalt  }
0x64: {  	_ =	shalt  }
0x65: {  	_ =	shalt  }
0x66: {  	_ =	shalt  }
0x67: {  	_ =	shalt  }
0x68: {  	_ =	shalt  }
0x69: {  	_ =	shalt  }
0x6a: {  	_ =	shalt  }
0x6b: {  	_ =	shalt  }
0x6c: {  	_ =	shalt  }
0x6d: {  	_ =	shalt  }
0x6e: {  	_ =	shalt  }
0x6f: {  	_ =	shalt  }
0x70: {  	_ =	shalt  }
0x71: {  	_ =	shalt  }
0x72: {  	_ =	shalt  }
0x73: {  	_ =	shalt  }
0x74: {  	_ =	shalt  }
0x75: {  	_ =	shalt  }
0x76: {  	_ =	shalt  }
0x77: {  	_ =	shalt  }
0x78: {  	_ =	shalt  }
0x79: {  	_ =	shalt  }
0x7a: {  	_ =	shalt  }
0x7b: {  	_ =	shalt  }
0x7c: {  	_ =	shalt  }
0x7d: {  	_ =	shalt  }
0x7e: {  	_ =	shalt  }
0x7f: {  	_ =	shalt  }
0x80: {  	_ =	shalt  }
0x81: {  	_ =	shalt  }
0x82: {  	_ =	shalt  }
0x83: {  	_ =	shalt  }
0x84: {  	_ =	shalt  }
0x85: {  	_ =	shalt  }
0x86: {  	_ =	shalt  }
0x87: {  	_ =	shalt  }
.Lfunc_end0:
.L_simem_size_0:
called_computation.4_lowered:
.L_overlay_start_0:
0x88: {  	s2 =	sld [smem:$0x3FD9]  }
0x89: {  	s3 =	sld [smem:$0x3FFE];
	_ =	sdelay $0x1  }
0x8a: {  	s1 =	srdreg.scid  }
0x8b: {  	s0 =	sand.u32 $0x1, s1  }
0x8c: {  	s17 =	sshll.u32 s0, $0xA;
	s2 =	sadd.s32 s3, s2  }
0x8d: {  	s2 =	sadd.s32 s2, s17  }
0x8e: {  	[smem:$0x3FBC] =	sst s2  }
0x8f: {  	_ = 	snop  }
0x90: {  	s2 =	sld [smem:$0x3FD0];
	(tm) =	ssettm $0x1  }
0x91: {  	s18 =	sld [smem:$0x3FFB];
	_ =	sdelay $0x3  }
0x92: {  	_ =	strace s18  }
0x93: {  	s3 =	sld [smem:$0x3FFC];
	_ =	sdelay $0x3  }
0x94: {  	_ =	strace s3  }
0x95: {  	s3 =	sld [smem:$0x3FFD];
	_ =	sdelay $0x3  }
0x96: {  	_ =	strace s3  }
0x97: {  	_ =	strace $0x8FFFFFFF  }
0x98: {  	s19 =	sld [smem:$0x3FDB];
	_ =	sdelay $0x1  }
0x99: {  	s4 =	simm.s32 $_scs_section_size  }
0x9a: {  	s5 =	simm.s32 $_size__tile_overlayer_lowered;
	s6 =	simm.s32 $_tile_overlayer_lowered  }
0x9b: {  	s22 =	simm.s32 $0x1BFF;
	s21 =	sshll.u32 s6, $0x1;
	s3 =	sadd.s32 s4, s19  }
0x9c: {  	s7 =	simm.s32 $0x0;
	s20 =	sshll.u32 s5, $0x1;
	s5 =	sadd.s32 s21, s3  }
0x9d: {  	[timem:s7], [sflag:s22] =	dma.local [hbm:s5], s20  }
0x9e: {  	_ =	swait.ge [sflag:s22], s20  }
0x9f: {  	s4 =	ssub.s32 $0x0, s20;
	[sflag:s22] =	ssyncset.done $0x0  }
0xa0: {  	[sflag:s22] =	ssyncadd.s32 s4;
	_ =	sdelay $0x1  }
0xa1: {  	s23 =	simm.s32 $0x1B8B  }
0xa2: {  	_ =	swait.ge [sflag:s23], $0x1  }
0xa3: {  	[sflag:s23] =	ssyncset.done $0x0  }
0xa4: {  	s25 =	simm.s32 $0x1B8E;
	s24 =	sld [smem:$0x3FFE];
	[sflag:s23] =	ssyncadd.s32 $0xFFFFFFFF  }
0xa5: {  	s26 =	simm.s32 $execute0_lowered;
	[smem:$0x3FD2] =	sst s25  }
0xa6: {  	s5 =	sshll.u32 s26, $0x1;
	_ =	strace $0x80000052;
	[dreg:$0x1] =	wrdreg $0xFFFFFFFF  }
0xa7: {  	s28 =	simm.s32 $_size_execute0_lowered;
	s3 =	sadd.s32 s3, s5;
	[dreg:$0x0] =	wrdreg $0x0  }
0xa8: {  	s5 =	sshll.u32 s28, $0x1;
	[dreg:$0x2] =	wrdreg s3  }
0xa9: {  	[dreg:$0x3] =	wrdreg s5  }
0xaa: {  	[dreg:$0x4] =	wrdreg $0xC0  }
0xab: {  	_ =	task [dreg:s7], $0x5FFFF  }
0xac: {  	[dreg:$0x1] =	wrdreg $0xFFFFFFFF  }
0xad: {  	[dreg:$0x0] =	wrdreg $0x60  }
0xae: {  	[dreg:$0x2] =	wrdreg s2  }
0xaf: {  	[dreg:$0x3] =	wrdreg s24  }
0xb0: {  	[dreg:$0x4] =	wrdreg $0x82000  }
0xb1: {  	[dreg:$0x5] =	wrdreg $0x9  }
0xb2: {  	_ =	task.clear_ibuf [dreg:s7], $0x6FFFF;
	_ =	strace $0x90000052  }
0xb3: {  	s29 =	simm.s32 $0x9;
	_ =	strace $0x80000054  }
0xb4: {  	_ =	swait.ge [sflag:s29], $0x1  }
0xb5: {  	[sflag:s29] =	ssyncadd.s32 $0xFFFFFFFF  }
0xb6: {  	_ =	strace $0x90000054  }
0xb7: {  	_ =	sfence  }
0xb8: {  	s30 =	sld [smem:$0x0];
	_ =	sdelay $0x2  }
0xb9: {  	s31 =	sshll.u32 s1, $0xD;
	s1 =	sshrl.u32 s1, $0x2  }
0xba: {  	s3 =	sand.u32 $0x4000, s31;
	s1 =	sadd.s32 s1, s30  }
0xbb: {  	s0 =	sor.u32 s3, s0;
	s1 =	sshll.u32 s1, $0x11  }
0xbc: {  	s0 =	sor.u32 s1, s0  }
0xbd: {  	s0 =	sadd.s32 $0x8F2B, s0  }
0xbe: {  	[sflag:s0] =	ssyncadd.remote.s32 $0x1  }
0xbf: {  	_ =	sfence.sel $0xFFFF  }
0xc0: {  	[dreg:$0x0] =	wrdreg $0xFFFFFFFF;
	(pc) =	sbr.abs _section_cstart, $3  }
0xc1: {  	[dreg:$0x1] =	wrdreg $0xFFFFFFFF  }
0xc2: {  	_ =	task.clear_ibuf [dreg:s7], $0x2FFFF;
	_ =	strace $0x9FFFFFFF  }
0xc3: {  	(tm) =	ssettm $0x7FFFFFFF  }
tec
execute0_lowered:
.L_overlay_start_1:
0x0: {  	(tag) =	ssettag $0x1  }
0x1: {  	s2 =	rddreg [dreg:$0x0]  }
0x2: {  	s1 =	rddreg [dreg:$0x1]  }
0x3: {  	s3 =	rddreg [dreg:$0x2]  }
0x4: {  	s0 =	stileid.u32;
	s4 =	srdreg.scid  }
0x5: {  	s15 =	simm.s32 $0x74;
	s18 =	simm.s32 $0x200;
	s19 =	simm.s32 $0x4  }
0x6: {  	s20 =	simm.s32 $0x1;
	s21 =	simm.s32 $0x80;
	s5 =	smul.u32 $0x2A, s0  }
0x7: {  	s22 =	simm.s32 $0x100;
	s23 =	simm.s32 $0x2;
	s7 =	smul.u32 $0x74, s0  }
0x8: {  	s24 =	simm.s32 $0x4200;
	s25 =	simm.s32 $0x180;
	s28 =	smul.u32 $0x14000, s0  }
0x9: {  	s6 =	sand.u32 $0x1, s4;
	s4 =	simm.s32 $0x0;
	s9 =	smul.u32 $0x50000, s0  }
0xa: {  	p0 =	seq.s32 s6, $0x0;
	s8 =	smul.u32 $0x140000, s6;
	[smem:$0x7FF] =	sst s4  }
0xb: {  	s6 =	ssub.s32 $0x2, s6;
	s5 =	sadd.s32 $0x740, s5;
	_ =	strace $0x80000053  }
0xc: {  	s30 =	sshrl.u32 s9, $0x2;
	s31 =	sshrl.u32 s6, $0x1;
	s15 =	simm.s32 @!p0 $0x2A  }
0xd: {  	s5 =	smov.u32 @p0 s7;
	s29 =	sadd.s32 s28, s8;
	s13 =	ssub.s32 s6, s31  }
0xe: {  	s16 =	sshrl.u32 s15, $0x1;
	s14 =	sadd.s32 $0xFFFFFFFE, s15;
	s5 =	sshll.u32 s5, $0x5  }
0xf: {  	s15 =	sadd.s32 $0xFFFFFFFD, s15;
	s17 =	sadd.s32 s5, s1;
	s5 =	sshrl.u32 s29, $0x3  }
0x10: {  	s13 =	smax.u32 s13, $0x1;
	s16 =	sadd.s32 $0xFFFFFFFF, s16;
	s1 =	sadd.s32 s5, s1  }
0x11: {  	s5 =	sadd.s32 s30, s3;
	s10 =	sadd.s32 $0x6C00, s17;
	s11 =	sadd.s32 $0x6C20, s17  }
0x12: {  	s17 =	sadd.s32 $0x6C60, s17;
	s6 =	sadd.s32 $0x4000, s5;
	s7 =	sadd.s32 $0x8000, s5  }
0x13: {  	v0 =	vimm.f32 $0.0e+00;
	s8 =	sadd.s32 $0xC000, s5;
	s9 =	sadd.s32 $0x10000, s5;
	s12 =	sadd.s32 $0x41A00, s1  }
.LBB2_1:
0x14: {  	s26 =	simm.s32 $0x0;
	s28 =	simm.s32 $0x200  }
.LBB2_2:
0x15: {  	p0 =	sne.s32 s28, $0xFE00;
	[tilespmem:s26+$0x270] =	vst v0  }
0x16: {  	[tilespmem:s26+$0x200] =	vst v0  }
0x17: {  	[tilespmem:s26+$0x210] =	vst v0  }
.Ltmp0:
0x18: {  	[tilespmem:s26+$0x220] =	vst v0;
	(pc) =	sbr.rel @p0 .LBB2_2-.Ltmp0, $4  }
0x19: {  	[tilespmem:s26+$0x230] =	vst v0  }
0x1a: {  	[tilespmem:s26+$0x240] =	vst v0  }
0x1b: {  	[tilespmem:s26+$0x250] =	vst v0  }
0x1c: {  	[tilespmem:s26+$0x260] =	vst v0;
	s26 =	sshra.s32 s28, $0x2;
	s28 =	sadd.s32 $0x200, s28  }
0x1d: {  	[tilespmem:s26+$0x270] =	vst v0  }
0x1e: {  	[tilespmem:s26+$0x200] =	vst v0  }
0x1f: {  	[tilespmem:s26+$0x210] =	vst v0  }
0x20: {  	[tilespmem:s26+$0x220] =	vst v0  }
0x21: {  	[tilespmem:s26+$0x230] =	vst v0  }
0x22: {  	[tilespmem:s26+$0x240] =	vst v0  }
0x23: {  	[tilespmem:s26+$0x250] =	vst v0  }
0x24: {  	[tilespmem:s26+$0x260] =	vst v0  }
0x25: {  	[spmem:s5] =	stream.linear.scatter [tilespmem:s18], [sflag:$0x4], $0x4000, $0x38;
	[tilespmem:$0x1C200] =	vst v63  }
0x26: {  	_ =	swait.ge [sflag:s19], $0x4000  }
0x27: {  	[sflag:s19] =	ssyncset.done $0x0  }
0x28: {  	[sflag:s19] =	ssyncadd.s32 $0xFFFFC000  }
0x29: {  	[spmem:s6] =	stream.linear.scatter [tilespmem:s18], [sflag:$0x4], $0x4000, $0x38;
	[tilespmem:$0x1C200] =	vst v63  }
0x2a: {  	_ =	swait.ge [sflag:s19], $0x4000  }
0x2b: {  	[sflag:s19] =	ssyncset.done $0x0  }
0x2c: {  	[sflag:s19] =	ssyncadd.s32 $0xFFFFC000  }
0x2d: {  	[spmem:s7] =	stream.linear.scatter [tilespmem:s18], [sflag:$0x4], $0x4000, $0x38;
	[tilespmem:$0x1C200] =	vst v63  }
0x2e: {  	_ =	swait.ge [sflag:s19], $0x4000  }
0x2f: {  	[sflag:s19] =	ssyncset.done $0x0  }
0x30: {  	[sflag:s19] =	ssyncadd.s32 $0xFFFFC000  }
0x31: {  	[spmem:s8] =	stream.linear.scatter [tilespmem:s18], [sflag:$0x4], $0x4000, $0x38;
	[tilespmem:$0x1C200] =	vst v63  }
0x32: {  	_ =	swait.ge [sflag:s19], $0x4000  }
0x33: {  	[sflag:s19] =	ssyncset.done $0x0  }
0x34: {  	[sflag:s19] =	ssyncadd.s32 $0xFFFFC000  }
0x35: {  	[spmem:s9] =	stream.linear.scatter [tilespmem:s18], [sflag:$0x4], $0x4000, $0x38;
	[tilespmem:$0x1C200] =	vst v63  }
0x36: {  	_ =	swait.ge [sflag:s19], $0x4000  }
0x37: {  	[sflag:s19] =	ssyncset.done $0x0  }
0x38: {  	[sflag:s19] =	ssyncadd.s32 $0xFFFFC000  }
0x39: {  	s1 =	simm.s32 $0x0;
	[bflag:$0x0] =	sbarrier.arrive $0xFFFF  }
0x3a: {  	[tilespmem:s1], [sflag:$0x1] =	stream.linear.gather [hbm4b:s10+s1], $0x100, $0x38;
	[tilespmem:$0x1C200] =	vst v63  }
0x3b: {  	_ =	swait.ge [sflag:s20], $0x100  }
0x3c: {  	[sflag:s20] =	ssyncset.done $0x0  }
0x3d: {  	[sflag:s20] =	ssyncadd.s32 $0xFFFFFF00  }
0x3e: {  	[tilespmem:s18], [sflag:$0x2] =	stream.indirect.gather [hbm4b:s2+s21], $0x80, s1, s21, $0xb8;
	[tilespmem:$0x1C200] =	vst v63  }
0x3f: {  	_ = 	snop  }
0x40: {  	[tilespmem:s22], [sflag:$0x1] =	stream.linear.gather [hbm4b:s11+s1], $0x100, $0x38;
	[tilespmem:$0x1C200] =	vst v63  }
0x41: {  	_ =	swait.ge [sflag:s20], $0x100  }
0x42: {  	[sflag:s20] =	ssyncset.done $0x0  }
0x43: {  	[sflag:s20] =	ssyncadd.s32 $0xFFFFFF00  }
0x44: {  	_ =	swait.ge [sflag:s23], $0x4000  }
0x45: {  	[sflag:s23] =	ssyncset.done $0x0  }
0x46: {  	[sflag:s23] =	ssyncadd.s32 $0xFFFFC000  }
0x47: {  	[tilespmem:s24], [sflag:$0x3] =	stream.indirect.gather [hbm4b:s2+s21], $0x80, s22, s21, $0xb8;
	[tilespmem:$0x1C200] =	vst v63  }
0x48: {  	_ = 	snop  }
0x49: {  	[spmem:s3] =	stream.indirect.scatter.add.f32 [tilespmem:s18], [sflag:$0x4], $0x80, s21, s21, $0xb8;
	[tilespmem:$0x1C200] =	vst v63  }
0x4a: {  	_ =	swait.ge [sflag:s19], $0x4000  }
0x4b: {  	p0 =	sle.u32 s14, $0x0;
	[sflag:s19] =	ssyncset.done $0x0  }
0x4c: {  	s1 =	simm.s32 @p0 $0x3;
	[sflag:s19] =	ssyncadd.s32 $0xFFFFC000  }
0x4d: {  	_ =	swait.ge @p0 [sflag:s1], $0x4000  }
0x4e: {  	s26 =	simm.s32 @!p0 $0x3;
	[sflag:s1] =	ssyncset.done @p0 $0x0  }
0x4f: {  	s28 =	simm.s32 @!p0 $0x0;
	[sflag:s1] =	ssyncadd.s32 @p0 $0xFFFFC000;
	s1 =	sadd.s32 @!p0 $0xFFFFFFE0, s17  }
0x50: {  	[tilespmem:s28], [sflag:$0x1] =	stream.linear.gather @!p0 [hbm4b:s1+s28], $0x100, $0x38;
	[tilespmem:$0x1C200] =	vst v63  }
0x51: {  	_ =	swait.ge @!p0 [sflag:s26], $0x4000  }
0x52: {  	[sflag:s26] =	ssyncset.done @!p0 $0x0  }
0x53: {  	s1 =	simm.s32 @!p0 $0x1;
	[sflag:s26] =	ssyncadd.s32 @!p0 $0xFFFFC000  }
0x54: {  	_ =	swait.ge @!p0 [sflag:s1], $0x100  }
0x55: {  	s29 =	sadd.s32 $0xFFFFFFFF, s16;
	[sflag:s1] =	ssyncset.done @!p0 $0x0  }
0x56: {  	s26 =	simm.s32 @!p0 $0x200;
	[sflag:s1] =	ssyncadd.s32 @!p0 $0xFFFFFF00;
	s1 =	simm.s32 @!p0 $0x80  }
0x57: {  	[tilespmem:s26], [sflag:$0x2] =	stream.indirect.gather @!p0 [hbm4b:s2+s1], $0x80, s28, s1, $0xb8;
	[tilespmem:$0x1C200] =	vst v63  }
0x58: {  	p0 =	sne.s32 s29, $0x0  }
.Ltmp1:
0x59: {  	_ = 	snop;
	(pc) =	sbr.rel @!p0 .LBB2_5-.Ltmp1, $4  }
0x5a: {  	[spmem:s3] =	stream.indirect.scatter.add.f32 [tilespmem:s24], [sflag:$0x4], $0x80, s25, s21, $0xb8;
	[tilespmem:$0x1C200] =	vst v63  }
0x5b: {  	p1 =	sle.u32 s15, $0x0;
	s30 =	smov.u32 s17;
	_ =	swait.ge [sflag:s19], $0x4000  }
0x5c: {  	s31 =	simm.s32 @!p1 $0x0;
	s26 =	sadd.s32 $0x40, s17;
	[sflag:s19] =	ssyncset.done $0x0  }
0x5d: {  	s28 =	simm.s32 $0x2;
	s1 =	simm.s32 @!p1 $0x100;
	[sflag:s19] =	ssyncadd.s32 $0xFFFFC000  }
.LBB2_4:
0x5e: {  	[tilespmem:s1], [sflag:$0x1] =	stream.linear.gather @!p1 [hbm4b:s30+s31], $0x100, $0x38;
	[tilespmem:$0x1C200] =	vst v63  }
0x5f: {  	s29 =	sadd.s32 $0xFFFFFFFF, s29;
	s30 =	smov.u32 s26;
	_ =	swait.ge [sflag:s20], $0x100  }
0x60: {  	p0 =	sne.s32 s29, $0x0;
	[sflag:s20] =	ssyncset.done $0x0  }
0x61: {  	[sflag:s20] =	ssyncadd.s32 $0xFFFFFF00  }
0x62: {  	_ =	swait.ge [sflag:s23], $0x4000  }
0x63: {  	[sflag:s23] =	ssyncset.done $0x0  }
0x64: {  	[sflag:s23] =	ssyncadd.s32 $0xFFFFC000  }
0x65: {  	[tilespmem:s24], [sflag:$0x3] =	stream.indirect.gather [hbm4b:s2+s21], $0x80, s22, s21, $0xb8;
	[tilespmem:$0x1C200] =	vst v63  }
0x66: {  	_ = 	snop  }
0x67: {  	[spmem:s3] =	stream.indirect.scatter.add.f32 [tilespmem:s18], [sflag:$0x4], $0x80, s21, s21, $0xb8;
	[tilespmem:$0x1C200] =	vst v63  }
0x68: {  	_ =	swait.ge [sflag:s19], $0x4000  }
0x69: {  	p1 =	sge.u32 s28, s14;
	[sflag:s19] =	ssyncset.done $0x0  }
0x6a: {  	s1 =	simm.s32 @p1 $0x3;
	[sflag:s19] =	ssyncadd.s32 $0xFFFFC000  }
0x6b: {  	_ =	swait.ge @p1 [sflag:s1], $0x4000  }
0x6c: {  	s31 =	simm.s32 @!p1 $0x3;
	[sflag:s1] =	ssyncset.done @p1 $0x0  }
0x6d: {  	s0 =	simm.s32 @!p1 $0x0;
	[sflag:s1] =	ssyncadd.s32 @p1 $0xFFFFC000;
	s1 =	sadd.s32 @!p1 $0xFFFFFFE0, s26  }
0x6e: {  	[tilespmem:s0], [sflag:$0x1] =	stream.linear.gather @!p1 [hbm4b:s1+s0], $0x100, $0x38;
	[tilespmem:$0x1C200] =	vst v63  }
0x6f: {  	_ =	swait.ge @!p1 [sflag:s31], $0x4000  }
0x70: {  	[sflag:s31] =	ssyncset.done @!p1 $0x0  }
0x71: {  	s1 =	simm.s32 @!p1 $0x1;
	[sflag:s31] =	ssyncadd.s32 @!p1 $0xFFFFC000  }
0x72: {  	_ =	swait.ge @!p1 [sflag:s1], $0x100  }
0x73: {  	[sflag:s1] =	ssyncset.done @!p1 $0x0  }
0x74: {  	s31 =	simm.s32 @!p1 $0x200;
	[sflag:s1] =	ssyncadd.s32 @!p1 $0xFFFFFF00;
	s1 =	simm.s32 @!p1 $0x80  }
0x75: {  	[tilespmem:s31], [sflag:$0x2] =	stream.indirect.gather @!p1 [hbm4b:s2+s1], $0x80, s0, s1, $0xb8;
	[tilespmem:$0x1C200] =	vst v63  }
.Ltmp2:
0x76: {  	(pc) =	sbr.rel @p0 .LBB2_4-.Ltmp2, $4  }
0x77: {  	[spmem:s3] =	stream.indirect.scatter.add.f32 [tilespmem:s24], [sflag:$0x4], $0x80, s25, s21, $0xb8;
	[tilespmem:$0x1C200] =	vst v63  }
0x78: {  	s26 =	sadd.s32 $0x40, s26;
	_ =	swait.ge [sflag:s19], $0x4000  }
0x79: {  	p1 =	sge.u32 s28, s15;
	s28 =	sadd.s32 $0x2, s28;
	[sflag:s19] =	ssyncset.done $0x0  }
0x7a: {  	s31 =	simm.s32 @!p1 $0x0;
	s1 =	simm.s32 @!p1 $0x100;
	[sflag:s19] =	ssyncadd.s32 $0xFFFFC000  }
.LBB2_5:
0x7b: {  	[tilespmem:s1], [sflag:$0x1] =	stream.linear.gather @!p1 [hbm4b:s30+s31], $0x100, $0x38;
	[tilespmem:$0x1C200] =	vst v63  }
0x7c: {  	_ =	swait.ge [sflag:s20], $0x100  }
0x7d: {  	[sflag:s20] =	ssyncset.done $0x0  }
0x7e: {  	[sflag:s20] =	ssyncadd.s32 $0xFFFFFF00  }
0x7f: {  	_ =	swait.ge [sflag:s23], $0x4000  }
0x80: {  	[sflag:s23] =	ssyncset.done $0x0  }
0x81: {  	[sflag:s23] =	ssyncadd.s32 $0xFFFFC000  }
0x82: {  	[tilespmem:s24], [sflag:$0x3] =	stream.indirect.gather [hbm4b:s2+s21], $0x80, s22, s21, $0xb8;
	[tilespmem:$0x1C200] =	vst v63  }
0x83: {  	_ = 	snop  }
0x84: {  	[spmem:s3] =	stream.indirect.scatter.add.f32 [tilespmem:s18], [sflag:$0x4], $0x80, s21, s21, $0xb8;
	[tilespmem:$0x1C200] =	vst v63  }
0x85: {  	_ =	swait.ge [sflag:s19], $0x4000  }
0x86: {  	p0 =	slt.u32 s28, s14;
	[sflag:s19] =	ssyncset.done $0x0  }
0x87: {  	s0 =	sadd.s32 @p0 $0xFFFFFFE0, s26;
	s1 =	simm.s32 @p0 $0x0;
	[sflag:s19] =	ssyncadd.s32 $0xFFFFC000  }
0x88: {  	[tilespmem:s1], [sflag:$0x1] =	stream.linear.gather @p0 [hbm4b:s0+s1], $0x100, $0x38;
	[tilespmem:$0x1C200] =	vst v63  }
0x89: {  	s0 =	simm.s32 @p0 $0x3  }
0x8a: {  	_ =	swait.ge @p0 [sflag:s0], $0x4000  }
0x8b: {  	[sflag:s0] =	ssyncset.done @p0 $0x0  }
0x8c: {  	[sflag:s0] =	ssyncadd.s32 @p0 $0xFFFFC000;
	s0 =	simm.s32 @p0 $0x1  }
0x8d: {  	_ =	swait.ge @p0 [sflag:s0], $0x100  }
0x8e: {  	[sflag:s0] =	ssyncset.done @p0 $0x0  }
0x8f: {  	s29 =	simm.s32 @p0 $0x200;
	[sflag:s0] =	ssyncadd.s32 @p0 $0xFFFFFF00;
	s0 =	simm.s32 @p0 $0x80  }
0x90: {  	[tilespmem:s29], [sflag:$0x2] =	stream.indirect.gather @p0 [hbm4b:s2+s0], $0x80, s1, s0, $0xb8;
	[tilespmem:$0x1C200] =	vst v63  }
0x91: {  	s0 =	simm.s32 @!p0 $0x3  }
0x92: {  	_ =	swait.ge @!p0 [sflag:s0], $0x4000  }
0x93: {  	[sflag:s0] =	ssyncset.done @!p0 $0x0  }
0x94: {  	[sflag:s0] =	ssyncadd.s32 @!p0 $0xFFFFC000  }
0x95: {  	[spmem:s3] =	stream.indirect.scatter.add.f32 [tilespmem:s24], [sflag:$0x4], $0x80, s25, s21, $0xb8;
	[tilespmem:$0x1C200] =	vst v63  }
0x96: {  	s30 =	stileid.u32;
	_ =	swait.ge [sflag:s19], $0x4000  }
0x97: {  	s4 =	sadd.s32 $0x1, s4;
	p0 =	sge.u32 s28, s15;
	[sflag:s19] =	ssyncset.done $0x0  }
0x98: {  	s0 =	simm.s32 @!p0 $0x0;
	s1 =	simm.s32 @!p0 $0x100;
	[sflag:s19] =	ssyncadd.s32 $0xFFFFC000  }
0x99: {  	[tilespmem:s1], [sflag:$0x1] =	stream.linear.gather @!p0 [hbm4b:s26+s0], $0x100, $0x38;
	[tilespmem:$0x1C200] =	vst v63  }
0x9a: {  	s31 =	sshrl.u32 s5, $0x3;
	s0 =	sshll.u32 s30, $0x6;
	p0 =	sne.s32 s4, s13  }
.Ltmp3:
0x9b: {  	[bflag:$0x0] =	sbarrier.arrive $0xFFFF;
	s0 =	sor.u32 $0x1C04, s0;
	(pc) =	sbr.rel @p0 .LBB2_1-.Ltmp3, $4  }
0x9c: {  	[hbm:s12], [sflag:s0] =	dma.local [spmem:s31], $0x2800  }
0x9d: {  	_ =	swait.ge [sflag:s19], $0x2800  }
0x9e: {  	[sflag:s19] =	ssyncset.done $0x0  }
0x9f: {  	[sflag:s19] =	ssyncadd.s32 $0xFFFFD800  }
0xa0: {  	_ =	sfence.sel $0x180000  }
0xa1: {  	[bflag:$0x0] =	sbarrier.arrive $0xFFFF  }
0xa2: {  	_ =	strace $0x90000053  }
0xa3: {  	s0 =	stileid.u32;
	[bflag:$0x2] =	sbarrier.arrive $0xFFFF  }
0xa4: {  	p0 =	sne.s32 s0, $0x0;
	s0 =	rddreg [dreg:$0x3]  }
0xa5: {  	s0 =	sadd.s32 @!p0 $0x100000, s0  }
0xa6: {  	[sflag:s0] =	ssyncadd.tile.s32 @!p0 $0x1;
	_ =	shalt  }
.Lfunc_end2:
_tile_overlayer_lowered:
.L_overlay_start_2:
0xa7: {  	(tag) =	ssettag $0x2  }
0xa8: {  	s0 =	rddreg [dreg:$0x0];
	s2 =	stileid.u32  }
0xa9: {  	s1 =	rddreg [dreg:$0x1];
	p0 =	sne.s32 s2, $0x0  }
0xaa: {  	s3 =	rddreg [dreg:$0x2];
	[bflag:$0x3] =	sbarrier.arrive $0xFFFF;
	s2 =	simm.s32 @!p0 $0x1C04  }
0xab: {  	[timem:s3], [sflag:s2] =	dma.local @!p0 [hbm:s0], s1  }
0xac: {  	s0 =	simm.s32 @!p0 $0x4  }
0xad: {  	_ =	swait.ge @!p0 [sflag:s0], s1  }
0xae: {  	s1 =	ssub.s32 @!p0 $0x0, s1;
	[sflag:s0] =	ssyncset.done @!p0 $0x0  }
0xaf: {  	[sflag:s0] =	ssyncadd.s32 @!p0 s1  }
0xb0: {  	[bflag:$0x3] =	sbarrier.arrive $0xFFFF  }
0xb1: {  	_ =	shalt  }

// kernel: kernel.31.cloned.1.call-start
scs
__scs_entry_jumppad:
0x0: {  	(pc) =	sbr.rel $0x88, $3  }
0x1: {  	(tag) =	ssettag $0x0;
	lr =	simm.s32 $0x1  }
0x2: {  	[smem:$0x3F95] =	sst lr;
	_ =	strace $0xD0000000  }
0x3: {  	_ = 	snop  }
0x4: {  	_ = 	snop  }
0x5: {  	_ = 	snop  }
0x6: {  	_ = 	snop  }
0x7: {  	_ = 	snop  }
__scs_overlays_trampoline_lowered:
0x8: {  	[smem:$0x3FA4] =	sst s0  }
0x9: {  	[smem:$0x3FA5] =	sst s1  }
0xa: {  	[smem:$0x3FA6] =	sst s2  }
0xb: {  	[smem:$0x3FA7] =	sst s3  }
0xc: {  	[smem:$0x3FA8] =	sst s4  }
0xd: {  	[smem:$0x3FA9] =	sst s5  }
0xe: {  	[smem:$0x3FAA] =	sst s6  }
0xf: {  	[smem:$0x3FAB] =	sst s7  }
0x10: {  	[smem:$0x3FAC] =	sst s8  }
0x11: {  	[smem:$0x3FAD] =	sst s9;
	s0 =	simm.s32 @!p0 $0x0  }
0x12: {  	s1 =	sld [smem:$0x3F93];
	s0 =	simm.s32 @p0 $0x1  }
0x13: {  	[smem:$0x3FAE] =	sst s0;
	s0 =	simm.s32 @!p1 $0x0  }
0x14: {  	s2 =	sld [smem:$0x3F92];
	s0 =	simm.s32 @p1 $0x1  }
0x15: {  	[smem:$0x3FAF] =	sst s0;
	s0 =	simm.s32 @!p2 $0x0  }
0x16: {  	s3 =	sld [smem:$0x3FDB];
	s0 =	simm.s32 @p2 $0x1  }
0x17: {  	s4 =	simm.s32 $0x1BF5;
	[smem:$0x3FB1] =	sst s0  }
0x18: {  	s0 =	sld [smem:$0x3F94];
	_ =	swait.ge [sflag:s4], $0x0  }
0x19: {  	s7 =	sld [smem:$0x3F95]  }
0x1a: {  	s8 =	sadd.s32 $0xFFFFE003, lr  }
0x1b: {  	s9 =	sadd.s32 $0xFFFFFEF7, lr;
	s5 =	simm.s32 $0xFFFFFFFF;
	p2 =	slt.u32 s8, $0xFFFFF086  }
0x1c: {  	p1 =	slt.u32 s9, $0xF7A;
	s5 =	simm.s32 @!p2 $0x0  }
0x1d: {  	s5 =	simm.s32 @p1 $0x1;
	p0 =	seq.s32 s7, s2  }
0x1e: {  	s7 =	smul.u32 @!p0 $0xF7A, s2;
	p2 =	seq.s32 @!p0 s5, $0x0  }
0x1f: {  	s9 =	smul.u32 $0xF7A, s1;
	s8 =	simm.s32 @!p0 $0x1BF5;
	p2 =	por !p2, p0  }
0x20: {  	[sflag:s8] =	ssyncset.s32 @!p0 $0xFFFFF086;
	s6 =	sadd.s32 @!p0 s3, s7;
	s7 =	simm.s32 @!p0 $0x108  }
0x21: {  	s3 =	sadd.s32 s3, s9;
	s6 =	sadd.s32 @!p0 $0x88, s6;
	s7 =	simm.s32 @p2 $0x1082  }
0x22: {  	[simem:s7], [sflag:s8] =	dma.local @!p0 [hbm:s6], $0xF7A  }
0x23: {  	s9 =	sor.u32 $0xD0000000, s2;
	s6 =	simm.s32 $0x108;
	_ =	swait.ge @!p0 [sflag:s8], $0x0  }
0x24: {  	s3 =	sadd.s32 $0x88, s3;
	s6 =	simm.s32 @!p1 $0x1082;
	[sflag:s4] =	ssyncset.s32 $0xFFFFF086  }
0x25: {  	[simem:s6], [sflag:s4] =	dma.local [hbm:s3], $0xF7A  }
0x26: {  	[smem:$0x3F95] =	sst s1;
	(tag) =	ssettag s2;
	_ =	strace s9  }
0x27: {  	s1 =	sld [smem:$0x3FA5]  }
0x28: {  	s2 =	sld [smem:$0x3FA6]  }
0x29: {  	s4 =	sld [smem:$0x3FA8]  }
0x2a: {  	p0 =	seq.s32 s5, $0x0;
	s5 =	sld [smem:$0x3FA9]  }
0x2b: {  	s6 =	sld [smem:$0x3FAA]  }
0x2c: {  	s7 =	sld [smem:$0x3FAB]  }
0x2d: {  	s3 =	simm.s32 $0x108;
	s8 =	sld [smem:$0x3FAC]  }
0x2e: {  	s3 =	simm.s32 @!p0 $0x1082;
	s9 =	sld [smem:$0x3FAD]  }
0x2f: {  	lr =	sadd.s32 s0, s3;
	s0 =	sld [smem:$0x3FA4]  }
0x30: {  	s3 =	sld [smem:$0x3FA7]  }
0x31: {  	[smem:$0x3FB0] =	sst s10  }
0x32: {  	s10 =	sld [smem:$0x3FAE];
	_ =	sdelay $0x3  }
0x33: {  	p0 =	seq.s32 s10, $0x1;
	s10 =	sld [smem:$0x3FB0];
	_ =	sdelay $0x3  }
0x34: {  	[smem:$0x3FB0] =	sst s10  }
0x35: {  	s10 =	sld [smem:$0x3FAF];
	_ =	sdelay $0x3  }
0x36: {  	p1 =	seq.s32 s10, $0x1;
	s10 =	sld [smem:$0x3FB0];
	_ =	sdelay $0x3  }
0x37: {  	[smem:$0x3FB0] =	sst s10  }
0x38: {  	s10 =	sld [smem:$0x3FB1]  }
0x39: {  	_ = 	snop;
	(pc) =	sbr.ind lr, $3  }
0x3a: {  	_ = 	snop  }
0x3b: {  	_ = 	snop  }
0x3c: {  	p2 =	seq.s32 s10, $0x1;
	s10 =	sld [smem:$0x3FB0]  }
0x3d: {  	_ =	shalt  }
0x3e: {  	_ =	shalt  }
0x3f: {  	_ =	shalt  }
0x40: {  	_ =	shalt  }
0x41: {  	_ =	shalt  }
0x42: {  	_ =	shalt  }
0x43: {  	_ =	shalt  }
0x44: {  	_ =	shalt  }
0x45: {  	_ =	shalt  }
0x46: {  	_ =	shalt  }
0x47: {  	_ =	shalt  }
0x48: {  	_ =	shalt  }
0x49: {  	_ =	shalt  }
0x4a: {  	_ =	shalt  }
0x4b: {  	_ =	shalt  }
0x4c: {  	_ =	shalt  }
0x4d: {  	_ =	shalt  }
0x4e: {  	_ =	shalt  }
0x4f: {  	_ =	shalt  }
0x50: {  	_ =	shalt  }
0x51: {  	_ =	shalt  }
0x52: {  	_ =	shalt  }
0x53: {  	_ =	shalt  }
0x54: {  	_ =	shalt  }
0x55: {  	_ =	shalt  }
0x56: {  	_ =	shalt  }
0x57: {  	_ =	shalt  }
0x58: {  	_ =	shalt  }
0x59: {  	_ =	shalt  }
0x5a: {  	_ =	shalt  }
0x5b: {  	_ =	shalt  }
0x5c: {  	_ =	shalt  }
0x5d: {  	_ =	shalt  }
0x5e: {  	_ =	shalt  }
0x5f: {  	_ =	shalt  }
0x60: {  	_ =	shalt  }
0x61: {  	_ =	shalt  }
0x62: {  	_ =	shalt  }
0x63: {  	_ =	shalt  }
0x64: {  	_ =	shalt  }
0x65: {  	_ =	shalt  }
0x66: {  	_ =	shalt  }
0x67: {  	_ =	shalt  }
0x68: {  	_ =	shalt  }
0x69: {  	_ =	shalt  }
0x6a: {  	_ =	shalt  }
0x6b: {  	_ =	shalt  }
0x6c: {  	_ =	shalt  }
0x6d: {  	_ =	shalt  }
0x6e: {  	_ =	shalt  }
0x6f: {  	_ =	shalt  }
0x70: {  	_ =	shalt  }
0x71: {  	_ =	shalt  }
0x72: {  	_ =	shalt  }
0x73: {  	_ =	shalt  }
0x74: {  	_ =	shalt  }
0x75: {  	_ =	shalt  }
0x76: {  	_ =	shalt  }
0x77: {  	_ =	shalt  }
0x78: {  	_ =	shalt  }
0x79: {  	_ =	shalt  }
0x7a: {  	_ =	shalt  }
0x7b: {  	_ =	shalt  }
0x7c: {  	_ =	shalt  }
0x7d: {  	_ =	shalt  }
0x7e: {  	_ =	shalt  }
0x7f: {  	_ =	shalt  }
0x80: {  	_ =	shalt  }
0x81: {  	_ =	shalt  }
0x82: {  	_ =	shalt  }
0x83: {  	_ =	shalt  }
0x84: {  	_ =	shalt  }
0x85: {  	_ =	shalt  }
0x86: {  	_ =	shalt  }
0x87: {  	_ =	shalt  }
.Lfunc_end0:
.L_simem_size_0:
called_computation.5_lowered:
.L_overlay_start_0:
0x88: {  	s2 =	sld [smem:$0x3FD9]  }
0x89: {  	s3 =	sld [smem:$0x3FFE];
	_ =	sdelay $0x1  }
0x8a: {  	s1 =	srdreg.scid  }
0x8b: {  	s0 =	sand.u32 $0x1, s1  }
0x8c: {  	s17 =	sshll.u32 s0, $0xA;
	s2 =	sadd.s32 s3, s2  }
0x8d: {  	s2 =	sadd.s32 s2, s17  }
0x8e: {  	[smem:$0x3FBC] =	sst s2  }
0x8f: {  	_ = 	snop  }
0x90: {  	s2 =	sld [smem:$0x3FD0];
	(tm) =	ssettm $0x1  }
0x91: {  	s18 =	sld [smem:$0x3FFB];
	_ =	sdelay $0x3  }
0x92: {  	_ =	strace s18  }
0x93: {  	s3 =	sld [smem:$0x3FFC];
	_ =	sdelay $0x3  }
0x94: {  	_ =	strace s3  }
0x95: {  	s3 =	sld [smem:$0x3FFD];
	_ =	sdelay $0x3  }
0x96: {  	_ =	strace s3  }
0x97: {  	_ =	strace $0x8FFFFFFF  }
0x98: {  	s19 =	sld [smem:$0x3FDB];
	_ =	sdelay $0x1  }
0x99: {  	s4 =	simm.s32 $_scs_section_size  }
0x9a: {  	s5 =	simm.s32 $_size__tile_overlayer_lowered;
	s6 =	simm.s32 $_tile_overlayer_lowered  }
0x9b: {  	s22 =	simm.s32 $0x1BFF;
	s21 =	sshll.u32 s6, $0x1;
	s3 =	sadd.s32 s4, s19  }
0x9c: {  	s7 =	simm.s32 $0x0;
	s20 =	sshll.u32 s5, $0x1;
	s5 =	sadd.s32 s21, s3  }
0x9d: {  	[timem:s7], [sflag:s22] =	dma.local [hbm:s5], s20  }
0x9e: {  	_ =	swait.ge [sflag:s22], s20  }
0x9f: {  	s4 =	ssub.s32 $0x0, s20;
	[sflag:s22] =	ssyncset.done $0x0  }
0xa0: {  	[sflag:s22] =	ssyncadd.s32 s4;
	_ =	sdelay $0x1  }
0xa1: {  	s23 =	simm.s32 $0x1B8B  }
0xa2: {  	_ =	swait.ge [sflag:s23], $0x1  }
0xa3: {  	[sflag:s23] =	ssyncset.done $0x0  }
0xa4: {  	s25 =	simm.s32 $0x1B8E;
	s24 =	sld [smem:$0x3FFE];
	[sflag:s23] =	ssyncadd.s32 $0xFFFFFFFF  }
0xa5: {  	s26 =	simm.s32 $execute0_lowered;
	[smem:$0x3FD2] =	sst s25  }
0xa6: {  	s5 =	sshll.u32 s26, $0x1;
	_ =	strace $0x80000055;
	[dreg:$0x1] =	wrdreg $0xFFFFFFFF  }
0xa7: {  	s28 =	simm.s32 $_size_execute0_lowered;
	s3 =	sadd.s32 s3, s5;
	[dreg:$0x0] =	wrdreg $0x0  }
0xa8: {  	s5 =	sshll.u32 s28, $0x1;
	[dreg:$0x2] =	wrdreg s3  }
0xa9: {  	[dreg:$0x3] =	wrdreg s5  }
0xaa: {  	[dreg:$0x4] =	wrdreg $0xC0  }
0xab: {  	_ =	task [dreg:s7], $0x5FFFF  }
0xac: {  	[dreg:$0x1] =	wrdreg $0xFFFFFFFF  }
0xad: {  	[dreg:$0x0] =	wrdreg $0x60  }
0xae: {  	[dreg:$0x2] =	wrdreg s2  }
0xaf: {  	[dreg:$0x3] =	wrdreg s24  }
0xb0: {  	[dreg:$0x4] =	wrdreg $0x82000  }
0xb1: {  	[dreg:$0x5] =	wrdreg $0x9  }
0xb2: {  	_ =	task.clear_ibuf [dreg:s7], $0x6FFFF;
	_ =	strace $0x90000055  }
0xb3: {  	s29 =	simm.s32 $0x9;
	_ =	strace $0x80000057  }
0xb4: {  	_ =	swait.ge [sflag:s29], $0x1  }
0xb5: {  	[sflag:s29] =	ssyncadd.s32 $0xFFFFFFFF  }
0xb6: {  	_ =	strace $0x90000057  }
0xb7: {  	_ =	sfence  }
0xb8: {  	s30 =	sld [smem:$0x0];
	_ =	sdelay $0x2  }
0xb9: {  	s31 =	sshll.u32 s1, $0xD;
	s1 =	sshrl.u32 s1, $0x2  }
0xba: {  	s3 =	sand.u32 $0x4000, s31;
	s1 =	sadd.s32 s1, s30  }
0xbb: {  	s0 =	sor.u32 s3, s0;
	s1 =	sshll.u32 s1, $0x11  }
0xbc: {  	s0 =	sor.u32 s1, s0  }
0xbd: {  	s0 =	sadd.s32 $0x8F2B, s0  }
0xbe: {  	[sflag:s0] =	ssyncadd.remote.s32 $0x1  }
0xbf: {  	_ =	sfence.sel $0xFFFF  }
0xc0: {  	[dreg:$0x0] =	wrdreg $0xFFFFFFFF;
	(pc) =	sbr.abs _section_cstart, $3  }
0xc1: {  	[dreg:$0x1] =	wrdreg $0xFFFFFFFF  }
0xc2: {  	_ =	task.clear_ibuf [dreg:s7], $0x2FFFF;
	_ =	strace $0x9FFFFFFF  }
0xc3: {  	(tm) =	ssettm $0x7FFFFFFF  }
tec
execute0_lowered:
.L_overlay_start_1:
0x0: {  	(tag) =	ssettag $0x1  }
0x1: {  	s2 =	rddreg [dreg:$0x0]  }
0x2: {  	s1 =	rddreg [dreg:$0x1]  }
0x3: {  	s3 =	rddreg [dreg:$0x2]  }
0x4: {  	s0 =	stileid.u32;
	s4 =	srdreg.scid  }
0x5: {  	s15 =	simm.s32 $0x74;
	s18 =	simm.s32 $0x200;
	s19 =	simm.s32 $0x4  }
0x6: {  	s20 =	simm.s32 $0x1;
	s21 =	simm.s32 $0x80;
	s5 =	smul.u32 $0x2A, s0  }
0x7: {  	s22 =	simm.s32 $0x100;
	s23 =	simm.s32 $0x2;
	s7 =	smul.u32 $0x74, s0  }
0x8: {  	s24 =	simm.s32 $0x4200;
	s25 =	simm.s32 $0x180;
	s28 =	smul.u32 $0x14000, s0  }
0x9: {  	s6 =	sand.u32 $0x1, s4;
	s4 =	simm.s32 $0x0;
	s9 =	smul.u32 $0x50000, s0  }
0xa: {  	p0 =	seq.s32 s6, $0x0;
	s8 =	smul.u32 $0x140000, s6;
	[smem:$0x7FF] =	sst s4  }
0xb: {  	s6 =	ssub.s32 $0x2, s6;
	s5 =	sadd.s32 $0x740, s5;
	_ =	strace $0x80000056  }
0xc: {  	s30 =	sshrl.u32 s9, $0x2;
	s31 =	sshrl.u32 s6, $0x1;
	s15 =	simm.s32 @!p0 $0x2A  }
0xd: {  	s5 =	smov.u32 @p0 s7;
	s29 =	sadd.s32 s28, s8;
	s13 =	ssub.s32 s6, s31  }
0xe: {  	s16 =	sshrl.u32 s15, $0x1;
	s14 =	sadd.s32 $0xFFFFFFFE, s15;
	s5 =	sshll.u32 s5, $0x5  }
0xf: {  	s15 =	sadd.s32 $0xFFFFFFFD, s15;
	s17 =	sadd.s32 s5, s1;
	s5 =	sshrl.u32 s29, $0x3  }
0x10: {  	s13 =	smax.u32 s13, $0x1;
	s16 =	sadd.s32 $0xFFFFFFFF, s16;
	s1 =	sadd.s32 s5, s1  }
0x11: {  	s5 =	sadd.s32 s30, s3;
	s10 =	sadd.s32 $0x6C00, s17;
	s11 =	sadd.s32 $0x6C20, s17  }
0x12: {  	s17 =	sadd.s32 $0x6C60, s17;
	s6 =	sadd.s32 $0x4000, s5;
	s7 =	sadd.s32 $0x8000, s5  }
0x13: {  	v0 =	vimm.f32 $0.0e+00;
	s8 =	sadd.s32 $0xC000, s5;
	s9 =	sadd.s32 $0x10000, s5;
	s12 =	sadd.s32 $0x41A00, s1  }
.LBB2_1:
0x14: {  	s26 =	simm.s32 $0x0;
	s28 =	simm.s32 $0x200  }
.LBB2_2:
0x15: {  	p0 =	sne.s32 s28, $0xFE00;
	[tilespmem:s26+$0x270] =	vst v0  }
0x16: {  	[tilespmem:s26+$0x200] =	vst v0  }
0x17: {  	[tilespmem:s26+$0x210] =	vst v0  }
.Ltmp0:
0x18: {  	[tilespmem:s26+$0x220] =	vst v0;
	(pc) =	sbr.rel @p0 .LBB2_2-.Ltmp0, $4  }
0x19: {  	[tilespmem:s26+$0x230] =	vst v0  }
0x1a: {  	[tilespmem:s26+$0x240] =	vst v0  }
0x1b: {  	[tilespmem:s26+$0x250] =	vst v0  }
0x1c: {  	[tilespmem:s26+$0x260] =	vst v0;
	s26 =	sshra.s32 s28, $0x2;
	s28 =	sadd.s32 $0x200, s28  }
0x1d: {  	[tilespmem:s26+$0x270] =	vst v0  }
0x1e: {  	[tilespmem:s26+$0x200] =	vst v0  }
0x1f: {  	[tilespmem:s26+$0x210] =	vst v0  }
0x20: {  	[tilespmem:s26+$0x220] =	vst v0  }
0x21: {  	[tilespmem:s26+$0x230] =	vst v0  }
0x22: {  	[tilespmem:s26+$0x240] =	vst v0  }
0x23: {  	[tilespmem:s26+$0x250] =	vst v0  }
0x24: {  	[tilespmem:s26+$0x260] =	vst v0  }
0x25: {  	[spmem:s5] =	stream.linear.scatter [tilespmem:s18], [sflag:$0x4], $0x4000, $0x38;
	[tilespmem:$0x1C200] =	vst v63  }
0x26: {  	_ =	swait.ge [sflag:s19], $0x4000  }
0x27: {  	[sflag:s19] =	ssyncset.done $0x0  }
0x28: {  	[sflag:s19] =	ssyncadd.s32 $0xFFFFC000  }
0x29: {  	[spmem:s6] =	stream.linear.scatter [tilespmem:s18], [sflag:$0x4], $0x4000, $0x38;
	[tilespmem:$0x1C200] =	vst v63  }
0x2a: {  	_ =	swait.ge [sflag:s19], $0x4000  }
0x2b: {  	[sflag:s19] =	ssyncset.done $0x0  }
0x2c: {  	[sflag:s19] =	ssyncadd.s32 $0xFFFFC000  }
0x2d: {  	[spmem:s7] =	stream.linear.scatter [tilespmem:s18], [sflag:$0x4], $0x4000, $0x38;
	[tilespmem:$0x1C200] =	vst v63  }
0x2e: {  	_ =	swait.ge [sflag:s19], $0x4000  }
0x2f: {  	[sflag:s19] =	ssyncset.done $0x0  }
0x30: {  	[sflag:s19] =	ssyncadd.s32 $0xFFFFC000  }
0x31: {  	[spmem:s8] =	stream.linear.scatter [tilespmem:s18], [sflag:$0x4], $0x4000, $0x38;
	[tilespmem:$0x1C200] =	vst v63  }
0x32: {  	_ =	swait.ge [sflag:s19], $0x4000  }
0x33: {  	[sflag:s19] =	ssyncset.done $0x0  }
0x34: {  	[sflag:s19] =	ssyncadd.s32 $0xFFFFC000  }
0x35: {  	[spmem:s9] =	stream.linear.scatter [tilespmem:s18], [sflag:$0x4], $0x4000, $0x38;
	[tilespmem:$0x1C200] =	vst v63  }
0x36: {  	_ =	swait.ge [sflag:s19], $0x4000  }
0x37: {  	[sflag:s19] =	ssyncset.done $0x0  }
0x38: {  	[sflag:s19] =	ssyncadd.s32 $0xFFFFC000  }
0x39: {  	s1 =	simm.s32 $0x0;
	[bflag:$0x0] =	sbarrier.arrive $0xFFFF  }
0x3a: {  	[tilespmem:s1], [sflag:$0x1] =	stream.linear.gather [hbm4b:s10+s1], $0x100, $0x38;
	[tilespmem:$0x1C200] =	vst v63  }
0x3b: {  	_ =	swait.ge [sflag:s20], $0x100  }
0x3c: {  	[sflag:s20] =	ssyncset.done $0x0  }
0x3d: {  	[sflag:s20] =	ssyncadd.s32 $0xFFFFFF00  }
0x3e: {  	[tilespmem:s18], [sflag:$0x2] =	stream.indirect.gather [hbm4b:s2+s21], $0x80, s1, s21, $0xb8;
	[tilespmem:$0x1C200] =	vst v63  }
0x3f: {  	_ = 	snop  }
0x40: {  	[tilespmem:s22], [sflag:$0x1] =	stream.linear.gather [hbm4b:s11+s1], $0x100, $0x38;
	[tilespmem:$0x1C200] =	vst v63  }
0x41: {  	_ =	swait.ge [sflag:s20], $0x100  }
0x42: {  	[sflag:s20] =	ssyncset.done $0x0  }
0x43: {  	[sflag:s20] =	ssyncadd.s32 $0xFFFFFF00  }
0x44: {  	_ =	swait.ge [sflag:s23], $0x4000  }
0x45: {  	[sflag:s23] =	ssyncset.done $0x0  }
0x46: {  	[sflag:s23] =	ssyncadd.s32 $0xFFFFC000  }
0x47: {  	[tilespmem:s24], [sflag:$0x3] =	stream.indirect.gather [hbm4b:s2+s21], $0x80, s22, s21, $0xb8;
	[tilespmem:$0x1C200] =	vst v63  }
0x48: {  	_ = 	snop  }
0x49: {  	[spmem:s3] =	stream.indirect.scatter.add.f32 [tilespmem:s18], [sflag:$0x4], $0x80, s21, s21, $0xb8;
	[tilespmem:$0x1C200] =	vst v63  }
0x4a: {  	_ =	swait.ge [sflag:s19], $0x4000  }
0x4b: {  	p0 =	sle.u32 s14, $0x0;
	[sflag:s19] =	ssyncset.done $0x0  }
0x4c: {  	s1 =	simm.s32 @p0 $0x3;
	[sflag:s19] =	ssyncadd.s32 $0xFFFFC000  }
0x4d: {  	_ =	swait.ge @p0 [sflag:s1], $0x4000  }
0x4e: {  	s26 =	simm.s32 @!p0 $0x3;
	[sflag:s1] =	ssyncset.done @p0 $0x0  }
0x4f: {  	s28 =	simm.s32 @!p0 $0x0;
	[sflag:s1] =	ssyncadd.s32 @p0 $0xFFFFC000;
	s1 =	sadd.s32 @!p0 $0xFFFFFFE0, s17  }
0x50: {  	[tilespmem:s28], [sflag:$0x1] =	stream.linear.gather @!p0 [hbm4b:s1+s28], $0x100, $0x38;
	[tilespmem:$0x1C200] =	vst v63  }
0x51: {  	_ =	swait.ge @!p0 [sflag:s26], $0x4000  }
0x52: {  	[sflag:s26] =	ssyncset.done @!p0 $0x0  }
0x53: {  	s1 =	simm.s32 @!p0 $0x1;
	[sflag:s26] =	ssyncadd.s32 @!p0 $0xFFFFC000  }
0x54: {  	_ =	swait.ge @!p0 [sflag:s1], $0x100  }
0x55: {  	s29 =	sadd.s32 $0xFFFFFFFF, s16;
	[sflag:s1] =	ssyncset.done @!p0 $0x0  }
0x56: {  	s26 =	simm.s32 @!p0 $0x200;
	[sflag:s1] =	ssyncadd.s32 @!p0 $0xFFFFFF00;
	s1 =	simm.s32 @!p0 $0x80  }
0x57: {  	[tilespmem:s26], [sflag:$0x2] =	stream.indirect.gather @!p0 [hbm4b:s2+s1], $0x80, s28, s1, $0xb8;
	[tilespmem:$0x1C200] =	vst v63  }
0x58: {  	p0 =	sne.s32 s29, $0x0  }
.Ltmp1:
0x59: {  	_ = 	snop;
	(pc) =	sbr.rel @!p0 .LBB2_5-.Ltmp1, $4  }
0x5a: {  	[spmem:s3] =	stream.indirect.scatter.add.f32 [tilespmem:s24], [sflag:$0x4], $0x80, s25, s21, $0xb8;
	[tilespmem:$0x1C200] =	vst v63  }
0x5b: {  	p1 =	sle.u32 s15, $0x0;
	s30 =	smov.u32 s17;
	_ =	swait.ge [sflag:s19], $0x4000  }
0x5c: {  	s31 =	simm.s32 @!p1 $0x0;
	s26 =	sadd.s32 $0x40, s17;
	[sflag:s19] =	ssyncset.done $0x0  }
0x5d: {  	s28 =	simm.s32 $0x2;
	s1 =	simm.s32 @!p1 $0x100;
	[sflag:s19] =	ssyncadd.s32 $0xFFFFC000  }
.LBB2_4:
0x5e: {  	[tilespmem:s1], [sflag:$0x1] =	stream.linear.gather @!p1 [hbm4b:s30+s31], $0x100, $0x38;
	[tilespmem:$0x1C200] =	vst v63  }
0x5f: {  	s29 =	sadd.s32 $0xFFFFFFFF, s29;
	s30 =	smov.u32 s26;
	_ =	swait.ge [sflag:s20], $0x100  }
0x60: {  	p0 =	sne.s32 s29, $0x0;
	[sflag:s20] =	ssyncset.done $0x0  }
0x61: {  	[sflag:s20] =	ssyncadd.s32 $0xFFFFFF00  }
0x62: {  	_ =	swait.ge [sflag:s23], $0x4000  }
0x63: {  	[sflag:s23] =	ssyncset.done $0x0  }
0x64: {  	[sflag:s23] =	ssyncadd.s32 $0xFFFFC000  }
0x65: {  	[tilespmem:s24], [sflag:$0x3] =	stream.indirect.gather [hbm4b:s2+s21], $0x80, s22, s21, $0xb8;
	[tilespmem:$0x1C200] =	vst v63  }
0x66: {  	_ = 	snop  }
0x67: {  	[spmem:s3] =	stream.indirect.scatter.add.f32 [tilespmem:s18], [sflag:$0x4], $0x80, s21, s21, $0xb8;
	[tilespmem:$0x1C200] =	vst v63  }
0x68: {  	_ =	swait.ge [sflag:s19], $0x4000  }
0x69: {  	p1 =	sge.u32 s28, s14;
	[sflag:s19] =	ssyncset.done $0x0  }
0x6a: {  	s1 =	simm.s32 @p1 $0x3;
	[sflag:s19] =	ssyncadd.s32 $0xFFFFC000  }
0x6b: {  	_ =	swait.ge @p1 [sflag:s1], $0x4000  }
0x6c: {  	s31 =	simm.s32 @!p1 $0x3;
	[sflag:s1] =	ssyncset.done @p1 $0x0  }
0x6d: {  	s0 =	simm.s32 @!p1 $0x0;
	[sflag:s1] =	ssyncadd.s32 @p1 $0xFFFFC000;
	s1 =	sadd.s32 @!p1 $0xFFFFFFE0, s26  }
0x6e: {  	[tilespmem:s0], [sflag:$0x1] =	stream.linear.gather @!p1 [hbm4b:s1+s0], $0x100, $0x38;
	[tilespmem:$0x1C200] =	vst v63  }
0x6f: {  	_ =	swait.ge @!p1 [sflag:s31], $0x4000  }
0x70: {  	[sflag:s31] =	ssyncset.done @!p1 $0x0  }
0x71: {  	s1 =	simm.s32 @!p1 $0x1;
	[sflag:s31] =	ssyncadd.s32 @!p1 $0xFFFFC000  }
0x72: {  	_ =	swait.ge @!p1 [sflag:s1], $0x100  }
0x73: {  	[sflag:s1] =	ssyncset.done @!p1 $0x0  }
0x74: {  	s31 =	simm.s32 @!p1 $0x200;
	[sflag:s1] =	ssyncadd.s32 @!p1 $0xFFFFFF00;
	s1 =	simm.s32 @!p1 $0x80  }
0x75: {  	[tilespmem:s31], [sflag:$0x2] =	stream.indirect.gather @!p1 [hbm4b:s2+s1], $0x80, s0, s1, $0xb8;
	[tilespmem:$0x1C200] =	vst v63  }
.Ltmp2:
0x76: {  	(pc) =	sbr.rel @p0 .LBB2_4-.Ltmp2, $4  }
0x77: {  	[spmem:s3] =	stream.indirect.scatter.add.f32 [tilespmem:s24], [sflag:$0x4], $0x80, s25, s21, $0xb8;
	[tilespmem:$0x1C200] =	vst v63  }
0x78: {  	s26 =	sadd.s32 $0x40, s26;
	_ =	swait.ge [sflag:s19], $0x4000  }
0x79: {  	p1 =	sge.u32 s28, s15;
	s28 =	sadd.s32 $0x2, s28;
	[sflag:s19] =	ssyncset.done $0x0  }
0x7a: {  	s31 =	simm.s32 @!p1 $0x0;
	s1 =	simm.s32 @!p1 $0x100;
	[sflag:s19] =	ssyncadd.s32 $0xFFFFC000  }
.LBB2_5:
0x7b: {  	[tilespmem:s1], [sflag:$0x1] =	stream.linear.gather @!p1 [hbm4b:s30+s31], $0x100, $0x38;
	[tilespmem:$0x1C200] =	vst v63  }
0x7c: {  	_ =	swait.ge [sflag:s20], $0x100  }
0x7d: {  	[sflag:s20] =	ssyncset.done $0x0  }
0x7e: {  	[sflag:s20] =	ssyncadd.s32 $0xFFFFFF00  }
0x7f: {  	_ =	swait.ge [sflag:s23], $0x4000  }
0x80: {  	[sflag:s23] =	ssyncset.done $0x0  }
0x81: {  	[sflag:s23] =	ssyncadd.s32 $0xFFFFC000  }
0x82: {  	[tilespmem:s24], [sflag:$0x3] =	stream.indirect.gather [hbm4b:s2+s21], $0x80, s22, s21, $0xb8;
	[tilespmem:$0x1C200] =	vst v63  }
0x83: {  	_ = 	snop  }
0x84: {  	[spmem:s3] =	stream.indirect.scatter.add.f32 [tilespmem:s18], [sflag:$0x4], $0x80, s21, s21, $0xb8;
	[tilespmem:$0x1C200] =	vst v63  }
0x85: {  	_ =	swait.ge [sflag:s19], $0x4000  }
0x86: {  	p0 =	slt.u32 s28, s14;
	[sflag:s19] =	ssyncset.done $0x0  }
0x87: {  	s0 =	sadd.s32 @p0 $0xFFFFFFE0, s26;
	s1 =	simm.s32 @p0 $0x0;
	[sflag:s19] =	ssyncadd.s32 $0xFFFFC000  }
0x88: {  	[tilespmem:s1], [sflag:$0x1] =	stream.linear.gather @p0 [hbm4b:s0+s1], $0x100, $0x38;
	[tilespmem:$0x1C200] =	vst v63  }
0x89: {  	s0 =	simm.s32 @p0 $0x3  }
0x8a: {  	_ =	swait.ge @p0 [sflag:s0], $0x4000  }
0x8b: {  	[sflag:s0] =	ssyncset.done @p0 $0x0  }
0x8c: {  	[sflag:s0] =	ssyncadd.s32 @p0 $0xFFFFC000;
	s0 =	simm.s32 @p0 $0x1  }
0x8d: {  	_ =	swait.ge @p0 [sflag:s0], $0x100  }
0x8e: {  	[sflag:s0] =	ssyncset.done @p0 $0x0  }
0x8f: {  	s29 =	simm.s32 @p0 $0x200;
	[sflag:s0] =	ssyncadd.s32 @p0 $0xFFFFFF00;
	s0 =	simm.s32 @p0 $0x80  }
0x90: {  	[tilespmem:s29], [sflag:$0x2] =	stream.indirect.gather @p0 [hbm4b:s2+s0], $0x80, s1, s0, $0xb8;
	[tilespmem:$0x1C200] =	vst v63  }
0x91: {  	s0 =	simm.s32 @!p0 $0x3  }
0x92: {  	_ =	swait.ge @!p0 [sflag:s0], $0x4000  }
0x93: {  	[sflag:s0] =	ssyncset.done @!p0 $0x0  }
0x94: {  	[sflag:s0] =	ssyncadd.s32 @!p0 $0xFFFFC000  }
0x95: {  	[spmem:s3] =	stream.indirect.scatter.add.f32 [tilespmem:s24], [sflag:$0x4], $0x80, s25, s21, $0xb8;
	[tilespmem:$0x1C200] =	vst v63  }
0x96: {  	s30 =	stileid.u32;
	_ =	swait.ge [sflag:s19], $0x4000  }
0x97: {  	s4 =	sadd.s32 $0x1, s4;
	p0 =	sge.u32 s28, s15;
	[sflag:s19] =	ssyncset.done $0x0  }
0x98: {  	s0 =	simm.s32 @!p0 $0x0;
	s1 =	simm.s32 @!p0 $0x100;
	[sflag:s19] =	ssyncadd.s32 $0xFFFFC000  }
0x99: {  	[tilespmem:s1], [sflag:$0x1] =	stream.linear.gather @!p0 [hbm4b:s26+s0], $0x100, $0x38;
	[tilespmem:$0x1C200] =	vst v63  }
0x9a: {  	s31 =	sshrl.u32 s5, $0x3;
	s0 =	sshll.u32 s30, $0x6;
	p0 =	sne.s32 s4, s13  }
.Ltmp3:
0x9b: {  	[bflag:$0x0] =	sbarrier.arrive $0xFFFF;
	s0 =	sor.u32 $0x1C04, s0;
	(pc) =	sbr.rel @p0 .LBB2_1-.Ltmp3, $4  }
0x9c: {  	[hbm:s12], [sflag:s0] =	dma.local [spmem:s31], $0x2800  }
0x9d: {  	_ =	swait.ge [sflag:s19], $0x2800  }
0x9e: {  	[sflag:s19] =	ssyncset.done $0x0  }
0x9f: {  	[sflag:s19] =	ssyncadd.s32 $0xFFFFD800  }
0xa0: {  	_ =	sfence.sel $0x180000  }
0xa1: {  	[bflag:$0x0] =	sbarrier.arrive $0xFFFF  }
0xa2: {  	_ =	strace $0x90000056  }
0xa3: {  	s0 =	stileid.u32;
	[bflag:$0x2] =	sbarrier.arrive $0xFFFF  }
0xa4: {  	p0 =	sne.s32 s0, $0x0;
	s0 =	rddreg [dreg:$0x3]  }
0xa5: {  	s0 =	sadd.s32 @!p0 $0x100000, s0  }
0xa6: {  	[sflag:s0] =	ssyncadd.tile.s32 @!p0 $0x1;
	_ =	shalt  }
.Lfunc_end2:
_tile_overlayer_lowered:
.L_overlay_start_2:
0xa7: {  	(tag) =	ssettag $0x2  }
0xa8: {  	s0 =	rddreg [dreg:$0x0];
	s2 =	stileid.u32  }
0xa9: {  	s1 =	rddreg [dreg:$0x1];
	p0 =	sne.s32 s2, $0x0  }
0xaa: {  	s3 =	rddreg [dreg:$0x2];
	[bflag:$0x3] =	sbarrier.arrive $0xFFFF;
	s2 =	simm.s32 @!p0 $0x1C04  }
0xab: {  	[timem:s3], [sflag:s2] =	dma.local @!p0 [hbm:s0], s1  }
0xac: {  	s0 =	simm.s32 @!p0 $0x4  }
0xad: {  	_ =	swait.ge @!p0 [sflag:s0], s1  }
0xae: {  	s1 =	ssub.s32 @!p0 $0x0, s1;
	[sflag:s0] =	ssyncset.done @!p0 $0x0  }
0xaf: {  	[sflag:s0] =	ssyncadd.s32 @!p0 s1  }
0xb0: {  	[bflag:$0x3] =	sbarrier.arrive $0xFFFF  }
0xb1: {  	_ =	shalt  }

</sc_bundles>
